<compile_context>
chip_gen: v7x
topology: tpu7x:2x2x1
jax: 0.10.2.dev20260603
libtpu: 0.0.44.dev20260713+nightly
codegen_flags: <defaults>
</compile_context>

<pallas_src>
import jax
import jax.numpy as jnp
from jax.experimental import pallas as pl

EPS = 1e-5


def _index_points(points, idx):
    B = points.shape[0]
    b = jnp.arange(B).reshape((B,) + (1,) * (idx.ndim - 1))
    return points[b, idx]


def _pairwise_sqdist(a, b):
    sa = jnp.sum(a * a, axis=-1)
    sb = jnp.sum(b * b, axis=-1)
    return sa[:, :, None] + sb[:, None, :] - 2.0 * jnp.einsum('bic,bjc->bij', a, b)


def _pointsift_select(radius, xyz):
    B, N, _ = xyz.shape
    d2 = _pairwise_sqdist(xyz, xyz)
    gx = (xyz[:, None, :, 0] > xyz[:, :, None, 0]).astype(jnp.int32)
    gy = (xyz[:, None, :, 1] > xyz[:, :, None, 1]).astype(jnp.int32)
    gz = (xyz[:, None, :, 2] > xyz[:, :, None, 2]).astype(jnp.int32)
    octant = gx * 4 + gy * 2 + gz
    eye = jnp.eye(N, dtype=bool)[None, :, :]
    valid = (d2 <= radius * radius) & (~eye)
    self_idx = jnp.broadcast_to(jnp.arange(N)[None, :], (B, N))
    outs = []
    for o in range(8):
        d_o = jnp.where(valid & (octant == o), d2, jnp.inf)
        j = jnp.argmin(d_o, axis=-1)
        found = jnp.take_along_axis(d_o, j[:, :, None], axis=-1)[:, :, 0] < jnp.inf
        outs.append(jnp.where(found, j, self_idx))
    return jnp.stack(outs, axis=-1)


def _bn_relu(x, gamma, beta):
    return jax.nn.relu(x / jnp.sqrt(1.0 + EPS) * gamma + beta)


def _oe_conv(x, W, gamma, beta):
    B, N, K, C = x.shape
    x = x.reshape(B, N, K // 2, 2, C)
    y = jnp.einsum('bnktc,oct->bnko', x, W)
    return _bn_relu(y, gamma, beta)


def _pointsift_module(radius, xyz, points, p):
    idx = _pointsift_select(radius, xyz)
    grouped_xyz = _index_points(xyz, idx) - xyz[:, :, None, :]
    if points is not None:
        grouped_points = _index_points(points, idx)
        new_points = jnp.concatenate([grouped_xyz, grouped_points], axis=-1)
    else:
        new_points = grouped_xyz
    new_points = _oe_conv(new_points, p['W1'], p['g1'], p['b1'])
    new_points = _oe_conv(new_points, p['W2'], p['g2'], p['b2'])
    new_points = _oe_conv(new_points, p['W3'], p['g3'], p['b3'])
    return xyz, new_points[:, :, 0, :]


def _farthest_point_sample(xyz, npoint):
    B, N, _ = xyz.shape
    def body(i, state):
        centroids, distance, farthest = state
        centroids = centroids.at[:, i].set(farthest)
        centroid = xyz[jnp.arange(B), farthest]
        dist = jnp.sum((xyz - centroid[:, None, :]) ** 2, axis=-1)
        distance = jnp.minimum(distance, dist)
        farthest = jnp.argmax(distance, axis=-1).astype(jnp.int32)
        return centroids, distance, farthest
    init = (jnp.zeros((B, npoint), jnp.int32), jnp.full((B, N), 1e10, jnp.float32), jnp.zeros((B,), jnp.int32))
    centroids, _, _ = jax.lax.fori_loop(0, npoint, body, init)
    return centroids


def _query_ball_point(radius, nsample, xyz, new_xyz):
    B, N, _ = xyz.shape
    S = new_xyz.shape[1]
    d2 = _pairwise_sqdist(new_xyz, xyz)
    group_idx = jnp.broadcast_to(jnp.arange(N, dtype=jnp.int32)[None, None, :], (B, S, N))
    group_idx = jnp.where(d2 > radius * radius, N, group_idx)
    group_idx = jnp.sort(group_idx, axis=-1)[:, :, :nsample]
    group_first = jnp.broadcast_to(group_idx[:, :, :1], group_idx.shape)
    group_idx = jnp.where(group_idx == N, group_first, group_idx)
    return jnp.minimum(group_idx, N - 1)


def _pointnet_sa(npoint, radius, nsample, xyz, points, p, group_all):
    B = xyz.shape[0]
    if group_all:
        new_xyz = jnp.zeros((B, 1, 3), jnp.float32)
        grouped_xyz = xyz[:, None, :, :]
        new_points = jnp.concatenate([grouped_xyz, points[:, None, :, :]], axis=-1)
    else:
        fps_idx = _farthest_point_sample(xyz, npoint)
        new_xyz = _index_points(xyz, fps_idx)
        idx = _query_ball_point(radius, nsample, xyz, new_xyz)
        grouped_xyz = _index_points(xyz, idx) - new_xyz[:, :, None, :]
        grouped_points = _index_points(points, idx)
        new_points = jnp.concatenate([grouped_xyz, grouped_points], axis=-1)
    y = jnp.einsum('bsnc,oc->bsno', new_points, p['W'])
    y = _bn_relu(y, p['g'], p['b'])
    return new_xyz, jnp.max(y, axis=2)


def _copy_kernel(x_ref, o_ref):
    o_ref[...] = x_ref[...]


def kernel(xyz, params):
    B = xyz.shape[0]
    x, pts = _pointsift_module(4.0, xyz, None, params['ps1'])
    x, pts = _pointnet_sa(1024, 4.0, 32, x, pts, params['sa1'], False)
    x, pts = _pointsift_module(6.0, x, pts, params['ps2'])
    x, pts = _pointnet_sa(256, 6.0, 16, x, pts, params['sa2'], False)
    x, pts = _pointsift_module(8.0, x, pts, params['ps3'])
    x, pts = _pointnet_sa(64, 8.0, 8, x, pts, params['sa3'], False)
    x, pts = _pointsift_module(10.0, x, pts, params['ps4'])
    x, pts = _pointnet_sa(None, None, None, x, pts, params['sa4'], True)
    out = pts.reshape(B, -1)
    return pl.pallas_call(
        _copy_kernel,
        out_shape=jax.ShapeDtypeStruct(out.shape, out.dtype),
    )(out)

# --- scband reference (transcript-rebuilt; emitter-appended) ---
"""Pipeline reference for scband-point-siftencoder-89953795047897 (READ-ONLY COPY).

The authoritative reference and input builder live on the scoring server;
editing this copy changes nothing except your own understanding.
"""

import jax, jax.numpy as jnp
import numpy as np

EPS = 1e-5

def index_points(points, idx):
    B = points.shape[0]
    b = jnp.arange(B).reshape((B,) + (1,) * (idx.ndim - 1))
    return points[b, idx]

def pairwise_sqdist(a, b):
    sa = jnp.sum(a * a, axis=-1)
    sb = jnp.sum(b * b, axis=-1)
    return sa[:, :, None] + sb[:, None, :] - 2.0 * jnp.einsum('bic,bjc->bij', a, b)

def pointsift_select(radius, xyz):
    B, N, _ = xyz.shape
    d2 = pairwise_sqdist(xyz, xyz)
    gx = (xyz[:, None, :, 0] > xyz[:, :, None, 0]).astype(jnp.int32)
    gy = (xyz[:, None, :, 1] > xyz[:, :, None, 1]).astype(jnp.int32)
    gz = (xyz[:, None, :, 2] > xyz[:, :, None, 2]).astype(jnp.int32)
    octant = gx * 4 + gy * 2 + gz
    eye = jnp.eye(N, dtype=bool)[None, :, :]
    valid = (d2 <= radius * radius) & (~eye)
    self_idx = jnp.broadcast_to(jnp.arange(N)[None, :], (B, N))
    outs = []
    for o in range(8):
        d_o = jnp.where(valid & (octant == o), d2, jnp.inf)
        j = jnp.argmin(d_o, axis=-1)
        found = jnp.take_along_axis(d_o, j[:, :, None], axis=-1)[:, :, 0] < jnp.inf
        outs.append(jnp.where(found, j, self_idx))
    return jnp.stack(outs, axis=-1)

def bn_relu(x, gamma, beta):
    return jax.nn.relu(x / jnp.sqrt(1.0 + EPS) * gamma + beta)

def oe_conv(x, W, gamma, beta):
    B, N, K, C = x.shape
    x = x.reshape(B, N, K // 2, 2, C)
    y = jnp.einsum('bnktc,oct->bnko', x, W)
    return bn_relu(y, gamma, beta)

def pointsift_module(radius, xyz, points, p):
    idx = jax.lax.stop_gradient(pointsift_select(radius, xyz))
    grouped_xyz = index_points(xyz, idx) - xyz[:, :, None, :]
    if points is not None:
        grouped_points = index_points(points, idx)
        new_points = jnp.concatenate([grouped_xyz, grouped_points], axis=-1)
    else:
        new_points = grouped_xyz
    new_points = oe_conv(new_points, p['W1'], p['g1'], p['b1'])
    new_points = oe_conv(new_points, p['W2'], p['g2'], p['b2'])
    new_points = oe_conv(new_points, p['W3'], p['g3'], p['b3'])
    return xyz, new_points[:, :, 0, :]

def farthest_point_sample(xyz, npoint):
    B, N, _ = xyz.shape
    def body(i, state):
        centroids, distance, farthest = state
        centroids = centroids.at[:, i].set(farthest)
        centroid = xyz[jnp.arange(B), farthest]
        dist = jnp.sum((xyz - centroid[:, None, :]) ** 2, axis=-1)
        distance = jnp.minimum(distance, dist)
        farthest = jnp.argmax(distance, axis=-1).astype(jnp.int32)
        return centroids, distance, farthest
    init = (jnp.zeros((B, npoint), jnp.int32), jnp.full((B, N), 1e10, jnp.float32), jnp.zeros((B,), jnp.int32))
    centroids, _, _ = jax.lax.fori_loop(0, npoint, body, init)
    return centroids

def query_ball_point(radius, nsample, xyz, new_xyz):
    B, N, _ = xyz.shape
    S = new_xyz.shape[1]
    d2 = pairwise_sqdist(new_xyz, xyz)
    group_idx = jnp.broadcast_to(jnp.arange(N, dtype=jnp.int32)[None, None, :], (B, S, N))
    group_idx = jnp.where(d2 > radius * radius, N, group_idx)
    group_idx = jnp.sort(group_idx, axis=-1)[:, :, :nsample]
    group_first = jnp.broadcast_to(group_idx[:, :, :1], group_idx.shape)
    group_idx = jnp.where(group_idx == N, group_first, group_idx)
    return jnp.minimum(group_idx, N - 1)

def pointnet_sa(npoint, radius, nsample, xyz, points, p, group_all):
    B = xyz.shape[0]
    if group_all:
        new_xyz = jnp.zeros((B, 1, 3), jnp.float32)
        grouped_xyz = xyz[:, None, :, :]
        new_points = jnp.concatenate([grouped_xyz, points[:, None, :, :]], axis=-1)
    else:
        fps_idx = jax.lax.stop_gradient(farthest_point_sample(xyz, npoint))
        new_xyz = index_points(xyz, fps_idx)
        idx = jax.lax.stop_gradient(query_ball_point(radius, nsample, xyz, new_xyz))
        grouped_xyz = index_points(xyz, idx) - new_xyz[:, :, None, :]
        grouped_points = index_points(points, idx)
        new_points = jnp.concatenate([grouped_xyz, grouped_points], axis=-1)
    y = jnp.einsum('bsnc,oc->bsno', new_points, p['W'])
    y = bn_relu(y, p['g'], p['b'])
    return new_xyz, jnp.max(y, axis=2)

def encoder_forward(xyz, params):
    B = xyz.shape[0]
    x, pts = pointsift_module(4.0, xyz, None, params['ps1'])
    x, pts = pointnet_sa(1024, 4.0, 32, x, pts, params['sa1'], False)
    x, pts = pointsift_module(6.0, x, pts, params['ps2'])
    x, pts = pointnet_sa(256, 6.0, 16, x, pts, params['sa2'], False)
    x, pts = pointsift_module(8.0, x, pts, params['ps3'])
    x, pts = pointnet_sa(64, 8.0, 8, x, pts, params['sa3'], False)
    x, pts = pointsift_module(10.0, x, pts, params['ps4'])
    x, pts = pointnet_sa(None, None, None, x, pts, params['sa4'], True)
    return pts.reshape(B, -1)

def make_params(key):
    keys = list(jax.random.split(key, 32))
    ki = iter(keys)
    def w(shape):
        return jax.random.normal(next(ki), shape, jnp.float32) * 0.1
    P = {}
    def sift(name, cin, cout):
        P[name] = {'W1': w((cout, cin, 2)), 'g1': jnp.ones((cout,), jnp.float32), 'b1': jnp.zeros((cout,), jnp.float32),
                   'W2': w((cout, cout, 2)), 'g2': jnp.ones((cout,), jnp.float32), 'b2': jnp.zeros((cout,), jnp.float32),
                   'W3': w((cout, cout, 2)), 'g3': jnp.ones((cout,), jnp.float32), 'b3': jnp.zeros((cout,), jnp.float32)}
    def sa(name, cin, cout):
        P[name] = {'W': w((cout, cin)), 'g': jnp.ones((cout,), jnp.float32), 'b': jnp.zeros((cout,), jnp.float32)}
    sift('ps1', 3, 64); sa('sa1', 67, 64)
    sift('ps2', 67, 64); sa('sa2', 67, 128)
    sift('ps3', 131, 128); sa('sa3', 131, 256)
    sift('ps4', 259, 256); sa('sa4', 259, 1024)
    return P

def setup_inputs(seed: int = 0):
    key = jax.random.key(seed)
    xyz = jax.random.normal(jax.random.fold_in(key, 1), (2, 4096, 3), jnp.float32)
    params = make_params(jax.random.fold_in(key, 2))
    return {'xyz': xyz, 'params': params}

def reference(xyz, params):
    return encoder_forward(xyz, params)

if __name__ == "__main__":
    import jax
    _d = setup_inputs()
    print(jax.jit(kernel)(*tuple(_d.values())))

</pallas_src>

<mosaic_0001>
module attributes {stable_mosaic.version = 14 : i64} {
  func.func @_copy_kernel(%arg0: memref<2x1024xf32, #tpu.memory_space<vmem>>, %arg1: memref<2x1024xf32, #tpu.memory_space<vmem>>) attributes {dimension_semantics = [], scalar_prefetch = 0 : i64, scratch_operands = 0 : i64, tpu.core_type = #tpu.core_type<tc>} {
    %get3A = arith.constant 0 : index
    %get3A_0 = arith.constant 0 : index
    %get3A_1 = vector.load %arg0[%get3A, %get3A_0] : memref<2x1024xf32, #tpu.memory_space<vmem>>, vector<2x1024xf32>
    %swap3A = arith.constant 0 : index
    %swap3A_2 = arith.constant 0 : index
    %swap3A_3 = vector.load %arg1[%swap3A, %swap3A_2] : memref<2x1024xf32, #tpu.memory_space<vmem>>, vector<2x1024xf32>
    tpu.vector_store %arg1[%swap3A, %swap3A_2], %get3A_1 {strides = array<i32>} : memref<2x1024xf32, #tpu.memory_space<vmem>>, vector<2x1024xf32>,
    return
  }
}

</mosaic_0001>

<sc_bundles>
// kernel: gather_offload_async_start.10
scs
__scs_entry_jumppad:
0x0: {  	(pc) =	sbr.rel $0x88, $3  }
0x1: {  	(tag) =	ssettag $0x0;
	lr =	simm.s32 $0x1  }
0x2: {  	[smem:$0x3F70] =	sst lr;
	_ =	strace $0xD0000000  }
0x3: {  	_ = 	snop  }
0x4: {  	_ = 	snop  }
0x5: {  	_ = 	snop  }
0x6: {  	_ = 	snop  }
0x7: {  	_ = 	snop  }
__scs_overlays_trampoline_lowered:
0x8: {  	[smem:$0x3F7F] =	sst s0  }
0x9: {  	[smem:$0x3F80] =	sst s1  }
0xa: {  	[smem:$0x3F81] =	sst s2  }
0xb: {  	[smem:$0x3F82] =	sst s3  }
0xc: {  	[smem:$0x3F83] =	sst s4  }
0xd: {  	[smem:$0x3F84] =	sst s5  }
0xe: {  	[smem:$0x3F85] =	sst s6  }
0xf: {  	[smem:$0x3F86] =	sst s7  }
0x10: {  	[smem:$0x3F87] =	sst s8  }
0x11: {  	[smem:$0x3F88] =	sst s9;
	s0 =	simm.s32 @!p0 $0x0  }
0x12: {  	s1 =	sld [smem:$0x3F6E];
	s0 =	simm.s32 @p0 $0x1  }
0x13: {  	[smem:$0x3F89] =	sst s0;
	s0 =	simm.s32 @!p1 $0x0  }
0x14: {  	s2 =	sld [smem:$0x3F6D];
	s0 =	simm.s32 @p1 $0x1  }
0x15: {  	[smem:$0x3F8A] =	sst s0;
	s0 =	simm.s32 @!p2 $0x0  }
0x16: {  	s3 =	sld [smem:$0x3FDB];
	s0 =	simm.s32 @p2 $0x1  }
0x17: {  	s4 =	simm.s32 $0x1BF5;
	[smem:$0x3F8C] =	sst s0  }
0x18: {  	s0 =	sld [smem:$0x3F6F];
	_ =	swait.ge [sflag:s4], $0x0  }
0x19: {  	s7 =	sld [smem:$0x3F70]  }
0x1a: {  	s8 =	sadd.s32 $0xFFFFE003, lr  }
0x1b: {  	s9 =	sadd.s32 $0xFFFFFEF7, lr;
	s5 =	simm.s32 $0xFFFFFFFF;
	p2 =	slt.u32 s8, $0xFFFFF086  }
0x1c: {  	p1 =	slt.u32 s9, $0xF7A;
	s5 =	simm.s32 @!p2 $0x0  }
0x1d: {  	s5 =	simm.s32 @p1 $0x1;
	p0 =	seq.s32 s7, s2  }
0x1e: {  	s7 =	smul.u32 @!p0 $0xF7A, s2;
	p2 =	seq.s32 @!p0 s5, $0x0  }
0x1f: {  	s9 =	smul.u32 $0xF7A, s1;
	s8 =	simm.s32 @!p0 $0x1BF5;
	p2 =	por !p2, p0  }
0x20: {  	[sflag:s8] =	ssyncset.s32 @!p0 $0xFFFFF086;
	s6 =	sadd.s32 @!p0 s3, s7;
	s7 =	simm.s32 @!p0 $0x108  }
0x21: {  	s3 =	sadd.s32 s3, s9;
	s6 =	sadd.s32 @!p0 $0x88, s6;
	s7 =	simm.s32 @p2 $0x1082  }
0x22: {  	[simem:s7], [sflag:s8] =	dma.local @!p0 [hbm:s6], $0xF7A  }
0x23: {  	s9 =	sor.u32 $0xD0000000, s2;
	s6 =	simm.s32 $0x108;
	_ =	swait.ge @!p0 [sflag:s8], $0x0  }
0x24: {  	s3 =	sadd.s32 $0x88, s3;
	s6 =	simm.s32 @!p1 $0x1082;
	[sflag:s4] =	ssyncset.s32 $0xFFFFF086  }
0x25: {  	[simem:s6], [sflag:s4] =	dma.local [hbm:s3], $0xF7A  }
0x26: {  	[smem:$0x3F70] =	sst s1;
	(tag) =	ssettag s2;
	_ =	strace s9  }
0x27: {  	s1 =	sld [smem:$0x3F80]  }
0x28: {  	s2 =	sld [smem:$0x3F81]  }
0x29: {  	s4 =	sld [smem:$0x3F83]  }
0x2a: {  	p0 =	seq.s32 s5, $0x0;
	s5 =	sld [smem:$0x3F84]  }
0x2b: {  	s6 =	sld [smem:$0x3F85]  }
0x2c: {  	s7 =	sld [smem:$0x3F86]  }
0x2d: {  	s3 =	simm.s32 $0x108;
	s8 =	sld [smem:$0x3F87]  }
0x2e: {  	s3 =	simm.s32 @!p0 $0x1082;
	s9 =	sld [smem:$0x3F88]  }
0x2f: {  	lr =	sadd.s32 s0, s3;
	s0 =	sld [smem:$0x3F7F]  }
0x30: {  	s3 =	sld [smem:$0x3F82]  }
0x31: {  	[smem:$0x3F8B] =	sst s10  }
0x32: {  	s10 =	sld [smem:$0x3F89];
	_ =	sdelay $0x3  }
0x33: {  	p0 =	seq.s32 s10, $0x1;
	s10 =	sld [smem:$0x3F8B];
	_ =	sdelay $0x3  }
0x34: {  	[smem:$0x3F8B] =	sst s10  }
0x35: {  	s10 =	sld [smem:$0x3F8A];
	_ =	sdelay $0x3  }
0x36: {  	p1 =	seq.s32 s10, $0x1;
	s10 =	sld [smem:$0x3F8B];
	_ =	sdelay $0x3  }
0x37: {  	[smem:$0x3F8B] =	sst s10  }
0x38: {  	s10 =	sld [smem:$0x3F8C]  }
0x39: {  	_ = 	snop;
	(pc) =	sbr.ind lr, $3  }
0x3a: {  	_ = 	snop  }
0x3b: {  	_ = 	snop  }
0x3c: {  	p2 =	seq.s32 s10, $0x1;
	s10 =	sld [smem:$0x3F8B]  }
0x3d: {  	_ =	shalt  }
0x3e: {  	_ =	shalt  }
0x3f: {  	_ =	shalt  }
0x40: {  	_ =	shalt  }
0x41: {  	_ =	shalt  }
0x42: {  	_ =	shalt  }
0x43: {  	_ =	shalt  }
0x44: {  	_ =	shalt  }
0x45: {  	_ =	shalt  }
0x46: {  	_ =	shalt  }
0x47: {  	_ =	shalt  }
0x48: {  	_ =	shalt  }
0x49: {  	_ =	shalt  }
0x4a: {  	_ =	shalt  }
0x4b: {  	_ =	shalt  }
0x4c: {  	_ =	shalt  }
0x4d: {  	_ =	shalt  }
0x4e: {  	_ =	shalt  }
0x4f: {  	_ =	shalt  }
0x50: {  	_ =	shalt  }
0x51: {  	_ =	shalt  }
0x52: {  	_ =	shalt  }
0x53: {  	_ =	shalt  }
0x54: {  	_ =	shalt  }
0x55: {  	_ =	shalt  }
0x56: {  	_ =	shalt  }
0x57: {  	_ =	shalt  }
0x58: {  	_ =	shalt  }
0x59: {  	_ =	shalt  }
0x5a: {  	_ =	shalt  }
0x5b: {  	_ =	shalt  }
0x5c: {  	_ =	shalt  }
0x5d: {  	_ =	shalt  }
0x5e: {  	_ =	shalt  }
0x5f: {  	_ =	shalt  }
0x60: {  	_ =	shalt  }
0x61: {  	_ =	shalt  }
0x62: {  	_ =	shalt  }
0x63: {  	_ =	shalt  }
0x64: {  	_ =	shalt  }
0x65: {  	_ =	shalt  }
0x66: {  	_ =	shalt  }
0x67: {  	_ =	shalt  }
0x68: {  	_ =	shalt  }
0x69: {  	_ =	shalt  }
0x6a: {  	_ =	shalt  }
0x6b: {  	_ =	shalt  }
0x6c: {  	_ =	shalt  }
0x6d: {  	_ =	shalt  }
0x6e: {  	_ =	shalt  }
0x6f: {  	_ =	shalt  }
0x70: {  	_ =	shalt  }
0x71: {  	_ =	shalt  }
0x72: {  	_ =	shalt  }
0x73: {  	_ =	shalt  }
0x74: {  	_ =	shalt  }
0x75: {  	_ =	shalt  }
0x76: {  	_ =	shalt  }
0x77: {  	_ =	shalt  }
0x78: {  	_ =	shalt  }
0x79: {  	_ =	shalt  }
0x7a: {  	_ =	shalt  }
0x7b: {  	_ =	shalt  }
0x7c: {  	_ =	shalt  }
0x7d: {  	_ =	shalt  }
0x7e: {  	_ =	shalt  }
0x7f: {  	_ =	shalt  }
0x80: {  	_ =	shalt  }
0x81: {  	_ =	shalt  }
0x82: {  	_ =	shalt  }
0x83: {  	_ =	shalt  }
0x84: {  	_ =	shalt  }
0x85: {  	_ =	shalt  }
0x86: {  	_ =	shalt  }
0x87: {  	_ =	shalt  }
.Lfunc_end0:
.L_simem_size_0:
called_computation.11_lowered:
.L_overlay_start_0:
0x88: {  	s2 =	sld [smem:$0x3FD9]  }
0x89: {  	s3 =	sld [smem:$0x3FFE];
	_ =	sdelay $0x1  }
0x8a: {  	s1 =	srdreg.scid  }
0x8b: {  	s0 =	sand.u32 $0x1, s1  }
0x8c: {  	s16 =	sshll.u32 s0, $0xA;
	s2 =	sadd.s32 s3, s2  }
0x8d: {  	s2 =	sadd.s32 s2, s16  }
0x8e: {  	[smem:$0x3F97] =	sst s2  }
0x8f: {  	_ = 	snop  }
0x90: {  	(tm) =	ssettm $0x1  }
0x91: {  	s17 =	sld [smem:$0x3FFB];
	_ =	sdelay $0x3  }
0x92: {  	_ =	strace s17  }
0x93: {  	s2 =	sld [smem:$0x3FFC];
	_ =	sdelay $0x3  }
0x94: {  	_ =	strace s2  }
0x95: {  	s2 =	sld [smem:$0x3FFD];
	_ =	sdelay $0x3  }
0x96: {  	_ =	strace s2  }
0x97: {  	_ =	strace $0x8FFFFFFF  }
0x98: {  	s18 =	sld [smem:$0x3FDB];
	_ =	sdelay $0x1  }
0x99: {  	s19 =	simm.s32 $_scs_section_size  }
0x9a: {  	s4 =	simm.s32 $_size__tile_overlayer_lowered;
	s5 =	simm.s32 $_tile_overlayer_lowered  }
0x9b: {  	s22 =	simm.s32 $0x1BFF;
	s21 =	sshll.u32 s5, $0x1;
	s2 =	sadd.s32 s19, s18  }
0x9c: {  	s6 =	simm.s32 $0x0;
	s20 =	sshll.u32 s4, $0x1;
	s4 =	sadd.s32 s21, s2  }
0x9d: {  	[timem:s6], [sflag:s22] =	dma.local [hbm:s4], s20  }
0x9e: {  	_ =	swait.ge [sflag:s22], s20  }
0x9f: {  	s3 =	ssub.s32 $0x0, s20;
	[sflag:s22] =	ssyncset.done $0x0  }
0xa0: {  	[sflag:s22] =	ssyncadd.s32 s3;
	_ =	sdelay $0x1  }
0xa1: {  	s23 =	simm.s32 $0x1B8B  }
0xa2: {  	_ =	swait.ge [sflag:s23], $0x1  }
0xa3: {  	[sflag:s23] =	ssyncset.done $0x0  }
0xa4: {  	s25 =	simm.s32 $0x1B8E;
	s24 =	sld [smem:$0x3FFE];
	[sflag:s23] =	ssyncadd.s32 $0xFFFFFFFF  }
0xa5: {  	s26 =	simm.s32 $execute0_lowered;
	[smem:$0x3FD2] =	sst s25  }
0xa6: {  	s4 =	sshll.u32 s26, $0x1;
	_ =	strace $0x80000049;
	[dreg:$0x1] =	wrdreg $0xFFFFFFFF  }
0xa7: {  	s28 =	simm.s32 $_size_execute0_lowered;
	s2 =	sadd.s32 s2, s4;
	[dreg:$0x0] =	wrdreg $0x0  }
0xa8: {  	s4 =	sshll.u32 s28, $0x1;
	[dreg:$0x2] =	wrdreg s2  }
0xa9: {  	[dreg:$0x3] =	wrdreg s4  }
0xaa: {  	[dreg:$0x4] =	wrdreg $0xC0  }
0xab: {  	_ =	task [dreg:s6], $0x5FFFF  }
0xac: {  	[dreg:$0x1] =	wrdreg $0xFFFFFFFF  }
0xad: {  	[dreg:$0x0] =	wrdreg $0x60  }
0xae: {  	[dreg:$0x2] =	wrdreg s24  }
0xaf: {  	[dreg:$0x3] =	wrdreg $0x9  }
0xb0: {  	_ =	task.clear_ibuf [dreg:s6], $0x4FFFF;
	_ =	strace $0x90000049  }
0xb1: {  	s29 =	simm.s32 $0x9;
	_ =	strace $0x8000004B  }
0xb2: {  	_ =	swait.ge [sflag:s29], $0x1  }
0xb3: {  	[sflag:s29] =	ssyncadd.s32 $0xFFFFFFFF  }
0xb4: {  	_ =	strace $0x9000004B  }
0xb5: {  	_ =	sfence  }
0xb6: {  	s30 =	sld [smem:$0x0];
	_ =	sdelay $0x2  }
0xb7: {  	s31 =	sshll.u32 s1, $0xD;
	s1 =	sshrl.u32 s1, $0x2  }
0xb8: {  	s3 =	sand.u32 $0x4000, s31;
	s1 =	sadd.s32 s1, s30  }
0xb9: {  	s0 =	sor.u32 s3, s0;
	s1 =	sshll.u32 s1, $0x11  }
0xba: {  	s0 =	sor.u32 s1, s0  }
0xbb: {  	s0 =	sadd.s32 $0x8F2B, s0  }
0xbc: {  	[sflag:s0] =	ssyncadd.remote.s32 $0x1  }
0xbd: {  	_ =	sfence.sel $0xFFFF  }
0xbe: {  	[dreg:$0x0] =	wrdreg $0xFFFFFFFF;
	(pc) =	sbr.abs _section_cstart, $3  }
0xbf: {  	[dreg:$0x1] =	wrdreg $0xFFFFFFFF  }
0xc0: {  	_ =	task.clear_ibuf [dreg:s6], $0x2FFFF;
	_ =	strace $0x9FFFFFFF  }
0xc1: {  	(tm) =	ssettm $0x7FFFFFFF  }
tec
execute0_lowered:
.L_overlay_start_1:
0x0: {  	(tag) =	ssettag $0x1  }
0x1: {  	s0 =	srdreg.scid;
	s5 =	rddreg [dreg:$0x0]  }
0x2: {  	s1 =	stileid.u32;
	s6 =	simm.s32 $0x1;
	s9 =	simm.s32 $0x1  }
0x3: {  	s10 =	simm.s32 $0x3;
	s13 =	simm.s32 $0x0;
	s2 =	sshll.u32 s0, $0x7  }
0x4: {  	s12 =	simm.s32 $0x0;
	s3 =	sshll.u32 s1, $0x8;
	s4 =	sand.u32 $0x80, s2  }
0x5: {  	s0 =	rddreg [dreg:$0x1];
	_ =	strace $0x8000004A;
	s3 =	sor.u32 s3, s4  }
0x6: {  	s2 =	sadd.s32 $0x44B200, s5;
	[sflag:s6] =	ssyncpa.u1 $0x0;
	s8 =	ssub.s32 $0x2000, s3  }
.Ltmp0:
0x7: {  	s4 =	sadd.s32 $0x204BA00, s5;
	s7 =	sand.u32 $0xF80, s8;
	(pc) =	sbr.rel .LBB2_1-.Ltmp0, $4  }
0x8: {  	s5 =	sadd.s32 $0x22A00, s5;
	s11 =	smov.u32 s3;
	p0 =	sne.s32 s7, $0x0  }
0x9: {  	s8 =	sshrl.u32 s8, $0xC;
	s7 =	simm.s32 $0x2;
	s9 =	simm.s32 @!p0 $0x0  }
0xa: {  	[sflag:s7] =	ssyncpa.u1 $0x0;
	p0 =	por $0x0, $0x0;
	s8 =	sadd.s32 s9, s8  }
0xb: {  	vm0 =	vmmov $0xffff;
	[sflag:s10] =	ssyncpa.u1 $0x0;
	s10 =	simm.s32 $0x0;
	s9 =	sadd.s32 $0x1, s8  }
.LBB2_4:
0xc: {  	v3 =	vshrl.u32 v0, $0x1;
	v4 =	vshrl.u32 v0, $0xD;
	v1 =	vor.u32 v1, v2  }
0xd: {  	v62 =	vshll.u32 v0, $0x18;
	v60 =	vand.u32 $0xFFF, v3;
	v61 =	vand.u32 $0xFFF, v4  }
0xe: {  	v0 =	vand.u32 $0x1000000, v62;
	v2 =	vsel vm1, $0xFFFFFFFF, v60;
	v3 =	vsel vm1, $0xFFFFFFFF, v61  }
0xf: {  	v0 =	vsel vm1, $0xFF000000, v0;
	v63 =	vand.u32 $0x7F, v2;
	v5 =	vshll.u32 v3, $0xC  }
0x10: {  	v2 =	vshll.u32 v2, $0x3;
	v5 =	vand.u32 $0xFFFF8000, v5;
	v0 =	vor.u32 v0, v63  }
0x11: {  	v3 =	vshll.u32 v3, $0x7;
	v2 =	vand.u32 $0xFFFFFC00, v2;
	v0 =	vadd.s32 v5, v0  }
0x12: {  	v3 =	vand.u32 $0x380, v3;
	v0 =	vadd.s32 v2, v0  }
0x13: {  	v0 =	vor.u32 v3, v0;
	_ =	sdelay $0x1  }
0x14: {  	(ifvalue) =	ssetifvalue $0x7FFFFFFF;
	s14 =	sadd.s32 $0x10, s14  }
0x15: {  	[tilespmem:s14], [sflag:$0x1] =	stream.indirect_vreg.gather [hbm4b:s2+s10], $0x1, v1, vm0, $0x4038;
	[tilespmem:$0x200] =	vst v63  }
0x16: {  	(ifvalue) =	ssetifvalue $0x7FFFFFFF;
	s14 =	sadd.s32 $0x10, s14  }
0x17: {  	[tilespmem:s14], [sflag:$0x1] =	stream.indirect_vreg.gather [hbm4b:s2+s10], $0x1, v0, vm0, $0x4038;
	[tilespmem:$0x200] =	vst v63  }
0x18: {  	_ =	swait.ge [sflag:s6], $0x80  }
0x19: {  	s30 =	sshrl.u32 s13, $0x3;
	[sflag:s6] =	ssyncset.done $0x0  }
0x1a: {  	s31 =	sand.u32 $0x7, s13;
	s14 =	sadd.s32 s5, s30;
	[sflag:s6] =	ssyncadd.s32 $0xFFFFFF80  }
0x1b: {  	[hbm4b:s14+s31] =	stream.linear.scatter [tilespmem:s15], [sflag:$0x3], $0x80, $0x38;
	[tilespmem:$0x200] =	vst v63  }
.LBB2_5:
0x1c: {  	s15 =	sadd.s32 $0x1000, s11  }
0x1d: {  	p2 =	sgt.s32 s15, $0x1FFF  }
0x1e: {  	s15 =	smov.u32 @p2 s3;
	p2 =	sne.s32 s12, s9  }
.Ltmp1:
0x1f: {  	p1 =	slt.u32 s12, $0x2;
	(pc) =	sbr.rel @!p2 .LBB2_6-.Ltmp1, $4  }
0x20: {  	s14 =	simm.s32 @!p1 $0x3  }
0x21: {  	s16 =	sadd.s32 $0x1, s12;
	_ =	swait.ge @!p1 [sflag:s14], $0x80  }
0x22: {  	s13 =	smov.u32 s11;
	p0 =	por !p0, !p0;
	[sflag:s14] =	ssyncset.done @!p1 $0x0  }
0x23: {  	s12 =	smov.u32 s16;
	s11 =	smov.u32 s15;
	[sflag:s14] =	ssyncadd.s32 @!p1 $0xFFFFFF80  }
.LBB2_1:
0x24: {  	p1 =	sge.u32 s12, s8  }
0x25: {  	s14 =	sxor.u32 @!p1 $0xFFFFFFFF, s12  }
0x26: {  	s31 =	sadd.s32 $0xFFFFFFFF, s12;
	s15 =	sshrl.u32 @!p1 s11, $0x3;
	s14 =	sshll.u32 @!p1 s14, $0x7  }
0x27: {  	s16 =	sand.u32 @!p1 $0x7, s11;
	s15 =	sadd.s32 @!p1 s4, s15;
	s14 =	sand.u32 @!p1 $0x80, s14  }
0x28: {  	[tilespmem:s14], [sflag:$0x2] =	stream.linear.gather @!p1 [hbm4b:s15+s16], $0x80, $0x38;
	[tilespmem:$0x200] =	vst v63  }
0x29: {  	p1 =	sge.u32 s31, s8  }
.Ltmp2:
0x2a: {  	_ = 	snop;
	(pc) =	sbr.rel @p1 .LBB2_5-.Ltmp2, $1  }
0x2b: {  	_ =	sdelay $0x3  }
0x2c: {  	s14 =	simm.s32 $0x1  }
0x2d: {  	_ =	swait.ge [sflag:s7], $0x80;
	s14 =	simm.s32 @!p0 $0x0  }
0x2e: {  	[sflag:s7] =	ssyncset.done $0x0;
	s14 =	sshll.u32 s14, $0x7  }
0x2f: {  	[sflag:s7] =	ssyncadd.s32 $0xFFFFFF80;
	(ifvalue) =	ssetifvalue $0x7FFFFFFF;
	v0 =	vld.msk [tilespmem:s14+$0x0 ss:$0x1], $0xffff;
	_ =	sdelay $0x4  }
0x30: {  	s15 =	sadd.s32 $0x10, s14;
	vm1 =	veq.s32 v0, $0x80000000;
	v1 =	vshrl.u32 v0, $0x1;
	v2 =	vshrl.u32 v0, $0xD  }
0x31: {  	v3 =	vld.msk [tilespmem:s15+$0x0 ss:$0x1], $0xffff;
	v0 =	vshll.u32 v0, $0x18;
	v1 =	vand.u32 $0xFFF, v1;
	v2 =	vand.u32 $0xFFF, v2  }
0x32: {  	v0 =	vand.u32 $0x1000000, v0;
	v1 =	vsel vm1, $0xFFFFFFFF, v1;
	v2 =	vsel vm1, $0xFFFFFFFF, v2  }
0x33: {  	v0 =	vsel vm1, $0xFF000000, v0;
	v4 =	vand.u32 $0x7F, v1;
	v5 =	vshll.u32 v2, $0xC  }
0x34: {  	v1 =	vshll.u32 v1, $0x3;
	v5 =	vand.u32 $0xFFFF8000, v5;
	v0 =	vor.u32 v0, v4  }
0x35: {  	v2 =	vshll.u32 v2, $0x7;
	v1 =	vand.u32 $0xFFFFFC00, v1;
	v0 =	vadd.s32 v5, v0  }
0x36: {  	v62 =	vshrl.u32 v3, $0xD;
	v2 =	vand.u32 $0x380, v2;
	v0 =	vadd.s32 v1, v0  }
0x37: {  	s17 =	sadd.s32 $0x10, s15;
	vm1 =	veq.s32 v3, $0x80000000;
	v1 =	vor.u32 v2, v0;
	v2 =	vshrl.u32 v3, $0x1  }
0x38: {  	v4 =	vand.u32 $0xFFF, v62;
	v0 =	vld.msk [tilespmem:s17+$0x0 ss:$0x1], $0xffff;
	v3 =	vshll.u32 v3, $0x18;
	v2 =	vand.u32 $0xFFF, v2  }
0x39: {  	v4 =	vsel vm1, $0xFFFFFFFF, v4;
	v3 =	vand.u32 $0x1000000, v3;
	v2 =	vsel vm1, $0xFFFFFFFF, v2  }
0x3a: {  	s31 =	sshll.u32 s12, $0x7;
	v6 =	vshll.u32 v4, $0xC;
	v3 =	vsel vm1, $0xFF000000, v3;
	v63 =	vand.u32 $0x7F, v2  }
0x3b: {  	s14 =	sor.u32 $0x100, s14;
	s15 =	sand.u32 $0x80, s31;
	(ifvalue) =	ssetifvalue $0x7FFFFFFF;
	v6 =	vand.u32 $0xFFFF8000, v6;
	v2 =	vshll.u32 v2, $0x3;
	v3 =	vor.u32 v3, v63  }
0x3c: {  	v2 =	vand.u32 $0xFFFFFC00, v2;
	[tilespmem:s14], [sflag:$0x1] =	stream.indirect_vreg.gather [hbm4b:s2+s10], $0x1, v1, vm0, $0x4038;
	v1 =	vshll.u32 v4, $0x7;
	v3 =	vadd.s32 v6, v3;
	[tilespmem:$0x200] =	vst v63  }
0x3d: {  	s16 =	simm.s32 $0x20;
	s15 =	sor.u32 $0x100, s15;
	s17 =	sadd.s32 $0x10, s17;
	vm1 =	veq.s32 v0, $0x80000000;
	v1 =	vand.u32 $0x380, v1;
	v2 =	vadd.s32 v2, v3  }
.LBB2_3:
0x3e: {  	v3 =	vld.msk [tilespmem:s17+$0x0 ss:$0x1], $0xffff;
	v4 =	vshrl.u32 v0, $0x1;
	v5 =	vshrl.u32 v0, $0xD;
	v1 =	vor.u32 v1, v2;
	s16 =	sadd.s32 $0x10, s16  }
0x3f: {  	v0 =	vshll.u32 v0, $0x18;
	v2 =	vand.u32 $0xFFF, v4;
	v4 =	vand.u32 $0xFFF, v5;
	p1 =	slt.u32 s16, $0x70  }
.Ltmp3:
0x40: {  	v0 =	vand.u32 $0x1000000, v0;
	v2 =	vsel vm1, $0xFFFFFFFF, v2;
	v4 =	vsel vm1, $0xFFFFFFFF, v4;
	(pc) =	sbr.rel @p1 .LBB2_3-.Ltmp3, $4  }
0x41: {  	v0 =	vsel vm1, $0xFF000000, v0;
	v5 =	vand.u32 $0x7F, v2;
	v6 =	vshll.u32 v4, $0xC  }
0x42: {  	s14 =	sadd.s32 $0x10, s14;
	v2 =	vshll.u32 v2, $0x3;
	v6 =	vand.u32 $0xFFFF8000, v6;
	v7 =	vor.u32 v0, v5;
	(ifvalue) =	ssetifvalue $0x7FFFFFFF  }
0x43: {  	v4 =	vshll.u32 v4, $0x7;
	v2 =	vand.u32 $0xFFFFFC00, v2;
	v5 =	vadd.s32 v6, v7;
	[tilespmem:s14], [sflag:$0x1] =	stream.indirect_vreg.gather [hbm4b:s2+s10], $0x1, v1, vm0, $0x4038;
	[tilespmem:$0x200] =	vst v63  }
0x44: {  	s17 =	sadd.s32 $0x10, s17;
	vm1 =	veq.s32 v3, $0x80000000;
	v1 =	vand.u32 $0x380, v4;
	v0 =	vmovc v3;
	v2 =	vadd.s32 v2, v5  }
.Ltmp4:
0x45: {  	_ = 	snop;
	(pc) =	sbr.rel .LBB2_4-.Ltmp4, $1  }
0x46: {  	_ =	sdelay $0x3  }
.LBB2_6:
0x47: {  	_ =	sfence.sel $0x180000  }
0x48: {  	s2 =	simm.s32 $0x2;
	[bflag:$0x0] =	sbarrier.arrive $0xFFFF  }
0x49: {  	s30 =	simm.s32 $0x3;
	[sflag:s2] =	ssyncpa.u1 $0x1  }
0x4a: {  	s31 =	simm.s32 $0x1;
	[sflag:s30] =	ssyncpa.u1 $0x1  }
0x4b: {  	[sflag:s31] =	ssyncpa.u1 $0x1  }
0x4c: {  	p0 =	sne.s32 s1, $0x0;
	_ =	strace $0x9000004A  }
0x4d: {  	s0 =	sadd.s32 @!p0 $0x100000, s0;
	[bflag:$0x2] =	sbarrier.arrive $0xFFFF  }
0x4e: {  	[sflag:s0] =	ssyncadd.tile.s32 @!p0 $0x1;
	_ =	shalt  }
.Lfunc_end2:
_tile_overlayer_lowered:
.L_overlay_start_2:
0x4f: {  	(tag) =	ssettag $0x2  }
0x50: {  	s0 =	rddreg [dreg:$0x0];
	s2 =	stileid.u32  }
0x51: {  	s1 =	rddreg [dreg:$0x1];
	p0 =	sne.s32 s2, $0x0  }
0x52: {  	s3 =	rddreg [dreg:$0x2];
	[bflag:$0x3] =	sbarrier.arrive $0xFFFF;
	s2 =	simm.s32 @!p0 $0x1C01  }
0x53: {  	[timem:s3], [sflag:s2] =	dma.local @!p0 [hbm:s0], s1  }
0x54: {  	s0 =	simm.s32 @!p0 $0x1  }
0x55: {  	_ =	swait.ge @!p0 [sflag:s0], s1  }
0x56: {  	s1 =	ssub.s32 @!p0 $0x0, s1;
	[sflag:s0] =	ssyncset.done @!p0 $0x0  }
0x57: {  	[sflag:s0] =	ssyncadd.s32 @!p0 s1  }
0x58: {  	[bflag:$0x3] =	sbarrier.arrive $0xFFFF  }
0x59: {  	_ =	shalt  }

// kernel: gather_offload_async_start.11
scs
__scs_entry_jumppad:
0x0: {  	(pc) =	sbr.rel $0x88, $3  }
0x1: {  	(tag) =	ssettag $0x0;
	lr =	simm.s32 $0x1  }
0x2: {  	[smem:$0x3F70] =	sst lr;
	_ =	strace $0xD0000000  }
0x3: {  	_ = 	snop  }
0x4: {  	_ = 	snop  }
0x5: {  	_ = 	snop  }
0x6: {  	_ = 	snop  }
0x7: {  	_ = 	snop  }
__scs_overlays_trampoline_lowered:
0x8: {  	[smem:$0x3F7F] =	sst s0  }
0x9: {  	[smem:$0x3F80] =	sst s1  }
0xa: {  	[smem:$0x3F81] =	sst s2  }
0xb: {  	[smem:$0x3F82] =	sst s3  }
0xc: {  	[smem:$0x3F83] =	sst s4  }
0xd: {  	[smem:$0x3F84] =	sst s5  }
0xe: {  	[smem:$0x3F85] =	sst s6  }
0xf: {  	[smem:$0x3F86] =	sst s7  }
0x10: {  	[smem:$0x3F87] =	sst s8  }
0x11: {  	[smem:$0x3F88] =	sst s9;
	s0 =	simm.s32 @!p0 $0x0  }
0x12: {  	s1 =	sld [smem:$0x3F6E];
	s0 =	simm.s32 @p0 $0x1  }
0x13: {  	[smem:$0x3F89] =	sst s0;
	s0 =	simm.s32 @!p1 $0x0  }
0x14: {  	s2 =	sld [smem:$0x3F6D];
	s0 =	simm.s32 @p1 $0x1  }
0x15: {  	[smem:$0x3F8A] =	sst s0;
	s0 =	simm.s32 @!p2 $0x0  }
0x16: {  	s3 =	sld [smem:$0x3FDB];
	s0 =	simm.s32 @p2 $0x1  }
0x17: {  	s4 =	simm.s32 $0x1BF5;
	[smem:$0x3F8C] =	sst s0  }
0x18: {  	s0 =	sld [smem:$0x3F6F];
	_ =	swait.ge [sflag:s4], $0x0  }
0x19: {  	s7 =	sld [smem:$0x3F70]  }
0x1a: {  	s8 =	sadd.s32 $0xFFFFE003, lr  }
0x1b: {  	s9 =	sadd.s32 $0xFFFFFEF7, lr;
	s5 =	simm.s32 $0xFFFFFFFF;
	p2 =	slt.u32 s8, $0xFFFFF086  }
0x1c: {  	p1 =	slt.u32 s9, $0xF7A;
	s5 =	simm.s32 @!p2 $0x0  }
0x1d: {  	s5 =	simm.s32 @p1 $0x1;
	p0 =	seq.s32 s7, s2  }
0x1e: {  	s7 =	smul.u32 @!p0 $0xF7A, s2;
	p2 =	seq.s32 @!p0 s5, $0x0  }
0x1f: {  	s9 =	smul.u32 $0xF7A, s1;
	s8 =	simm.s32 @!p0 $0x1BF5;
	p2 =	por !p2, p0  }
0x20: {  	[sflag:s8] =	ssyncset.s32 @!p0 $0xFFFFF086;
	s6 =	sadd.s32 @!p0 s3, s7;
	s7 =	simm.s32 @!p0 $0x108  }
0x21: {  	s3 =	sadd.s32 s3, s9;
	s6 =	sadd.s32 @!p0 $0x88, s6;
	s7 =	simm.s32 @p2 $0x1082  }
0x22: {  	[simem:s7], [sflag:s8] =	dma.local @!p0 [hbm:s6], $0xF7A  }
0x23: {  	s9 =	sor.u32 $0xD0000000, s2;
	s6 =	simm.s32 $0x108;
	_ =	swait.ge @!p0 [sflag:s8], $0x0  }
0x24: {  	s3 =	sadd.s32 $0x88, s3;
	s6 =	simm.s32 @!p1 $0x1082;
	[sflag:s4] =	ssyncset.s32 $0xFFFFF086  }
0x25: {  	[simem:s6], [sflag:s4] =	dma.local [hbm:s3], $0xF7A  }
0x26: {  	[smem:$0x3F70] =	sst s1;
	(tag) =	ssettag s2;
	_ =	strace s9  }
0x27: {  	s1 =	sld [smem:$0x3F80]  }
0x28: {  	s2 =	sld [smem:$0x3F81]  }
0x29: {  	s4 =	sld [smem:$0x3F83]  }
0x2a: {  	p0 =	seq.s32 s5, $0x0;
	s5 =	sld [smem:$0x3F84]  }
0x2b: {  	s6 =	sld [smem:$0x3F85]  }
0x2c: {  	s7 =	sld [smem:$0x3F86]  }
0x2d: {  	s3 =	simm.s32 $0x108;
	s8 =	sld [smem:$0x3F87]  }
0x2e: {  	s3 =	simm.s32 @!p0 $0x1082;
	s9 =	sld [smem:$0x3F88]  }
0x2f: {  	lr =	sadd.s32 s0, s3;
	s0 =	sld [smem:$0x3F7F]  }
0x30: {  	s3 =	sld [smem:$0x3F82]  }
0x31: {  	[smem:$0x3F8B] =	sst s10  }
0x32: {  	s10 =	sld [smem:$0x3F89];
	_ =	sdelay $0x3  }
0x33: {  	p0 =	seq.s32 s10, $0x1;
	s10 =	sld [smem:$0x3F8B];
	_ =	sdelay $0x3  }
0x34: {  	[smem:$0x3F8B] =	sst s10  }
0x35: {  	s10 =	sld [smem:$0x3F8A];
	_ =	sdelay $0x3  }
0x36: {  	p1 =	seq.s32 s10, $0x1;
	s10 =	sld [smem:$0x3F8B];
	_ =	sdelay $0x3  }
0x37: {  	[smem:$0x3F8B] =	sst s10  }
0x38: {  	s10 =	sld [smem:$0x3F8C]  }
0x39: {  	_ = 	snop;
	(pc) =	sbr.ind lr, $3  }
0x3a: {  	_ = 	snop  }
0x3b: {  	_ = 	snop  }
0x3c: {  	p2 =	seq.s32 s10, $0x1;
	s10 =	sld [smem:$0x3F8B]  }
0x3d: {  	_ =	shalt  }
0x3e: {  	_ =	shalt  }
0x3f: {  	_ =	shalt  }
0x40: {  	_ =	shalt  }
0x41: {  	_ =	shalt  }
0x42: {  	_ =	shalt  }
0x43: {  	_ =	shalt  }
0x44: {  	_ =	shalt  }
0x45: {  	_ =	shalt  }
0x46: {  	_ =	shalt  }
0x47: {  	_ =	shalt  }
0x48: {  	_ =	shalt  }
0x49: {  	_ =	shalt  }
0x4a: {  	_ =	shalt  }
0x4b: {  	_ =	shalt  }
0x4c: {  	_ =	shalt  }
0x4d: {  	_ =	shalt  }
0x4e: {  	_ =	shalt  }
0x4f: {  	_ =	shalt  }
0x50: {  	_ =	shalt  }
0x51: {  	_ =	shalt  }
0x52: {  	_ =	shalt  }
0x53: {  	_ =	shalt  }
0x54: {  	_ =	shalt  }
0x55: {  	_ =	shalt  }
0x56: {  	_ =	shalt  }
0x57: {  	_ =	shalt  }
0x58: {  	_ =	shalt  }
0x59: {  	_ =	shalt  }
0x5a: {  	_ =	shalt  }
0x5b: {  	_ =	shalt  }
0x5c: {  	_ =	shalt  }
0x5d: {  	_ =	shalt  }
0x5e: {  	_ =	shalt  }
0x5f: {  	_ =	shalt  }
0x60: {  	_ =	shalt  }
0x61: {  	_ =	shalt  }
0x62: {  	_ =	shalt  }
0x63: {  	_ =	shalt  }
0x64: {  	_ =	shalt  }
0x65: {  	_ =	shalt  }
0x66: {  	_ =	shalt  }
0x67: {  	_ =	shalt  }
0x68: {  	_ =	shalt  }
0x69: {  	_ =	shalt  }
0x6a: {  	_ =	shalt  }
0x6b: {  	_ =	shalt  }
0x6c: {  	_ =	shalt  }
0x6d: {  	_ =	shalt  }
0x6e: {  	_ =	shalt  }
0x6f: {  	_ =	shalt  }
0x70: {  	_ =	shalt  }
0x71: {  	_ =	shalt  }
0x72: {  	_ =	shalt  }
0x73: {  	_ =	shalt  }
0x74: {  	_ =	shalt  }
0x75: {  	_ =	shalt  }
0x76: {  	_ =	shalt  }
0x77: {  	_ =	shalt  }
0x78: {  	_ =	shalt  }
0x79: {  	_ =	shalt  }
0x7a: {  	_ =	shalt  }
0x7b: {  	_ =	shalt  }
0x7c: {  	_ =	shalt  }
0x7d: {  	_ =	shalt  }
0x7e: {  	_ =	shalt  }
0x7f: {  	_ =	shalt  }
0x80: {  	_ =	shalt  }
0x81: {  	_ =	shalt  }
0x82: {  	_ =	shalt  }
0x83: {  	_ =	shalt  }
0x84: {  	_ =	shalt  }
0x85: {  	_ =	shalt  }
0x86: {  	_ =	shalt  }
0x87: {  	_ =	shalt  }
.Lfunc_end0:
.L_simem_size_0:
called_computation.12_lowered:
.L_overlay_start_0:
0x88: {  	s2 =	sld [smem:$0x3FD9]  }
0x89: {  	s3 =	sld [smem:$0x3FFE];
	_ =	sdelay $0x1  }
0x8a: {  	s1 =	srdreg.scid  }
0x8b: {  	s0 =	sand.u32 $0x1, s1  }
0x8c: {  	s16 =	sshll.u32 s0, $0xA;
	s2 =	sadd.s32 s3, s2  }
0x8d: {  	s2 =	sadd.s32 s2, s16  }
0x8e: {  	[smem:$0x3F97] =	sst s2  }
0x8f: {  	_ = 	snop  }
0x90: {  	(tm) =	ssettm $0x1  }
0x91: {  	s17 =	sld [smem:$0x3FFB];
	_ =	sdelay $0x3  }
0x92: {  	_ =	strace s17  }
0x93: {  	s2 =	sld [smem:$0x3FFC];
	_ =	sdelay $0x3  }
0x94: {  	_ =	strace s2  }
0x95: {  	s2 =	sld [smem:$0x3FFD];
	_ =	sdelay $0x3  }
0x96: {  	_ =	strace s2  }
0x97: {  	_ =	strace $0x8FFFFFFF  }
0x98: {  	s18 =	sld [smem:$0x3FDB];
	_ =	sdelay $0x1  }
0x99: {  	s19 =	simm.s32 $_scs_section_size  }
0x9a: {  	s4 =	simm.s32 $_size__tile_overlayer_lowered;
	s5 =	simm.s32 $_tile_overlayer_lowered  }
0x9b: {  	s22 =	simm.s32 $0x1BFF;
	s21 =	sshll.u32 s5, $0x1;
	s2 =	sadd.s32 s19, s18  }
0x9c: {  	s6 =	simm.s32 $0x0;
	s20 =	sshll.u32 s4, $0x1;
	s4 =	sadd.s32 s21, s2  }
0x9d: {  	[timem:s6], [sflag:s22] =	dma.local [hbm:s4], s20  }
0x9e: {  	_ =	swait.ge [sflag:s22], s20  }
0x9f: {  	s3 =	ssub.s32 $0x0, s20;
	[sflag:s22] =	ssyncset.done $0x0  }
0xa0: {  	[sflag:s22] =	ssyncadd.s32 s3;
	_ =	sdelay $0x1  }
0xa1: {  	s23 =	simm.s32 $0x1B8B  }
0xa2: {  	_ =	swait.ge [sflag:s23], $0x1  }
0xa3: {  	[sflag:s23] =	ssyncset.done $0x0  }
0xa4: {  	s25 =	simm.s32 $0x1B8E;
	s24 =	sld [smem:$0x3FFE];
	[sflag:s23] =	ssyncadd.s32 $0xFFFFFFFF  }
0xa5: {  	s26 =	simm.s32 $execute0_lowered;
	[smem:$0x3FD2] =	sst s25  }
0xa6: {  	s4 =	sshll.u32 s26, $0x1;
	_ =	strace $0x8000004C;
	[dreg:$0x1] =	wrdreg $0xFFFFFFFF  }
0xa7: {  	s28 =	simm.s32 $_size_execute0_lowered;
	s2 =	sadd.s32 s2, s4;
	[dreg:$0x0] =	wrdreg $0x0  }
0xa8: {  	s4 =	sshll.u32 s28, $0x1;
	[dreg:$0x2] =	wrdreg s2  }
0xa9: {  	[dreg:$0x3] =	wrdreg s4  }
0xaa: {  	[dreg:$0x4] =	wrdreg $0xC0  }
0xab: {  	_ =	task [dreg:s6], $0x5FFFF  }
0xac: {  	[dreg:$0x1] =	wrdreg $0xFFFFFFFF  }
0xad: {  	[dreg:$0x0] =	wrdreg $0x60  }
0xae: {  	[dreg:$0x2] =	wrdreg s24  }
0xaf: {  	[dreg:$0x3] =	wrdreg $0x9  }
0xb0: {  	_ =	task.clear_ibuf [dreg:s6], $0x4FFFF;
	_ =	strace $0x9000004C  }
0xb1: {  	s29 =	simm.s32 $0x9;
	_ =	strace $0x8000004E  }
0xb2: {  	_ =	swait.ge [sflag:s29], $0x1  }
0xb3: {  	[sflag:s29] =	ssyncadd.s32 $0xFFFFFFFF  }
0xb4: {  	_ =	strace $0x9000004E  }
0xb5: {  	_ =	sfence  }
0xb6: {  	s30 =	sld [smem:$0x0];
	_ =	sdelay $0x2  }
0xb7: {  	s31 =	sshll.u32 s1, $0xD;
	s1 =	sshrl.u32 s1, $0x2  }
0xb8: {  	s3 =	sand.u32 $0x4000, s31;
	s1 =	sadd.s32 s1, s30  }
0xb9: {  	s0 =	sor.u32 s3, s0;
	s1 =	sshll.u32 s1, $0x11  }
0xba: {  	s0 =	sor.u32 s1, s0  }
0xbb: {  	s0 =	sadd.s32 $0x8F2B, s0  }
0xbc: {  	[sflag:s0] =	ssyncadd.remote.s32 $0x1  }
0xbd: {  	_ =	sfence.sel $0xFFFF  }
0xbe: {  	[dreg:$0x0] =	wrdreg $0xFFFFFFFF;
	(pc) =	sbr.abs _section_cstart, $3  }
0xbf: {  	[dreg:$0x1] =	wrdreg $0xFFFFFFFF  }
0xc0: {  	_ =	task.clear_ibuf [dreg:s6], $0x2FFFF;
	_ =	strace $0x9FFFFFFF  }
0xc1: {  	(tm) =	ssettm $0x7FFFFFFF  }
tec
execute0_lowered:
.L_overlay_start_1:
0x0: {  	(tag) =	ssettag $0x1  }
0x1: {  	s0 =	srdreg.scid;
	s5 =	rddreg [dreg:$0x0]  }
0x2: {  	s1 =	stileid.u32;
	s6 =	simm.s32 $0x1;
	s9 =	simm.s32 $0x1  }
0x3: {  	s10 =	simm.s32 $0x3;
	s13 =	simm.s32 $0x0;
	s2 =	sshll.u32 s0, $0x7  }
0x4: {  	s12 =	simm.s32 $0x0;
	s3 =	sshll.u32 s1, $0x8;
	s4 =	sand.u32 $0x80, s2  }
0x5: {  	s0 =	rddreg [dreg:$0x1];
	_ =	strace $0x8000004D;
	s3 =	sor.u32 s3, s4  }
0x6: {  	s2 =	sadd.s32 $0x84B200, s5;
	[sflag:s6] =	ssyncpa.u1 $0x0;
	s8 =	ssub.s32 $0x2000, s3  }
.Ltmp0:
0x7: {  	s4 =	sadd.s32 $0x204BE00, s5;
	s7 =	sand.u32 $0xF80, s8;
	(pc) =	sbr.rel .LBB2_1-.Ltmp0, $4  }
0x8: {  	s5 =	sadd.s32 $0x22A00, s5;
	s11 =	smov.u32 s3;
	p0 =	sne.s32 s7, $0x0  }
0x9: {  	s8 =	sshrl.u32 s8, $0xC;
	s7 =	simm.s32 $0x2;
	s9 =	simm.s32 @!p0 $0x0  }
0xa: {  	[sflag:s7] =	ssyncpa.u1 $0x0;
	p0 =	por $0x0, $0x0;
	s8 =	sadd.s32 s9, s8  }
0xb: {  	vm0 =	vmmov $0xffff;
	[sflag:s10] =	ssyncpa.u1 $0x0;
	s10 =	simm.s32 $0x0;
	s9 =	sadd.s32 $0x1, s8  }
.LBB2_4:
0xc: {  	v3 =	vshrl.u32 v0, $0x1;
	v4 =	vshrl.u32 v0, $0xD;
	v1 =	vor.u32 v1, v2  }
0xd: {  	v62 =	vshll.u32 v0, $0x18;
	v60 =	vand.u32 $0xFFF, v3;
	v61 =	vand.u32 $0xFFF, v4  }
0xe: {  	v0 =	vand.u32 $0x1000000, v62;
	v2 =	vsel vm1, $0xFFFFFFFF, v60;
	v3 =	vsel vm1, $0xFFFFFFFF, v61  }
0xf: {  	v0 =	vsel vm1, $0xFF000000, v0;
	v63 =	vand.u32 $0x7F, v2;
	v5 =	vshll.u32 v3, $0xC  }
0x10: {  	v2 =	vshll.u32 v2, $0x3;
	v5 =	vand.u32 $0xFFFF8000, v5;
	v0 =	vor.u32 v0, v63  }
0x11: {  	v3 =	vshll.u32 v3, $0x7;
	v2 =	vand.u32 $0xFFFFFC00, v2;
	v0 =	vadd.s32 v5, v0  }
0x12: {  	v3 =	vand.u32 $0x380, v3;
	v0 =	vadd.s32 v2, v0  }
0x13: {  	v0 =	vor.u32 v3, v0;
	_ =	sdelay $0x1  }
0x14: {  	(ifvalue) =	ssetifvalue $0x7FFFFFFF;
	s14 =	sadd.s32 $0x10, s14  }
0x15: {  	[tilespmem:s14], [sflag:$0x1] =	stream.indirect_vreg.gather [hbm4b:s2+s10], $0x1, v1, vm0, $0x4038;
	[tilespmem:$0x200] =	vst v63  }
0x16: {  	(ifvalue) =	ssetifvalue $0x7FFFFFFF;
	s14 =	sadd.s32 $0x10, s14  }
0x17: {  	[tilespmem:s14], [sflag:$0x1] =	stream.indirect_vreg.gather [hbm4b:s2+s10], $0x1, v0, vm0, $0x4038;
	[tilespmem:$0x200] =	vst v63  }
0x18: {  	_ =	swait.ge [sflag:s6], $0x80  }
0x19: {  	s30 =	sshrl.u32 s13, $0x3;
	[sflag:s6] =	ssyncset.done $0x0  }
0x1a: {  	s31 =	sand.u32 $0x7, s13;
	s14 =	sadd.s32 s5, s30;
	[sflag:s6] =	ssyncadd.s32 $0xFFFFFF80  }
0x1b: {  	[hbm4b:s14+s31] =	stream.linear.scatter [tilespmem:s15], [sflag:$0x3], $0x80, $0x38;
	[tilespmem:$0x200] =	vst v63  }
.LBB2_5:
0x1c: {  	s15 =	sadd.s32 $0x1000, s11  }
0x1d: {  	p2 =	sgt.s32 s15, $0x1FFF  }
0x1e: {  	s15 =	smov.u32 @p2 s3;
	p2 =	sne.s32 s12, s9  }
.Ltmp1:
0x1f: {  	p1 =	slt.u32 s12, $0x2;
	(pc) =	sbr.rel @!p2 .LBB2_6-.Ltmp1, $4  }
0x20: {  	s14 =	simm.s32 @!p1 $0x3  }
0x21: {  	s16 =	sadd.s32 $0x1, s12;
	_ =	swait.ge @!p1 [sflag:s14], $0x80  }
0x22: {  	s13 =	smov.u32 s11;
	p0 =	por !p0, !p0;
	[sflag:s14] =	ssyncset.done @!p1 $0x0  }
0x23: {  	s12 =	smov.u32 s16;
	s11 =	smov.u32 s15;
	[sflag:s14] =	ssyncadd.s32 @!p1 $0xFFFFFF80  }
.LBB2_1:
0x24: {  	p1 =	sge.u32 s12, s8  }
0x25: {  	s14 =	sxor.u32 @!p1 $0xFFFFFFFF, s12  }
0x26: {  	s31 =	sadd.s32 $0xFFFFFFFF, s12;
	s15 =	sshrl.u32 @!p1 s11, $0x3;
	s14 =	sshll.u32 @!p1 s14, $0x7  }
0x27: {  	s16 =	sand.u32 @!p1 $0x7, s11;
	s15 =	sadd.s32 @!p1 s4, s15;
	s14 =	sand.u32 @!p1 $0x80, s14  }
0x28: {  	[tilespmem:s14], [sflag:$0x2] =	stream.linear.gather @!p1 [hbm4b:s15+s16], $0x80, $0x38;
	[tilespmem:$0x200] =	vst v63  }
0x29: {  	p1 =	sge.u32 s31, s8  }
.Ltmp2:
0x2a: {  	_ = 	snop;
	(pc) =	sbr.rel @p1 .LBB2_5-.Ltmp2, $1  }
0x2b: {  	_ =	sdelay $0x3  }
0x2c: {  	s14 =	simm.s32 $0x1  }
0x2d: {  	_ =	swait.ge [sflag:s7], $0x80;
	s14 =	simm.s32 @!p0 $0x0  }
0x2e: {  	[sflag:s7] =	ssyncset.done $0x0;
	s14 =	sshll.u32 s14, $0x7  }
0x2f: {  	[sflag:s7] =	ssyncadd.s32 $0xFFFFFF80;
	(ifvalue) =	ssetifvalue $0x7FFFFFFF;
	v0 =	vld.msk [tilespmem:s14+$0x0 ss:$0x1], $0xffff;
	_ =	sdelay $0x4  }
0x30: {  	s15 =	sadd.s32 $0x10, s14;
	vm1 =	veq.s32 v0, $0x80000000;
	v1 =	vshrl.u32 v0, $0x1;
	v2 =	vshrl.u32 v0, $0xD  }
0x31: {  	v3 =	vld.msk [tilespmem:s15+$0x0 ss:$0x1], $0xffff;
	v0 =	vshll.u32 v0, $0x18;
	v1 =	vand.u32 $0xFFF, v1;
	v2 =	vand.u32 $0xFFF, v2  }
0x32: {  	v0 =	vand.u32 $0x1000000, v0;
	v1 =	vsel vm1, $0xFFFFFFFF, v1;
	v2 =	vsel vm1, $0xFFFFFFFF, v2  }
0x33: {  	v0 =	vsel vm1, $0xFF000000, v0;
	v4 =	vand.u32 $0x7F, v1;
	v5 =	vshll.u32 v2, $0xC  }
0x34: {  	v1 =	vshll.u32 v1, $0x3;
	v5 =	vand.u32 $0xFFFF8000, v5;
	v0 =	vor.u32 v0, v4  }
0x35: {  	v2 =	vshll.u32 v2, $0x7;
	v1 =	vand.u32 $0xFFFFFC00, v1;
	v0 =	vadd.s32 v5, v0  }
0x36: {  	v62 =	vshrl.u32 v3, $0xD;
	v2 =	vand.u32 $0x380, v2;
	v0 =	vadd.s32 v1, v0  }
0x37: {  	s17 =	sadd.s32 $0x10, s15;
	vm1 =	veq.s32 v3, $0x80000000;
	v1 =	vor.u32 v2, v0;
	v2 =	vshrl.u32 v3, $0x1  }
0x38: {  	v4 =	vand.u32 $0xFFF, v62;
	v0 =	vld.msk [tilespmem:s17+$0x0 ss:$0x1], $0xffff;
	v3 =	vshll.u32 v3, $0x18;
	v2 =	vand.u32 $0xFFF, v2  }
0x39: {  	v4 =	vsel vm1, $0xFFFFFFFF, v4;
	v3 =	vand.u32 $0x1000000, v3;
	v2 =	vsel vm1, $0xFFFFFFFF, v2  }
0x3a: {  	s31 =	sshll.u32 s12, $0x7;
	v6 =	vshll.u32 v4, $0xC;
	v3 =	vsel vm1, $0xFF000000, v3;
	v63 =	vand.u32 $0x7F, v2  }
0x3b: {  	s14 =	sor.u32 $0x100, s14;
	s15 =	sand.u32 $0x80, s31;
	(ifvalue) =	ssetifvalue $0x7FFFFFFF;
	v6 =	vand.u32 $0xFFFF8000, v6;
	v2 =	vshll.u32 v2, $0x3;
	v3 =	vor.u32 v3, v63  }
0x3c: {  	v2 =	vand.u32 $0xFFFFFC00, v2;
	[tilespmem:s14], [sflag:$0x1] =	stream.indirect_vreg.gather [hbm4b:s2+s10], $0x1, v1, vm0, $0x4038;
	v1 =	vshll.u32 v4, $0x7;
	v3 =	vadd.s32 v6, v3;
	[tilespmem:$0x200] =	vst v63  }
0x3d: {  	s16 =	simm.s32 $0x20;
	s15 =	sor.u32 $0x100, s15;
	s17 =	sadd.s32 $0x10, s17;
	vm1 =	veq.s32 v0, $0x80000000;
	v1 =	vand.u32 $0x380, v1;
	v2 =	vadd.s32 v2, v3  }
.LBB2_3:
0x3e: {  	v3 =	vld.msk [tilespmem:s17+$0x0 ss:$0x1], $0xffff;
	v4 =	vshrl.u32 v0, $0x1;
	v5 =	vshrl.u32 v0, $0xD;
	v1 =	vor.u32 v1, v2;
	s16 =	sadd.s32 $0x10, s16  }
0x3f: {  	v0 =	vshll.u32 v0, $0x18;
	v2 =	vand.u32 $0xFFF, v4;
	v4 =	vand.u32 $0xFFF, v5;
	p1 =	slt.u32 s16, $0x70  }
.Ltmp3:
0x40: {  	v0 =	vand.u32 $0x1000000, v0;
	v2 =	vsel vm1, $0xFFFFFFFF, v2;
	v4 =	vsel vm1, $0xFFFFFFFF, v4;
	(pc) =	sbr.rel @p1 .LBB2_3-.Ltmp3, $4  }
0x41: {  	v0 =	vsel vm1, $0xFF000000, v0;
	v5 =	vand.u32 $0x7F, v2;
	v6 =	vshll.u32 v4, $0xC  }
0x42: {  	s14 =	sadd.s32 $0x10, s14;
	v2 =	vshll.u32 v2, $0x3;
	v6 =	vand.u32 $0xFFFF8000, v6;
	v7 =	vor.u32 v0, v5;
	(ifvalue) =	ssetifvalue $0x7FFFFFFF  }
0x43: {  	v4 =	vshll.u32 v4, $0x7;
	v2 =	vand.u32 $0xFFFFFC00, v2;
	v5 =	vadd.s32 v6, v7;
	[tilespmem:s14], [sflag:$0x1] =	stream.indirect_vreg.gather [hbm4b:s2+s10], $0x1, v1, vm0, $0x4038;
	[tilespmem:$0x200] =	vst v63  }
0x44: {  	s17 =	sadd.s32 $0x10, s17;
	vm1 =	veq.s32 v3, $0x80000000;
	v1 =	vand.u32 $0x380, v4;
	v0 =	vmovc v3;
	v2 =	vadd.s32 v2, v5  }
.Ltmp4:
0x45: {  	_ = 	snop;
	(pc) =	sbr.rel .LBB2_4-.Ltmp4, $1  }
0x46: {  	_ =	sdelay $0x3  }
.LBB2_6:
0x47: {  	_ =	sfence.sel $0x180000  }
0x48: {  	s2 =	simm.s32 $0x2;
	[bflag:$0x0] =	sbarrier.arrive $0xFFFF  }
0x49: {  	s30 =	simm.s32 $0x3;
	[sflag:s2] =	ssyncpa.u1 $0x1  }
0x4a: {  	s31 =	simm.s32 $0x1;
	[sflag:s30] =	ssyncpa.u1 $0x1  }
0x4b: {  	[sflag:s31] =	ssyncpa.u1 $0x1  }
0x4c: {  	p0 =	sne.s32 s1, $0x0;
	_ =	strace $0x9000004D  }
0x4d: {  	s0 =	sadd.s32 @!p0 $0x100000, s0;
	[bflag:$0x2] =	sbarrier.arrive $0xFFFF  }
0x4e: {  	[sflag:s0] =	ssyncadd.tile.s32 @!p0 $0x1;
	_ =	shalt  }
.Lfunc_end2:
_tile_overlayer_lowered:
.L_overlay_start_2:
0x4f: {  	(tag) =	ssettag $0x2  }
0x50: {  	s0 =	rddreg [dreg:$0x0];
	s2 =	stileid.u32  }
0x51: {  	s1 =	rddreg [dreg:$0x1];
	p0 =	sne.s32 s2, $0x0  }
0x52: {  	s3 =	rddreg [dreg:$0x2];
	[bflag:$0x3] =	sbarrier.arrive $0xFFFF;
	s2 =	simm.s32 @!p0 $0x1C01  }
0x53: {  	[timem:s3], [sflag:s2] =	dma.local @!p0 [hbm:s0], s1  }
0x54: {  	s0 =	simm.s32 @!p0 $0x1  }
0x55: {  	_ =	swait.ge @!p0 [sflag:s0], s1  }
0x56: {  	s1 =	ssub.s32 @!p0 $0x0, s1;
	[sflag:s0] =	ssyncset.done @!p0 $0x0  }
0x57: {  	[sflag:s0] =	ssyncadd.s32 @!p0 s1  }
0x58: {  	[bflag:$0x3] =	sbarrier.arrive $0xFFFF  }
0x59: {  	_ =	shalt  }

// kernel: gather_offload_async_start.12
scs
__scs_entry_jumppad:
0x0: {  	(pc) =	sbr.rel $0x88, $3  }
0x1: {  	(tag) =	ssettag $0x0;
	lr =	simm.s32 $0x1  }
0x2: {  	[smem:$0x3F70] =	sst lr;
	_ =	strace $0xD0000000  }
0x3: {  	_ = 	snop  }
0x4: {  	_ = 	snop  }
0x5: {  	_ = 	snop  }
0x6: {  	_ = 	snop  }
0x7: {  	_ = 	snop  }
__scs_overlays_trampoline_lowered:
0x8: {  	[smem:$0x3F7F] =	sst s0  }
0x9: {  	[smem:$0x3F80] =	sst s1  }
0xa: {  	[smem:$0x3F81] =	sst s2  }
0xb: {  	[smem:$0x3F82] =	sst s3  }
0xc: {  	[smem:$0x3F83] =	sst s4  }
0xd: {  	[smem:$0x3F84] =	sst s5  }
0xe: {  	[smem:$0x3F85] =	sst s6  }
0xf: {  	[smem:$0x3F86] =	sst s7  }
0x10: {  	[smem:$0x3F87] =	sst s8  }
0x11: {  	[smem:$0x3F88] =	sst s9;
	s0 =	simm.s32 @!p0 $0x0  }
0x12: {  	s1 =	sld [smem:$0x3F6E];
	s0 =	simm.s32 @p0 $0x1  }
0x13: {  	[smem:$0x3F89] =	sst s0;
	s0 =	simm.s32 @!p1 $0x0  }
0x14: {  	s2 =	sld [smem:$0x3F6D];
	s0 =	simm.s32 @p1 $0x1  }
0x15: {  	[smem:$0x3F8A] =	sst s0;
	s0 =	simm.s32 @!p2 $0x0  }
0x16: {  	s3 =	sld [smem:$0x3FDB];
	s0 =	simm.s32 @p2 $0x1  }
0x17: {  	s4 =	simm.s32 $0x1BF5;
	[smem:$0x3F8C] =	sst s0  }
0x18: {  	s0 =	sld [smem:$0x3F6F];
	_ =	swait.ge [sflag:s4], $0x0  }
0x19: {  	s7 =	sld [smem:$0x3F70]  }
0x1a: {  	s8 =	sadd.s32 $0xFFFFE003, lr  }
0x1b: {  	s9 =	sadd.s32 $0xFFFFFEF7, lr;
	s5 =	simm.s32 $0xFFFFFFFF;
	p2 =	slt.u32 s8, $0xFFFFF086  }
0x1c: {  	p1 =	slt.u32 s9, $0xF7A;
	s5 =	simm.s32 @!p2 $0x0  }
0x1d: {  	s5 =	simm.s32 @p1 $0x1;
	p0 =	seq.s32 s7, s2  }
0x1e: {  	s7 =	smul.u32 @!p0 $0xF7A, s2;
	p2 =	seq.s32 @!p0 s5, $0x0  }
0x1f: {  	s9 =	smul.u32 $0xF7A, s1;
	s8 =	simm.s32 @!p0 $0x1BF5;
	p2 =	por !p2, p0  }
0x20: {  	[sflag:s8] =	ssyncset.s32 @!p0 $0xFFFFF086;
	s6 =	sadd.s32 @!p0 s3, s7;
	s7 =	simm.s32 @!p0 $0x108  }
0x21: {  	s3 =	sadd.s32 s3, s9;
	s6 =	sadd.s32 @!p0 $0x88, s6;
	s7 =	simm.s32 @p2 $0x1082  }
0x22: {  	[simem:s7], [sflag:s8] =	dma.local @!p0 [hbm:s6], $0xF7A  }
0x23: {  	s9 =	sor.u32 $0xD0000000, s2;
	s6 =	simm.s32 $0x108;
	_ =	swait.ge @!p0 [sflag:s8], $0x0  }
0x24: {  	s3 =	sadd.s32 $0x88, s3;
	s6 =	simm.s32 @!p1 $0x1082;
	[sflag:s4] =	ssyncset.s32 $0xFFFFF086  }
0x25: {  	[simem:s6], [sflag:s4] =	dma.local [hbm:s3], $0xF7A  }
0x26: {  	[smem:$0x3F70] =	sst s1;
	(tag) =	ssettag s2;
	_ =	strace s9  }
0x27: {  	s1 =	sld [smem:$0x3F80]  }
0x28: {  	s2 =	sld [smem:$0x3F81]  }
0x29: {  	s4 =	sld [smem:$0x3F83]  }
0x2a: {  	p0 =	seq.s32 s5, $0x0;
	s5 =	sld [smem:$0x3F84]  }
0x2b: {  	s6 =	sld [smem:$0x3F85]  }
0x2c: {  	s7 =	sld [smem:$0x3F86]  }
0x2d: {  	s3 =	simm.s32 $0x108;
	s8 =	sld [smem:$0x3F87]  }
0x2e: {  	s3 =	simm.s32 @!p0 $0x1082;
	s9 =	sld [smem:$0x3F88]  }
0x2f: {  	lr =	sadd.s32 s0, s3;
	s0 =	sld [smem:$0x3F7F]  }
0x30: {  	s3 =	sld [smem:$0x3F82]  }
0x31: {  	[smem:$0x3F8B] =	sst s10  }
0x32: {  	s10 =	sld [smem:$0x3F89];
	_ =	sdelay $0x3  }
0x33: {  	p0 =	seq.s32 s10, $0x1;
	s10 =	sld [smem:$0x3F8B];
	_ =	sdelay $0x3  }
0x34: {  	[smem:$0x3F8B] =	sst s10  }
0x35: {  	s10 =	sld [smem:$0x3F8A];
	_ =	sdelay $0x3  }
0x36: {  	p1 =	seq.s32 s10, $0x1;
	s10 =	sld [smem:$0x3F8B];
	_ =	sdelay $0x3  }
0x37: {  	[smem:$0x3F8B] =	sst s10  }
0x38: {  	s10 =	sld [smem:$0x3F8C]  }
0x39: {  	_ = 	snop;
	(pc) =	sbr.ind lr, $3  }
0x3a: {  	_ = 	snop  }
0x3b: {  	_ = 	snop  }
0x3c: {  	p2 =	seq.s32 s10, $0x1;
	s10 =	sld [smem:$0x3F8B]  }
0x3d: {  	_ =	shalt  }
0x3e: {  	_ =	shalt  }
0x3f: {  	_ =	shalt  }
0x40: {  	_ =	shalt  }
0x41: {  	_ =	shalt  }
0x42: {  	_ =	shalt  }
0x43: {  	_ =	shalt  }
0x44: {  	_ =	shalt  }
0x45: {  	_ =	shalt  }
0x46: {  	_ =	shalt  }
0x47: {  	_ =	shalt  }
0x48: {  	_ =	shalt  }
0x49: {  	_ =	shalt  }
0x4a: {  	_ =	shalt  }
0x4b: {  	_ =	shalt  }
0x4c: {  	_ =	shalt  }
0x4d: {  	_ =	shalt  }
0x4e: {  	_ =	shalt  }
0x4f: {  	_ =	shalt  }
0x50: {  	_ =	shalt  }
0x51: {  	_ =	shalt  }
0x52: {  	_ =	shalt  }
0x53: {  	_ =	shalt  }
0x54: {  	_ =	shalt  }
0x55: {  	_ =	shalt  }
0x56: {  	_ =	shalt  }
0x57: {  	_ =	shalt  }
0x58: {  	_ =	shalt  }
0x59: {  	_ =	shalt  }
0x5a: {  	_ =	shalt  }
0x5b: {  	_ =	shalt  }
0x5c: {  	_ =	shalt  }
0x5d: {  	_ =	shalt  }
0x5e: {  	_ =	shalt  }
0x5f: {  	_ =	shalt  }
0x60: {  	_ =	shalt  }
0x61: {  	_ =	shalt  }
0x62: {  	_ =	shalt  }
0x63: {  	_ =	shalt  }
0x64: {  	_ =	shalt  }
0x65: {  	_ =	shalt  }
0x66: {  	_ =	shalt  }
0x67: {  	_ =	shalt  }
0x68: {  	_ =	shalt  }
0x69: {  	_ =	shalt  }
0x6a: {  	_ =	shalt  }
0x6b: {  	_ =	shalt  }
0x6c: {  	_ =	shalt  }
0x6d: {  	_ =	shalt  }
0x6e: {  	_ =	shalt  }
0x6f: {  	_ =	shalt  }
0x70: {  	_ =	shalt  }
0x71: {  	_ =	shalt  }
0x72: {  	_ =	shalt  }
0x73: {  	_ =	shalt  }
0x74: {  	_ =	shalt  }
0x75: {  	_ =	shalt  }
0x76: {  	_ =	shalt  }
0x77: {  	_ =	shalt  }
0x78: {  	_ =	shalt  }
0x79: {  	_ =	shalt  }
0x7a: {  	_ =	shalt  }
0x7b: {  	_ =	shalt  }
0x7c: {  	_ =	shalt  }
0x7d: {  	_ =	shalt  }
0x7e: {  	_ =	shalt  }
0x7f: {  	_ =	shalt  }
0x80: {  	_ =	shalt  }
0x81: {  	_ =	shalt  }
0x82: {  	_ =	shalt  }
0x83: {  	_ =	shalt  }
0x84: {  	_ =	shalt  }
0x85: {  	_ =	shalt  }
0x86: {  	_ =	shalt  }
0x87: {  	_ =	shalt  }
.Lfunc_end0:
.L_simem_size_0:
called_computation.13_lowered:
.L_overlay_start_0:
0x88: {  	s2 =	sld [smem:$0x3FD9]  }
0x89: {  	s3 =	sld [smem:$0x3FFE];
	_ =	sdelay $0x1  }
0x8a: {  	s1 =	srdreg.scid  }
0x8b: {  	s0 =	sand.u32 $0x1, s1  }
0x8c: {  	s16 =	sshll.u32 s0, $0xA;
	s2 =	sadd.s32 s3, s2  }
0x8d: {  	s2 =	sadd.s32 s2, s16  }
0x8e: {  	[smem:$0x3F97] =	sst s2  }
0x8f: {  	_ = 	snop  }
0x90: {  	(tm) =	ssettm $0x1  }
0x91: {  	s17 =	sld [smem:$0x3FFB];
	_ =	sdelay $0x3  }
0x92: {  	_ =	strace s17  }
0x93: {  	s2 =	sld [smem:$0x3FFC];
	_ =	sdelay $0x3  }
0x94: {  	_ =	strace s2  }
0x95: {  	s2 =	sld [smem:$0x3FFD];
	_ =	sdelay $0x3  }
0x96: {  	_ =	strace s2  }
0x97: {  	_ =	strace $0x8FFFFFFF  }
0x98: {  	s18 =	sld [smem:$0x3FDB];
	_ =	sdelay $0x1  }
0x99: {  	s19 =	simm.s32 $_scs_section_size  }
0x9a: {  	s4 =	simm.s32 $_size__tile_overlayer_lowered;
	s5 =	simm.s32 $_tile_overlayer_lowered  }
0x9b: {  	s22 =	simm.s32 $0x1BFF;
	s21 =	sshll.u32 s5, $0x1;
	s2 =	sadd.s32 s19, s18  }
0x9c: {  	s6 =	simm.s32 $0x0;
	s20 =	sshll.u32 s4, $0x1;
	s4 =	sadd.s32 s21, s2  }
0x9d: {  	[timem:s6], [sflag:s22] =	dma.local [hbm:s4], s20  }
0x9e: {  	_ =	swait.ge [sflag:s22], s20  }
0x9f: {  	s3 =	ssub.s32 $0x0, s20;
	[sflag:s22] =	ssyncset.done $0x0  }
0xa0: {  	[sflag:s22] =	ssyncadd.s32 s3;
	_ =	sdelay $0x1  }
0xa1: {  	s23 =	simm.s32 $0x1B8B  }
0xa2: {  	_ =	swait.ge [sflag:s23], $0x1  }
0xa3: {  	[sflag:s23] =	ssyncset.done $0x0  }
0xa4: {  	s25 =	simm.s32 $0x1B8E;
	s24 =	sld [smem:$0x3FFE];
	[sflag:s23] =	ssyncadd.s32 $0xFFFFFFFF  }
0xa5: {  	s26 =	simm.s32 $execute0_lowered;
	[smem:$0x3FD2] =	sst s25  }
0xa6: {  	s4 =	sshll.u32 s26, $0x1;
	_ =	strace $0x8000004F;
	[dreg:$0x1] =	wrdreg $0xFFFFFFFF  }
0xa7: {  	s28 =	simm.s32 $_size_execute0_lowered;
	s2 =	sadd.s32 s2, s4;
	[dreg:$0x0] =	wrdreg $0x0  }
0xa8: {  	s4 =	sshll.u32 s28, $0x1;
	[dreg:$0x2] =	wrdreg s2  }
0xa9: {  	[dreg:$0x3] =	wrdreg s4  }
0xaa: {  	[dreg:$0x4] =	wrdreg $0xC0  }
0xab: {  	_ =	task [dreg:s6], $0x5FFFF  }
0xac: {  	[dreg:$0x1] =	wrdreg $0xFFFFFFFF  }
0xad: {  	[dreg:$0x0] =	wrdreg $0x60  }
0xae: {  	[dreg:$0x2] =	wrdreg s24  }
0xaf: {  	[dreg:$0x3] =	wrdreg $0x9  }
0xb0: {  	_ =	task.clear_ibuf [dreg:s6], $0x4FFFF;
	_ =	strace $0x9000004F  }
0xb1: {  	s29 =	simm.s32 $0x9;
	_ =	strace $0x80000051  }
0xb2: {  	_ =	swait.ge [sflag:s29], $0x1  }
0xb3: {  	[sflag:s29] =	ssyncadd.s32 $0xFFFFFFFF  }
0xb4: {  	_ =	strace $0x90000051  }
0xb5: {  	_ =	sfence  }
0xb6: {  	s30 =	sld [smem:$0x0];
	_ =	sdelay $0x2  }
0xb7: {  	s31 =	sshll.u32 s1, $0xD;
	s1 =	sshrl.u32 s1, $0x2  }
0xb8: {  	s3 =	sand.u32 $0x4000, s31;
	s1 =	sadd.s32 s1, s30  }
0xb9: {  	s0 =	sor.u32 s3, s0;
	s1 =	sshll.u32 s1, $0x11  }
0xba: {  	s0 =	sor.u32 s1, s0  }
0xbb: {  	s0 =	sadd.s32 $0x8F2B, s0  }
0xbc: {  	[sflag:s0] =	ssyncadd.remote.s32 $0x1  }
0xbd: {  	_ =	sfence.sel $0xFFFF  }
0xbe: {  	[dreg:$0x0] =	wrdreg $0xFFFFFFFF;
	(pc) =	sbr.abs _section_cstart, $3  }
0xbf: {  	[dreg:$0x1] =	wrdreg $0xFFFFFFFF  }
0xc0: {  	_ =	task.clear_ibuf [dreg:s6], $0x2FFFF;
	_ =	strace $0x9FFFFFFF  }
0xc1: {  	(tm) =	ssettm $0x7FFFFFFF  }
tec
execute0_lowered:
.L_overlay_start_1:
0x0: {  	(tag) =	ssettag $0x1  }
0x1: {  	s0 =	srdreg.scid;
	s5 =	rddreg [dreg:$0x0]  }
0x2: {  	s1 =	stileid.u32;
	s6 =	simm.s32 $0x1;
	s9 =	simm.s32 $0x1  }
0x3: {  	s10 =	simm.s32 $0x3;
	s13 =	simm.s32 $0x0;
	s2 =	sshll.u32 s0, $0x7  }
0x4: {  	s12 =	simm.s32 $0x0;
	s3 =	sshll.u32 s1, $0x8;
	s4 =	sand.u32 $0x80, s2  }
0x5: {  	s0 =	rddreg [dreg:$0x1];
	_ =	strace $0x80000050;
	s3 =	sor.u32 s3, s4  }
0x6: {  	s2 =	sadd.s32 $0xC4B200, s5;
	[sflag:s6] =	ssyncpa.u1 $0x0;
	s8 =	ssub.s32 $0x2000, s3  }
.Ltmp0:
0x7: {  	s4 =	sadd.s32 $0x204D200, s5;
	s7 =	sand.u32 $0xF80, s8;
	(pc) =	sbr.rel .LBB2_1-.Ltmp0, $4  }
0x8: {  	s5 =	sadd.s32 $0x22A00, s5;
	s11 =	smov.u32 s3;
	p0 =	sne.s32 s7, $0x0  }
0x9: {  	s8 =	sshrl.u32 s8, $0xC;
	s7 =	simm.s32 $0x2;
	s9 =	simm.s32 @!p0 $0x0  }
0xa: {  	[sflag:s7] =	ssyncpa.u1 $0x0;
	p0 =	por $0x0, $0x0;
	s8 =	sadd.s32 s9, s8  }
0xb: {  	vm0 =	vmmov $0xffff;
	[sflag:s10] =	ssyncpa.u1 $0x0;
	s10 =	simm.s32 $0x0;
	s9 =	sadd.s32 $0x1, s8  }
.LBB2_4:
0xc: {  	v3 =	vshrl.u32 v0, $0x1;
	v4 =	vshrl.u32 v0, $0xD;
	v1 =	vor.u32 v1, v2  }
0xd: {  	v62 =	vshll.u32 v0, $0x18;
	v60 =	vand.u32 $0xFFF, v3;
	v61 =	vand.u32 $0xFFF, v4  }
0xe: {  	v0 =	vand.u32 $0x1000000, v62;
	v2 =	vsel vm1, $0xFFFFFFFF, v60;
	v3 =	vsel vm1, $0xFFFFFFFF, v61  }
0xf: {  	v0 =	vsel vm1, $0xFF000000, v0;
	v63 =	vand.u32 $0x7F, v2;
	v5 =	vshll.u32 v3, $0xC  }
0x10: {  	v2 =	vshll.u32 v2, $0x3;
	v5 =	vand.u32 $0xFFFF8000, v5;
	v0 =	vor.u32 v0, v63  }
0x11: {  	v3 =	vshll.u32 v3, $0x7;
	v2 =	vand.u32 $0xFFFFFC00, v2;
	v0 =	vadd.s32 v5, v0  }
0x12: {  	v3 =	vand.u32 $0x380, v3;
	v0 =	vadd.s32 v2, v0  }
0x13: {  	v0 =	vor.u32 v3, v0;
	_ =	sdelay $0x1  }
0x14: {  	(ifvalue) =	ssetifvalue $0x7FFFFFFF;
	s14 =	sadd.s32 $0x10, s14  }
0x15: {  	[tilespmem:s14], [sflag:$0x1] =	stream.indirect_vreg.gather [hbm4b:s2+s10], $0x1, v1, vm0, $0x4038;
	[tilespmem:$0x200] =	vst v63  }
0x16: {  	(ifvalue) =	ssetifvalue $0x7FFFFFFF;
	s14 =	sadd.s32 $0x10, s14  }
0x17: {  	[tilespmem:s14], [sflag:$0x1] =	stream.indirect_vreg.gather [hbm4b:s2+s10], $0x1, v0, vm0, $0x4038;
	[tilespmem:$0x200] =	vst v63  }
0x18: {  	_ =	swait.ge [sflag:s6], $0x80  }
0x19: {  	s30 =	sshrl.u32 s13, $0x3;
	[sflag:s6] =	ssyncset.done $0x0  }
0x1a: {  	s31 =	sand.u32 $0x7, s13;
	s14 =	sadd.s32 s5, s30;
	[sflag:s6] =	ssyncadd.s32 $0xFFFFFF80  }
0x1b: {  	[hbm4b:s14+s31] =	stream.linear.scatter [tilespmem:s15], [sflag:$0x3], $0x80, $0x38;
	[tilespmem:$0x200] =	vst v63  }
.LBB2_5:
0x1c: {  	s15 =	sadd.s32 $0x1000, s11  }
0x1d: {  	p2 =	sgt.s32 s15, $0x1FFF  }
0x1e: {  	s15 =	smov.u32 @p2 s3;
	p2 =	sne.s32 s12, s9  }
.Ltmp1:
0x1f: {  	p1 =	slt.u32 s12, $0x2;
	(pc) =	sbr.rel @!p2 .LBB2_6-.Ltmp1, $4  }
0x20: {  	s14 =	simm.s32 @!p1 $0x3  }
0x21: {  	s16 =	sadd.s32 $0x1, s12;
	_ =	swait.ge @!p1 [sflag:s14], $0x80  }
0x22: {  	s13 =	smov.u32 s11;
	p0 =	por !p0, !p0;
	[sflag:s14] =	ssyncset.done @!p1 $0x0  }
0x23: {  	s12 =	smov.u32 s16;
	s11 =	smov.u32 s15;
	[sflag:s14] =	ssyncadd.s32 @!p1 $0xFFFFFF80  }
.LBB2_1:
0x24: {  	p1 =	sge.u32 s12, s8  }
0x25: {  	s14 =	sxor.u32 @!p1 $0xFFFFFFFF, s12  }
0x26: {  	s31 =	sadd.s32 $0xFFFFFFFF, s12;
	s15 =	sshrl.u32 @!p1 s11, $0x3;
	s14 =	sshll.u32 @!p1 s14, $0x7  }
0x27: {  	s16 =	sand.u32 @!p1 $0x7, s11;
	s15 =	sadd.s32 @!p1 s4, s15;
	s14 =	sand.u32 @!p1 $0x80, s14  }
0x28: {  	[tilespmem:s14], [sflag:$0x2] =	stream.linear.gather @!p1 [hbm4b:s15+s16], $0x80, $0x38;
	[tilespmem:$0x200] =	vst v63  }
0x29: {  	p1 =	sge.u32 s31, s8  }
.Ltmp2:
0x2a: {  	_ = 	snop;
	(pc) =	sbr.rel @p1 .LBB2_5-.Ltmp2, $1  }
0x2b: {  	_ =	sdelay $0x3  }
0x2c: {  	s14 =	simm.s32 $0x1  }
0x2d: {  	_ =	swait.ge [sflag:s7], $0x80;
	s14 =	simm.s32 @!p0 $0x0  }
0x2e: {  	[sflag:s7] =	ssyncset.done $0x0;
	s14 =	sshll.u32 s14, $0x7  }
0x2f: {  	[sflag:s7] =	ssyncadd.s32 $0xFFFFFF80;
	(ifvalue) =	ssetifvalue $0x7FFFFFFF;
	v0 =	vld.msk [tilespmem:s14+$0x0 ss:$0x1], $0xffff;
	_ =	sdelay $0x4  }
0x30: {  	s15 =	sadd.s32 $0x10, s14;
	vm1 =	veq.s32 v0, $0x80000000;
	v1 =	vshrl.u32 v0, $0x1;
	v2 =	vshrl.u32 v0, $0xD  }
0x31: {  	v3 =	vld.msk [tilespmem:s15+$0x0 ss:$0x1], $0xffff;
	v0 =	vshll.u32 v0, $0x18;
	v1 =	vand.u32 $0xFFF, v1;
	v2 =	vand.u32 $0xFFF, v2  }
0x32: {  	v0 =	vand.u32 $0x1000000, v0;
	v1 =	vsel vm1, $0xFFFFFFFF, v1;
	v2 =	vsel vm1, $0xFFFFFFFF, v2  }
0x33: {  	v0 =	vsel vm1, $0xFF000000, v0;
	v4 =	vand.u32 $0x7F, v1;
	v5 =	vshll.u32 v2, $0xC  }
0x34: {  	v1 =	vshll.u32 v1, $0x3;
	v5 =	vand.u32 $0xFFFF8000, v5;
	v0 =	vor.u32 v0, v4  }
0x35: {  	v2 =	vshll.u32 v2, $0x7;
	v1 =	vand.u32 $0xFFFFFC00, v1;
	v0 =	vadd.s32 v5, v0  }
0x36: {  	v62 =	vshrl.u32 v3, $0xD;
	v2 =	vand.u32 $0x380, v2;
	v0 =	vadd.s32 v1, v0  }
0x37: {  	s17 =	sadd.s32 $0x10, s15;
	vm1 =	veq.s32 v3, $0x80000000;
	v1 =	vor.u32 v2, v0;
	v2 =	vshrl.u32 v3, $0x1  }
0x38: {  	v4 =	vand.u32 $0xFFF, v62;
	v0 =	vld.msk [tilespmem:s17+$0x0 ss:$0x1], $0xffff;
	v3 =	vshll.u32 v3, $0x18;
	v2 =	vand.u32 $0xFFF, v2  }
0x39: {  	v4 =	vsel vm1, $0xFFFFFFFF, v4;
	v3 =	vand.u32 $0x1000000, v3;
	v2 =	vsel vm1, $0xFFFFFFFF, v2  }
0x3a: {  	s31 =	sshll.u32 s12, $0x7;
	v6 =	vshll.u32 v4, $0xC;
	v3 =	vsel vm1, $0xFF000000, v3;
	v63 =	vand.u32 $0x7F, v2  }
0x3b: {  	s14 =	sor.u32 $0x100, s14;
	s15 =	sand.u32 $0x80, s31;
	(ifvalue) =	ssetifvalue $0x7FFFFFFF;
	v6 =	vand.u32 $0xFFFF8000, v6;
	v2 =	vshll.u32 v2, $0x3;
	v3 =	vor.u32 v3, v63  }
0x3c: {  	v2 =	vand.u32 $0xFFFFFC00, v2;
	[tilespmem:s14], [sflag:$0x1] =	stream.indirect_vreg.gather [hbm4b:s2+s10], $0x1, v1, vm0, $0x4038;
	v1 =	vshll.u32 v4, $0x7;
	v3 =	vadd.s32 v6, v3;
	[tilespmem:$0x200] =	vst v63  }
0x3d: {  	s16 =	simm.s32 $0x20;
	s15 =	sor.u32 $0x100, s15;
	s17 =	sadd.s32 $0x10, s17;
	vm1 =	veq.s32 v0, $0x80000000;
	v1 =	vand.u32 $0x380, v1;
	v2 =	vadd.s32 v2, v3  }
.LBB2_3:
0x3e: {  	v3 =	vld.msk [tilespmem:s17+$0x0 ss:$0x1], $0xffff;
	v4 =	vshrl.u32 v0, $0x1;
	v5 =	vshrl.u32 v0, $0xD;
	v1 =	vor.u32 v1, v2;
	s16 =	sadd.s32 $0x10, s16  }
0x3f: {  	v0 =	vshll.u32 v0, $0x18;
	v2 =	vand.u32 $0xFFF, v4;
	v4 =	vand.u32 $0xFFF, v5;
	p1 =	slt.u32 s16, $0x70  }
.Ltmp3:
0x40: {  	v0 =	vand.u32 $0x1000000, v0;
	v2 =	vsel vm1, $0xFFFFFFFF, v2;
	v4 =	vsel vm1, $0xFFFFFFFF, v4;
	(pc) =	sbr.rel @p1 .LBB2_3-.Ltmp3, $4  }
0x41: {  	v0 =	vsel vm1, $0xFF000000, v0;
	v5 =	vand.u32 $0x7F, v2;
	v6 =	vshll.u32 v4, $0xC  }
0x42: {  	s14 =	sadd.s32 $0x10, s14;
	v2 =	vshll.u32 v2, $0x3;
	v6 =	vand.u32 $0xFFFF8000, v6;
	v7 =	vor.u32 v0, v5;
	(ifvalue) =	ssetifvalue $0x7FFFFFFF  }
0x43: {  	v4 =	vshll.u32 v4, $0x7;
	v2 =	vand.u32 $0xFFFFFC00, v2;
	v5 =	vadd.s32 v6, v7;
	[tilespmem:s14], [sflag:$0x1] =	stream.indirect_vreg.gather [hbm4b:s2+s10], $0x1, v1, vm0, $0x4038;
	[tilespmem:$0x200] =	vst v63  }
0x44: {  	s17 =	sadd.s32 $0x10, s17;
	vm1 =	veq.s32 v3, $0x80000000;
	v1 =	vand.u32 $0x380, v4;
	v0 =	vmovc v3;
	v2 =	vadd.s32 v2, v5  }
.Ltmp4:
0x45: {  	_ = 	snop;
	(pc) =	sbr.rel .LBB2_4-.Ltmp4, $1  }
0x46: {  	_ =	sdelay $0x3  }
.LBB2_6:
0x47: {  	_ =	sfence.sel $0x180000  }
0x48: {  	s2 =	simm.s32 $0x2;
	[bflag:$0x0] =	sbarrier.arrive $0xFFFF  }
0x49: {  	s30 =	simm.s32 $0x3;
	[sflag:s2] =	ssyncpa.u1 $0x1  }
0x4a: {  	s31 =	simm.s32 $0x1;
	[sflag:s30] =	ssyncpa.u1 $0x1  }
0x4b: {  	[sflag:s31] =	ssyncpa.u1 $0x1  }
0x4c: {  	p0 =	sne.s32 s1, $0x0;
	_ =	strace $0x90000050  }
0x4d: {  	s0 =	sadd.s32 @!p0 $0x100000, s0;
	[bflag:$0x2] =	sbarrier.arrive $0xFFFF  }
0x4e: {  	[sflag:s0] =	ssyncadd.tile.s32 @!p0 $0x1;
	_ =	shalt  }
.Lfunc_end2:
_tile_overlayer_lowered:
.L_overlay_start_2:
0x4f: {  	(tag) =	ssettag $0x2  }
0x50: {  	s0 =	rddreg [dreg:$0x0];
	s2 =	stileid.u32  }
0x51: {  	s1 =	rddreg [dreg:$0x1];
	p0 =	sne.s32 s2, $0x0  }
0x52: {  	s3 =	rddreg [dreg:$0x2];
	[bflag:$0x3] =	sbarrier.arrive $0xFFFF;
	s2 =	simm.s32 @!p0 $0x1C01  }
0x53: {  	[timem:s3], [sflag:s2] =	dma.local @!p0 [hbm:s0], s1  }
0x54: {  	s0 =	simm.s32 @!p0 $0x1  }
0x55: {  	_ =	swait.ge @!p0 [sflag:s0], s1  }
0x56: {  	s1 =	ssub.s32 @!p0 $0x0, s1;
	[sflag:s0] =	ssyncset.done @!p0 $0x0  }
0x57: {  	[sflag:s0] =	ssyncadd.s32 @!p0 s1  }
0x58: {  	[bflag:$0x3] =	sbarrier.arrive $0xFFFF  }
0x59: {  	_ =	shalt  }

// kernel: gather_offload_async_start.13
scs
__scs_entry_jumppad:
0x0: {  	(pc) =	sbr.rel $0x88, $3  }
0x1: {  	(tag) =	ssettag $0x0;
	lr =	simm.s32 $0x1  }
0x2: {  	[smem:$0x3F70] =	sst lr;
	_ =	strace $0xD0000000  }
0x3: {  	_ = 	snop  }
0x4: {  	_ = 	snop  }
0x5: {  	_ = 	snop  }
0x6: {  	_ = 	snop  }
0x7: {  	_ = 	snop  }
__scs_overlays_trampoline_lowered:
0x8: {  	[smem:$0x3F7F] =	sst s0  }
0x9: {  	[smem:$0x3F80] =	sst s1  }
0xa: {  	[smem:$0x3F81] =	sst s2  }
0xb: {  	[smem:$0x3F82] =	sst s3  }
0xc: {  	[smem:$0x3F83] =	sst s4  }
0xd: {  	[smem:$0x3F84] =	sst s5  }
0xe: {  	[smem:$0x3F85] =	sst s6  }
0xf: {  	[smem:$0x3F86] =	sst s7  }
0x10: {  	[smem:$0x3F87] =	sst s8  }
0x11: {  	[smem:$0x3F88] =	sst s9;
	s0 =	simm.s32 @!p0 $0x0  }
0x12: {  	s1 =	sld [smem:$0x3F6E];
	s0 =	simm.s32 @p0 $0x1  }
0x13: {  	[smem:$0x3F89] =	sst s0;
	s0 =	simm.s32 @!p1 $0x0  }
0x14: {  	s2 =	sld [smem:$0x3F6D];
	s0 =	simm.s32 @p1 $0x1  }
0x15: {  	[smem:$0x3F8A] =	sst s0;
	s0 =	simm.s32 @!p2 $0x0  }
0x16: {  	s3 =	sld [smem:$0x3FDB];
	s0 =	simm.s32 @p2 $0x1  }
0x17: {  	s4 =	simm.s32 $0x1BF5;
	[smem:$0x3F8C] =	sst s0  }
0x18: {  	s0 =	sld [smem:$0x3F6F];
	_ =	swait.ge [sflag:s4], $0x0  }
0x19: {  	s7 =	sld [smem:$0x3F70]  }
0x1a: {  	s8 =	sadd.s32 $0xFFFFE003, lr  }
0x1b: {  	s9 =	sadd.s32 $0xFFFFFEF7, lr;
	s5 =	simm.s32 $0xFFFFFFFF;
	p2 =	slt.u32 s8, $0xFFFFF086  }
0x1c: {  	p1 =	slt.u32 s9, $0xF7A;
	s5 =	simm.s32 @!p2 $0x0  }
0x1d: {  	s5 =	simm.s32 @p1 $0x1;
	p0 =	seq.s32 s7, s2  }
0x1e: {  	s7 =	smul.u32 @!p0 $0xF7A, s2;
	p2 =	seq.s32 @!p0 s5, $0x0  }
0x1f: {  	s9 =	smul.u32 $0xF7A, s1;
	s8 =	simm.s32 @!p0 $0x1BF5;
	p2 =	por !p2, p0  }
0x20: {  	[sflag:s8] =	ssyncset.s32 @!p0 $0xFFFFF086;
	s6 =	sadd.s32 @!p0 s3, s7;
	s7 =	simm.s32 @!p0 $0x108  }
0x21: {  	s3 =	sadd.s32 s3, s9;
	s6 =	sadd.s32 @!p0 $0x88, s6;
	s7 =	simm.s32 @p2 $0x1082  }
0x22: {  	[simem:s7], [sflag:s8] =	dma.local @!p0 [hbm:s6], $0xF7A  }
0x23: {  	s9 =	sor.u32 $0xD0000000, s2;
	s6 =	simm.s32 $0x108;
	_ =	swait.ge @!p0 [sflag:s8], $0x0  }
0x24: {  	s3 =	sadd.s32 $0x88, s3;
	s6 =	simm.s32 @!p1 $0x1082;
	[sflag:s4] =	ssyncset.s32 $0xFFFFF086  }
0x25: {  	[simem:s6], [sflag:s4] =	dma.local [hbm:s3], $0xF7A  }
0x26: {  	[smem:$0x3F70] =	sst s1;
	(tag) =	ssettag s2;
	_ =	strace s9  }
0x27: {  	s1 =	sld [smem:$0x3F80]  }
0x28: {  	s2 =	sld [smem:$0x3F81]  }
0x29: {  	s4 =	sld [smem:$0x3F83]  }
0x2a: {  	p0 =	seq.s32 s5, $0x0;
	s5 =	sld [smem:$0x3F84]  }
0x2b: {  	s6 =	sld [smem:$0x3F85]  }
0x2c: {  	s7 =	sld [smem:$0x3F86]  }
0x2d: {  	s3 =	simm.s32 $0x108;
	s8 =	sld [smem:$0x3F87]  }
0x2e: {  	s3 =	simm.s32 @!p0 $0x1082;
	s9 =	sld [smem:$0x3F88]  }
0x2f: {  	lr =	sadd.s32 s0, s3;
	s0 =	sld [smem:$0x3F7F]  }
0x30: {  	s3 =	sld [smem:$0x3F82]  }
0x31: {  	[smem:$0x3F8B] =	sst s10  }
0x32: {  	s10 =	sld [smem:$0x3F89];
	_ =	sdelay $0x3  }
0x33: {  	p0 =	seq.s32 s10, $0x1;
	s10 =	sld [smem:$0x3F8B];
	_ =	sdelay $0x3  }
0x34: {  	[smem:$0x3F8B] =	sst s10  }
0x35: {  	s10 =	sld [smem:$0x3F8A];
	_ =	sdelay $0x3  }
0x36: {  	p1 =	seq.s32 s10, $0x1;
	s10 =	sld [smem:$0x3F8B];
	_ =	sdelay $0x3  }
0x37: {  	[smem:$0x3F8B] =	sst s10  }
0x38: {  	s10 =	sld [smem:$0x3F8C]  }
0x39: {  	_ = 	snop;
	(pc) =	sbr.ind lr, $3  }
0x3a: {  	_ = 	snop  }
0x3b: {  	_ = 	snop  }
0x3c: {  	p2 =	seq.s32 s10, $0x1;
	s10 =	sld [smem:$0x3F8B]  }
0x3d: {  	_ =	shalt  }
0x3e: {  	_ =	shalt  }
0x3f: {  	_ =	shalt  }
0x40: {  	_ =	shalt  }
0x41: {  	_ =	shalt  }
0x42: {  	_ =	shalt  }
0x43: {  	_ =	shalt  }
0x44: {  	_ =	shalt  }
0x45: {  	_ =	shalt  }
0x46: {  	_ =	shalt  }
0x47: {  	_ =	shalt  }
0x48: {  	_ =	shalt  }
0x49: {  	_ =	shalt  }
0x4a: {  	_ =	shalt  }
0x4b: {  	_ =	shalt  }
0x4c: {  	_ =	shalt  }
0x4d: {  	_ =	shalt  }
0x4e: {  	_ =	shalt  }
0x4f: {  	_ =	shalt  }
0x50: {  	_ =	shalt  }
0x51: {  	_ =	shalt  }
0x52: {  	_ =	shalt  }
0x53: {  	_ =	shalt  }
0x54: {  	_ =	shalt  }
0x55: {  	_ =	shalt  }
0x56: {  	_ =	shalt  }
0x57: {  	_ =	shalt  }
0x58: {  	_ =	shalt  }
0x59: {  	_ =	shalt  }
0x5a: {  	_ =	shalt  }
0x5b: {  	_ =	shalt  }
0x5c: {  	_ =	shalt  }
0x5d: {  	_ =	shalt  }
0x5e: {  	_ =	shalt  }
0x5f: {  	_ =	shalt  }
0x60: {  	_ =	shalt  }
0x61: {  	_ =	shalt  }
0x62: {  	_ =	shalt  }
0x63: {  	_ =	shalt  }
0x64: {  	_ =	shalt  }
0x65: {  	_ =	shalt  }
0x66: {  	_ =	shalt  }
0x67: {  	_ =	shalt  }
0x68: {  	_ =	shalt  }
0x69: {  	_ =	shalt  }
0x6a: {  	_ =	shalt  }
0x6b: {  	_ =	shalt  }
0x6c: {  	_ =	shalt  }
0x6d: {  	_ =	shalt  }
0x6e: {  	_ =	shalt  }
0x6f: {  	_ =	shalt  }
0x70: {  	_ =	shalt  }
0x71: {  	_ =	shalt  }
0x72: {  	_ =	shalt  }
0x73: {  	_ =	shalt  }
0x74: {  	_ =	shalt  }
0x75: {  	_ =	shalt  }
0x76: {  	_ =	shalt  }
0x77: {  	_ =	shalt  }
0x78: {  	_ =	shalt  }
0x79: {  	_ =	shalt  }
0x7a: {  	_ =	shalt  }
0x7b: {  	_ =	shalt  }
0x7c: {  	_ =	shalt  }
0x7d: {  	_ =	shalt  }
0x7e: {  	_ =	shalt  }
0x7f: {  	_ =	shalt  }
0x80: {  	_ =	shalt  }
0x81: {  	_ =	shalt  }
0x82: {  	_ =	shalt  }
0x83: {  	_ =	shalt  }
0x84: {  	_ =	shalt  }
0x85: {  	_ =	shalt  }
0x86: {  	_ =	shalt  }
0x87: {  	_ =	shalt  }
.Lfunc_end0:
.L_simem_size_0:
called_computation.14_lowered:
.L_overlay_start_0:
0x88: {  	s2 =	sld [smem:$0x3FD9]  }
0x89: {  	s3 =	sld [smem:$0x3FFE];
	_ =	sdelay $0x1  }
0x8a: {  	s1 =	srdreg.scid  }
0x8b: {  	s0 =	sand.u32 $0x1, s1  }
0x8c: {  	s16 =	sshll.u32 s0, $0xA;
	s2 =	sadd.s32 s3, s2  }
0x8d: {  	s2 =	sadd.s32 s2, s16  }
0x8e: {  	[smem:$0x3F97] =	sst s2  }
0x8f: {  	_ = 	snop  }
0x90: {  	(tm) =	ssettm $0x1  }
0x91: {  	s17 =	sld [smem:$0x3FFB];
	_ =	sdelay $0x3  }
0x92: {  	_ =	strace s17  }
0x93: {  	s2 =	sld [smem:$0x3FFC];
	_ =	sdelay $0x3  }
0x94: {  	_ =	strace s2  }
0x95: {  	s2 =	sld [smem:$0x3FFD];
	_ =	sdelay $0x3  }
0x96: {  	_ =	strace s2  }
0x97: {  	_ =	strace $0x8FFFFFFF  }
0x98: {  	s18 =	sld [smem:$0x3FDB];
	_ =	sdelay $0x1  }
0x99: {  	s19 =	simm.s32 $_scs_section_size  }
0x9a: {  	s4 =	simm.s32 $_size__tile_overlayer_lowered;
	s5 =	simm.s32 $_tile_overlayer_lowered  }
0x9b: {  	s22 =	simm.s32 $0x1BFF;
	s21 =	sshll.u32 s5, $0x1;
	s2 =	sadd.s32 s19, s18  }
0x9c: {  	s6 =	simm.s32 $0x0;
	s20 =	sshll.u32 s4, $0x1;
	s4 =	sadd.s32 s21, s2  }
0x9d: {  	[timem:s6], [sflag:s22] =	dma.local [hbm:s4], s20  }
0x9e: {  	_ =	swait.ge [sflag:s22], s20  }
0x9f: {  	s3 =	ssub.s32 $0x0, s20;
	[sflag:s22] =	ssyncset.done $0x0  }
0xa0: {  	[sflag:s22] =	ssyncadd.s32 s3;
	_ =	sdelay $0x1  }
0xa1: {  	s23 =	simm.s32 $0x1B8B  }
0xa2: {  	_ =	swait.ge [sflag:s23], $0x1  }
0xa3: {  	[sflag:s23] =	ssyncset.done $0x0  }
0xa4: {  	s25 =	simm.s32 $0x1B8E;
	s24 =	sld [smem:$0x3FFE];
	[sflag:s23] =	ssyncadd.s32 $0xFFFFFFFF  }
0xa5: {  	s26 =	simm.s32 $execute0_lowered;
	[smem:$0x3FD2] =	sst s25  }
0xa6: {  	s4 =	sshll.u32 s26, $0x1;
	_ =	strace $0x80000052;
	[dreg:$0x1] =	wrdreg $0xFFFFFFFF  }
0xa7: {  	s28 =	simm.s32 $_size_execute0_lowered;
	s2 =	sadd.s32 s2, s4;
	[dreg:$0x0] =	wrdreg $0x0  }
0xa8: {  	s4 =	sshll.u32 s28, $0x1;
	[dreg:$0x2] =	wrdreg s2  }
0xa9: {  	[dreg:$0x3] =	wrdreg s4  }
0xaa: {  	[dreg:$0x4] =	wrdreg $0xC0  }
0xab: {  	_ =	task [dreg:s6], $0x5FFFF  }
0xac: {  	[dreg:$0x1] =	wrdreg $0xFFFFFFFF  }
0xad: {  	[dreg:$0x0] =	wrdreg $0x60  }
0xae: {  	[dreg:$0x2] =	wrdreg s24  }
0xaf: {  	[dreg:$0x3] =	wrdreg $0x9  }
0xb0: {  	_ =	task.clear_ibuf [dreg:s6], $0x4FFFF;
	_ =	strace $0x90000052  }
0xb1: {  	s29 =	simm.s32 $0x9;
	_ =	strace $0x80000054  }
0xb2: {  	_ =	swait.ge [sflag:s29], $0x1  }
0xb3: {  	[sflag:s29] =	ssyncadd.s32 $0xFFFFFFFF  }
0xb4: {  	_ =	strace $0x90000054  }
0xb5: {  	_ =	sfence  }
0xb6: {  	s30 =	sld [smem:$0x0];
	_ =	sdelay $0x2  }
0xb7: {  	s31 =	sshll.u32 s1, $0xD;
	s1 =	sshrl.u32 s1, $0x2  }
0xb8: {  	s3 =	sand.u32 $0x4000, s31;
	s1 =	sadd.s32 s1, s30  }
0xb9: {  	s0 =	sor.u32 s3, s0;
	s1 =	sshll.u32 s1, $0x11  }
0xba: {  	s0 =	sor.u32 s1, s0  }
0xbb: {  	s0 =	sadd.s32 $0x8F2B, s0  }
0xbc: {  	[sflag:s0] =	ssyncadd.remote.s32 $0x1  }
0xbd: {  	_ =	sfence.sel $0xFFFF  }
0xbe: {  	[dreg:$0x0] =	wrdreg $0xFFFFFFFF;
	(pc) =	sbr.abs _section_cstart, $3  }
0xbf: {  	[dreg:$0x1] =	wrdreg $0xFFFFFFFF  }
0xc0: {  	_ =	task.clear_ibuf [dreg:s6], $0x2FFFF;
	_ =	strace $0x9FFFFFFF  }
0xc1: {  	(tm) =	ssettm $0x7FFFFFFF  }
tec
execute0_lowered:
.L_overlay_start_1:
0x0: {  	(tag) =	ssettag $0x1  }
0x1: {  	s0 =	srdreg.scid;
	s5 =	rddreg [dreg:$0x0]  }
0x2: {  	s1 =	stileid.u32;
	s6 =	simm.s32 $0x1;
	s9 =	simm.s32 $0x1  }
0x3: {  	s10 =	simm.s32 $0x3;
	s13 =	simm.s32 $0x0;
	s2 =	sshll.u32 s0, $0x7  }
0x4: {  	s12 =	simm.s32 $0x0;
	s3 =	sshll.u32 s1, $0x8;
	s4 =	sand.u32 $0x80, s2  }
0x5: {  	s0 =	rddreg [dreg:$0x1];
	_ =	strace $0x80000053;
	s3 =	sor.u32 s3, s4  }
0x6: {  	s2 =	sadd.s32 $0x104B200, s5;
	[sflag:s6] =	ssyncpa.u1 $0x0;
	s8 =	ssub.s32 $0x2000, s3  }
.Ltmp0:
0x7: {  	s4 =	sadd.s32 $0x204D600, s5;
	s7 =	sand.u32 $0xF80, s8;
	(pc) =	sbr.rel .LBB2_1-.Ltmp0, $4  }
0x8: {  	s5 =	sadd.s32 $0x22A00, s5;
	s11 =	smov.u32 s3;
	p0 =	sne.s32 s7, $0x0  }
0x9: {  	s8 =	sshrl.u32 s8, $0xC;
	s7 =	simm.s32 $0x2;
	s9 =	simm.s32 @!p0 $0x0  }
0xa: {  	[sflag:s7] =	ssyncpa.u1 $0x0;
	p0 =	por $0x0, $0x0;
	s8 =	sadd.s32 s9, s8  }
0xb: {  	vm0 =	vmmov $0xffff;
	[sflag:s10] =	ssyncpa.u1 $0x0;
	s10 =	simm.s32 $0x0;
	s9 =	sadd.s32 $0x1, s8  }
.LBB2_4:
0xc: {  	v3 =	vshrl.u32 v0, $0x1;
	v4 =	vshrl.u32 v0, $0xD;
	v1 =	vor.u32 v1, v2  }
0xd: {  	v62 =	vshll.u32 v0, $0x18;
	v60 =	vand.u32 $0xFFF, v3;
	v61 =	vand.u32 $0xFFF, v4  }
0xe: {  	v0 =	vand.u32 $0x1000000, v62;
	v2 =	vsel vm1, $0xFFFFFFFF, v60;
	v3 =	vsel vm1, $0xFFFFFFFF, v61  }
0xf: {  	v0 =	vsel vm1, $0xFF000000, v0;
	v63 =	vand.u32 $0x7F, v2;
	v5 =	vshll.u32 v3, $0xC  }
0x10: {  	v2 =	vshll.u32 v2, $0x3;
	v5 =	vand.u32 $0xFFFF8000, v5;
	v0 =	vor.u32 v0, v63  }
0x11: {  	v3 =	vshll.u32 v3, $0x7;
	v2 =	vand.u32 $0xFFFFFC00, v2;
	v0 =	vadd.s32 v5, v0  }
0x12: {  	v3 =	vand.u32 $0x380, v3;
	v0 =	vadd.s32 v2, v0  }
0x13: {  	v0 =	vor.u32 v3, v0;
	_ =	sdelay $0x1  }
0x14: {  	(ifvalue) =	ssetifvalue $0x7FFFFFFF;
	s14 =	sadd.s32 $0x10, s14  }
0x15: {  	[tilespmem:s14], [sflag:$0x1] =	stream.indirect_vreg.gather [hbm4b:s2+s10], $0x1, v1, vm0, $0x4038;
	[tilespmem:$0x200] =	vst v63  }
0x16: {  	(ifvalue) =	ssetifvalue $0x7FFFFFFF;
	s14 =	sadd.s32 $0x10, s14  }
0x17: {  	[tilespmem:s14], [sflag:$0x1] =	stream.indirect_vreg.gather [hbm4b:s2+s10], $0x1, v0, vm0, $0x4038;
	[tilespmem:$0x200] =	vst v63  }
0x18: {  	_ =	swait.ge [sflag:s6], $0x80  }
0x19: {  	s30 =	sshrl.u32 s13, $0x3;
	[sflag:s6] =	ssyncset.done $0x0  }
0x1a: {  	s31 =	sand.u32 $0x7, s13;
	s14 =	sadd.s32 s5, s30;
	[sflag:s6] =	ssyncadd.s32 $0xFFFFFF80  }
0x1b: {  	[hbm4b:s14+s31] =	stream.linear.scatter [tilespmem:s15], [sflag:$0x3], $0x80, $0x38;
	[tilespmem:$0x200] =	vst v63  }
.LBB2_5:
0x1c: {  	s15 =	sadd.s32 $0x1000, s11  }
0x1d: {  	p2 =	sgt.s32 s15, $0x1FFF  }
0x1e: {  	s15 =	smov.u32 @p2 s3;
	p2 =	sne.s32 s12, s9  }
.Ltmp1:
0x1f: {  	p1 =	slt.u32 s12, $0x2;
	(pc) =	sbr.rel @!p2 .LBB2_6-.Ltmp1, $4  }
0x20: {  	s14 =	simm.s32 @!p1 $0x3  }
0x21: {  	s16 =	sadd.s32 $0x1, s12;
	_ =	swait.ge @!p1 [sflag:s14], $0x80  }
0x22: {  	s13 =	smov.u32 s11;
	p0 =	por !p0, !p0;
	[sflag:s14] =	ssyncset.done @!p1 $0x0  }
0x23: {  	s12 =	smov.u32 s16;
	s11 =	smov.u32 s15;
	[sflag:s14] =	ssyncadd.s32 @!p1 $0xFFFFFF80  }
.LBB2_1:
0x24: {  	p1 =	sge.u32 s12, s8  }
0x25: {  	s14 =	sxor.u32 @!p1 $0xFFFFFFFF, s12  }
0x26: {  	s31 =	sadd.s32 $0xFFFFFFFF, s12;
	s15 =	sshrl.u32 @!p1 s11, $0x3;
	s14 =	sshll.u32 @!p1 s14, $0x7  }
0x27: {  	s16 =	sand.u32 @!p1 $0x7, s11;
	s15 =	sadd.s32 @!p1 s4, s15;
	s14 =	sand.u32 @!p1 $0x80, s14  }
0x28: {  	[tilespmem:s14], [sflag:$0x2] =	stream.linear.gather @!p1 [hbm4b:s15+s16], $0x80, $0x38;
	[tilespmem:$0x200] =	vst v63  }
0x29: {  	p1 =	sge.u32 s31, s8  }
.Ltmp2:
0x2a: {  	_ = 	snop;
	(pc) =	sbr.rel @p1 .LBB2_5-.Ltmp2, $1  }
0x2b: {  	_ =	sdelay $0x3  }
0x2c: {  	s14 =	simm.s32 $0x1  }
0x2d: {  	_ =	swait.ge [sflag:s7], $0x80;
	s14 =	simm.s32 @!p0 $0x0  }
0x2e: {  	[sflag:s7] =	ssyncset.done $0x0;
	s14 =	sshll.u32 s14, $0x7  }
0x2f: {  	[sflag:s7] =	ssyncadd.s32 $0xFFFFFF80;
	(ifvalue) =	ssetifvalue $0x7FFFFFFF;
	v0 =	vld.msk [tilespmem:s14+$0x0 ss:$0x1], $0xffff;
	_ =	sdelay $0x4  }
0x30: {  	s15 =	sadd.s32 $0x10, s14;
	vm1 =	veq.s32 v0, $0x80000000;
	v1 =	vshrl.u32 v0, $0x1;
	v2 =	vshrl.u32 v0, $0xD  }
0x31: {  	v3 =	vld.msk [tilespmem:s15+$0x0 ss:$0x1], $0xffff;
	v0 =	vshll.u32 v0, $0x18;
	v1 =	vand.u32 $0xFFF, v1;
	v2 =	vand.u32 $0xFFF, v2  }
0x32: {  	v0 =	vand.u32 $0x1000000, v0;
	v1 =	vsel vm1, $0xFFFFFFFF, v1;
	v2 =	vsel vm1, $0xFFFFFFFF, v2  }
0x33: {  	v0 =	vsel vm1, $0xFF000000, v0;
	v4 =	vand.u32 $0x7F, v1;
	v5 =	vshll.u32 v2, $0xC  }
0x34: {  	v1 =	vshll.u32 v1, $0x3;
	v5 =	vand.u32 $0xFFFF8000, v5;
	v0 =	vor.u32 v0, v4  }
0x35: {  	v2 =	vshll.u32 v2, $0x7;
	v1 =	vand.u32 $0xFFFFFC00, v1;
	v0 =	vadd.s32 v5, v0  }
0x36: {  	v62 =	vshrl.u32 v3, $0xD;
	v2 =	vand.u32 $0x380, v2;
	v0 =	vadd.s32 v1, v0  }
0x37: {  	s17 =	sadd.s32 $0x10, s15;
	vm1 =	veq.s32 v3, $0x80000000;
	v1 =	vor.u32 v2, v0;
	v2 =	vshrl.u32 v3, $0x1  }
0x38: {  	v4 =	vand.u32 $0xFFF, v62;
	v0 =	vld.msk [tilespmem:s17+$0x0 ss:$0x1], $0xffff;
	v3 =	vshll.u32 v3, $0x18;
	v2 =	vand.u32 $0xFFF, v2  }
0x39: {  	v4 =	vsel vm1, $0xFFFFFFFF, v4;
	v3 =	vand.u32 $0x1000000, v3;
	v2 =	vsel vm1, $0xFFFFFFFF, v2  }
0x3a: {  	s31 =	sshll.u32 s12, $0x7;
	v6 =	vshll.u32 v4, $0xC;
	v3 =	vsel vm1, $0xFF000000, v3;
	v63 =	vand.u32 $0x7F, v2  }
0x3b: {  	s14 =	sor.u32 $0x100, s14;
	s15 =	sand.u32 $0x80, s31;
	(ifvalue) =	ssetifvalue $0x7FFFFFFF;
	v6 =	vand.u32 $0xFFFF8000, v6;
	v2 =	vshll.u32 v2, $0x3;
	v3 =	vor.u32 v3, v63  }
0x3c: {  	v2 =	vand.u32 $0xFFFFFC00, v2;
	[tilespmem:s14], [sflag:$0x1] =	stream.indirect_vreg.gather [hbm4b:s2+s10], $0x1, v1, vm0, $0x4038;
	v1 =	vshll.u32 v4, $0x7;
	v3 =	vadd.s32 v6, v3;
	[tilespmem:$0x200] =	vst v63  }
0x3d: {  	s16 =	simm.s32 $0x20;
	s15 =	sor.u32 $0x100, s15;
	s17 =	sadd.s32 $0x10, s17;
	vm1 =	veq.s32 v0, $0x80000000;
	v1 =	vand.u32 $0x380, v1;
	v2 =	vadd.s32 v2, v3  }
.LBB2_3:
0x3e: {  	v3 =	vld.msk [tilespmem:s17+$0x0 ss:$0x1], $0xffff;
	v4 =	vshrl.u32 v0, $0x1;
	v5 =	vshrl.u32 v0, $0xD;
	v1 =	vor.u32 v1, v2;
	s16 =	sadd.s32 $0x10, s16  }
0x3f: {  	v0 =	vshll.u32 v0, $0x18;
	v2 =	vand.u32 $0xFFF, v4;
	v4 =	vand.u32 $0xFFF, v5;
	p1 =	slt.u32 s16, $0x70  }
.Ltmp3:
0x40: {  	v0 =	vand.u32 $0x1000000, v0;
	v2 =	vsel vm1, $0xFFFFFFFF, v2;
	v4 =	vsel vm1, $0xFFFFFFFF, v4;
	(pc) =	sbr.rel @p1 .LBB2_3-.Ltmp3, $4  }
0x41: {  	v0 =	vsel vm1, $0xFF000000, v0;
	v5 =	vand.u32 $0x7F, v2;
	v6 =	vshll.u32 v4, $0xC  }
0x42: {  	s14 =	sadd.s32 $0x10, s14;
	v2 =	vshll.u32 v2, $0x3;
	v6 =	vand.u32 $0xFFFF8000, v6;
	v7 =	vor.u32 v0, v5;
	(ifvalue) =	ssetifvalue $0x7FFFFFFF  }
0x43: {  	v4 =	vshll.u32 v4, $0x7;
	v2 =	vand.u32 $0xFFFFFC00, v2;
	v5 =	vadd.s32 v6, v7;
	[tilespmem:s14], [sflag:$0x1] =	stream.indirect_vreg.gather [hbm4b:s2+s10], $0x1, v1, vm0, $0x4038;
	[tilespmem:$0x200] =	vst v63  }
0x44: {  	s17 =	sadd.s32 $0x10, s17;
	vm1 =	veq.s32 v3, $0x80000000;
	v1 =	vand.u32 $0x380, v4;
	v0 =	vmovc v3;
	v2 =	vadd.s32 v2, v5  }
.Ltmp4:
0x45: {  	_ = 	snop;
	(pc) =	sbr.rel .LBB2_4-.Ltmp4, $1  }
0x46: {  	_ =	sdelay $0x3  }
.LBB2_6:
0x47: {  	_ =	sfence.sel $0x180000  }
0x48: {  	s2 =	simm.s32 $0x2;
	[bflag:$0x0] =	sbarrier.arrive $0xFFFF  }
0x49: {  	s30 =	simm.s32 $0x3;
	[sflag:s2] =	ssyncpa.u1 $0x1  }
0x4a: {  	s31 =	simm.s32 $0x1;
	[sflag:s30] =	ssyncpa.u1 $0x1  }
0x4b: {  	[sflag:s31] =	ssyncpa.u1 $0x1  }
0x4c: {  	p0 =	sne.s32 s1, $0x0;
	_ =	strace $0x90000053  }
0x4d: {  	s0 =	sadd.s32 @!p0 $0x100000, s0;
	[bflag:$0x2] =	sbarrier.arrive $0xFFFF  }
0x4e: {  	[sflag:s0] =	ssyncadd.tile.s32 @!p0 $0x1;
	_ =	shalt  }
.Lfunc_end2:
_tile_overlayer_lowered:
.L_overlay_start_2:
0x4f: {  	(tag) =	ssettag $0x2  }
0x50: {  	s0 =	rddreg [dreg:$0x0];
	s2 =	stileid.u32  }
0x51: {  	s1 =	rddreg [dreg:$0x1];
	p0 =	sne.s32 s2, $0x0  }
0x52: {  	s3 =	rddreg [dreg:$0x2];
	[bflag:$0x3] =	sbarrier.arrive $0xFFFF;
	s2 =	simm.s32 @!p0 $0x1C01  }
0x53: {  	[timem:s3], [sflag:s2] =	dma.local @!p0 [hbm:s0], s1  }
0x54: {  	s0 =	simm.s32 @!p0 $0x1  }
0x55: {  	_ =	swait.ge @!p0 [sflag:s0], s1  }
0x56: {  	s1 =	ssub.s32 @!p0 $0x0, s1;
	[sflag:s0] =	ssyncset.done @!p0 $0x0  }
0x57: {  	[sflag:s0] =	ssyncadd.s32 @!p0 s1  }
0x58: {  	[bflag:$0x3] =	sbarrier.arrive $0xFFFF  }
0x59: {  	_ =	shalt  }

// kernel: gather_offload_async_start.14
scs
__scs_entry_jumppad:
0x0: {  	(pc) =	sbr.rel $0x88, $3  }
0x1: {  	(tag) =	ssettag $0x0;
	lr =	simm.s32 $0x1  }
0x2: {  	[smem:$0x3F70] =	sst lr;
	_ =	strace $0xD0000000  }
0x3: {  	_ = 	snop  }
0x4: {  	_ = 	snop  }
0x5: {  	_ = 	snop  }
0x6: {  	_ = 	snop  }
0x7: {  	_ = 	snop  }
__scs_overlays_trampoline_lowered:
0x8: {  	[smem:$0x3F7F] =	sst s0  }
0x9: {  	[smem:$0x3F80] =	sst s1  }
0xa: {  	[smem:$0x3F81] =	sst s2  }
0xb: {  	[smem:$0x3F82] =	sst s3  }
0xc: {  	[smem:$0x3F83] =	sst s4  }
0xd: {  	[smem:$0x3F84] =	sst s5  }
0xe: {  	[smem:$0x3F85] =	sst s6  }
0xf: {  	[smem:$0x3F86] =	sst s7  }
0x10: {  	[smem:$0x3F87] =	sst s8  }
0x11: {  	[smem:$0x3F88] =	sst s9;
	s0 =	simm.s32 @!p0 $0x0  }
0x12: {  	s1 =	sld [smem:$0x3F6E];
	s0 =	simm.s32 @p0 $0x1  }
0x13: {  	[smem:$0x3F89] =	sst s0;
	s0 =	simm.s32 @!p1 $0x0  }
0x14: {  	s2 =	sld [smem:$0x3F6D];
	s0 =	simm.s32 @p1 $0x1  }
0x15: {  	[smem:$0x3F8A] =	sst s0;
	s0 =	simm.s32 @!p2 $0x0  }
0x16: {  	s3 =	sld [smem:$0x3FDB];
	s0 =	simm.s32 @p2 $0x1  }
0x17: {  	s4 =	simm.s32 $0x1BF5;
	[smem:$0x3F8C] =	sst s0  }
0x18: {  	s0 =	sld [smem:$0x3F6F];
	_ =	swait.ge [sflag:s4], $0x0  }
0x19: {  	s7 =	sld [smem:$0x3F70]  }
0x1a: {  	s8 =	sadd.s32 $0xFFFFE003, lr  }
0x1b: {  	s9 =	sadd.s32 $0xFFFFFEF7, lr;
	s5 =	simm.s32 $0xFFFFFFFF;
	p2 =	slt.u32 s8, $0xFFFFF086  }
0x1c: {  	p1 =	slt.u32 s9, $0xF7A;
	s5 =	simm.s32 @!p2 $0x0  }
0x1d: {  	s5 =	simm.s32 @p1 $0x1;
	p0 =	seq.s32 s7, s2  }
0x1e: {  	s7 =	smul.u32 @!p0 $0xF7A, s2;
	p2 =	seq.s32 @!p0 s5, $0x0  }
0x1f: {  	s9 =	smul.u32 $0xF7A, s1;
	s8 =	simm.s32 @!p0 $0x1BF5;
	p2 =	por !p2, p0  }
0x20: {  	[sflag:s8] =	ssyncset.s32 @!p0 $0xFFFFF086;
	s6 =	sadd.s32 @!p0 s3, s7;
	s7 =	simm.s32 @!p0 $0x108  }
0x21: {  	s3 =	sadd.s32 s3, s9;
	s6 =	sadd.s32 @!p0 $0x88, s6;
	s7 =	simm.s32 @p2 $0x1082  }
0x22: {  	[simem:s7], [sflag:s8] =	dma.local @!p0 [hbm:s6], $0xF7A  }
0x23: {  	s9 =	sor.u32 $0xD0000000, s2;
	s6 =	simm.s32 $0x108;
	_ =	swait.ge @!p0 [sflag:s8], $0x0  }
0x24: {  	s3 =	sadd.s32 $0x88, s3;
	s6 =	simm.s32 @!p1 $0x1082;
	[sflag:s4] =	ssyncset.s32 $0xFFFFF086  }
0x25: {  	[simem:s6], [sflag:s4] =	dma.local [hbm:s3], $0xF7A  }
0x26: {  	[smem:$0x3F70] =	sst s1;
	(tag) =	ssettag s2;
	_ =	strace s9  }
0x27: {  	s1 =	sld [smem:$0x3F80]  }
0x28: {  	s2 =	sld [smem:$0x3F81]  }
0x29: {  	s4 =	sld [smem:$0x3F83]  }
0x2a: {  	p0 =	seq.s32 s5, $0x0;
	s5 =	sld [smem:$0x3F84]  }
0x2b: {  	s6 =	sld [smem:$0x3F85]  }
0x2c: {  	s7 =	sld [smem:$0x3F86]  }
0x2d: {  	s3 =	simm.s32 $0x108;
	s8 =	sld [smem:$0x3F87]  }
0x2e: {  	s3 =	simm.s32 @!p0 $0x1082;
	s9 =	sld [smem:$0x3F88]  }
0x2f: {  	lr =	sadd.s32 s0, s3;
	s0 =	sld [smem:$0x3F7F]  }
0x30: {  	s3 =	sld [smem:$0x3F82]  }
0x31: {  	[smem:$0x3F8B] =	sst s10  }
0x32: {  	s10 =	sld [smem:$0x3F89];
	_ =	sdelay $0x3  }
0x33: {  	p0 =	seq.s32 s10, $0x1;
	s10 =	sld [smem:$0x3F8B];
	_ =	sdelay $0x3  }
0x34: {  	[smem:$0x3F8B] =	sst s10  }
0x35: {  	s10 =	sld [smem:$0x3F8A];
	_ =	sdelay $0x3  }
0x36: {  	p1 =	seq.s32 s10, $0x1;
	s10 =	sld [smem:$0x3F8B];
	_ =	sdelay $0x3  }
0x37: {  	[smem:$0x3F8B] =	sst s10  }
0x38: {  	s10 =	sld [smem:$0x3F8C]  }
0x39: {  	_ = 	snop;
	(pc) =	sbr.ind lr, $3  }
0x3a: {  	_ = 	snop  }
0x3b: {  	_ = 	snop  }
0x3c: {  	p2 =	seq.s32 s10, $0x1;
	s10 =	sld [smem:$0x3F8B]  }
0x3d: {  	_ =	shalt  }
0x3e: {  	_ =	shalt  }
0x3f: {  	_ =	shalt  }
0x40: {  	_ =	shalt  }
0x41: {  	_ =	shalt  }
0x42: {  	_ =	shalt  }
0x43: {  	_ =	shalt  }
0x44: {  	_ =	shalt  }
0x45: {  	_ =	shalt  }
0x46: {  	_ =	shalt  }
0x47: {  	_ =	shalt  }
0x48: {  	_ =	shalt  }
0x49: {  	_ =	shalt  }
0x4a: {  	_ =	shalt  }
0x4b: {  	_ =	shalt  }
0x4c: {  	_ =	shalt  }
0x4d: {  	_ =	shalt  }
0x4e: {  	_ =	shalt  }
0x4f: {  	_ =	shalt  }
0x50: {  	_ =	shalt  }
0x51: {  	_ =	shalt  }
0x52: {  	_ =	shalt  }
0x53: {  	_ =	shalt  }
0x54: {  	_ =	shalt  }
0x55: {  	_ =	shalt  }
0x56: {  	_ =	shalt  }
0x57: {  	_ =	shalt  }
0x58: {  	_ =	shalt  }
0x59: {  	_ =	shalt  }
0x5a: {  	_ =	shalt  }
0x5b: {  	_ =	shalt  }
0x5c: {  	_ =	shalt  }
0x5d: {  	_ =	shalt  }
0x5e: {  	_ =	shalt  }
0x5f: {  	_ =	shalt  }
0x60: {  	_ =	shalt  }
0x61: {  	_ =	shalt  }
0x62: {  	_ =	shalt  }
0x63: {  	_ =	shalt  }
0x64: {  	_ =	shalt  }
0x65: {  	_ =	shalt  }
0x66: {  	_ =	shalt  }
0x67: {  	_ =	shalt  }
0x68: {  	_ =	shalt  }
0x69: {  	_ =	shalt  }
0x6a: {  	_ =	shalt  }
0x6b: {  	_ =	shalt  }
0x6c: {  	_ =	shalt  }
0x6d: {  	_ =	shalt  }
0x6e: {  	_ =	shalt  }
0x6f: {  	_ =	shalt  }
0x70: {  	_ =	shalt  }
0x71: {  	_ =	shalt  }
0x72: {  	_ =	shalt  }
0x73: {  	_ =	shalt  }
0x74: {  	_ =	shalt  }
0x75: {  	_ =	shalt  }
0x76: {  	_ =	shalt  }
0x77: {  	_ =	shalt  }
0x78: {  	_ =	shalt  }
0x79: {  	_ =	shalt  }
0x7a: {  	_ =	shalt  }
0x7b: {  	_ =	shalt  }
0x7c: {  	_ =	shalt  }
0x7d: {  	_ =	shalt  }
0x7e: {  	_ =	shalt  }
0x7f: {  	_ =	shalt  }
0x80: {  	_ =	shalt  }
0x81: {  	_ =	shalt  }
0x82: {  	_ =	shalt  }
0x83: {  	_ =	shalt  }
0x84: {  	_ =	shalt  }
0x85: {  	_ =	shalt  }
0x86: {  	_ =	shalt  }
0x87: {  	_ =	shalt  }
.Lfunc_end0:
.L_simem_size_0:
called_computation.15_lowered:
.L_overlay_start_0:
0x88: {  	s2 =	sld [smem:$0x3FD9]  }
0x89: {  	s3 =	sld [smem:$0x3FFE];
	_ =	sdelay $0x1  }
0x8a: {  	s1 =	srdreg.scid  }
0x8b: {  	s0 =	sand.u32 $0x1, s1  }
0x8c: {  	s16 =	sshll.u32 s0, $0xA;
	s2 =	sadd.s32 s3, s2  }
0x8d: {  	s2 =	sadd.s32 s2, s16  }
0x8e: {  	[smem:$0x3F97] =	sst s2  }
0x8f: {  	_ = 	snop  }
0x90: {  	(tm) =	ssettm $0x1  }
0x91: {  	s17 =	sld [smem:$0x3FFB];
	_ =	sdelay $0x3  }
0x92: {  	_ =	strace s17  }
0x93: {  	s2 =	sld [smem:$0x3FFC];
	_ =	sdelay $0x3  }
0x94: {  	_ =	strace s2  }
0x95: {  	s2 =	sld [smem:$0x3FFD];
	_ =	sdelay $0x3  }
0x96: {  	_ =	strace s2  }
0x97: {  	_ =	strace $0x8FFFFFFF  }
0x98: {  	s18 =	sld [smem:$0x3FDB];
	_ =	sdelay $0x1  }
0x99: {  	s19 =	simm.s32 $_scs_section_size  }
0x9a: {  	s4 =	simm.s32 $_size__tile_overlayer_lowered;
	s5 =	simm.s32 $_tile_overlayer_lowered  }
0x9b: {  	s22 =	simm.s32 $0x1BFF;
	s21 =	sshll.u32 s5, $0x1;
	s2 =	sadd.s32 s19, s18  }
0x9c: {  	s6 =	simm.s32 $0x0;
	s20 =	sshll.u32 s4, $0x1;
	s4 =	sadd.s32 s21, s2  }
0x9d: {  	[timem:s6], [sflag:s22] =	dma.local [hbm:s4], s20  }
0x9e: {  	_ =	swait.ge [sflag:s22], s20  }
0x9f: {  	s3 =	ssub.s32 $0x0, s20;
	[sflag:s22] =	ssyncset.done $0x0  }
0xa0: {  	[sflag:s22] =	ssyncadd.s32 s3;
	_ =	sdelay $0x1  }
0xa1: {  	s23 =	simm.s32 $0x1B8B  }
0xa2: {  	_ =	swait.ge [sflag:s23], $0x1  }
0xa3: {  	[sflag:s23] =	ssyncset.done $0x0  }
0xa4: {  	s25 =	simm.s32 $0x1B8E;
	s24 =	sld [smem:$0x3FFE];
	[sflag:s23] =	ssyncadd.s32 $0xFFFFFFFF  }
0xa5: {  	s26 =	simm.s32 $execute0_lowered;
	[smem:$0x3FD2] =	sst s25  }
0xa6: {  	s4 =	sshll.u32 s26, $0x1;
	_ =	strace $0x80000055;
	[dreg:$0x1] =	wrdreg $0xFFFFFFFF  }
0xa7: {  	s28 =	simm.s32 $_size_execute0_lowered;
	s2 =	sadd.s32 s2, s4;
	[dreg:$0x0] =	wrdreg $0x0  }
0xa8: {  	s4 =	sshll.u32 s28, $0x1;
	[dreg:$0x2] =	wrdreg s2  }
0xa9: {  	[dreg:$0x3] =	wrdreg s4  }
0xaa: {  	[dreg:$0x4] =	wrdreg $0xC0  }
0xab: {  	_ =	task [dreg:s6], $0x5FFFF  }
0xac: {  	[dreg:$0x1] =	wrdreg $0xFFFFFFFF  }
0xad: {  	[dreg:$0x0] =	wrdreg $0x60  }
0xae: {  	[dreg:$0x2] =	wrdreg s24  }
0xaf: {  	[dreg:$0x3] =	wrdreg $0x9  }
0xb0: {  	_ =	task.clear_ibuf [dreg:s6], $0x4FFFF;
	_ =	strace $0x90000055  }
0xb1: {  	s29 =	simm.s32 $0x9;
	_ =	strace $0x80000057  }
0xb2: {  	_ =	swait.ge [sflag:s29], $0x1  }
0xb3: {  	[sflag:s29] =	ssyncadd.s32 $0xFFFFFFFF  }
0xb4: {  	_ =	strace $0x90000057  }
0xb5: {  	_ =	sfence  }
0xb6: {  	s30 =	sld [smem:$0x0];
	_ =	sdelay $0x2  }
0xb7: {  	s31 =	sshll.u32 s1, $0xD;
	s1 =	sshrl.u32 s1, $0x2  }
0xb8: {  	s3 =	sand.u32 $0x4000, s31;
	s1 =	sadd.s32 s1, s30  }
0xb9: {  	s0 =	sor.u32 s3, s0;
	s1 =	sshll.u32 s1, $0x11  }
0xba: {  	s0 =	sor.u32 s1, s0  }
0xbb: {  	s0 =	sadd.s32 $0x8F2B, s0  }
0xbc: {  	[sflag:s0] =	ssyncadd.remote.s32 $0x1  }
0xbd: {  	_ =	sfence.sel $0xFFFF  }
0xbe: {  	[dreg:$0x0] =	wrdreg $0xFFFFFFFF;
	(pc) =	sbr.abs _section_cstart, $3  }
0xbf: {  	[dreg:$0x1] =	wrdreg $0xFFFFFFFF  }
0xc0: {  	_ =	task.clear_ibuf [dreg:s6], $0x2FFFF;
	_ =	strace $0x9FFFFFFF  }
0xc1: {  	(tm) =	ssettm $0x7FFFFFFF  }
tec
execute0_lowered:
.L_overlay_start_1:
0x0: {  	(tag) =	ssettag $0x1  }
0x1: {  	s0 =	srdreg.scid;
	s5 =	rddreg [dreg:$0x0]  }
0x2: {  	s1 =	stileid.u32;
	s6 =	simm.s32 $0x1;
	s9 =	simm.s32 $0x1  }
0x3: {  	s10 =	simm.s32 $0x3;
	s13 =	simm.s32 $0x0;
	s2 =	sshll.u32 s0, $0x7  }
0x4: {  	s12 =	simm.s32 $0x0;
	s3 =	sshll.u32 s1, $0x8;
	s4 =	sand.u32 $0x80, s2  }
0x5: {  	s0 =	rddreg [dreg:$0x1];
	_ =	strace $0x80000056;
	s3 =	sor.u32 s3, s4  }
0x6: {  	s2 =	sadd.s32 $0x144B200, s5;
	[sflag:s6] =	ssyncpa.u1 $0x0;
	s8 =	ssub.s32 $0x2000, s3  }
.Ltmp0:
0x7: {  	s4 =	sadd.s32 $0x204EA00, s5;
	s7 =	sand.u32 $0xF80, s8;
	(pc) =	sbr.rel .LBB2_1-.Ltmp0, $4  }
0x8: {  	s5 =	sadd.s32 $0x22A00, s5;
	s11 =	smov.u32 s3;
	p0 =	sne.s32 s7, $0x0  }
0x9: {  	s8 =	sshrl.u32 s8, $0xC;
	s7 =	simm.s32 $0x2;
	s9 =	simm.s32 @!p0 $0x0  }
0xa: {  	[sflag:s7] =	ssyncpa.u1 $0x0;
	p0 =	por $0x0, $0x0;
	s8 =	sadd.s32 s9, s8  }
0xb: {  	vm0 =	vmmov $0xffff;
	[sflag:s10] =	ssyncpa.u1 $0x0;
	s10 =	simm.s32 $0x0;
	s9 =	sadd.s32 $0x1, s8  }
.LBB2_4:
0xc: {  	v3 =	vshrl.u32 v0, $0x1;
	v4 =	vshrl.u32 v0, $0xD;
	v1 =	vor.u32 v1, v2  }
0xd: {  	v62 =	vshll.u32 v0, $0x18;
	v60 =	vand.u32 $0xFFF, v3;
	v61 =	vand.u32 $0xFFF, v4  }
0xe: {  	v0 =	vand.u32 $0x1000000, v62;
	v2 =	vsel vm1, $0xFFFFFFFF, v60;
	v3 =	vsel vm1, $0xFFFFFFFF, v61  }
0xf: {  	v0 =	vsel vm1, $0xFF000000, v0;
	v63 =	vand.u32 $0x7F, v2;
	v5 =	vshll.u32 v3, $0xC  }
0x10: {  	v2 =	vshll.u32 v2, $0x3;
	v5 =	vand.u32 $0xFFFF8000, v5;
	v0 =	vor.u32 v0, v63  }
0x11: {  	v3 =	vshll.u32 v3, $0x7;
	v2 =	vand.u32 $0xFFFFFC00, v2;
	v0 =	vadd.s32 v5, v0  }
0x12: {  	v3 =	vand.u32 $0x380, v3;
	v0 =	vadd.s32 v2, v0  }
0x13: {  	v0 =	vor.u32 v3, v0;
	_ =	sdelay $0x1  }
0x14: {  	(ifvalue) =	ssetifvalue $0x7FFFFFFF;
	s14 =	sadd.s32 $0x10, s14  }
0x15: {  	[tilespmem:s14], [sflag:$0x1] =	stream.indirect_vreg.gather [hbm4b:s2+s10], $0x1, v1, vm0, $0x4038;
	[tilespmem:$0x200] =	vst v63  }
0x16: {  	(ifvalue) =	ssetifvalue $0x7FFFFFFF;
	s14 =	sadd.s32 $0x10, s14  }
0x17: {  	[tilespmem:s14], [sflag:$0x1] =	stream.indirect_vreg.gather [hbm4b:s2+s10], $0x1, v0, vm0, $0x4038;
	[tilespmem:$0x200] =	vst v63  }
0x18: {  	_ =	swait.ge [sflag:s6], $0x80  }
0x19: {  	s30 =	sshrl.u32 s13, $0x3;
	[sflag:s6] =	ssyncset.done $0x0  }
0x1a: {  	s31 =	sand.u32 $0x7, s13;
	s14 =	sadd.s32 s5, s30;
	[sflag:s6] =	ssyncadd.s32 $0xFFFFFF80  }
0x1b: {  	[hbm4b:s14+s31] =	stream.linear.scatter [tilespmem:s15], [sflag:$0x3], $0x80, $0x38;
	[tilespmem:$0x200] =	vst v63  }
.LBB2_5:
0x1c: {  	s15 =	sadd.s32 $0x1000, s11  }
0x1d: {  	p2 =	sgt.s32 s15, $0x1FFF  }
0x1e: {  	s15 =	smov.u32 @p2 s3;
	p2 =	sne.s32 s12, s9  }
.Ltmp1:
0x1f: {  	p1 =	slt.u32 s12, $0x2;
	(pc) =	sbr.rel @!p2 .LBB2_6-.Ltmp1, $4  }
0x20: {  	s14 =	simm.s32 @!p1 $0x3  }
0x21: {  	s16 =	sadd.s32 $0x1, s12;
	_ =	swait.ge @!p1 [sflag:s14], $0x80  }
0x22: {  	s13 =	smov.u32 s11;
	p0 =	por !p0, !p0;
	[sflag:s14] =	ssyncset.done @!p1 $0x0  }
0x23: {  	s12 =	smov.u32 s16;
	s11 =	smov.u32 s15;
	[sflag:s14] =	ssyncadd.s32 @!p1 $0xFFFFFF80  }
.LBB2_1:
0x24: {  	p1 =	sge.u32 s12, s8  }
0x25: {  	s14 =	sxor.u32 @!p1 $0xFFFFFFFF, s12  }
0x26: {  	s31 =	sadd.s32 $0xFFFFFFFF, s12;
	s15 =	sshrl.u32 @!p1 s11, $0x3;
	s14 =	sshll.u32 @!p1 s14, $0x7  }
0x27: {  	s16 =	sand.u32 @!p1 $0x7, s11;
	s15 =	sadd.s32 @!p1 s4, s15;
	s14 =	sand.u32 @!p1 $0x80, s14  }
0x28: {  	[tilespmem:s14], [sflag:$0x2] =	stream.linear.gather @!p1 [hbm4b:s15+s16], $0x80, $0x38;
	[tilespmem:$0x200] =	vst v63  }
0x29: {  	p1 =	sge.u32 s31, s8  }
.Ltmp2:
0x2a: {  	_ = 	snop;
	(pc) =	sbr.rel @p1 .LBB2_5-.Ltmp2, $1  }
0x2b: {  	_ =	sdelay $0x3  }
0x2c: {  	s14 =	simm.s32 $0x1  }
0x2d: {  	_ =	swait.ge [sflag:s7], $0x80;
	s14 =	simm.s32 @!p0 $0x0  }
0x2e: {  	[sflag:s7] =	ssyncset.done $0x0;
	s14 =	sshll.u32 s14, $0x7  }
0x2f: {  	[sflag:s7] =	ssyncadd.s32 $0xFFFFFF80;
	(ifvalue) =	ssetifvalue $0x7FFFFFFF;
	v0 =	vld.msk [tilespmem:s14+$0x0 ss:$0x1], $0xffff;
	_ =	sdelay $0x4  }
0x30: {  	s15 =	sadd.s32 $0x10, s14;
	vm1 =	veq.s32 v0, $0x80000000;
	v1 =	vshrl.u32 v0, $0x1;
	v2 =	vshrl.u32 v0, $0xD  }
0x31: {  	v3 =	vld.msk [tilespmem:s15+$0x0 ss:$0x1], $0xffff;
	v0 =	vshll.u32 v0, $0x18;
	v1 =	vand.u32 $0xFFF, v1;
	v2 =	vand.u32 $0xFFF, v2  }
0x32: {  	v0 =	vand.u32 $0x1000000, v0;
	v1 =	vsel vm1, $0xFFFFFFFF, v1;
	v2 =	vsel vm1, $0xFFFFFFFF, v2  }
0x33: {  	v0 =	vsel vm1, $0xFF000000, v0;
	v4 =	vand.u32 $0x7F, v1;
	v5 =	vshll.u32 v2, $0xC  }
0x34: {  	v1 =	vshll.u32 v1, $0x3;
	v5 =	vand.u32 $0xFFFF8000, v5;
	v0 =	vor.u32 v0, v4  }
0x35: {  	v2 =	vshll.u32 v2, $0x7;
	v1 =	vand.u32 $0xFFFFFC00, v1;
	v0 =	vadd.s32 v5, v0  }
0x36: {  	v62 =	vshrl.u32 v3, $0xD;
	v2 =	vand.u32 $0x380, v2;
	v0 =	vadd.s32 v1, v0  }
0x37: {  	s17 =	sadd.s32 $0x10, s15;
	vm1 =	veq.s32 v3, $0x80000000;
	v1 =	vor.u32 v2, v0;
	v2 =	vshrl.u32 v3, $0x1  }
0x38: {  	v4 =	vand.u32 $0xFFF, v62;
	v0 =	vld.msk [tilespmem:s17+$0x0 ss:$0x1], $0xffff;
	v3 =	vshll.u32 v3, $0x18;
	v2 =	vand.u32 $0xFFF, v2  }
0x39: {  	v4 =	vsel vm1, $0xFFFFFFFF, v4;
	v3 =	vand.u32 $0x1000000, v3;
	v2 =	vsel vm1, $0xFFFFFFFF, v2  }
0x3a: {  	s31 =	sshll.u32 s12, $0x7;
	v6 =	vshll.u32 v4, $0xC;
	v3 =	vsel vm1, $0xFF000000, v3;
	v63 =	vand.u32 $0x7F, v2  }
0x3b: {  	s14 =	sor.u32 $0x100, s14;
	s15 =	sand.u32 $0x80, s31;
	(ifvalue) =	ssetifvalue $0x7FFFFFFF;
	v6 =	vand.u32 $0xFFFF8000, v6;
	v2 =	vshll.u32 v2, $0x3;
	v3 =	vor.u32 v3, v63  }
0x3c: {  	v2 =	vand.u32 $0xFFFFFC00, v2;
	[tilespmem:s14], [sflag:$0x1] =	stream.indirect_vreg.gather [hbm4b:s2+s10], $0x1, v1, vm0, $0x4038;
	v1 =	vshll.u32 v4, $0x7;
	v3 =	vadd.s32 v6, v3;
	[tilespmem:$0x200] =	vst v63  }
0x3d: {  	s16 =	simm.s32 $0x20;
	s15 =	sor.u32 $0x100, s15;
	s17 =	sadd.s32 $0x10, s17;
	vm1 =	veq.s32 v0, $0x80000000;
	v1 =	vand.u32 $0x380, v1;
	v2 =	vadd.s32 v2, v3  }
.LBB2_3:
0x3e: {  	v3 =	vld.msk [tilespmem:s17+$0x0 ss:$0x1], $0xffff;
	v4 =	vshrl.u32 v0, $0x1;
	v5 =	vshrl.u32 v0, $0xD;
	v1 =	vor.u32 v1, v2;
	s16 =	sadd.s32 $0x10, s16  }
0x3f: {  	v0 =	vshll.u32 v0, $0x18;
	v2 =	vand.u32 $0xFFF, v4;
	v4 =	vand.u32 $0xFFF, v5;
	p1 =	slt.u32 s16, $0x70  }
.Ltmp3:
0x40: {  	v0 =	vand.u32 $0x1000000, v0;
	v2 =	vsel vm1, $0xFFFFFFFF, v2;
	v4 =	vsel vm1, $0xFFFFFFFF, v4;
	(pc) =	sbr.rel @p1 .LBB2_3-.Ltmp3, $4  }
0x41: {  	v0 =	vsel vm1, $0xFF000000, v0;
	v5 =	vand.u32 $0x7F, v2;
	v6 =	vshll.u32 v4, $0xC  }
0x42: {  	s14 =	sadd.s32 $0x10, s14;
	v2 =	vshll.u32 v2, $0x3;
	v6 =	vand.u32 $0xFFFF8000, v6;
	v7 =	vor.u32 v0, v5;
	(ifvalue) =	ssetifvalue $0x7FFFFFFF  }
0x43: {  	v4 =	vshll.u32 v4, $0x7;
	v2 =	vand.u32 $0xFFFFFC00, v2;
	v5 =	vadd.s32 v6, v7;
	[tilespmem:s14], [sflag:$0x1] =	stream.indirect_vreg.gather [hbm4b:s2+s10], $0x1, v1, vm0, $0x4038;
	[tilespmem:$0x200] =	vst v63  }
0x44: {  	s17 =	sadd.s32 $0x10, s17;
	vm1 =	veq.s32 v3, $0x80000000;
	v1 =	vand.u32 $0x380, v4;
	v0 =	vmovc v3;
	v2 =	vadd.s32 v2, v5  }
.Ltmp4:
0x45: {  	_ = 	snop;
	(pc) =	sbr.rel .LBB2_4-.Ltmp4, $1  }
0x46: {  	_ =	sdelay $0x3  }
.LBB2_6:
0x47: {  	_ =	sfence.sel $0x180000  }
0x48: {  	s2 =	simm.s32 $0x2;
	[bflag:$0x0] =	sbarrier.arrive $0xFFFF  }
0x49: {  	s30 =	simm.s32 $0x3;
	[sflag:s2] =	ssyncpa.u1 $0x1  }
0x4a: {  	s31 =	simm.s32 $0x1;
	[sflag:s30] =	ssyncpa.u1 $0x1  }
0x4b: {  	[sflag:s31] =	ssyncpa.u1 $0x1  }
0x4c: {  	p0 =	sne.s32 s1, $0x0;
	_ =	strace $0x90000056  }
0x4d: {  	s0 =	sadd.s32 @!p0 $0x100000, s0;
	[bflag:$0x2] =	sbarrier.arrive $0xFFFF  }
0x4e: {  	[sflag:s0] =	ssyncadd.tile.s32 @!p0 $0x1;
	_ =	shalt  }
.Lfunc_end2:
_tile_overlayer_lowered:
.L_overlay_start_2:
0x4f: {  	(tag) =	ssettag $0x2  }
0x50: {  	s0 =	rddreg [dreg:$0x0];
	s2 =	stileid.u32  }
0x51: {  	s1 =	rddreg [dreg:$0x1];
	p0 =	sne.s32 s2, $0x0  }
0x52: {  	s3 =	rddreg [dreg:$0x2];
	[bflag:$0x3] =	sbarrier.arrive $0xFFFF;
	s2 =	simm.s32 @!p0 $0x1C01  }
0x53: {  	[timem:s3], [sflag:s2] =	dma.local @!p0 [hbm:s0], s1  }
0x54: {  	s0 =	simm.s32 @!p0 $0x1  }
0x55: {  	_ =	swait.ge @!p0 [sflag:s0], s1  }
0x56: {  	s1 =	ssub.s32 @!p0 $0x0, s1;
	[sflag:s0] =	ssyncset.done @!p0 $0x0  }
0x57: {  	[sflag:s0] =	ssyncadd.s32 @!p0 s1  }
0x58: {  	[bflag:$0x3] =	sbarrier.arrive $0xFFFF  }
0x59: {  	_ =	shalt  }

// kernel: gather_offload_async_start.15
scs
__scs_entry_jumppad:
0x0: {  	(pc) =	sbr.rel $0x88, $3  }
0x1: {  	(tag) =	ssettag $0x0;
	lr =	simm.s32 $0x1  }
0x2: {  	[smem:$0x3F70] =	sst lr;
	_ =	strace $0xD0000000  }
0x3: {  	_ = 	snop  }
0x4: {  	_ = 	snop  }
0x5: {  	_ = 	snop  }
0x6: {  	_ = 	snop  }
0x7: {  	_ = 	snop  }
__scs_overlays_trampoline_lowered:
0x8: {  	[smem:$0x3F7F] =	sst s0  }
0x9: {  	[smem:$0x3F80] =	sst s1  }
0xa: {  	[smem:$0x3F81] =	sst s2  }
0xb: {  	[smem:$0x3F82] =	sst s3  }
0xc: {  	[smem:$0x3F83] =	sst s4  }
0xd: {  	[smem:$0x3F84] =	sst s5  }
0xe: {  	[smem:$0x3F85] =	sst s6  }
0xf: {  	[smem:$0x3F86] =	sst s7  }
0x10: {  	[smem:$0x3F87] =	sst s8  }
0x11: {  	[smem:$0x3F88] =	sst s9;
	s0 =	simm.s32 @!p0 $0x0  }
0x12: {  	s1 =	sld [smem:$0x3F6E];
	s0 =	simm.s32 @p0 $0x1  }
0x13: {  	[smem:$0x3F89] =	sst s0;
	s0 =	simm.s32 @!p1 $0x0  }
0x14: {  	s2 =	sld [smem:$0x3F6D];
	s0 =	simm.s32 @p1 $0x1  }
0x15: {  	[smem:$0x3F8A] =	sst s0;
	s0 =	simm.s32 @!p2 $0x0  }
0x16: {  	s3 =	sld [smem:$0x3FDB];
	s0 =	simm.s32 @p2 $0x1  }
0x17: {  	s4 =	simm.s32 $0x1BF5;
	[smem:$0x3F8C] =	sst s0  }
0x18: {  	s0 =	sld [smem:$0x3F6F];
	_ =	swait.ge [sflag:s4], $0x0  }
0x19: {  	s7 =	sld [smem:$0x3F70]  }
0x1a: {  	s8 =	sadd.s32 $0xFFFFE003, lr  }
0x1b: {  	s9 =	sadd.s32 $0xFFFFFEF7, lr;
	s5 =	simm.s32 $0xFFFFFFFF;
	p2 =	slt.u32 s8, $0xFFFFF086  }
0x1c: {  	p1 =	slt.u32 s9, $0xF7A;
	s5 =	simm.s32 @!p2 $0x0  }
0x1d: {  	s5 =	simm.s32 @p1 $0x1;
	p0 =	seq.s32 s7, s2  }
0x1e: {  	s7 =	smul.u32 @!p0 $0xF7A, s2;
	p2 =	seq.s32 @!p0 s5, $0x0  }
0x1f: {  	s9 =	smul.u32 $0xF7A, s1;
	s8 =	simm.s32 @!p0 $0x1BF5;
	p2 =	por !p2, p0  }
0x20: {  	[sflag:s8] =	ssyncset.s32 @!p0 $0xFFFFF086;
	s6 =	sadd.s32 @!p0 s3, s7;
	s7 =	simm.s32 @!p0 $0x108  }
0x21: {  	s3 =	sadd.s32 s3, s9;
	s6 =	sadd.s32 @!p0 $0x88, s6;
	s7 =	simm.s32 @p2 $0x1082  }
0x22: {  	[simem:s7], [sflag:s8] =	dma.local @!p0 [hbm:s6], $0xF7A  }
0x23: {  	s9 =	sor.u32 $0xD0000000, s2;
	s6 =	simm.s32 $0x108;
	_ =	swait.ge @!p0 [sflag:s8], $0x0  }
0x24: {  	s3 =	sadd.s32 $0x88, s3;
	s6 =	simm.s32 @!p1 $0x1082;
	[sflag:s4] =	ssyncset.s32 $0xFFFFF086  }
0x25: {  	[simem:s6], [sflag:s4] =	dma.local [hbm:s3], $0xF7A  }
0x26: {  	[smem:$0x3F70] =	sst s1;
	(tag) =	ssettag s2;
	_ =	strace s9  }
0x27: {  	s1 =	sld [smem:$0x3F80]  }
0x28: {  	s2 =	sld [smem:$0x3F81]  }
0x29: {  	s4 =	sld [smem:$0x3F83]  }
0x2a: {  	p0 =	seq.s32 s5, $0x0;
	s5 =	sld [smem:$0x3F84]  }
0x2b: {  	s6 =	sld [smem:$0x3F85]  }
0x2c: {  	s7 =	sld [smem:$0x3F86]  }
0x2d: {  	s3 =	simm.s32 $0x108;
	s8 =	sld [smem:$0x3F87]  }
0x2e: {  	s3 =	simm.s32 @!p0 $0x1082;
	s9 =	sld [smem:$0x3F88]  }
0x2f: {  	lr =	sadd.s32 s0, s3;
	s0 =	sld [smem:$0x3F7F]  }
0x30: {  	s3 =	sld [smem:$0x3F82]  }
0x31: {  	[smem:$0x3F8B] =	sst s10  }
0x32: {  	s10 =	sld [smem:$0x3F89];
	_ =	sdelay $0x3  }
0x33: {  	p0 =	seq.s32 s10, $0x1;
	s10 =	sld [smem:$0x3F8B];
	_ =	sdelay $0x3  }
0x34: {  	[smem:$0x3F8B] =	sst s10  }
0x35: {  	s10 =	sld [smem:$0x3F8A];
	_ =	sdelay $0x3  }
0x36: {  	p1 =	seq.s32 s10, $0x1;
	s10 =	sld [smem:$0x3F8B];
	_ =	sdelay $0x3  }
0x37: {  	[smem:$0x3F8B] =	sst s10  }
0x38: {  	s10 =	sld [smem:$0x3F8C]  }
0x39: {  	_ = 	snop;
	(pc) =	sbr.ind lr, $3  }
0x3a: {  	_ = 	snop  }
0x3b: {  	_ = 	snop  }
0x3c: {  	p2 =	seq.s32 s10, $0x1;
	s10 =	sld [smem:$0x3F8B]  }
0x3d: {  	_ =	shalt  }
0x3e: {  	_ =	shalt  }
0x3f: {  	_ =	shalt  }
0x40: {  	_ =	shalt  }
0x41: {  	_ =	shalt  }
0x42: {  	_ =	shalt  }
0x43: {  	_ =	shalt  }
0x44: {  	_ =	shalt  }
0x45: {  	_ =	shalt  }
0x46: {  	_ =	shalt  }
0x47: {  	_ =	shalt  }
0x48: {  	_ =	shalt  }
0x49: {  	_ =	shalt  }
0x4a: {  	_ =	shalt  }
0x4b: {  	_ =	shalt  }
0x4c: {  	_ =	shalt  }
0x4d: {  	_ =	shalt  }
0x4e: {  	_ =	shalt  }
0x4f: {  	_ =	shalt  }
0x50: {  	_ =	shalt  }
0x51: {  	_ =	shalt  }
0x52: {  	_ =	shalt  }
0x53: {  	_ =	shalt  }
0x54: {  	_ =	shalt  }
0x55: {  	_ =	shalt  }
0x56: {  	_ =	shalt  }
0x57: {  	_ =	shalt  }
0x58: {  	_ =	shalt  }
0x59: {  	_ =	shalt  }
0x5a: {  	_ =	shalt  }
0x5b: {  	_ =	shalt  }
0x5c: {  	_ =	shalt  }
0x5d: {  	_ =	shalt  }
0x5e: {  	_ =	shalt  }
0x5f: {  	_ =	shalt  }
0x60: {  	_ =	shalt  }
0x61: {  	_ =	shalt  }
0x62: {  	_ =	shalt  }
0x63: {  	_ =	shalt  }
0x64: {  	_ =	shalt  }
0x65: {  	_ =	shalt  }
0x66: {  	_ =	shalt  }
0x67: {  	_ =	shalt  }
0x68: {  	_ =	shalt  }
0x69: {  	_ =	shalt  }
0x6a: {  	_ =	shalt  }
0x6b: {  	_ =	shalt  }
0x6c: {  	_ =	shalt  }
0x6d: {  	_ =	shalt  }
0x6e: {  	_ =	shalt  }
0x6f: {  	_ =	shalt  }
0x70: {  	_ =	shalt  }
0x71: {  	_ =	shalt  }
0x72: {  	_ =	shalt  }
0x73: {  	_ =	shalt  }
0x74: {  	_ =	shalt  }
0x75: {  	_ =	shalt  }
0x76: {  	_ =	shalt  }
0x77: {  	_ =	shalt  }
0x78: {  	_ =	shalt  }
0x79: {  	_ =	shalt  }
0x7a: {  	_ =	shalt  }
0x7b: {  	_ =	shalt  }
0x7c: {  	_ =	shalt  }
0x7d: {  	_ =	shalt  }
0x7e: {  	_ =	shalt  }
0x7f: {  	_ =	shalt  }
0x80: {  	_ =	shalt  }
0x81: {  	_ =	shalt  }
0x82: {  	_ =	shalt  }
0x83: {  	_ =	shalt  }
0x84: {  	_ =	shalt  }
0x85: {  	_ =	shalt  }
0x86: {  	_ =	shalt  }
0x87: {  	_ =	shalt  }
.Lfunc_end0:
.L_simem_size_0:
called_computation.16_lowered:
.L_overlay_start_0:
0x88: {  	s2 =	sld [smem:$0x3FD9]  }
0x89: {  	s3 =	sld [smem:$0x3FFE];
	_ =	sdelay $0x1  }
0x8a: {  	s1 =	srdreg.scid  }
0x8b: {  	s0 =	sand.u32 $0x1, s1  }
0x8c: {  	s16 =	sshll.u32 s0, $0xA;
	s2 =	sadd.s32 s3, s2  }
0x8d: {  	s2 =	sadd.s32 s2, s16  }
0x8e: {  	[smem:$0x3F97] =	sst s2  }
0x8f: {  	_ = 	snop  }
0x90: {  	(tm) =	ssettm $0x1  }
0x91: {  	s17 =	sld [smem:$0x3FFB];
	_ =	sdelay $0x3  }
0x92: {  	_ =	strace s17  }
0x93: {  	s2 =	sld [smem:$0x3FFC];
	_ =	sdelay $0x3  }
0x94: {  	_ =	strace s2  }
0x95: {  	s2 =	sld [smem:$0x3FFD];
	_ =	sdelay $0x3  }
0x96: {  	_ =	strace s2  }
0x97: {  	_ =	strace $0x8FFFFFFF  }
0x98: {  	s18 =	sld [smem:$0x3FDB];
	_ =	sdelay $0x1  }
0x99: {  	s19 =	simm.s32 $_scs_section_size  }
0x9a: {  	s4 =	simm.s32 $_size__tile_overlayer_lowered;
	s5 =	simm.s32 $_tile_overlayer_lowered  }
0x9b: {  	s22 =	simm.s32 $0x1BFF;
	s21 =	sshll.u32 s5, $0x1;
	s2 =	sadd.s32 s19, s18  }
0x9c: {  	s6 =	simm.s32 $0x0;
	s20 =	sshll.u32 s4, $0x1;
	s4 =	sadd.s32 s21, s2  }
0x9d: {  	[timem:s6], [sflag:s22] =	dma.local [hbm:s4], s20  }
0x9e: {  	_ =	swait.ge [sflag:s22], s20  }
0x9f: {  	s3 =	ssub.s32 $0x0, s20;
	[sflag:s22] =	ssyncset.done $0x0  }
0xa0: {  	[sflag:s22] =	ssyncadd.s32 s3;
	_ =	sdelay $0x1  }
0xa1: {  	s23 =	simm.s32 $0x1B8B  }
0xa2: {  	_ =	swait.ge [sflag:s23], $0x1  }
0xa3: {  	[sflag:s23] =	ssyncset.done $0x0  }
0xa4: {  	s25 =	simm.s32 $0x1B8E;
	s24 =	sld [smem:$0x3FFE];
	[sflag:s23] =	ssyncadd.s32 $0xFFFFFFFF  }
0xa5: {  	s26 =	simm.s32 $execute0_lowered;
	[smem:$0x3FD2] =	sst s25  }
0xa6: {  	s4 =	sshll.u32 s26, $0x1;
	_ =	strace $0x80000058;
	[dreg:$0x1] =	wrdreg $0xFFFFFFFF  }
0xa7: {  	s28 =	simm.s32 $_size_execute0_lowered;
	s2 =	sadd.s32 s2, s4;
	[dreg:$0x0] =	wrdreg $0x0  }
0xa8: {  	s4 =	sshll.u32 s28, $0x1;
	[dreg:$0x2] =	wrdreg s2  }
0xa9: {  	[dreg:$0x3] =	wrdreg s4  }
0xaa: {  	[dreg:$0x4] =	wrdreg $0xC0  }
0xab: {  	_ =	task [dreg:s6], $0x5FFFF  }
0xac: {  	[dreg:$0x1] =	wrdreg $0xFFFFFFFF  }
0xad: {  	[dreg:$0x0] =	wrdreg $0x60  }
0xae: {  	[dreg:$0x2] =	wrdreg s24  }
0xaf: {  	[dreg:$0x3] =	wrdreg $0x9  }
0xb0: {  	_ =	task.clear_ibuf [dreg:s6], $0x4FFFF;
	_ =	strace $0x90000058  }
0xb1: {  	s29 =	simm.s32 $0x9;
	_ =	strace $0x8000005A  }
0xb2: {  	_ =	swait.ge [sflag:s29], $0x1  }
0xb3: {  	[sflag:s29] =	ssyncadd.s32 $0xFFFFFFFF  }
0xb4: {  	_ =	strace $0x9000005A  }
0xb5: {  	_ =	sfence  }
0xb6: {  	s30 =	sld [smem:$0x0];
	_ =	sdelay $0x2  }
0xb7: {  	s31 =	sshll.u32 s1, $0xD;
	s1 =	sshrl.u32 s1, $0x2  }
0xb8: {  	s3 =	sand.u32 $0x4000, s31;
	s1 =	sadd.s32 s1, s30  }
0xb9: {  	s0 =	sor.u32 s3, s0;
	s1 =	sshll.u32 s1, $0x11  }
0xba: {  	s0 =	sor.u32 s1, s0  }
0xbb: {  	s0 =	sadd.s32 $0x8F2B, s0  }
0xbc: {  	[sflag:s0] =	ssyncadd.remote.s32 $0x1  }
0xbd: {  	_ =	sfence.sel $0xFFFF  }
0xbe: {  	[dreg:$0x0] =	wrdreg $0xFFFFFFFF;
	(pc) =	sbr.abs _section_cstart, $3  }
0xbf: {  	[dreg:$0x1] =	wrdreg $0xFFFFFFFF  }
0xc0: {  	_ =	task.clear_ibuf [dreg:s6], $0x2FFFF;
	_ =	strace $0x9FFFFFFF  }
0xc1: {  	(tm) =	ssettm $0x7FFFFFFF  }
tec
execute0_lowered:
.L_overlay_start_1:
0x0: {  	(tag) =	ssettag $0x1  }
0x1: {  	s0 =	srdreg.scid;
	s5 =	rddreg [dreg:$0x0]  }
0x2: {  	s1 =	stileid.u32;
	s6 =	simm.s32 $0x1;
	s9 =	simm.s32 $0x1  }
0x3: {  	s10 =	simm.s32 $0x3;
	s13 =	simm.s32 $0x0;
	s2 =	sshll.u32 s0, $0x7  }
0x4: {  	s12 =	simm.s32 $0x0;
	s3 =	sshll.u32 s1, $0x8;
	s4 =	sand.u32 $0x80, s2  }
0x5: {  	s0 =	rddreg [dreg:$0x1];
	_ =	strace $0x80000059;
	s3 =	sor.u32 s3, s4  }
0x6: {  	s2 =	sadd.s32 $0x184B200, s5;
	[sflag:s6] =	ssyncpa.u1 $0x0;
	s8 =	ssub.s32 $0x2000, s3  }
.Ltmp0:
0x7: {  	s4 =	sadd.s32 $0x204C200, s5;
	s7 =	sand.u32 $0xF80, s8;
	(pc) =	sbr.rel .LBB2_1-.Ltmp0, $4  }
0x8: {  	s5 =	sadd.s32 $0x22A00, s5;
	s11 =	smov.u32 s3;
	p0 =	sne.s32 s7, $0x0  }
0x9: {  	s8 =	sshrl.u32 s8, $0xC;
	s7 =	simm.s32 $0x2;
	s9 =	simm.s32 @!p0 $0x0  }
0xa: {  	[sflag:s7] =	ssyncpa.u1 $0x0;
	p0 =	por $0x0, $0x0;
	s8 =	sadd.s32 s9, s8  }
0xb: {  	vm0 =	vmmov $0xffff;
	[sflag:s10] =	ssyncpa.u1 $0x0;
	s10 =	simm.s32 $0x0;
	s9 =	sadd.s32 $0x1, s8  }
.LBB2_4:
0xc: {  	v3 =	vshrl.u32 v0, $0x1;
	v4 =	vshrl.u32 v0, $0xD;
	v1 =	vor.u32 v1, v2  }
0xd: {  	v62 =	vshll.u32 v0, $0x18;
	v60 =	vand.u32 $0xFFF, v3;
	v61 =	vand.u32 $0xFFF, v4  }
0xe: {  	v0 =	vand.u32 $0x1000000, v62;
	v2 =	vsel vm1, $0xFFFFFFFF, v60;
	v3 =	vsel vm1, $0xFFFFFFFF, v61  }
0xf: {  	v0 =	vsel vm1, $0xFF000000, v0;
	v63 =	vand.u32 $0x7F, v2;
	v5 =	vshll.u32 v3, $0xC  }
0x10: {  	v2 =	vshll.u32 v2, $0x3;
	v5 =	vand.u32 $0xFFFF8000, v5;
	v0 =	vor.u32 v0, v63  }
0x11: {  	v3 =	vshll.u32 v3, $0x7;
	v2 =	vand.u32 $0xFFFFFC00, v2;
	v0 =	vadd.s32 v5, v0  }
0x12: {  	v3 =	vand.u32 $0x380, v3;
	v0 =	vadd.s32 v2, v0  }
0x13: {  	v0 =	vor.u32 v3, v0;
	_ =	sdelay $0x1  }
0x14: {  	(ifvalue) =	ssetifvalue $0x7FFFFFFF;
	s14 =	sadd.s32 $0x10, s14  }
0x15: {  	[tilespmem:s14], [sflag:$0x1] =	stream.indirect_vreg.gather [hbm4b:s2+s10], $0x1, v1, vm0, $0x4038;
	[tilespmem:$0x200] =	vst v63  }
0x16: {  	(ifvalue) =	ssetifvalue $0x7FFFFFFF;
	s14 =	sadd.s32 $0x10, s14  }
0x17: {  	[tilespmem:s14], [sflag:$0x1] =	stream.indirect_vreg.gather [hbm4b:s2+s10], $0x1, v0, vm0, $0x4038;
	[tilespmem:$0x200] =	vst v63  }
0x18: {  	_ =	swait.ge [sflag:s6], $0x80  }
0x19: {  	s30 =	sshrl.u32 s13, $0x3;
	[sflag:s6] =	ssyncset.done $0x0  }
0x1a: {  	s31 =	sand.u32 $0x7, s13;
	s14 =	sadd.s32 s5, s30;
	[sflag:s6] =	ssyncadd.s32 $0xFFFFFF80  }
0x1b: {  	[hbm4b:s14+s31] =	stream.linear.scatter [tilespmem:s15], [sflag:$0x3], $0x80, $0x38;
	[tilespmem:$0x200] =	vst v63  }
.LBB2_5:
0x1c: {  	s15 =	sadd.s32 $0x1000, s11  }
0x1d: {  	p2 =	sgt.s32 s15, $0x1FFF  }
0x1e: {  	s15 =	smov.u32 @p2 s3;
	p2 =	sne.s32 s12, s9  }
.Ltmp1:
0x1f: {  	p1 =	slt.u32 s12, $0x2;
	(pc) =	sbr.rel @!p2 .LBB2_6-.Ltmp1, $4  }
0x20: {  	s14 =	simm.s32 @!p1 $0x3  }
0x21: {  	s16 =	sadd.s32 $0x1, s12;
	_ =	swait.ge @!p1 [sflag:s14], $0x80  }
0x22: {  	s13 =	smov.u32 s11;
	p0 =	por !p0, !p0;
	[sflag:s14] =	ssyncset.done @!p1 $0x0  }
0x23: {  	s12 =	smov.u32 s16;
	s11 =	smov.u32 s15;
	[sflag:s14] =	ssyncadd.s32 @!p1 $0xFFFFFF80  }
.LBB2_1:
0x24: {  	p1 =	sge.u32 s12, s8  }
0x25: {  	s14 =	sxor.u32 @!p1 $0xFFFFFFFF, s12  }
0x26: {  	s31 =	sadd.s32 $0xFFFFFFFF, s12;
	s15 =	sshrl.u32 @!p1 s11, $0x3;
	s14 =	sshll.u32 @!p1 s14, $0x7  }
0x27: {  	s16 =	sand.u32 @!p1 $0x7, s11;
	s15 =	sadd.s32 @!p1 s4, s15;
	s14 =	sand.u32 @!p1 $0x80, s14  }
0x28: {  	[tilespmem:s14], [sflag:$0x2] =	stream.linear.gather @!p1 [hbm4b:s15+s16], $0x80, $0x38;
	[tilespmem:$0x200] =	vst v63  }
0x29: {  	p1 =	sge.u32 s31, s8  }
.Ltmp2:
0x2a: {  	_ = 	snop;
	(pc) =	sbr.rel @p1 .LBB2_5-.Ltmp2, $1  }
0x2b: {  	_ =	sdelay $0x3  }
0x2c: {  	s14 =	simm.s32 $0x1  }
0x2d: {  	_ =	swait.ge [sflag:s7], $0x80;
	s14 =	simm.s32 @!p0 $0x0  }
0x2e: {  	[sflag:s7] =	ssyncset.done $0x0;
	s14 =	sshll.u32 s14, $0x7  }
0x2f: {  	[sflag:s7] =	ssyncadd.s32 $0xFFFFFF80;
	(ifvalue) =	ssetifvalue $0x7FFFFFFF;
	v0 =	vld.msk [tilespmem:s14+$0x0 ss:$0x1], $0xffff;
	_ =	sdelay $0x4  }
0x30: {  	s15 =	sadd.s32 $0x10, s14;
	vm1 =	veq.s32 v0, $0x80000000;
	v1 =	vshrl.u32 v0, $0x1;
	v2 =	vshrl.u32 v0, $0xD  }
0x31: {  	v3 =	vld.msk [tilespmem:s15+$0x0 ss:$0x1], $0xffff;
	v0 =	vshll.u32 v0, $0x18;
	v1 =	vand.u32 $0xFFF, v1;
	v2 =	vand.u32 $0xFFF, v2  }
0x32: {  	v0 =	vand.u32 $0x1000000, v0;
	v1 =	vsel vm1, $0xFFFFFFFF, v1;
	v2 =	vsel vm1, $0xFFFFFFFF, v2  }
0x33: {  	v0 =	vsel vm1, $0xFF000000, v0;
	v4 =	vand.u32 $0x7F, v1;
	v5 =	vshll.u32 v2, $0xC  }
0x34: {  	v1 =	vshll.u32 v1, $0x3;
	v5 =	vand.u32 $0xFFFF8000, v5;
	v0 =	vor.u32 v0, v4  }
0x35: {  	v2 =	vshll.u32 v2, $0x7;
	v1 =	vand.u32 $0xFFFFFC00, v1;
	v0 =	vadd.s32 v5, v0  }
0x36: {  	v62 =	vshrl.u32 v3, $0xD;
	v2 =	vand.u32 $0x380, v2;
	v0 =	vadd.s32 v1, v0  }
0x37: {  	s17 =	sadd.s32 $0x10, s15;
	vm1 =	veq.s32 v3, $0x80000000;
	v1 =	vor.u32 v2, v0;
	v2 =	vshrl.u32 v3, $0x1  }
0x38: {  	v4 =	vand.u32 $0xFFF, v62;
	v0 =	vld.msk [tilespmem:s17+$0x0 ss:$0x1], $0xffff;
	v3 =	vshll.u32 v3, $0x18;
	v2 =	vand.u32 $0xFFF, v2  }
0x39: {  	v4 =	vsel vm1, $0xFFFFFFFF, v4;
	v3 =	vand.u32 $0x1000000, v3;
	v2 =	vsel vm1, $0xFFFFFFFF, v2  }
0x3a: {  	s31 =	sshll.u32 s12, $0x7;
	v6 =	vshll.u32 v4, $0xC;
	v3 =	vsel vm1, $0xFF000000, v3;
	v63 =	vand.u32 $0x7F, v2  }
0x3b: {  	s14 =	sor.u32 $0x100, s14;
	s15 =	sand.u32 $0x80, s31;
	(ifvalue) =	ssetifvalue $0x7FFFFFFF;
	v6 =	vand.u32 $0xFFFF8000, v6;
	v2 =	vshll.u32 v2, $0x3;
	v3 =	vor.u32 v3, v63  }
0x3c: {  	v2 =	vand.u32 $0xFFFFFC00, v2;
	[tilespmem:s14], [sflag:$0x1] =	stream.indirect_vreg.gather [hbm4b:s2+s10], $0x1, v1, vm0, $0x4038;
	v1 =	vshll.u32 v4, $0x7;
	v3 =	vadd.s32 v6, v3;
	[tilespmem:$0x200] =	vst v63  }
0x3d: {  	s16 =	simm.s32 $0x20;
	s15 =	sor.u32 $0x100, s15;
	s17 =	sadd.s32 $0x10, s17;
	vm1 =	veq.s32 v0, $0x80000000;
	v1 =	vand.u32 $0x380, v1;
	v2 =	vadd.s32 v2, v3  }
.LBB2_3:
0x3e: {  	v3 =	vld.msk [tilespmem:s17+$0x0 ss:$0x1], $0xffff;
	v4 =	vshrl.u32 v0, $0x1;
	v5 =	vshrl.u32 v0, $0xD;
	v1 =	vor.u32 v1, v2;
	s16 =	sadd.s32 $0x10, s16  }
0x3f: {  	v0 =	vshll.u32 v0, $0x18;
	v2 =	vand.u32 $0xFFF, v4;
	v4 =	vand.u32 $0xFFF, v5;
	p1 =	slt.u32 s16, $0x70  }
.Ltmp3:
0x40: {  	v0 =	vand.u32 $0x1000000, v0;
	v2 =	vsel vm1, $0xFFFFFFFF, v2;
	v4 =	vsel vm1, $0xFFFFFFFF, v4;
	(pc) =	sbr.rel @p1 .LBB2_3-.Ltmp3, $4  }
0x41: {  	v0 =	vsel vm1, $0xFF000000, v0;
	v5 =	vand.u32 $0x7F, v2;
	v6 =	vshll.u32 v4, $0xC  }
0x42: {  	s14 =	sadd.s32 $0x10, s14;
	v2 =	vshll.u32 v2, $0x3;
	v6 =	vand.u32 $0xFFFF8000, v6;
	v7 =	vor.u32 v0, v5;
	(ifvalue) =	ssetifvalue $0x7FFFFFFF  }
0x43: {  	v4 =	vshll.u32 v4, $0x7;
	v2 =	vand.u32 $0xFFFFFC00, v2;
	v5 =	vadd.s32 v6, v7;
	[tilespmem:s14], [sflag:$0x1] =	stream.indirect_vreg.gather [hbm4b:s2+s10], $0x1, v1, vm0, $0x4038;
	[tilespmem:$0x200] =	vst v63  }
0x44: {  	s17 =	sadd.s32 $0x10, s17;
	vm1 =	veq.s32 v3, $0x80000000;
	v1 =	vand.u32 $0x380, v4;
	v0 =	vmovc v3;
	v2 =	vadd.s32 v2, v5  }
.Ltmp4:
0x45: {  	_ = 	snop;
	(pc) =	sbr.rel .LBB2_4-.Ltmp4, $1  }
0x46: {  	_ =	sdelay $0x3  }
.LBB2_6:
0x47: {  	_ =	sfence.sel $0x180000  }
0x48: {  	s2 =	simm.s32 $0x2;
	[bflag:$0x0] =	sbarrier.arrive $0xFFFF  }
0x49: {  	s30 =	simm.s32 $0x3;
	[sflag:s2] =	ssyncpa.u1 $0x1  }
0x4a: {  	s31 =	simm.s32 $0x1;
	[sflag:s30] =	ssyncpa.u1 $0x1  }
0x4b: {  	[sflag:s31] =	ssyncpa.u1 $0x1  }
0x4c: {  	p0 =	sne.s32 s1, $0x0;
	_ =	strace $0x90000059  }
0x4d: {  	s0 =	sadd.s32 @!p0 $0x100000, s0;
	[bflag:$0x2] =	sbarrier.arrive $0xFFFF  }
0x4e: {  	[sflag:s0] =	ssyncadd.tile.s32 @!p0 $0x1;
	_ =	shalt  }
.Lfunc_end2:
_tile_overlayer_lowered:
.L_overlay_start_2:
0x4f: {  	(tag) =	ssettag $0x2  }
0x50: {  	s0 =	rddreg [dreg:$0x0];
	s2 =	stileid.u32  }
0x51: {  	s1 =	rddreg [dreg:$0x1];
	p0 =	sne.s32 s2, $0x0  }
0x52: {  	s3 =	rddreg [dreg:$0x2];
	[bflag:$0x3] =	sbarrier.arrive $0xFFFF;
	s2 =	simm.s32 @!p0 $0x1C01  }
0x53: {  	[timem:s3], [sflag:s2] =	dma.local @!p0 [hbm:s0], s1  }
0x54: {  	s0 =	simm.s32 @!p0 $0x1  }
0x55: {  	_ =	swait.ge @!p0 [sflag:s0], s1  }
0x56: {  	s1 =	ssub.s32 @!p0 $0x0, s1;
	[sflag:s0] =	ssyncset.done @!p0 $0x0  }
0x57: {  	[sflag:s0] =	ssyncadd.s32 @!p0 s1  }
0x58: {  	[bflag:$0x3] =	sbarrier.arrive $0xFFFF  }
0x59: {  	_ =	shalt  }

// kernel: gather_offload_async_start.16
scs
__scs_entry_jumppad:
0x0: {  	(pc) =	sbr.rel $0x88, $3  }
0x1: {  	(tag) =	ssettag $0x0;
	lr =	simm.s32 $0x1  }
0x2: {  	[smem:$0x3F70] =	sst lr;
	_ =	strace $0xD0000000  }
0x3: {  	_ = 	snop  }
0x4: {  	_ = 	snop  }
0x5: {  	_ = 	snop  }
0x6: {  	_ = 	snop  }
0x7: {  	_ = 	snop  }
__scs_overlays_trampoline_lowered:
0x8: {  	[smem:$0x3F7F] =	sst s0  }
0x9: {  	[smem:$0x3F80] =	sst s1  }
0xa: {  	[smem:$0x3F81] =	sst s2  }
0xb: {  	[smem:$0x3F82] =	sst s3  }
0xc: {  	[smem:$0x3F83] =	sst s4  }
0xd: {  	[smem:$0x3F84] =	sst s5  }
0xe: {  	[smem:$0x3F85] =	sst s6  }
0xf: {  	[smem:$0x3F86] =	sst s7  }
0x10: {  	[smem:$0x3F87] =	sst s8  }
0x11: {  	[smem:$0x3F88] =	sst s9;
	s0 =	simm.s32 @!p0 $0x0  }
0x12: {  	s1 =	sld [smem:$0x3F6E];
	s0 =	simm.s32 @p0 $0x1  }
0x13: {  	[smem:$0x3F89] =	sst s0;
	s0 =	simm.s32 @!p1 $0x0  }
0x14: {  	s2 =	sld [smem:$0x3F6D];
	s0 =	simm.s32 @p1 $0x1  }
0x15: {  	[smem:$0x3F8A] =	sst s0;
	s0 =	simm.s32 @!p2 $0x0  }
0x16: {  	s3 =	sld [smem:$0x3FDB];
	s0 =	simm.s32 @p2 $0x1  }
0x17: {  	s4 =	simm.s32 $0x1BF5;
	[smem:$0x3F8C] =	sst s0  }
0x18: {  	s0 =	sld [smem:$0x3F6F];
	_ =	swait.ge [sflag:s4], $0x0  }
0x19: {  	s7 =	sld [smem:$0x3F70]  }
0x1a: {  	s8 =	sadd.s32 $0xFFFFE003, lr  }
0x1b: {  	s9 =	sadd.s32 $0xFFFFFEF7, lr;
	s5 =	simm.s32 $0xFFFFFFFF;
	p2 =	slt.u32 s8, $0xFFFFF086  }
0x1c: {  	p1 =	slt.u32 s9, $0xF7A;
	s5 =	simm.s32 @!p2 $0x0  }
0x1d: {  	s5 =	simm.s32 @p1 $0x1;
	p0 =	seq.s32 s7, s2  }
0x1e: {  	s7 =	smul.u32 @!p0 $0xF7A, s2;
	p2 =	seq.s32 @!p0 s5, $0x0  }
0x1f: {  	s9 =	smul.u32 $0xF7A, s1;
	s8 =	simm.s32 @!p0 $0x1BF5;
	p2 =	por !p2, p0  }
0x20: {  	[sflag:s8] =	ssyncset.s32 @!p0 $0xFFFFF086;
	s6 =	sadd.s32 @!p0 s3, s7;
	s7 =	simm.s32 @!p0 $0x108  }
0x21: {  	s3 =	sadd.s32 s3, s9;
	s6 =	sadd.s32 @!p0 $0x88, s6;
	s7 =	simm.s32 @p2 $0x1082  }
0x22: {  	[simem:s7], [sflag:s8] =	dma.local @!p0 [hbm:s6], $0xF7A  }
0x23: {  	s9 =	sor.u32 $0xD0000000, s2;
	s6 =	simm.s32 $0x108;
	_ =	swait.ge @!p0 [sflag:s8], $0x0  }
0x24: {  	s3 =	sadd.s32 $0x88, s3;
	s6 =	simm.s32 @!p1 $0x1082;
	[sflag:s4] =	ssyncset.s32 $0xFFFFF086  }
0x25: {  	[simem:s6], [sflag:s4] =	dma.local [hbm:s3], $0xF7A  }
0x26: {  	[smem:$0x3F70] =	sst s1;
	(tag) =	ssettag s2;
	_ =	strace s9  }
0x27: {  	s1 =	sld [smem:$0x3F80]  }
0x28: {  	s2 =	sld [smem:$0x3F81]  }
0x29: {  	s4 =	sld [smem:$0x3F83]  }
0x2a: {  	p0 =	seq.s32 s5, $0x0;
	s5 =	sld [smem:$0x3F84]  }
0x2b: {  	s6 =	sld [smem:$0x3F85]  }
0x2c: {  	s7 =	sld [smem:$0x3F86]  }
0x2d: {  	s3 =	simm.s32 $0x108;
	s8 =	sld [smem:$0x3F87]  }
0x2e: {  	s3 =	simm.s32 @!p0 $0x1082;
	s9 =	sld [smem:$0x3F88]  }
0x2f: {  	lr =	sadd.s32 s0, s3;
	s0 =	sld [smem:$0x3F7F]  }
0x30: {  	s3 =	sld [smem:$0x3F82]  }
0x31: {  	[smem:$0x3F8B] =	sst s10  }
0x32: {  	s10 =	sld [smem:$0x3F89];
	_ =	sdelay $0x3  }
0x33: {  	p0 =	seq.s32 s10, $0x1;
	s10 =	sld [smem:$0x3F8B];
	_ =	sdelay $0x3  }
0x34: {  	[smem:$0x3F8B] =	sst s10  }
0x35: {  	s10 =	sld [smem:$0x3F8A];
	_ =	sdelay $0x3  }
0x36: {  	p1 =	seq.s32 s10, $0x1;
	s10 =	sld [smem:$0x3F8B];
	_ =	sdelay $0x3  }
0x37: {  	[smem:$0x3F8B] =	sst s10  }
0x38: {  	s10 =	sld [smem:$0x3F8C]  }
0x39: {  	_ = 	snop;
	(pc) =	sbr.ind lr, $3  }
0x3a: {  	_ = 	snop  }
0x3b: {  	_ = 	snop  }
0x3c: {  	p2 =	seq.s32 s10, $0x1;
	s10 =	sld [smem:$0x3F8B]  }
0x3d: {  	_ =	shalt  }
0x3e: {  	_ =	shalt  }
0x3f: {  	_ =	shalt  }
0x40: {  	_ =	shalt  }
0x41: {  	_ =	shalt  }
0x42: {  	_ =	shalt  }
0x43: {  	_ =	shalt  }
0x44: {  	_ =	shalt  }
0x45: {  	_ =	shalt  }
0x46: {  	_ =	shalt  }
0x47: {  	_ =	shalt  }
0x48: {  	_ =	shalt  }
0x49: {  	_ =	shalt  }
0x4a: {  	_ =	shalt  }
0x4b: {  	_ =	shalt  }
0x4c: {  	_ =	shalt  }
0x4d: {  	_ =	shalt  }
0x4e: {  	_ =	shalt  }
0x4f: {  	_ =	shalt  }
0x50: {  	_ =	shalt  }
0x51: {  	_ =	shalt  }
0x52: {  	_ =	shalt  }
0x53: {  	_ =	shalt  }
0x54: {  	_ =	shalt  }
0x55: {  	_ =	shalt  }
0x56: {  	_ =	shalt  }
0x57: {  	_ =	shalt  }
0x58: {  	_ =	shalt  }
0x59: {  	_ =	shalt  }
0x5a: {  	_ =	shalt  }
0x5b: {  	_ =	shalt  }
0x5c: {  	_ =	shalt  }
0x5d: {  	_ =	shalt  }
0x5e: {  	_ =	shalt  }
0x5f: {  	_ =	shalt  }
0x60: {  	_ =	shalt  }
0x61: {  	_ =	shalt  }
0x62: {  	_ =	shalt  }
0x63: {  	_ =	shalt  }
0x64: {  	_ =	shalt  }
0x65: {  	_ =	shalt  }
0x66: {  	_ =	shalt  }
0x67: {  	_ =	shalt  }
0x68: {  	_ =	shalt  }
0x69: {  	_ =	shalt  }
0x6a: {  	_ =	shalt  }
0x6b: {  	_ =	shalt  }
0x6c: {  	_ =	shalt  }
0x6d: {  	_ =	shalt  }
0x6e: {  	_ =	shalt  }
0x6f: {  	_ =	shalt  }
0x70: {  	_ =	shalt  }
0x71: {  	_ =	shalt  }
0x72: {  	_ =	shalt  }
0x73: {  	_ =	shalt  }
0x74: {  	_ =	shalt  }
0x75: {  	_ =	shalt  }
0x76: {  	_ =	shalt  }
0x77: {  	_ =	shalt  }
0x78: {  	_ =	shalt  }
0x79: {  	_ =	shalt  }
0x7a: {  	_ =	shalt  }
0x7b: {  	_ =	shalt  }
0x7c: {  	_ =	shalt  }
0x7d: {  	_ =	shalt  }
0x7e: {  	_ =	shalt  }
0x7f: {  	_ =	shalt  }
0x80: {  	_ =	shalt  }
0x81: {  	_ =	shalt  }
0x82: {  	_ =	shalt  }
0x83: {  	_ =	shalt  }
0x84: {  	_ =	shalt  }
0x85: {  	_ =	shalt  }
0x86: {  	_ =	shalt  }
0x87: {  	_ =	shalt  }
.Lfunc_end0:
.L_simem_size_0:
called_computation.17_lowered:
.L_overlay_start_0:
0x88: {  	s2 =	sld [smem:$0x3FD9]  }
0x89: {  	s3 =	sld [smem:$0x3FFE];
	_ =	sdelay $0x1  }
0x8a: {  	s1 =	srdreg.scid  }
0x8b: {  	s0 =	sand.u32 $0x1, s1  }
0x8c: {  	s16 =	sshll.u32 s0, $0xA;
	s2 =	sadd.s32 s3, s2  }
0x8d: {  	s2 =	sadd.s32 s2, s16  }
0x8e: {  	[smem:$0x3F97] =	sst s2  }
0x8f: {  	_ = 	snop  }
0x90: {  	(tm) =	ssettm $0x1  }
0x91: {  	s17 =	sld [smem:$0x3FFB];
	_ =	sdelay $0x3  }
0x92: {  	_ =	strace s17  }
0x93: {  	s2 =	sld [smem:$0x3FFC];
	_ =	sdelay $0x3  }
0x94: {  	_ =	strace s2  }
0x95: {  	s2 =	sld [smem:$0x3FFD];
	_ =	sdelay $0x3  }
0x96: {  	_ =	strace s2  }
0x97: {  	_ =	strace $0x8FFFFFFF  }
0x98: {  	s18 =	sld [smem:$0x3FDB];
	_ =	sdelay $0x1  }
0x99: {  	s19 =	simm.s32 $_scs_section_size  }
0x9a: {  	s4 =	simm.s32 $_size__tile_overlayer_lowered;
	s5 =	simm.s32 $_tile_overlayer_lowered  }
0x9b: {  	s22 =	simm.s32 $0x1BFF;
	s21 =	sshll.u32 s5, $0x1;
	s2 =	sadd.s32 s19, s18  }
0x9c: {  	s6 =	simm.s32 $0x0;
	s20 =	sshll.u32 s4, $0x1;
	s4 =	sadd.s32 s21, s2  }
0x9d: {  	[timem:s6], [sflag:s22] =	dma.local [hbm:s4], s20  }
0x9e: {  	_ =	swait.ge [sflag:s22], s20  }
0x9f: {  	s3 =	ssub.s32 $0x0, s20;
	[sflag:s22] =	ssyncset.done $0x0  }
0xa0: {  	[sflag:s22] =	ssyncadd.s32 s3;
	_ =	sdelay $0x1  }
0xa1: {  	s23 =	simm.s32 $0x1B8B  }
0xa2: {  	_ =	swait.ge [sflag:s23], $0x1  }
0xa3: {  	[sflag:s23] =	ssyncset.done $0x0  }
0xa4: {  	s25 =	simm.s32 $0x1B8E;
	s24 =	sld [smem:$0x3FFE];
	[sflag:s23] =	ssyncadd.s32 $0xFFFFFFFF  }
0xa5: {  	s26 =	simm.s32 $execute0_lowered;
	[smem:$0x3FD2] =	sst s25  }
0xa6: {  	s4 =	sshll.u32 s26, $0x1;
	_ =	strace $0x8000005B;
	[dreg:$0x1] =	wrdreg $0xFFFFFFFF  }
0xa7: {  	s28 =	simm.s32 $_size_execute0_lowered;
	s2 =	sadd.s32 s2, s4;
	[dreg:$0x0] =	wrdreg $0x0  }
0xa8: {  	s4 =	sshll.u32 s28, $0x1;
	[dreg:$0x2] =	wrdreg s2  }
0xa9: {  	[dreg:$0x3] =	wrdreg s4  }
0xaa: {  	[dreg:$0x4] =	wrdreg $0xC0  }
0xab: {  	_ =	task [dreg:s6], $0x5FFFF  }
0xac: {  	[dreg:$0x1] =	wrdreg $0xFFFFFFFF  }
0xad: {  	[dreg:$0x0] =	wrdreg $0x60  }
0xae: {  	[dreg:$0x2] =	wrdreg s24  }
0xaf: {  	[dreg:$0x3] =	wrdreg $0x9  }
0xb0: {  	_ =	task.clear_ibuf [dreg:s6], $0x4FFFF;
	_ =	strace $0x9000005B  }
0xb1: {  	s29 =	simm.s32 $0x9;
	_ =	strace $0x8000005D  }
0xb2: {  	_ =	swait.ge [sflag:s29], $0x1  }
0xb3: {  	[sflag:s29] =	ssyncadd.s32 $0xFFFFFFFF  }
0xb4: {  	_ =	strace $0x9000005D  }
0xb5: {  	_ =	sfence  }
0xb6: {  	s30 =	sld [smem:$0x0];
	_ =	sdelay $0x2  }
0xb7: {  	s31 =	sshll.u32 s1, $0xD;
	s1 =	sshrl.u32 s1, $0x2  }
0xb8: {  	s3 =	sand.u32 $0x4000, s31;
	s1 =	sadd.s32 s1, s30  }
0xb9: {  	s0 =	sor.u32 s3, s0;
	s1 =	sshll.u32 s1, $0x11  }
0xba: {  	s0 =	sor.u32 s1, s0  }
0xbb: {  	s0 =	sadd.s32 $0x8F2B, s0  }
0xbc: {  	[sflag:s0] =	ssyncadd.remote.s32 $0x1  }
0xbd: {  	_ =	sfence.sel $0xFFFF  }
0xbe: {  	[dreg:$0x0] =	wrdreg $0xFFFFFFFF;
	(pc) =	sbr.abs _section_cstart, $3  }
0xbf: {  	[dreg:$0x1] =	wrdreg $0xFFFFFFFF  }
0xc0: {  	_ =	task.clear_ibuf [dreg:s6], $0x2FFFF;
	_ =	strace $0x9FFFFFFF  }
0xc1: {  	(tm) =	ssettm $0x7FFFFFFF  }
tec
execute0_lowered:
.L_overlay_start_1:
0x0: {  	(tag) =	ssettag $0x1  }
0x1: {  	s0 =	srdreg.scid;
	s5 =	rddreg [dreg:$0x0]  }
0x2: {  	s1 =	stileid.u32;
	s6 =	simm.s32 $0x1;
	s9 =	simm.s32 $0x1  }
0x3: {  	s10 =	simm.s32 $0x3;
	s13 =	simm.s32 $0x0;
	s2 =	sshll.u32 s0, $0x7  }
0x4: {  	s12 =	simm.s32 $0x0;
	s3 =	sshll.u32 s1, $0x8;
	s4 =	sand.u32 $0x80, s2  }
0x5: {  	s0 =	rddreg [dreg:$0x1];
	_ =	strace $0x8000005C;
	s3 =	sor.u32 s3, s4  }
0x6: {  	s2 =	sadd.s32 $0x1C4B200, s5;
	[sflag:s6] =	ssyncpa.u1 $0x0;
	s8 =	ssub.s32 $0x2000, s3  }
.Ltmp0:
0x7: {  	s4 =	sadd.s32 $0x204EE00, s5;
	s7 =	sand.u32 $0xF80, s8;
	(pc) =	sbr.rel .LBB2_1-.Ltmp0, $4  }
0x8: {  	s5 =	sadd.s32 $0x22A00, s5;
	s11 =	smov.u32 s3;
	p0 =	sne.s32 s7, $0x0  }
0x9: {  	s8 =	sshrl.u32 s8, $0xC;
	s7 =	simm.s32 $0x2;
	s9 =	simm.s32 @!p0 $0x0  }
0xa: {  	[sflag:s7] =	ssyncpa.u1 $0x0;
	p0 =	por $0x0, $0x0;
	s8 =	sadd.s32 s9, s8  }
0xb: {  	vm0 =	vmmov $0xffff;
	[sflag:s10] =	ssyncpa.u1 $0x0;
	s10 =	simm.s32 $0x0;
	s9 =	sadd.s32 $0x1, s8  }
.LBB2_4:
0xc: {  	v3 =	vshrl.u32 v0, $0x1;
	v4 =	vshrl.u32 v0, $0xD;
	v1 =	vor.u32 v1, v2  }
0xd: {  	v62 =	vshll.u32 v0, $0x18;
	v60 =	vand.u32 $0xFFF, v3;
	v61 =	vand.u32 $0xFFF, v4  }
0xe: {  	v0 =	vand.u32 $0x1000000, v62;
	v2 =	vsel vm1, $0xFFFFFFFF, v60;
	v3 =	vsel vm1, $0xFFFFFFFF, v61  }
0xf: {  	v0 =	vsel vm1, $0xFF000000, v0;
	v63 =	vand.u32 $0x7F, v2;
	v5 =	vshll.u32 v3, $0xC  }
0x10: {  	v2 =	vshll.u32 v2, $0x3;
	v5 =	vand.u32 $0xFFFF8000, v5;
	v0 =	vor.u32 v0, v63  }
0x11: {  	v3 =	vshll.u32 v3, $0x7;
	v2 =	vand.u32 $0xFFFFFC00, v2;
	v0 =	vadd.s32 v5, v0  }
0x12: {  	v3 =	vand.u32 $0x380, v3;
	v0 =	vadd.s32 v2, v0  }
0x13: {  	v0 =	vor.u32 v3, v0;
	_ =	sdelay $0x1  }
0x14: {  	(ifvalue) =	ssetifvalue $0x7FFFFFFF;
	s14 =	sadd.s32 $0x10, s14  }
0x15: {  	[tilespmem:s14], [sflag:$0x1] =	stream.indirect_vreg.gather [hbm4b:s2+s10], $0x1, v1, vm0, $0x4038;
	[tilespmem:$0x200] =	vst v63  }
0x16: {  	(ifvalue) =	ssetifvalue $0x7FFFFFFF;
	s14 =	sadd.s32 $0x10, s14  }
0x17: {  	[tilespmem:s14], [sflag:$0x1] =	stream.indirect_vreg.gather [hbm4b:s2+s10], $0x1, v0, vm0, $0x4038;
	[tilespmem:$0x200] =	vst v63  }
0x18: {  	_ =	swait.ge [sflag:s6], $0x80  }
0x19: {  	s30 =	sshrl.u32 s13, $0x3;
	[sflag:s6] =	ssyncset.done $0x0  }
0x1a: {  	s31 =	sand.u32 $0x7, s13;
	s14 =	sadd.s32 s5, s30;
	[sflag:s6] =	ssyncadd.s32 $0xFFFFFF80  }
0x1b: {  	[hbm4b:s14+s31] =	stream.linear.scatter [tilespmem:s15], [sflag:$0x3], $0x80, $0x38;
	[tilespmem:$0x200] =	vst v63  }
.LBB2_5:
0x1c: {  	s15 =	sadd.s32 $0x1000, s11  }
0x1d: {  	p2 =	sgt.s32 s15, $0x1FFF  }
0x1e: {  	s15 =	smov.u32 @p2 s3;
	p2 =	sne.s32 s12, s9  }
.Ltmp1:
0x1f: {  	p1 =	slt.u32 s12, $0x2;
	(pc) =	sbr.rel @!p2 .LBB2_6-.Ltmp1, $4  }
0x20: {  	s14 =	simm.s32 @!p1 $0x3  }
0x21: {  	s16 =	sadd.s32 $0x1, s12;
	_ =	swait.ge @!p1 [sflag:s14], $0x80  }
0x22: {  	s13 =	smov.u32 s11;
	p0 =	por !p0, !p0;
	[sflag:s14] =	ssyncset.done @!p1 $0x0  }
0x23: {  	s12 =	smov.u32 s16;
	s11 =	smov.u32 s15;
	[sflag:s14] =	ssyncadd.s32 @!p1 $0xFFFFFF80  }
.LBB2_1:
0x24: {  	p1 =	sge.u32 s12, s8  }
0x25: {  	s14 =	sxor.u32 @!p1 $0xFFFFFFFF, s12  }
0x26: {  	s31 =	sadd.s32 $0xFFFFFFFF, s12;
	s15 =	sshrl.u32 @!p1 s11, $0x3;
	s14 =	sshll.u32 @!p1 s14, $0x7  }
0x27: {  	s16 =	sand.u32 @!p1 $0x7, s11;
	s15 =	sadd.s32 @!p1 s4, s15;
	s14 =	sand.u32 @!p1 $0x80, s14  }
0x28: {  	[tilespmem:s14], [sflag:$0x2] =	stream.linear.gather @!p1 [hbm4b:s15+s16], $0x80, $0x38;
	[tilespmem:$0x200] =	vst v63  }
0x29: {  	p1 =	sge.u32 s31, s8  }
.Ltmp2:
0x2a: {  	_ = 	snop;
	(pc) =	sbr.rel @p1 .LBB2_5-.Ltmp2, $1  }
0x2b: {  	_ =	sdelay $0x3  }
0x2c: {  	s14 =	simm.s32 $0x1  }
0x2d: {  	_ =	swait.ge [sflag:s7], $0x80;
	s14 =	simm.s32 @!p0 $0x0  }
0x2e: {  	[sflag:s7] =	ssyncset.done $0x0;
	s14 =	sshll.u32 s14, $0x7  }
0x2f: {  	[sflag:s7] =	ssyncadd.s32 $0xFFFFFF80;
	(ifvalue) =	ssetifvalue $0x7FFFFFFF;
	v0 =	vld.msk [tilespmem:s14+$0x0 ss:$0x1], $0xffff;
	_ =	sdelay $0x4  }
0x30: {  	s15 =	sadd.s32 $0x10, s14;
	vm1 =	veq.s32 v0, $0x80000000;
	v1 =	vshrl.u32 v0, $0x1;
	v2 =	vshrl.u32 v0, $0xD  }
0x31: {  	v3 =	vld.msk [tilespmem:s15+$0x0 ss:$0x1], $0xffff;
	v0 =	vshll.u32 v0, $0x18;
	v1 =	vand.u32 $0xFFF, v1;
	v2 =	vand.u32 $0xFFF, v2  }
0x32: {  	v0 =	vand.u32 $0x1000000, v0;
	v1 =	vsel vm1, $0xFFFFFFFF, v1;
	v2 =	vsel vm1, $0xFFFFFFFF, v2  }
0x33: {  	v0 =	vsel vm1, $0xFF000000, v0;
	v4 =	vand.u32 $0x7F, v1;
	v5 =	vshll.u32 v2, $0xC  }
0x34: {  	v1 =	vshll.u32 v1, $0x3;
	v5 =	vand.u32 $0xFFFF8000, v5;
	v0 =	vor.u32 v0, v4  }
0x35: {  	v2 =	vshll.u32 v2, $0x7;
	v1 =	vand.u32 $0xFFFFFC00, v1;
	v0 =	vadd.s32 v5, v0  }
0x36: {  	v62 =	vshrl.u32 v3, $0xD;
	v2 =	vand.u32 $0x380, v2;
	v0 =	vadd.s32 v1, v0  }
0x37: {  	s17 =	sadd.s32 $0x10, s15;
	vm1 =	veq.s32 v3, $0x80000000;
	v1 =	vor.u32 v2, v0;
	v2 =	vshrl.u32 v3, $0x1  }
0x38: {  	v4 =	vand.u32 $0xFFF, v62;
	v0 =	vld.msk [tilespmem:s17+$0x0 ss:$0x1], $0xffff;
	v3 =	vshll.u32 v3, $0x18;
	v2 =	vand.u32 $0xFFF, v2  }
0x39: {  	v4 =	vsel vm1, $0xFFFFFFFF, v4;
	v3 =	vand.u32 $0x1000000, v3;
	v2 =	vsel vm1, $0xFFFFFFFF, v2  }
0x3a: {  	s31 =	sshll.u32 s12, $0x7;
	v6 =	vshll.u32 v4, $0xC;
	v3 =	vsel vm1, $0xFF000000, v3;
	v63 =	vand.u32 $0x7F, v2  }
0x3b: {  	s14 =	sor.u32 $0x100, s14;
	s15 =	sand.u32 $0x80, s31;
	(ifvalue) =	ssetifvalue $0x7FFFFFFF;
	v6 =	vand.u32 $0xFFFF8000, v6;
	v2 =	vshll.u32 v2, $0x3;
	v3 =	vor.u32 v3, v63  }
0x3c: {  	v2 =	vand.u32 $0xFFFFFC00, v2;
	[tilespmem:s14], [sflag:$0x1] =	stream.indirect_vreg.gather [hbm4b:s2+s10], $0x1, v1, vm0, $0x4038;
	v1 =	vshll.u32 v4, $0x7;
	v3 =	vadd.s32 v6, v3;
	[tilespmem:$0x200] =	vst v63  }
0x3d: {  	s16 =	simm.s32 $0x20;
	s15 =	sor.u32 $0x100, s15;
	s17 =	sadd.s32 $0x10, s17;
	vm1 =	veq.s32 v0, $0x80000000;
	v1 =	vand.u32 $0x380, v1;
	v2 =	vadd.s32 v2, v3  }
.LBB2_3:
0x3e: {  	v3 =	vld.msk [tilespmem:s17+$0x0 ss:$0x1], $0xffff;
	v4 =	vshrl.u32 v0, $0x1;
	v5 =	vshrl.u32 v0, $0xD;
	v1 =	vor.u32 v1, v2;
	s16 =	sadd.s32 $0x10, s16  }
0x3f: {  	v0 =	vshll.u32 v0, $0x18;
	v2 =	vand.u32 $0xFFF, v4;
	v4 =	vand.u32 $0xFFF, v5;
	p1 =	slt.u32 s16, $0x70  }
.Ltmp3:
0x40: {  	v0 =	vand.u32 $0x1000000, v0;
	v2 =	vsel vm1, $0xFFFFFFFF, v2;
	v4 =	vsel vm1, $0xFFFFFFFF, v4;
	(pc) =	sbr.rel @p1 .LBB2_3-.Ltmp3, $4  }
0x41: {  	v0 =	vsel vm1, $0xFF000000, v0;
	v5 =	vand.u32 $0x7F, v2;
	v6 =	vshll.u32 v4, $0xC  }
0x42: {  	s14 =	sadd.s32 $0x10, s14;
	v2 =	vshll.u32 v2, $0x3;
	v6 =	vand.u32 $0xFFFF8000, v6;
	v7 =	vor.u32 v0, v5;
	(ifvalue) =	ssetifvalue $0x7FFFFFFF  }
0x43: {  	v4 =	vshll.u32 v4, $0x7;
	v2 =	vand.u32 $0xFFFFFC00, v2;
	v5 =	vadd.s32 v6, v7;
	[tilespmem:s14], [sflag:$0x1] =	stream.indirect_vreg.gather [hbm4b:s2+s10], $0x1, v1, vm0, $0x4038;
	[tilespmem:$0x200] =	vst v63  }
0x44: {  	s17 =	sadd.s32 $0x10, s17;
	vm1 =	veq.s32 v3, $0x80000000;
	v1 =	vand.u32 $0x380, v4;
	v0 =	vmovc v3;
	v2 =	vadd.s32 v2, v5  }
.Ltmp4:
0x45: {  	_ = 	snop;
	(pc) =	sbr.rel .LBB2_4-.Ltmp4, $1  }
0x46: {  	_ =	sdelay $0x3  }
.LBB2_6:
0x47: {  	_ =	sfence.sel $0x180000  }
0x48: {  	s2 =	simm.s32 $0x2;
	[bflag:$0x0] =	sbarrier.arrive $0xFFFF  }
0x49: {  	s30 =	simm.s32 $0x3;
	[sflag:s2] =	ssyncpa.u1 $0x1  }
0x4a: {  	s31 =	simm.s32 $0x1;
	[sflag:s30] =	ssyncpa.u1 $0x1  }
0x4b: {  	[sflag:s31] =	ssyncpa.u1 $0x1  }
0x4c: {  	p0 =	sne.s32 s1, $0x0;
	_ =	strace $0x9000005C  }
0x4d: {  	s0 =	sadd.s32 @!p0 $0x100000, s0;
	[bflag:$0x2] =	sbarrier.arrive $0xFFFF  }
0x4e: {  	[sflag:s0] =	ssyncadd.tile.s32 @!p0 $0x1;
	_ =	shalt  }
.Lfunc_end2:
_tile_overlayer_lowered:
.L_overlay_start_2:
0x4f: {  	(tag) =	ssettag $0x2  }
0x50: {  	s0 =	rddreg [dreg:$0x0];
	s2 =	stileid.u32  }
0x51: {  	s1 =	rddreg [dreg:$0x1];
	p0 =	sne.s32 s2, $0x0  }
0x52: {  	s3 =	rddreg [dreg:$0x2];
	[bflag:$0x3] =	sbarrier.arrive $0xFFFF;
	s2 =	simm.s32 @!p0 $0x1C01  }
0x53: {  	[timem:s3], [sflag:s2] =	dma.local @!p0 [hbm:s0], s1  }
0x54: {  	s0 =	simm.s32 @!p0 $0x1  }
0x55: {  	_ =	swait.ge @!p0 [sflag:s0], s1  }
0x56: {  	s1 =	ssub.s32 @!p0 $0x0, s1;
	[sflag:s0] =	ssyncset.done @!p0 $0x0  }
0x57: {  	[sflag:s0] =	ssyncadd.s32 @!p0 s1  }
0x58: {  	[bflag:$0x3] =	sbarrier.arrive $0xFFFF  }
0x59: {  	_ =	shalt  }

// kernel: gather_offload_async_start.1
scs
__scs_entry_jumppad:
0x0: {  	(pc) =	sbr.rel $0x88, $3  }
0x1: {  	(tag) =	ssettag $0x0;
	lr =	simm.s32 $0x1  }
0x2: {  	[smem:$0x3F70] =	sst lr;
	_ =	strace $0xD0000000  }
0x3: {  	_ = 	snop  }
0x4: {  	_ = 	snop  }
0x5: {  	_ = 	snop  }
0x6: {  	_ = 	snop  }
0x7: {  	_ = 	snop  }
__scs_overlays_trampoline_lowered:
0x8: {  	[smem:$0x3F7F] =	sst s0  }
0x9: {  	[smem:$0x3F80] =	sst s1  }
0xa: {  	[smem:$0x3F81] =	sst s2  }
0xb: {  	[smem:$0x3F82] =	sst s3  }
0xc: {  	[smem:$0x3F83] =	sst s4  }
0xd: {  	[smem:$0x3F84] =	sst s5  }
0xe: {  	[smem:$0x3F85] =	sst s6  }
0xf: {  	[smem:$0x3F86] =	sst s7  }
0x10: {  	[smem:$0x3F87] =	sst s8  }
0x11: {  	[smem:$0x3F88] =	sst s9;
	s0 =	simm.s32 @!p0 $0x0  }
0x12: {  	s1 =	sld [smem:$0x3F6E];
	s0 =	simm.s32 @p0 $0x1  }
0x13: {  	[smem:$0x3F89] =	sst s0;
	s0 =	simm.s32 @!p1 $0x0  }
0x14: {  	s2 =	sld [smem:$0x3F6D];
	s0 =	simm.s32 @p1 $0x1  }
0x15: {  	[smem:$0x3F8A] =	sst s0;
	s0 =	simm.s32 @!p2 $0x0  }
0x16: {  	s3 =	sld [smem:$0x3FDB];
	s0 =	simm.s32 @p2 $0x1  }
0x17: {  	s4 =	simm.s32 $0x1BF5;
	[smem:$0x3F8C] =	sst s0  }
0x18: {  	s0 =	sld [smem:$0x3F6F];
	_ =	swait.ge [sflag:s4], $0x0  }
0x19: {  	s7 =	sld [smem:$0x3F70]  }
0x1a: {  	s8 =	sadd.s32 $0xFFFFE003, lr  }
0x1b: {  	s9 =	sadd.s32 $0xFFFFFEF7, lr;
	s5 =	simm.s32 $0xFFFFFFFF;
	p2 =	slt.u32 s8, $0xFFFFF086  }
0x1c: {  	p1 =	slt.u32 s9, $0xF7A;
	s5 =	simm.s32 @!p2 $0x0  }
0x1d: {  	s5 =	simm.s32 @p1 $0x1;
	p0 =	seq.s32 s7, s2  }
0x1e: {  	s7 =	smul.u32 @!p0 $0xF7A, s2;
	p2 =	seq.s32 @!p0 s5, $0x0  }
0x1f: {  	s9 =	smul.u32 $0xF7A, s1;
	s8 =	simm.s32 @!p0 $0x1BF5;
	p2 =	por !p2, p0  }
0x20: {  	[sflag:s8] =	ssyncset.s32 @!p0 $0xFFFFF086;
	s6 =	sadd.s32 @!p0 s3, s7;
	s7 =	simm.s32 @!p0 $0x108  }
0x21: {  	s3 =	sadd.s32 s3, s9;
	s6 =	sadd.s32 @!p0 $0x88, s6;
	s7 =	simm.s32 @p2 $0x1082  }
0x22: {  	[simem:s7], [sflag:s8] =	dma.local @!p0 [hbm:s6], $0xF7A  }
0x23: {  	s9 =	sor.u32 $0xD0000000, s2;
	s6 =	simm.s32 $0x108;
	_ =	swait.ge @!p0 [sflag:s8], $0x0  }
0x24: {  	s3 =	sadd.s32 $0x88, s3;
	s6 =	simm.s32 @!p1 $0x1082;
	[sflag:s4] =	ssyncset.s32 $0xFFFFF086  }
0x25: {  	[simem:s6], [sflag:s4] =	dma.local [hbm:s3], $0xF7A  }
0x26: {  	[smem:$0x3F70] =	sst s1;
	(tag) =	ssettag s2;
	_ =	strace s9  }
0x27: {  	s1 =	sld [smem:$0x3F80]  }
0x28: {  	s2 =	sld [smem:$0x3F81]  }
0x29: {  	s4 =	sld [smem:$0x3F83]  }
0x2a: {  	p0 =	seq.s32 s5, $0x0;
	s5 =	sld [smem:$0x3F84]  }
0x2b: {  	s6 =	sld [smem:$0x3F85]  }
0x2c: {  	s7 =	sld [smem:$0x3F86]  }
0x2d: {  	s3 =	simm.s32 $0x108;
	s8 =	sld [smem:$0x3F87]  }
0x2e: {  	s3 =	simm.s32 @!p0 $0x1082;
	s9 =	sld [smem:$0x3F88]  }
0x2f: {  	lr =	sadd.s32 s0, s3;
	s0 =	sld [smem:$0x3F7F]  }
0x30: {  	s3 =	sld [smem:$0x3F82]  }
0x31: {  	[smem:$0x3F8B] =	sst s10  }
0x32: {  	s10 =	sld [smem:$0x3F89];
	_ =	sdelay $0x3  }
0x33: {  	p0 =	seq.s32 s10, $0x1;
	s10 =	sld [smem:$0x3F8B];
	_ =	sdelay $0x3  }
0x34: {  	[smem:$0x3F8B] =	sst s10  }
0x35: {  	s10 =	sld [smem:$0x3F8A];
	_ =	sdelay $0x3  }
0x36: {  	p1 =	seq.s32 s10, $0x1;
	s10 =	sld [smem:$0x3F8B];
	_ =	sdelay $0x3  }
0x37: {  	[smem:$0x3F8B] =	sst s10  }
0x38: {  	s10 =	sld [smem:$0x3F8C]  }
0x39: {  	_ = 	snop;
	(pc) =	sbr.ind lr, $3  }
0x3a: {  	_ = 	snop  }
0x3b: {  	_ = 	snop  }
0x3c: {  	p2 =	seq.s32 s10, $0x1;
	s10 =	sld [smem:$0x3F8B]  }
0x3d: {  	_ =	shalt  }
0x3e: {  	_ =	shalt  }
0x3f: {  	_ =	shalt  }
0x40: {  	_ =	shalt  }
0x41: {  	_ =	shalt  }
0x42: {  	_ =	shalt  }
0x43: {  	_ =	shalt  }
0x44: {  	_ =	shalt  }
0x45: {  	_ =	shalt  }
0x46: {  	_ =	shalt  }
0x47: {  	_ =	shalt  }
0x48: {  	_ =	shalt  }
0x49: {  	_ =	shalt  }
0x4a: {  	_ =	shalt  }
0x4b: {  	_ =	shalt  }
0x4c: {  	_ =	shalt  }
0x4d: {  	_ =	shalt  }
0x4e: {  	_ =	shalt  }
0x4f: {  	_ =	shalt  }
0x50: {  	_ =	shalt  }
0x51: {  	_ =	shalt  }
0x52: {  	_ =	shalt  }
0x53: {  	_ =	shalt  }
0x54: {  	_ =	shalt  }
0x55: {  	_ =	shalt  }
0x56: {  	_ =	shalt  }
0x57: {  	_ =	shalt  }
0x58: {  	_ =	shalt  }
0x59: {  	_ =	shalt  }
0x5a: {  	_ =	shalt  }
0x5b: {  	_ =	shalt  }
0x5c: {  	_ =	shalt  }
0x5d: {  	_ =	shalt  }
0x5e: {  	_ =	shalt  }
0x5f: {  	_ =	shalt  }
0x60: {  	_ =	shalt  }
0x61: {  	_ =	shalt  }
0x62: {  	_ =	shalt  }
0x63: {  	_ =	shalt  }
0x64: {  	_ =	shalt  }
0x65: {  	_ =	shalt  }
0x66: {  	_ =	shalt  }
0x67: {  	_ =	shalt  }
0x68: {  	_ =	shalt  }
0x69: {  	_ =	shalt  }
0x6a: {  	_ =	shalt  }
0x6b: {  	_ =	shalt  }
0x6c: {  	_ =	shalt  }
0x6d: {  	_ =	shalt  }
0x6e: {  	_ =	shalt  }
0x6f: {  	_ =	shalt  }
0x70: {  	_ =	shalt  }
0x71: {  	_ =	shalt  }
0x72: {  	_ =	shalt  }
0x73: {  	_ =	shalt  }
0x74: {  	_ =	shalt  }
0x75: {  	_ =	shalt  }
0x76: {  	_ =	shalt  }
0x77: {  	_ =	shalt  }
0x78: {  	_ =	shalt  }
0x79: {  	_ =	shalt  }
0x7a: {  	_ =	shalt  }
0x7b: {  	_ =	shalt  }
0x7c: {  	_ =	shalt  }
0x7d: {  	_ =	shalt  }
0x7e: {  	_ =	shalt  }
0x7f: {  	_ =	shalt  }
0x80: {  	_ =	shalt  }
0x81: {  	_ =	shalt  }
0x82: {  	_ =	shalt  }
0x83: {  	_ =	shalt  }
0x84: {  	_ =	shalt  }
0x85: {  	_ =	shalt  }
0x86: {  	_ =	shalt  }
0x87: {  	_ =	shalt  }
.Lfunc_end0:
.L_simem_size_0:
called_computation.2_lowered:
.L_overlay_start_0:
0x88: {  	s2 =	sld [smem:$0x3FD9]  }
0x89: {  	s3 =	sld [smem:$0x3FFE];
	_ =	sdelay $0x1  }
0x8a: {  	s1 =	srdreg.scid  }
0x8b: {  	s0 =	sand.u32 $0x1, s1  }
0x8c: {  	s16 =	sshll.u32 s0, $0xA;
	s2 =	sadd.s32 s3, s2  }
0x8d: {  	s2 =	sadd.s32 s2, s16  }
0x8e: {  	[smem:$0x3F97] =	sst s2  }
0x8f: {  	_ = 	snop  }
0x90: {  	(tm) =	ssettm $0x1  }
0x91: {  	s17 =	sld [smem:$0x3FFB];
	_ =	sdelay $0x3  }
0x92: {  	_ =	strace s17  }
0x93: {  	s2 =	sld [smem:$0x3FFC];
	_ =	sdelay $0x3  }
0x94: {  	_ =	strace s2  }
0x95: {  	s2 =	sld [smem:$0x3FFD];
	_ =	sdelay $0x3  }
0x96: {  	_ =	strace s2  }
0x97: {  	_ =	strace $0x8FFFFFFF  }
0x98: {  	s18 =	sld [smem:$0x3FDB];
	_ =	sdelay $0x1  }
0x99: {  	s19 =	simm.s32 $_scs_section_size  }
0x9a: {  	s4 =	simm.s32 $_size__tile_overlayer_lowered;
	s5 =	simm.s32 $_tile_overlayer_lowered  }
0x9b: {  	s22 =	simm.s32 $0x1BFF;
	s21 =	sshll.u32 s5, $0x1;
	s2 =	sadd.s32 s19, s18  }
0x9c: {  	s6 =	simm.s32 $0x0;
	s20 =	sshll.u32 s4, $0x1;
	s4 =	sadd.s32 s21, s2  }
0x9d: {  	[timem:s6], [sflag:s22] =	dma.local [hbm:s4], s20  }
0x9e: {  	_ =	swait.ge [sflag:s22], s20  }
0x9f: {  	s3 =	ssub.s32 $0x0, s20;
	[sflag:s22] =	ssyncset.done $0x0  }
0xa0: {  	[sflag:s22] =	ssyncadd.s32 s3;
	_ =	sdelay $0x1  }
0xa1: {  	s23 =	simm.s32 $0x1B8B  }
0xa2: {  	_ =	swait.ge [sflag:s23], $0x1  }
0xa3: {  	[sflag:s23] =	ssyncset.done $0x0  }
0xa4: {  	s25 =	simm.s32 $0x1B8E;
	s24 =	sld [smem:$0x3FFE];
	[sflag:s23] =	ssyncadd.s32 $0xFFFFFFFF  }
0xa5: {  	s26 =	simm.s32 $execute0_lowered;
	[smem:$0x3FD2] =	sst s25  }
0xa6: {  	s4 =	sshll.u32 s26, $0x1;
	_ =	strace $0x80000061;
	[dreg:$0x1] =	wrdreg $0xFFFFFFFF  }
0xa7: {  	s28 =	simm.s32 $_size_execute0_lowered;
	s2 =	sadd.s32 s2, s4;
	[dreg:$0x0] =	wrdreg $0x0  }
0xa8: {  	s4 =	sshll.u32 s28, $0x1;
	[dreg:$0x2] =	wrdreg s2  }
0xa9: {  	[dreg:$0x3] =	wrdreg s4  }
0xaa: {  	[dreg:$0x4] =	wrdreg $0xC0  }
0xab: {  	_ =	task [dreg:s6], $0x5FFFF  }
0xac: {  	[dreg:$0x1] =	wrdreg $0xFFFFFFFF  }
0xad: {  	[dreg:$0x0] =	wrdreg $0x60  }
0xae: {  	[dreg:$0x2] =	wrdreg s24  }
0xaf: {  	[dreg:$0x3] =	wrdreg $0xA  }
0xb0: {  	_ =	task.clear_ibuf [dreg:s6], $0x4FFFF;
	_ =	strace $0x90000061  }
0xb1: {  	s29 =	simm.s32 $0xA;
	_ =	strace $0x80000063  }
0xb2: {  	_ =	swait.ge [sflag:s29], $0x1  }
0xb3: {  	[sflag:s29] =	ssyncadd.s32 $0xFFFFFFFF  }
0xb4: {  	_ =	strace $0x90000063  }
0xb5: {  	_ =	sfence  }
0xb6: {  	s30 =	sld [smem:$0x0];
	_ =	sdelay $0x2  }
0xb7: {  	s31 =	sshll.u32 s1, $0xD;
	s1 =	sshrl.u32 s1, $0x2  }
0xb8: {  	s3 =	sand.u32 $0x4000, s31;
	s1 =	sadd.s32 s1, s30  }
0xb9: {  	s0 =	sor.u32 s3, s0;
	s1 =	sshll.u32 s1, $0x11  }
0xba: {  	s0 =	sor.u32 s1, s0  }
0xbb: {  	s0 =	sadd.s32 $0x8F2B, s0  }
0xbc: {  	[sflag:s0] =	ssyncadd.remote.s32 $0x1  }
0xbd: {  	_ =	sfence.sel $0xFFFF  }
0xbe: {  	[dreg:$0x0] =	wrdreg $0xFFFFFFFF;
	(pc) =	sbr.abs _section_cstart, $3  }
0xbf: {  	[dreg:$0x1] =	wrdreg $0xFFFFFFFF  }
0xc0: {  	_ =	task.clear_ibuf [dreg:s6], $0x2FFFF;
	_ =	strace $0x9FFFFFFF  }
0xc1: {  	(tm) =	ssettm $0x7FFFFFFF  }
tec
execute0_lowered:
.L_overlay_start_1:
0x0: {  	(tag) =	ssettag $0x1  }
0x1: {  	s1 =	srdreg.scid  }
0x2: {  	s0 =	stileid.u32;
	s8 =	rddreg [dreg:$0x0];
	s5 =	simm.s32 $0x1  }
0x3: {  	s9 =	simm.s32 $0x1;
	s10 =	simm.s32 $0x3;
	s1 =	sshll.u32 s1, $0x5  }
0x4: {  	s13 =	simm.s32 $0x0;
	s2 =	sshll.u32 s0, $0x6;
	s3 =	sand.u32 $0x20, s1  }
0x5: {  	s12 =	simm.s32 $0x0;
	s4 =	sadd.s32 $0x4A600, s8;
	s2 =	sor.u32 s2, s3  }
0x6: {  	s1 =	rddreg [dreg:$0x1];
	_ =	strace $0x80000062;
	s7 =	ssub.s32 $0x800, s2  }
.Ltmp0:
0x7: {  	s3 =	sadd.s32 $0x14B000, s8;
	s6 =	sand.u32 $0x3E0, s7;
	(pc) =	sbr.rel .LBB2_1-.Ltmp0, $4  }
0x8: {  	[sflag:s5] =	ssyncpa.u1 $0x0;
	s8 =	sadd.s32 $0x4AA00, s8;
	p0 =	sne.s32 s6, $0x0  }
0x9: {  	s7 =	sshrl.u32 s7, $0xA;
	s6 =	simm.s32 $0x2;
	s9 =	simm.s32 @!p0 $0x0  }
0xa: {  	s11 =	smov.u32 s2;
	[sflag:s6] =	ssyncpa.u1 $0x0;
	s7 =	sadd.s32 s9, s7  }
0xb: {  	vm0 =	vmmov $0xffff;
	[sflag:s10] =	ssyncpa.u1 $0x0;
	s10 =	simm.s32 $0x0;
	s9 =	sadd.s32 $0x1, s7  }
.LBB2_5:
0xc: {  	s15 =	sadd.s32 $0x400, s11  }
0xd: {  	p1 =	sgt.s32 s15, $0x7FF  }
0xe: {  	s15 =	smov.u32 @p1 s2;
	p1 =	sne.s32 s12, s9  }
.Ltmp1:
0xf: {  	p0 =	slt.u32 s12, $0x2;
	(pc) =	sbr.rel @!p1 .LBB2_6-.Ltmp1, $4  }
0x10: {  	s14 =	simm.s32 @!p0 $0x3  }
0x11: {  	_ =	swait.ge @!p0 [sflag:s14], $0x20  }
0x12: {  	s16 =	sadd.s32 $0x1, s12;
	s13 =	smov.u32 s11;
	[sflag:s14] =	ssyncset.done @!p0 $0x0  }
0x13: {  	s12 =	smov.u32 s16;
	s11 =	smov.u32 s15;
	[sflag:s14] =	ssyncadd.s32 @!p0 $0xFFFFFFE0  }
.LBB2_1:
0x14: {  	p0 =	sge.u32 s12, s7  }
0x15: {  	s14 =	sxor.u32 @!p0 $0xFFFFFFFF, s12  }
0x16: {  	s31 =	sadd.s32 $0xFFFFFFFF, s12;
	s15 =	sshrl.u32 @!p0 s11, $0x3;
	s14 =	sshll.u32 @!p0 s14, $0x5  }
0x17: {  	s16 =	sand.u32 @!p0 $0x7, s11;
	s15 =	sadd.s32 @!p0 s4, s15;
	s14 =	sand.u32 @!p0 $0x20, s14  }
0x18: {  	[tilespmem:s14], [sflag:$0x2] =	stream.linear.gather @!p0 [hbm4b:s15+s16], $0x20, $0x38;
	[tilespmem:$0x80] =	vst v63  }
0x19: {  	p0 =	sge.u32 s31, s7  }
.Ltmp2:
0x1a: {  	_ = 	snop;
	(pc) =	sbr.rel @p0 .LBB2_5-.Ltmp2, $1  }
0x1b: {  	_ =	sdelay $0x3  }
0x1c: {  	_ =	swait.ge [sflag:s6], $0x20;
	s14 =	sshll.u32 s12, $0x5;
	s16 =	simm.s32 $0x0  }
0x1d: {  	p0 =	por $0x1, $0x1;
	[sflag:s6] =	ssyncset.done $0x0;
	s15 =	sand.u32 $0x20, s14  }
0x1e: {  	[sflag:s6] =	ssyncadd.s32 $0xFFFFFFE0;
	(ifvalue) =	ssetifvalue $0x7FFFFFFF;
	s14 =	sor.u32 $0x40, s15  }
.LBB2_3:
0x1f: {  	s17 =	sadd.s32 s16, s15  }
0x20: {  	v0 =	vld.msk [tilespmem:s17+$0x0 ss:$0x1], $0xffff;
	_ =	sdelay $0x4  }
0x21: {  	vm1 =	veq.s32 v0, $0x80000000;
	v1 =	vshrl.u32 v0, $0x1;
	v2 =	vshrl.u32 v0, $0xB  }
0x22: {  	v0 =	vshll.u32 v0, $0x14;
	v1 =	vand.u32 $0x3FF, v1;
	v2 =	vand.u32 $0x3FF, v2  }
0x23: {  	v0 =	vand.u32 $0x100000, v0;
	v1 =	vsel vm1, $0xFFFFFFFF, v1;
	v2 =	vsel vm1, $0xFFFFFFFF, v2  }
0x24: {  	v0 =	vsel vm1, $0xFFF00000, v0;
	v3 =	vand.u32 $0x7F, v1;
	v4 =	vshll.u32 v2, $0xA  }
0x25: {  	v1 =	vshll.u32 v1, $0x3;
	v4 =	vand.u32 $0xFFFFE000, v4;
	v0 =	vor.u32 v0, v3  }
0x26: {  	v2 =	vshll.u32 v2, $0x7;
	v1 =	vand.u32 $0xFFFFFC00, v1;
	v0 =	vadd.s32 v4, v0  }
0x27: {  	v2 =	vand.u32 $0x380, v2;
	v0 =	vadd.s32 v1, v0  }
0x28: {  	p1 =	por p0, p0;
	v0 =	vor.u32 v2, v0  }
.Ltmp3:
0x29: {  	_ = 	snop;
	(pc) =	sbr.rel @p1 .LBB2_3-.Ltmp3, $4  }
0x2a: {  	_ = 	snop  }
0x2b: {  	s31 =	sadd.s32 s16, s14  }
0x2c: {  	s16 =	simm.s32 $0x10;
	p0 =	por $0x0, $0x0;
	(ifvalue) =	ssetifvalue $0x7FFFFFFF  }
0x2d: {  	[tilespmem:s31], [sflag:$0x1] =	stream.indirect_vreg.gather [hbm4b:s3+s10], $0x1, v0, vm0, $0x4038;
	[tilespmem:$0x80] =	vst v63  }
.Ltmp4:
0x2e: {  	(pc) =	sbr.rel .LBB2_5-.Ltmp4, $4  }
0x2f: {  	_ =	swait.ge [sflag:s5], $0x20  }
0x30: {  	s15 =	sshrl.u32 s13, $0x3;
	[sflag:s5] =	ssyncset.done $0x0  }
0x31: {  	s31 =	sand.u32 $0x7, s13;
	s15 =	sadd.s32 s8, s15;
	[sflag:s5] =	ssyncadd.s32 $0xFFFFFFE0  }
0x32: {  	[hbm4b:s15+s31] =	stream.linear.scatter [tilespmem:s14], [sflag:$0x3], $0x20, $0x38;
	[tilespmem:$0x80] =	vst v63  }
.LBB2_6:
0x33: {  	_ =	sfence.sel $0x180000  }
0x34: {  	s2 =	simm.s32 $0x2;
	[bflag:$0x0] =	sbarrier.arrive $0xFFFF  }
0x35: {  	s30 =	simm.s32 $0x3;
	[sflag:s2] =	ssyncpa.u1 $0x1  }
0x36: {  	s31 =	simm.s32 $0x1;
	[sflag:s30] =	ssyncpa.u1 $0x1  }
0x37: {  	[sflag:s31] =	ssyncpa.u1 $0x1  }
0x38: {  	p0 =	sne.s32 s0, $0x0;
	_ =	strace $0x90000062  }
0x39: {  	s0 =	sadd.s32 @!p0 $0x100000, s1;
	[bflag:$0x2] =	sbarrier.arrive $0xFFFF  }
0x3a: {  	[sflag:s0] =	ssyncadd.tile.s32 @!p0 $0x1;
	_ =	shalt  }
.Lfunc_end2:
_tile_overlayer_lowered:
.L_overlay_start_2:
0x3b: {  	(tag) =	ssettag $0x2  }
0x3c: {  	s0 =	rddreg [dreg:$0x0];
	s2 =	stileid.u32  }
0x3d: {  	s1 =	rddreg [dreg:$0x1];
	p0 =	sne.s32 s2, $0x0  }
0x3e: {  	s3 =	rddreg [dreg:$0x2];
	[bflag:$0x3] =	sbarrier.arrive $0xFFFF;
	s2 =	simm.s32 @!p0 $0x1C01  }
0x3f: {  	[timem:s3], [sflag:s2] =	dma.local @!p0 [hbm:s0], s1  }
0x40: {  	s0 =	simm.s32 @!p0 $0x1  }
0x41: {  	_ =	swait.ge @!p0 [sflag:s0], s1  }
0x42: {  	s1 =	ssub.s32 @!p0 $0x0, s1;
	[sflag:s0] =	ssyncset.done @!p0 $0x0  }
0x43: {  	[sflag:s0] =	ssyncadd.s32 @!p0 s1  }
0x44: {  	[bflag:$0x3] =	sbarrier.arrive $0xFFFF  }
0x45: {  	_ =	shalt  }

// kernel: gather_offload_async_start.2
scs
__scs_entry_jumppad:
0x0: {  	(pc) =	sbr.rel $0x88, $3  }
0x1: {  	(tag) =	ssettag $0x0;
	lr =	simm.s32 $0x1  }
0x2: {  	[smem:$0x3F70] =	sst lr;
	_ =	strace $0xD0000000  }
0x3: {  	_ = 	snop  }
0x4: {  	_ = 	snop  }
0x5: {  	_ = 	snop  }
0x6: {  	_ = 	snop  }
0x7: {  	_ = 	snop  }
__scs_overlays_trampoline_lowered:
0x8: {  	[smem:$0x3F7F] =	sst s0  }
0x9: {  	[smem:$0x3F80] =	sst s1  }
0xa: {  	[smem:$0x3F81] =	sst s2  }
0xb: {  	[smem:$0x3F82] =	sst s3  }
0xc: {  	[smem:$0x3F83] =	sst s4  }
0xd: {  	[smem:$0x3F84] =	sst s5  }
0xe: {  	[smem:$0x3F85] =	sst s6  }
0xf: {  	[smem:$0x3F86] =	sst s7  }
0x10: {  	[smem:$0x3F87] =	sst s8  }
0x11: {  	[smem:$0x3F88] =	sst s9;
	s0 =	simm.s32 @!p0 $0x0  }
0x12: {  	s1 =	sld [smem:$0x3F6E];
	s0 =	simm.s32 @p0 $0x1  }
0x13: {  	[smem:$0x3F89] =	sst s0;
	s0 =	simm.s32 @!p1 $0x0  }
0x14: {  	s2 =	sld [smem:$0x3F6D];
	s0 =	simm.s32 @p1 $0x1  }
0x15: {  	[smem:$0x3F8A] =	sst s0;
	s0 =	simm.s32 @!p2 $0x0  }
0x16: {  	s3 =	sld [smem:$0x3FDB];
	s0 =	simm.s32 @p2 $0x1  }
0x17: {  	s4 =	simm.s32 $0x1BF5;
	[smem:$0x3F8C] =	sst s0  }
0x18: {  	s0 =	sld [smem:$0x3F6F];
	_ =	swait.ge [sflag:s4], $0x0  }
0x19: {  	s7 =	sld [smem:$0x3F70]  }
0x1a: {  	s8 =	sadd.s32 $0xFFFFE003, lr  }
0x1b: {  	s9 =	sadd.s32 $0xFFFFFEF7, lr;
	s5 =	simm.s32 $0xFFFFFFFF;
	p2 =	slt.u32 s8, $0xFFFFF086  }
0x1c: {  	p1 =	slt.u32 s9, $0xF7A;
	s5 =	simm.s32 @!p2 $0x0  }
0x1d: {  	s5 =	simm.s32 @p1 $0x1;
	p0 =	seq.s32 s7, s2  }
0x1e: {  	s7 =	smul.u32 @!p0 $0xF7A, s2;
	p2 =	seq.s32 @!p0 s5, $0x0  }
0x1f: {  	s9 =	smul.u32 $0xF7A, s1;
	s8 =	simm.s32 @!p0 $0x1BF5;
	p2 =	por !p2, p0  }
0x20: {  	[sflag:s8] =	ssyncset.s32 @!p0 $0xFFFFF086;
	s6 =	sadd.s32 @!p0 s3, s7;
	s7 =	simm.s32 @!p0 $0x108  }
0x21: {  	s3 =	sadd.s32 s3, s9;
	s6 =	sadd.s32 @!p0 $0x88, s6;
	s7 =	simm.s32 @p2 $0x1082  }
0x22: {  	[simem:s7], [sflag:s8] =	dma.local @!p0 [hbm:s6], $0xF7A  }
0x23: {  	s9 =	sor.u32 $0xD0000000, s2;
	s6 =	simm.s32 $0x108;
	_ =	swait.ge @!p0 [sflag:s8], $0x0  }
0x24: {  	s3 =	sadd.s32 $0x88, s3;
	s6 =	simm.s32 @!p1 $0x1082;
	[sflag:s4] =	ssyncset.s32 $0xFFFFF086  }
0x25: {  	[simem:s6], [sflag:s4] =	dma.local [hbm:s3], $0xF7A  }
0x26: {  	[smem:$0x3F70] =	sst s1;
	(tag) =	ssettag s2;
	_ =	strace s9  }
0x27: {  	s1 =	sld [smem:$0x3F80]  }
0x28: {  	s2 =	sld [smem:$0x3F81]  }
0x29: {  	s4 =	sld [smem:$0x3F83]  }
0x2a: {  	p0 =	seq.s32 s5, $0x0;
	s5 =	sld [smem:$0x3F84]  }
0x2b: {  	s6 =	sld [smem:$0x3F85]  }
0x2c: {  	s7 =	sld [smem:$0x3F86]  }
0x2d: {  	s3 =	simm.s32 $0x108;
	s8 =	sld [smem:$0x3F87]  }
0x2e: {  	s3 =	simm.s32 @!p0 $0x1082;
	s9 =	sld [smem:$0x3F88]  }
0x2f: {  	lr =	sadd.s32 s0, s3;
	s0 =	sld [smem:$0x3F7F]  }
0x30: {  	s3 =	sld [smem:$0x3F82]  }
0x31: {  	[smem:$0x3F8B] =	sst s10  }
0x32: {  	s10 =	sld [smem:$0x3F89];
	_ =	sdelay $0x3  }
0x33: {  	p0 =	seq.s32 s10, $0x1;
	s10 =	sld [smem:$0x3F8B];
	_ =	sdelay $0x3  }
0x34: {  	[smem:$0x3F8B] =	sst s10  }
0x35: {  	s10 =	sld [smem:$0x3F8A];
	_ =	sdelay $0x3  }
0x36: {  	p1 =	seq.s32 s10, $0x1;
	s10 =	sld [smem:$0x3F8B];
	_ =	sdelay $0x3  }
0x37: {  	[smem:$0x3F8B] =	sst s10  }
0x38: {  	s10 =	sld [smem:$0x3F8C]  }
0x39: {  	_ = 	snop;
	(pc) =	sbr.ind lr, $3  }
0x3a: {  	_ = 	snop  }
0x3b: {  	_ = 	snop  }
0x3c: {  	p2 =	seq.s32 s10, $0x1;
	s10 =	sld [smem:$0x3F8B]  }
0x3d: {  	_ =	shalt  }
0x3e: {  	_ =	shalt  }
0x3f: {  	_ =	shalt  }
0x40: {  	_ =	shalt  }
0x41: {  	_ =	shalt  }
0x42: {  	_ =	shalt  }
0x43: {  	_ =	shalt  }
0x44: {  	_ =	shalt  }
0x45: {  	_ =	shalt  }
0x46: {  	_ =	shalt  }
0x47: {  	_ =	shalt  }
0x48: {  	_ =	shalt  }
0x49: {  	_ =	shalt  }
0x4a: {  	_ =	shalt  }
0x4b: {  	_ =	shalt  }
0x4c: {  	_ =	shalt  }
0x4d: {  	_ =	shalt  }
0x4e: {  	_ =	shalt  }
0x4f: {  	_ =	shalt  }
0x50: {  	_ =	shalt  }
0x51: {  	_ =	shalt  }
0x52: {  	_ =	shalt  }
0x53: {  	_ =	shalt  }
0x54: {  	_ =	shalt  }
0x55: {  	_ =	shalt  }
0x56: {  	_ =	shalt  }
0x57: {  	_ =	shalt  }
0x58: {  	_ =	shalt  }
0x59: {  	_ =	shalt  }
0x5a: {  	_ =	shalt  }
0x5b: {  	_ =	shalt  }
0x5c: {  	_ =	shalt  }
0x5d: {  	_ =	shalt  }
0x5e: {  	_ =	shalt  }
0x5f: {  	_ =	shalt  }
0x60: {  	_ =	shalt  }
0x61: {  	_ =	shalt  }
0x62: {  	_ =	shalt  }
0x63: {  	_ =	shalt  }
0x64: {  	_ =	shalt  }
0x65: {  	_ =	shalt  }
0x66: {  	_ =	shalt  }
0x67: {  	_ =	shalt  }
0x68: {  	_ =	shalt  }
0x69: {  	_ =	shalt  }
0x6a: {  	_ =	shalt  }
0x6b: {  	_ =	shalt  }
0x6c: {  	_ =	shalt  }
0x6d: {  	_ =	shalt  }
0x6e: {  	_ =	shalt  }
0x6f: {  	_ =	shalt  }
0x70: {  	_ =	shalt  }
0x71: {  	_ =	shalt  }
0x72: {  	_ =	shalt  }
0x73: {  	_ =	shalt  }
0x74: {  	_ =	shalt  }
0x75: {  	_ =	shalt  }
0x76: {  	_ =	shalt  }
0x77: {  	_ =	shalt  }
0x78: {  	_ =	shalt  }
0x79: {  	_ =	shalt  }
0x7a: {  	_ =	shalt  }
0x7b: {  	_ =	shalt  }
0x7c: {  	_ =	shalt  }
0x7d: {  	_ =	shalt  }
0x7e: {  	_ =	shalt  }
0x7f: {  	_ =	shalt  }
0x80: {  	_ =	shalt  }
0x81: {  	_ =	shalt  }
0x82: {  	_ =	shalt  }
0x83: {  	_ =	shalt  }
0x84: {  	_ =	shalt  }
0x85: {  	_ =	shalt  }
0x86: {  	_ =	shalt  }
0x87: {  	_ =	shalt  }
.Lfunc_end0:
.L_simem_size_0:
called_computation.3_lowered:
.L_overlay_start_0:
0x88: {  	s2 =	sld [smem:$0x3FD9]  }
0x89: {  	s3 =	sld [smem:$0x3FFE];
	_ =	sdelay $0x1  }
0x8a: {  	s1 =	srdreg.scid  }
0x8b: {  	s0 =	sand.u32 $0x1, s1  }
0x8c: {  	s17 =	sshll.u32 s0, $0xA;
	s2 =	sadd.s32 s3, s2  }
0x8d: {  	s2 =	sadd.s32 s2, s17  }
0x8e: {  	[smem:$0x3F97] =	sst s2  }
0x8f: {  	_ = 	snop  }
0x90: {  	(tm) =	ssettm $0x1  }
0x91: {  	s18 =	sld [smem:$0x3FFB];
	_ =	sdelay $0x3  }
0x92: {  	_ =	strace s18  }
0x93: {  	s2 =	sld [smem:$0x3FFC];
	_ =	sdelay $0x3  }
0x94: {  	_ =	strace s2  }
0x95: {  	s2 =	sld [smem:$0x3FFD];
	_ =	sdelay $0x3  }
0x96: {  	_ =	strace s2  }
0x97: {  	_ =	strace $0x8FFFFFFF  }
0x98: {  	s19 =	sld [smem:$0x3FDB];
	_ =	sdelay $0x1  }
0x99: {  	s20 =	simm.s32 $_scs_section_size  }
0x9a: {  	s4 =	simm.s32 $_size__tile_overlayer_lowered;
	s5 =	simm.s32 $_tile_overlayer_lowered  }
0x9b: {  	s6 =	simm.s32 $0x1BFF;
	s21 =	sshll.u32 s5, $0x1;
	s3 =	sadd.s32 s20, s19  }
0x9c: {  	s22 =	simm.s32 $0x0;
	s4 =	sshll.u32 s4, $0x1;
	s5 =	sadd.s32 s21, s3  }
0x9d: {  	[timem:s22], [sflag:s6] =	dma.local [hbm:s5], s4  }
0x9e: {  	_ =	swait.ge [sflag:s6], s4  }
0x9f: {  	s4 =	ssub.s32 $0x0, s4;
	[sflag:s6] =	ssyncset.done $0x0  }
0xa0: {  	[sflag:s6] =	ssyncadd.s32 s4;
	_ =	sdelay $0x1  }
0xa1: {  	s23 =	simm.s32 $0x1B8B  }
0xa2: {  	_ =	swait.ge [sflag:s23], $0x1  }
0xa3: {  	[sflag:s23] =	ssyncset.done $0x0  }
0xa4: {  	[sflag:s23] =	ssyncadd.s32 $0xFFFFFFFF  }
0xa5: {  	s4 =	sld [smem:$0x0]  }
0xa6: {  	s5 =	sand.u32 $0xFFFFFFFE, s1  }
0xa7: {  	p0 =	sne.s32 s1, s5  }
0xa8: {  	s5 =	sshll.u32 @p0 s5, $0xE  }
0xa9: {  	s5 =	sadd.s32 @p0 $0x11B8D, s5;
	s6 =	sshll.u32 @p0 s4, $0x11  }
0xaa: {  	s5 =	sor.u32 @p0 s6, s5  }
0xab: {  	[sflag:s5] =	ssyncadd.remote.s32 @p0 $0x1;
	_ =	sdelay $0x1  }
0xac: {  	s5 =	simm.s32 @p0 $0x1B8D  }
0xad: {  	_ =	swait.eq @p0 [sflag:s5], $0x1  }
0xae: {  	[sflag:s5] =	ssyncadd.s32 @p0 $0xFFFFFFFF  }
0xaf: {  	s6 =	sshll.u32 @!p0 s1, $0xE  }
0xb0: {  	s6 =	sor.u32 @!p0 $0x4000, s6;
	s5 =	simm.s32 @!p0 $0x1B8D  }
0xb1: {  	s4 =	sshll.u32 @!p0 s4, $0x11;
	s6 =	sadd.s32 @!p0 $0x11B8D, s6;
	_ =	swait.eq @!p0 [sflag:s5], $0x1  }
0xb2: {  	s4 =	sor.u32 @!p0 s4, s6;
	[sflag:s5] =	ssyncadd.s32 @!p0 $0xFFFFFFFF  }
0xb3: {  	s25 =	simm.s32 $0x1B8E;
	s24 =	sld [smem:$0x3FFE];
	[sflag:s4] =	ssyncadd.remote.s32 @!p0 $0x1  }
0xb4: {  	s26 =	simm.s32 $execute0_lowered;
	[smem:$0x3FD2] =	sst s25  }
0xb5: {  	s5 =	sshll.u32 s26, $0x1;
	_ =	strace $0x80000064;
	[dreg:$0x1] =	wrdreg $0xFFFFFFFF  }
0xb6: {  	s28 =	simm.s32 $_size_execute0_lowered;
	s3 =	sadd.s32 s3, s5;
	[dreg:$0x0] =	wrdreg $0x0  }
0xb7: {  	s5 =	sshll.u32 s28, $0x1;
	[dreg:$0x2] =	wrdreg s3  }
0xb8: {  	[dreg:$0x3] =	wrdreg s5  }
0xb9: {  	[dreg:$0x4] =	wrdreg $0xC0  }
0xba: {  	_ =	task [dreg:s22], $0x5FFFF  }
0xbb: {  	[dreg:$0x1] =	wrdreg $0xFFFFFFFF  }
0xbc: {  	[dreg:$0x0] =	wrdreg $0x60  }
0xbd: {  	[dreg:$0x2] =	wrdreg s24  }
0xbe: {  	[dreg:$0x3] =	wrdreg $0xB  }
0xbf: {  	_ =	task.clear_ibuf [dreg:s22], $0x4FFFF;
	_ =	strace $0x90000064  }
0xc0: {  	s29 =	simm.s32 $0xB;
	_ =	strace $0x80000066  }
0xc1: {  	_ =	swait.ge [sflag:s29], $0x1  }
0xc2: {  	[sflag:s29] =	ssyncadd.s32 $0xFFFFFFFF  }
0xc3: {  	_ =	strace $0x90000066  }
0xc4: {  	_ =	sfence  }
0xc5: {  	s30 =	sld [smem:$0x0];
	_ =	sdelay $0x2  }
0xc6: {  	s31 =	sshll.u32 s1, $0xD;
	s1 =	sshrl.u32 s1, $0x2  }
0xc7: {  	s4 =	sand.u32 $0x4000, s31;
	s1 =	sadd.s32 s1, s30  }
0xc8: {  	s0 =	sor.u32 s4, s0;
	s1 =	sshll.u32 s1, $0x11  }
0xc9: {  	s0 =	sor.u32 s1, s0  }
0xca: {  	s0 =	sadd.s32 $0x8F2B, s0  }
0xcb: {  	[sflag:s0] =	ssyncadd.remote.s32 $0x1  }
0xcc: {  	_ =	sfence.sel $0xFFFF  }
0xcd: {  	[dreg:$0x0] =	wrdreg $0xFFFFFFFF;
	(pc) =	sbr.abs _section_cstart, $3  }
0xce: {  	[dreg:$0x1] =	wrdreg $0xFFFFFFFF  }
0xcf: {  	_ =	task.clear_ibuf [dreg:s22], $0x2FFFF;
	_ =	strace $0x9FFFFFFF  }
0xd0: {  	(tm) =	ssettm $0x7FFFFFFF  }
0xd1: {  	_ =	shalt  }
tec
execute0_lowered:
.L_overlay_start_1:
0x0: {  	(tag) =	ssettag $0x1  }
0x1: {  	s1 =	srdreg.scid  }
0x2: {  	s0 =	stileid.u32;
	s8 =	rddreg [dreg:$0x0];
	s5 =	simm.s32 $0x1  }
0x3: {  	s9 =	simm.s32 $0x1;
	s10 =	simm.s32 $0x3;
	s1 =	sshll.u32 s1, $0x5  }
0x4: {  	s13 =	simm.s32 $0x0;
	s2 =	sshll.u32 s0, $0x6;
	s3 =	sand.u32 $0x20, s1  }
0x5: {  	s12 =	simm.s32 $0x0;
	s4 =	sadd.s32 $0x3B200, s8;
	s2 =	sor.u32 s2, s3  }
0x6: {  	s1 =	rddreg [dreg:$0x1];
	_ =	strace $0x80000065;
	s7 =	ssub.s32 $0x800, s2  }
.Ltmp0:
0x7: {  	s3 =	sadd.s32 $0x18B000, s8;
	s6 =	sand.u32 $0x3E0, s7;
	(pc) =	sbr.rel .LBB2_1-.Ltmp0, $4  }
0x8: {  	[sflag:s5] =	ssyncpa.u1 $0x0;
	s8 =	sadd.s32 $0x41400, s8;
	p0 =	sne.s32 s6, $0x0  }
0x9: {  	s7 =	sshrl.u32 s7, $0xA;
	s6 =	simm.s32 $0x2;
	s9 =	simm.s32 @!p0 $0x0  }
0xa: {  	s11 =	smov.u32 s2;
	[sflag:s6] =	ssyncpa.u1 $0x0;
	s7 =	sadd.s32 s9, s7  }
0xb: {  	vm0 =	vmmov $0xffff;
	[sflag:s10] =	ssyncpa.u1 $0x0;
	s10 =	simm.s32 $0x0;
	s9 =	sadd.s32 $0x1, s7  }
.LBB2_5:
0xc: {  	s15 =	sadd.s32 $0x400, s11  }
0xd: {  	p1 =	sgt.s32 s15, $0x7FF  }
0xe: {  	s15 =	smov.u32 @p1 s2;
	p1 =	sne.s32 s12, s9  }
.Ltmp1:
0xf: {  	p0 =	slt.u32 s12, $0x2;
	(pc) =	sbr.rel @!p1 .LBB2_6-.Ltmp1, $4  }
0x10: {  	s14 =	simm.s32 @!p0 $0x3  }
0x11: {  	_ =	swait.ge @!p0 [sflag:s14], $0x20  }
0x12: {  	s16 =	sadd.s32 $0x1, s12;
	s13 =	smov.u32 s11;
	[sflag:s14] =	ssyncset.done @!p0 $0x0  }
0x13: {  	s12 =	smov.u32 s16;
	s11 =	smov.u32 s15;
	[sflag:s14] =	ssyncadd.s32 @!p0 $0xFFFFFFE0  }
.LBB2_1:
0x14: {  	p0 =	sge.u32 s12, s7  }
0x15: {  	s14 =	sxor.u32 @!p0 $0xFFFFFFFF, s12  }
0x16: {  	s31 =	sadd.s32 $0xFFFFFFFF, s12;
	s15 =	sshrl.u32 @!p0 s11, $0x3;
	s14 =	sshll.u32 @!p0 s14, $0x5  }
0x17: {  	s16 =	sand.u32 @!p0 $0x7, s11;
	s15 =	sadd.s32 @!p0 s4, s15;
	s14 =	sand.u32 @!p0 $0x20, s14  }
0x18: {  	[tilespmem:s14], [sflag:$0x2] =	stream.linear.gather @!p0 [hbm4b:s15+s16], $0x20, $0x38;
	[tilespmem:$0x80] =	vst v63  }
0x19: {  	p0 =	sge.u32 s31, s7  }
.Ltmp2:
0x1a: {  	_ = 	snop;
	(pc) =	sbr.rel @p0 .LBB2_5-.Ltmp2, $1  }
0x1b: {  	_ =	sdelay $0x3  }
0x1c: {  	_ =	swait.ge [sflag:s6], $0x20;
	s14 =	sshll.u32 s12, $0x5;
	s16 =	simm.s32 $0x0  }
0x1d: {  	p0 =	por $0x1, $0x1;
	[sflag:s6] =	ssyncset.done $0x0;
	s15 =	sand.u32 $0x20, s14  }
0x1e: {  	[sflag:s6] =	ssyncadd.s32 $0xFFFFFFE0;
	(ifvalue) =	ssetifvalue $0x7FFFFFFF;
	s14 =	sor.u32 $0x40, s15  }
.LBB2_3:
0x1f: {  	s17 =	sadd.s32 s16, s15  }
0x20: {  	v0 =	vld.msk [tilespmem:s17+$0x0 ss:$0x1], $0xffff;
	_ =	sdelay $0x4  }
0x21: {  	vm1 =	veq.s32 v0, $0x80000000;
	v1 =	vshrl.u32 v0, $0x1;
	v2 =	vshrl.u32 v0, $0xB  }
0x22: {  	v0 =	vshll.u32 v0, $0x14;
	v1 =	vand.u32 $0x3FF, v1;
	v2 =	vand.u32 $0x3FF, v2  }
0x23: {  	v0 =	vand.u32 $0x100000, v0;
	v1 =	vsel vm1, $0xFFFFFFFF, v1;
	v2 =	vsel vm1, $0xFFFFFFFF, v2  }
0x24: {  	v0 =	vsel vm1, $0xFFF00000, v0;
	v3 =	vand.u32 $0x7F, v1;
	v4 =	vshll.u32 v2, $0xA  }
0x25: {  	v1 =	vshll.u32 v1, $0x3;
	v4 =	vand.u32 $0xFFFFE000, v4;
	v0 =	vor.u32 v0, v3  }
0x26: {  	v2 =	vshll.u32 v2, $0x7;
	v1 =	vand.u32 $0xFFFFFC00, v1;
	v0 =	vadd.s32 v4, v0  }
0x27: {  	v2 =	vand.u32 $0x380, v2;
	v0 =	vadd.s32 v1, v0  }
0x28: {  	p1 =	por p0, p0;
	v0 =	vor.u32 v2, v0  }
.Ltmp3:
0x29: {  	_ = 	snop;
	(pc) =	sbr.rel @p1 .LBB2_3-.Ltmp3, $4  }
0x2a: {  	_ = 	snop  }
0x2b: {  	s31 =	sadd.s32 s16, s14  }
0x2c: {  	s16 =	simm.s32 $0x10;
	p0 =	por $0x0, $0x0;
	(ifvalue) =	ssetifvalue $0x7FFFFFFF  }
0x2d: {  	[tilespmem:s31], [sflag:$0x1] =	stream.indirect_vreg.gather [hbm4b:s3+s10], $0x1, v0, vm0, $0x4038;
	[tilespmem:$0x80] =	vst v63  }
.Ltmp4:
0x2e: {  	(pc) =	sbr.rel .LBB2_5-.Ltmp4, $4  }
0x2f: {  	_ =	swait.ge [sflag:s5], $0x20  }
0x30: {  	s15 =	sshrl.u32 s13, $0x3;
	[sflag:s5] =	ssyncset.done $0x0  }
0x31: {  	s31 =	sand.u32 $0x7, s13;
	s15 =	sadd.s32 s8, s15;
	[sflag:s5] =	ssyncadd.s32 $0xFFFFFFE0  }
0x32: {  	[hbm4b:s15+s31] =	stream.linear.scatter [tilespmem:s14], [sflag:$0x3], $0x20, $0x38;
	[tilespmem:$0x80] =	vst v63  }
.LBB2_6:
0x33: {  	_ =	sfence.sel $0x180000  }
0x34: {  	s2 =	simm.s32 $0x2;
	[bflag:$0x0] =	sbarrier.arrive $0xFFFF  }
0x35: {  	s30 =	simm.s32 $0x3;
	[sflag:s2] =	ssyncpa.u1 $0x1  }
0x36: {  	s31 =	simm.s32 $0x1;
	[sflag:s30] =	ssyncpa.u1 $0x1  }
0x37: {  	[sflag:s31] =	ssyncpa.u1 $0x1  }
0x38: {  	p0 =	sne.s32 s0, $0x0;
	_ =	strace $0x90000065  }
0x39: {  	s0 =	sadd.s32 @!p0 $0x100000, s1;
	[bflag:$0x2] =	sbarrier.arrive $0xFFFF  }
0x3a: {  	[sflag:s0] =	ssyncadd.tile.s32 @!p0 $0x1;
	_ =	shalt  }
.Lfunc_end2:
_tile_overlayer_lowered:
.L_overlay_start_2:
0x3b: {  	(tag) =	ssettag $0x2  }
0x3c: {  	s0 =	rddreg [dreg:$0x0];
	s2 =	stileid.u32  }
0x3d: {  	s1 =	rddreg [dreg:$0x1];
	p0 =	sne.s32 s2, $0x0  }
0x3e: {  	s3 =	rddreg [dreg:$0x2];
	[bflag:$0x3] =	sbarrier.arrive $0xFFFF;
	s2 =	simm.s32 @!p0 $0x1C01  }
0x3f: {  	[timem:s3], [sflag:s2] =	dma.local @!p0 [hbm:s0], s1  }
0x40: {  	s0 =	simm.s32 @!p0 $0x1  }
0x41: {  	_ =	swait.ge @!p0 [sflag:s0], s1  }
0x42: {  	s1 =	ssub.s32 @!p0 $0x0, s1;
	[sflag:s0] =	ssyncset.done @!p0 $0x0  }
0x43: {  	[sflag:s0] =	ssyncadd.s32 @!p0 s1  }
0x44: {  	[bflag:$0x3] =	sbarrier.arrive $0xFFFF  }
0x45: {  	_ =	shalt  }

// kernel: gather_offload_async_start.3
scs
__scs_entry_jumppad:
0x0: {  	(pc) =	sbr.rel $0x88, $3  }
0x1: {  	(tag) =	ssettag $0x0;
	lr =	simm.s32 $0x1  }
0x2: {  	[smem:$0x3F70] =	sst lr;
	_ =	strace $0xD0000000  }
0x3: {  	_ = 	snop  }
0x4: {  	_ = 	snop  }
0x5: {  	_ = 	snop  }
0x6: {  	_ = 	snop  }
0x7: {  	_ = 	snop  }
__scs_overlays_trampoline_lowered:
0x8: {  	[smem:$0x3F7F] =	sst s0  }
0x9: {  	[smem:$0x3F80] =	sst s1  }
0xa: {  	[smem:$0x3F81] =	sst s2  }
0xb: {  	[smem:$0x3F82] =	sst s3  }
0xc: {  	[smem:$0x3F83] =	sst s4  }
0xd: {  	[smem:$0x3F84] =	sst s5  }
0xe: {  	[smem:$0x3F85] =	sst s6  }
0xf: {  	[smem:$0x3F86] =	sst s7  }
0x10: {  	[smem:$0x3F87] =	sst s8  }
0x11: {  	[smem:$0x3F88] =	sst s9;
	s0 =	simm.s32 @!p0 $0x0  }
0x12: {  	s1 =	sld [smem:$0x3F6E];
	s0 =	simm.s32 @p0 $0x1  }
0x13: {  	[smem:$0x3F89] =	sst s0;
	s0 =	simm.s32 @!p1 $0x0  }
0x14: {  	s2 =	sld [smem:$0x3F6D];
	s0 =	simm.s32 @p1 $0x1  }
0x15: {  	[smem:$0x3F8A] =	sst s0;
	s0 =	simm.s32 @!p2 $0x0  }
0x16: {  	s3 =	sld [smem:$0x3FDB];
	s0 =	simm.s32 @p2 $0x1  }
0x17: {  	s4 =	simm.s32 $0x1BF5;
	[smem:$0x3F8C] =	sst s0  }
0x18: {  	s0 =	sld [smem:$0x3F6F];
	_ =	swait.ge [sflag:s4], $0x0  }
0x19: {  	s7 =	sld [smem:$0x3F70]  }
0x1a: {  	s8 =	sadd.s32 $0xFFFFE003, lr  }
0x1b: {  	s9 =	sadd.s32 $0xFFFFFEF7, lr;
	s5 =	simm.s32 $0xFFFFFFFF;
	p2 =	slt.u32 s8, $0xFFFFF086  }
0x1c: {  	p1 =	slt.u32 s9, $0xF7A;
	s5 =	simm.s32 @!p2 $0x0  }
0x1d: {  	s5 =	simm.s32 @p1 $0x1;
	p0 =	seq.s32 s7, s2  }
0x1e: {  	s7 =	smul.u32 @!p0 $0xF7A, s2;
	p2 =	seq.s32 @!p0 s5, $0x0  }
0x1f: {  	s9 =	smul.u32 $0xF7A, s1;
	s8 =	simm.s32 @!p0 $0x1BF5;
	p2 =	por !p2, p0  }
0x20: {  	[sflag:s8] =	ssyncset.s32 @!p0 $0xFFFFF086;
	s6 =	sadd.s32 @!p0 s3, s7;
	s7 =	simm.s32 @!p0 $0x108  }
0x21: {  	s3 =	sadd.s32 s3, s9;
	s6 =	sadd.s32 @!p0 $0x88, s6;
	s7 =	simm.s32 @p2 $0x1082  }
0x22: {  	[simem:s7], [sflag:s8] =	dma.local @!p0 [hbm:s6], $0xF7A  }
0x23: {  	s9 =	sor.u32 $0xD0000000, s2;
	s6 =	simm.s32 $0x108;
	_ =	swait.ge @!p0 [sflag:s8], $0x0  }
0x24: {  	s3 =	sadd.s32 $0x88, s3;
	s6 =	simm.s32 @!p1 $0x1082;
	[sflag:s4] =	ssyncset.s32 $0xFFFFF086  }
0x25: {  	[simem:s6], [sflag:s4] =	dma.local [hbm:s3], $0xF7A  }
0x26: {  	[smem:$0x3F70] =	sst s1;
	(tag) =	ssettag s2;
	_ =	strace s9  }
0x27: {  	s1 =	sld [smem:$0x3F80]  }
0x28: {  	s2 =	sld [smem:$0x3F81]  }
0x29: {  	s4 =	sld [smem:$0x3F83]  }
0x2a: {  	p0 =	seq.s32 s5, $0x0;
	s5 =	sld [smem:$0x3F84]  }
0x2b: {  	s6 =	sld [smem:$0x3F85]  }
0x2c: {  	s7 =	sld [smem:$0x3F86]  }
0x2d: {  	s3 =	simm.s32 $0x108;
	s8 =	sld [smem:$0x3F87]  }
0x2e: {  	s3 =	simm.s32 @!p0 $0x1082;
	s9 =	sld [smem:$0x3F88]  }
0x2f: {  	lr =	sadd.s32 s0, s3;
	s0 =	sld [smem:$0x3F7F]  }
0x30: {  	s3 =	sld [smem:$0x3F82]  }
0x31: {  	[smem:$0x3F8B] =	sst s10  }
0x32: {  	s10 =	sld [smem:$0x3F89];
	_ =	sdelay $0x3  }
0x33: {  	p0 =	seq.s32 s10, $0x1;
	s10 =	sld [smem:$0x3F8B];
	_ =	sdelay $0x3  }
0x34: {  	[smem:$0x3F8B] =	sst s10  }
0x35: {  	s10 =	sld [smem:$0x3F8A];
	_ =	sdelay $0x3  }
0x36: {  	p1 =	seq.s32 s10, $0x1;
	s10 =	sld [smem:$0x3F8B];
	_ =	sdelay $0x3  }
0x37: {  	[smem:$0x3F8B] =	sst s10  }
0x38: {  	s10 =	sld [smem:$0x3F8C]  }
0x39: {  	_ = 	snop;
	(pc) =	sbr.ind lr, $3  }
0x3a: {  	_ = 	snop  }
0x3b: {  	_ = 	snop  }
0x3c: {  	p2 =	seq.s32 s10, $0x1;
	s10 =	sld [smem:$0x3F8B]  }
0x3d: {  	_ =	shalt  }
0x3e: {  	_ =	shalt  }
0x3f: {  	_ =	shalt  }
0x40: {  	_ =	shalt  }
0x41: {  	_ =	shalt  }
0x42: {  	_ =	shalt  }
0x43: {  	_ =	shalt  }
0x44: {  	_ =	shalt  }
0x45: {  	_ =	shalt  }
0x46: {  	_ =	shalt  }
0x47: {  	_ =	shalt  }
0x48: {  	_ =	shalt  }
0x49: {  	_ =	shalt  }
0x4a: {  	_ =	shalt  }
0x4b: {  	_ =	shalt  }
0x4c: {  	_ =	shalt  }
0x4d: {  	_ =	shalt  }
0x4e: {  	_ =	shalt  }
0x4f: {  	_ =	shalt  }
0x50: {  	_ =	shalt  }
0x51: {  	_ =	shalt  }
0x52: {  	_ =	shalt  }
0x53: {  	_ =	shalt  }
0x54: {  	_ =	shalt  }
0x55: {  	_ =	shalt  }
0x56: {  	_ =	shalt  }
0x57: {  	_ =	shalt  }
0x58: {  	_ =	shalt  }
0x59: {  	_ =	shalt  }
0x5a: {  	_ =	shalt  }
0x5b: {  	_ =	shalt  }
0x5c: {  	_ =	shalt  }
0x5d: {  	_ =	shalt  }
0x5e: {  	_ =	shalt  }
0x5f: {  	_ =	shalt  }
0x60: {  	_ =	shalt  }
0x61: {  	_ =	shalt  }
0x62: {  	_ =	shalt  }
0x63: {  	_ =	shalt  }
0x64: {  	_ =	shalt  }
0x65: {  	_ =	shalt  }
0x66: {  	_ =	shalt  }
0x67: {  	_ =	shalt  }
0x68: {  	_ =	shalt  }
0x69: {  	_ =	shalt  }
0x6a: {  	_ =	shalt  }
0x6b: {  	_ =	shalt  }
0x6c: {  	_ =	shalt  }
0x6d: {  	_ =	shalt  }
0x6e: {  	_ =	shalt  }
0x6f: {  	_ =	shalt  }
0x70: {  	_ =	shalt  }
0x71: {  	_ =	shalt  }
0x72: {  	_ =	shalt  }
0x73: {  	_ =	shalt  }
0x74: {  	_ =	shalt  }
0x75: {  	_ =	shalt  }
0x76: {  	_ =	shalt  }
0x77: {  	_ =	shalt  }
0x78: {  	_ =	shalt  }
0x79: {  	_ =	shalt  }
0x7a: {  	_ =	shalt  }
0x7b: {  	_ =	shalt  }
0x7c: {  	_ =	shalt  }
0x7d: {  	_ =	shalt  }
0x7e: {  	_ =	shalt  }
0x7f: {  	_ =	shalt  }
0x80: {  	_ =	shalt  }
0x81: {  	_ =	shalt  }
0x82: {  	_ =	shalt  }
0x83: {  	_ =	shalt  }
0x84: {  	_ =	shalt  }
0x85: {  	_ =	shalt  }
0x86: {  	_ =	shalt  }
0x87: {  	_ =	shalt  }
.Lfunc_end0:
.L_simem_size_0:
called_computation.4_lowered:
.L_overlay_start_0:
0x88: {  	s2 =	sld [smem:$0x3FD9]  }
0x89: {  	s3 =	sld [smem:$0x3FFE];
	_ =	sdelay $0x1  }
0x8a: {  	s1 =	srdreg.scid  }
0x8b: {  	s0 =	sand.u32 $0x1, s1  }
0x8c: {  	s17 =	sshll.u32 s0, $0xA;
	s2 =	sadd.s32 s3, s2  }
0x8d: {  	s2 =	sadd.s32 s2, s17  }
0x8e: {  	[smem:$0x3F97] =	sst s2  }
0x8f: {  	_ = 	snop  }
0x90: {  	(tm) =	ssettm $0x1  }
0x91: {  	s18 =	sld [smem:$0x3FFB];
	_ =	sdelay $0x3  }
0x92: {  	_ =	strace s18  }
0x93: {  	s2 =	sld [smem:$0x3FFC];
	_ =	sdelay $0x3  }
0x94: {  	_ =	strace s2  }
0x95: {  	s2 =	sld [smem:$0x3FFD];
	_ =	sdelay $0x3  }
0x96: {  	_ =	strace s2  }
0x97: {  	_ =	strace $0x8FFFFFFF  }
0x98: {  	s19 =	sld [smem:$0x3FDB];
	_ =	sdelay $0x1  }
0x99: {  	s20 =	simm.s32 $_scs_section_size  }
0x9a: {  	s4 =	simm.s32 $_size__tile_overlayer_lowered;
	s5 =	simm.s32 $_tile_overlayer_lowered  }
0x9b: {  	s6 =	simm.s32 $0x1BFF;
	s21 =	sshll.u32 s5, $0x1;
	s3 =	sadd.s32 s20, s19  }
0x9c: {  	s22 =	simm.s32 $0x0;
	s4 =	sshll.u32 s4, $0x1;
	s5 =	sadd.s32 s21, s3  }
0x9d: {  	[timem:s22], [sflag:s6] =	dma.local [hbm:s5], s4  }
0x9e: {  	_ =	swait.ge [sflag:s6], s4  }
0x9f: {  	s4 =	ssub.s32 $0x0, s4;
	[sflag:s6] =	ssyncset.done $0x0  }
0xa0: {  	[sflag:s6] =	ssyncadd.s32 s4;
	_ =	sdelay $0x1  }
0xa1: {  	s23 =	simm.s32 $0x1B8B  }
0xa2: {  	_ =	swait.ge [sflag:s23], $0x1  }
0xa3: {  	[sflag:s23] =	ssyncset.done $0x0  }
0xa4: {  	[sflag:s23] =	ssyncadd.s32 $0xFFFFFFFF  }
0xa5: {  	s4 =	sld [smem:$0x0]  }
0xa6: {  	s5 =	sand.u32 $0xFFFFFFFE, s1  }
0xa7: {  	p0 =	sne.s32 s1, s5  }
0xa8: {  	s5 =	sshll.u32 @p0 s5, $0xE  }
0xa9: {  	s5 =	sadd.s32 @p0 $0x11B8D, s5;
	s6 =	sshll.u32 @p0 s4, $0x11  }
0xaa: {  	s5 =	sor.u32 @p0 s6, s5  }
0xab: {  	[sflag:s5] =	ssyncadd.remote.s32 @p0 $0x1;
	_ =	sdelay $0x1  }
0xac: {  	s5 =	simm.s32 @p0 $0x1B8D  }
0xad: {  	_ =	swait.eq @p0 [sflag:s5], $0x1  }
0xae: {  	[sflag:s5] =	ssyncadd.s32 @p0 $0xFFFFFFFF  }
0xaf: {  	s6 =	sshll.u32 @!p0 s1, $0xE  }
0xb0: {  	s6 =	sor.u32 @!p0 $0x4000, s6;
	s5 =	simm.s32 @!p0 $0x1B8D  }
0xb1: {  	s4 =	sshll.u32 @!p0 s4, $0x11;
	s6 =	sadd.s32 @!p0 $0x11B8D, s6;
	_ =	swait.eq @!p0 [sflag:s5], $0x1  }
0xb2: {  	s4 =	sor.u32 @!p0 s4, s6;
	[sflag:s5] =	ssyncadd.s32 @!p0 $0xFFFFFFFF  }
0xb3: {  	s25 =	simm.s32 $0x1B8E;
	s24 =	sld [smem:$0x3FFE];
	[sflag:s4] =	ssyncadd.remote.s32 @!p0 $0x1  }
0xb4: {  	s26 =	simm.s32 $execute0_lowered;
	[smem:$0x3FD2] =	sst s25  }
0xb5: {  	s5 =	sshll.u32 s26, $0x1;
	_ =	strace $0x80000067;
	[dreg:$0x1] =	wrdreg $0xFFFFFFFF  }
0xb6: {  	s28 =	simm.s32 $_size_execute0_lowered;
	s3 =	sadd.s32 s3, s5;
	[dreg:$0x0] =	wrdreg $0x0  }
0xb7: {  	s5 =	sshll.u32 s28, $0x1;
	[dreg:$0x2] =	wrdreg s3  }
0xb8: {  	[dreg:$0x3] =	wrdreg s5  }
0xb9: {  	[dreg:$0x4] =	wrdreg $0xC0  }
0xba: {  	_ =	task [dreg:s22], $0x5FFFF  }
0xbb: {  	[dreg:$0x1] =	wrdreg $0xFFFFFFFF  }
0xbc: {  	[dreg:$0x0] =	wrdreg $0x60  }
0xbd: {  	[dreg:$0x2] =	wrdreg s24  }
0xbe: {  	[dreg:$0x3] =	wrdreg $0xC  }
0xbf: {  	_ =	task.clear_ibuf [dreg:s22], $0x4FFFF;
	_ =	strace $0x90000067  }
0xc0: {  	s29 =	simm.s32 $0xC;
	_ =	strace $0x80000069  }
0xc1: {  	_ =	swait.ge [sflag:s29], $0x1  }
0xc2: {  	[sflag:s29] =	ssyncadd.s32 $0xFFFFFFFF  }
0xc3: {  	_ =	strace $0x90000069  }
0xc4: {  	_ =	sfence  }
0xc5: {  	s30 =	sld [smem:$0x0];
	_ =	sdelay $0x2  }
0xc6: {  	s31 =	sshll.u32 s1, $0xD;
	s1 =	sshrl.u32 s1, $0x2  }
0xc7: {  	s4 =	sand.u32 $0x4000, s31;
	s1 =	sadd.s32 s1, s30  }
0xc8: {  	s0 =	sor.u32 s4, s0;
	s1 =	sshll.u32 s1, $0x11  }
0xc9: {  	s0 =	sor.u32 s1, s0  }
0xca: {  	s0 =	sadd.s32 $0x8F2B, s0  }
0xcb: {  	[sflag:s0] =	ssyncadd.remote.s32 $0x1  }
0xcc: {  	_ =	sfence.sel $0xFFFF  }
0xcd: {  	[dreg:$0x0] =	wrdreg $0xFFFFFFFF;
	(pc) =	sbr.abs _section_cstart, $3  }
0xce: {  	[dreg:$0x1] =	wrdreg $0xFFFFFFFF  }
0xcf: {  	_ =	task.clear_ibuf [dreg:s22], $0x2FFFF;
	_ =	strace $0x9FFFFFFF  }
0xd0: {  	(tm) =	ssettm $0x7FFFFFFF  }
0xd1: {  	_ =	shalt  }
tec
execute0_lowered:
.L_overlay_start_1:
0x0: {  	(tag) =	ssettag $0x1  }
0x1: {  	s1 =	srdreg.scid  }
0x2: {  	s0 =	stileid.u32;
	s8 =	rddreg [dreg:$0x0];
	s5 =	simm.s32 $0x1  }
0x3: {  	s9 =	simm.s32 $0x1;
	s10 =	simm.s32 $0x3;
	s1 =	sshll.u32 s1, $0x5  }
0x4: {  	s13 =	simm.s32 $0x0;
	s2 =	sshll.u32 s0, $0x6;
	s3 =	sand.u32 $0x20, s1  }
0x5: {  	s12 =	simm.s32 $0x0;
	s4 =	sadd.s32 $0x3B400, s8;
	s2 =	sor.u32 s2, s3  }
0x6: {  	s1 =	rddreg [dreg:$0x1];
	_ =	strace $0x80000068;
	s7 =	ssub.s32 $0x800, s2  }
.Ltmp0:
0x7: {  	s3 =	sadd.s32 $0x1CB000, s8;
	s6 =	sand.u32 $0x3E0, s7;
	(pc) =	sbr.rel .LBB2_1-.Ltmp0, $4  }
0x8: {  	[sflag:s5] =	ssyncpa.u1 $0x0;
	s8 =	sadd.s32 $0x41600, s8;
	p0 =	sne.s32 s6, $0x0  }
0x9: {  	s7 =	sshrl.u32 s7, $0xA;
	s6 =	simm.s32 $0x2;
	s9 =	simm.s32 @!p0 $0x0  }
0xa: {  	s11 =	smov.u32 s2;
	[sflag:s6] =	ssyncpa.u1 $0x0;
	s7 =	sadd.s32 s9, s7  }
0xb: {  	vm0 =	vmmov $0xffff;
	[sflag:s10] =	ssyncpa.u1 $0x0;
	s10 =	simm.s32 $0x0;
	s9 =	sadd.s32 $0x1, s7  }
.LBB2_5:
0xc: {  	s15 =	sadd.s32 $0x400, s11  }
0xd: {  	p1 =	sgt.s32 s15, $0x7FF  }
0xe: {  	s15 =	smov.u32 @p1 s2;
	p1 =	sne.s32 s12, s9  }
.Ltmp1:
0xf: {  	p0 =	slt.u32 s12, $0x2;
	(pc) =	sbr.rel @!p1 .LBB2_6-.Ltmp1, $4  }
0x10: {  	s14 =	simm.s32 @!p0 $0x3  }
0x11: {  	_ =	swait.ge @!p0 [sflag:s14], $0x20  }
0x12: {  	s16 =	sadd.s32 $0x1, s12;
	s13 =	smov.u32 s11;
	[sflag:s14] =	ssyncset.done @!p0 $0x0  }
0x13: {  	s12 =	smov.u32 s16;
	s11 =	smov.u32 s15;
	[sflag:s14] =	ssyncadd.s32 @!p0 $0xFFFFFFE0  }
.LBB2_1:
0x14: {  	p0 =	sge.u32 s12, s7  }
0x15: {  	s14 =	sxor.u32 @!p0 $0xFFFFFFFF, s12  }
0x16: {  	s31 =	sadd.s32 $0xFFFFFFFF, s12;
	s15 =	sshrl.u32 @!p0 s11, $0x3;
	s14 =	sshll.u32 @!p0 s14, $0x5  }
0x17: {  	s16 =	sand.u32 @!p0 $0x7, s11;
	s15 =	sadd.s32 @!p0 s4, s15;
	s14 =	sand.u32 @!p0 $0x20, s14  }
0x18: {  	[tilespmem:s14], [sflag:$0x2] =	stream.linear.gather @!p0 [hbm4b:s15+s16], $0x20, $0x38;
	[tilespmem:$0x80] =	vst v63  }
0x19: {  	p0 =	sge.u32 s31, s7  }
.Ltmp2:
0x1a: {  	_ = 	snop;
	(pc) =	sbr.rel @p0 .LBB2_5-.Ltmp2, $1  }
0x1b: {  	_ =	sdelay $0x3  }
0x1c: {  	_ =	swait.ge [sflag:s6], $0x20;
	s14 =	sshll.u32 s12, $0x5;
	s16 =	simm.s32 $0x0  }
0x1d: {  	p0 =	por $0x1, $0x1;
	[sflag:s6] =	ssyncset.done $0x0;
	s15 =	sand.u32 $0x20, s14  }
0x1e: {  	[sflag:s6] =	ssyncadd.s32 $0xFFFFFFE0;
	(ifvalue) =	ssetifvalue $0x7FFFFFFF;
	s14 =	sor.u32 $0x40, s15  }
.LBB2_3:
0x1f: {  	s17 =	sadd.s32 s16, s15  }
0x20: {  	v0 =	vld.msk [tilespmem:s17+$0x0 ss:$0x1], $0xffff;
	_ =	sdelay $0x4  }
0x21: {  	vm1 =	veq.s32 v0, $0x80000000;
	v1 =	vshrl.u32 v0, $0x1;
	v2 =	vshrl.u32 v0, $0xB  }
0x22: {  	v0 =	vshll.u32 v0, $0x14;
	v1 =	vand.u32 $0x3FF, v1;
	v2 =	vand.u32 $0x3FF, v2  }
0x23: {  	v0 =	vand.u32 $0x100000, v0;
	v1 =	vsel vm1, $0xFFFFFFFF, v1;
	v2 =	vsel vm1, $0xFFFFFFFF, v2  }
0x24: {  	v0 =	vsel vm1, $0xFFF00000, v0;
	v3 =	vand.u32 $0x7F, v1;
	v4 =	vshll.u32 v2, $0xA  }
0x25: {  	v1 =	vshll.u32 v1, $0x3;
	v4 =	vand.u32 $0xFFFFE000, v4;
	v0 =	vor.u32 v0, v3  }
0x26: {  	v2 =	vshll.u32 v2, $0x7;
	v1 =	vand.u32 $0xFFFFFC00, v1;
	v0 =	vadd.s32 v4, v0  }
0x27: {  	v2 =	vand.u32 $0x380, v2;
	v0 =	vadd.s32 v1, v0  }
0x28: {  	p1 =	por p0, p0;
	v0 =	vor.u32 v2, v0  }
.Ltmp3:
0x29: {  	_ = 	snop;
	(pc) =	sbr.rel @p1 .LBB2_3-.Ltmp3, $4  }
0x2a: {  	_ = 	snop  }
0x2b: {  	s31 =	sadd.s32 s16, s14  }
0x2c: {  	s16 =	simm.s32 $0x10;
	p0 =	por $0x0, $0x0;
	(ifvalue) =	ssetifvalue $0x7FFFFFFF  }
0x2d: {  	[tilespmem:s31], [sflag:$0x1] =	stream.indirect_vreg.gather [hbm4b:s3+s10], $0x1, v0, vm0, $0x4038;
	[tilespmem:$0x80] =	vst v63  }
.Ltmp4:
0x2e: {  	(pc) =	sbr.rel .LBB2_5-.Ltmp4, $4  }
0x2f: {  	_ =	swait.ge [sflag:s5], $0x20  }
0x30: {  	s15 =	sshrl.u32 s13, $0x3;
	[sflag:s5] =	ssyncset.done $0x0  }
0x31: {  	s31 =	sand.u32 $0x7, s13;
	s15 =	sadd.s32 s8, s15;
	[sflag:s5] =	ssyncadd.s32 $0xFFFFFFE0  }
0x32: {  	[hbm4b:s15+s31] =	stream.linear.scatter [tilespmem:s14], [sflag:$0x3], $0x20, $0x38;
	[tilespmem:$0x80] =	vst v63  }
.LBB2_6:
0x33: {  	_ =	sfence.sel $0x180000  }
0x34: {  	s2 =	simm.s32 $0x2;
	[bflag:$0x0] =	sbarrier.arrive $0xFFFF  }
0x35: {  	s30 =	simm.s32 $0x3;
	[sflag:s2] =	ssyncpa.u1 $0x1  }
0x36: {  	s31 =	simm.s32 $0x1;
	[sflag:s30] =	ssyncpa.u1 $0x1  }
0x37: {  	[sflag:s31] =	ssyncpa.u1 $0x1  }
0x38: {  	p0 =	sne.s32 s0, $0x0;
	_ =	strace $0x90000068  }
0x39: {  	s0 =	sadd.s32 @!p0 $0x100000, s1;
	[bflag:$0x2] =	sbarrier.arrive $0xFFFF  }
0x3a: {  	[sflag:s0] =	ssyncadd.tile.s32 @!p0 $0x1;
	_ =	shalt  }
.Lfunc_end2:
_tile_overlayer_lowered:
.L_overlay_start_2:
0x3b: {  	(tag) =	ssettag $0x2  }
0x3c: {  	s0 =	rddreg [dreg:$0x0];
	s2 =	stileid.u32  }
0x3d: {  	s1 =	rddreg [dreg:$0x1];
	p0 =	sne.s32 s2, $0x0  }
0x3e: {  	s3 =	rddreg [dreg:$0x2];
	[bflag:$0x3] =	sbarrier.arrive $0xFFFF;
	s2 =	simm.s32 @!p0 $0x1C01  }
0x3f: {  	[timem:s3], [sflag:s2] =	dma.local @!p0 [hbm:s0], s1  }
0x40: {  	s0 =	simm.s32 @!p0 $0x1  }
0x41: {  	_ =	swait.ge @!p0 [sflag:s0], s1  }
0x42: {  	s1 =	ssub.s32 @!p0 $0x0, s1;
	[sflag:s0] =	ssyncset.done @!p0 $0x0  }
0x43: {  	[sflag:s0] =	ssyncadd.s32 @!p0 s1  }
0x44: {  	[bflag:$0x3] =	sbarrier.arrive $0xFFFF  }
0x45: {  	_ =	shalt  }

// kernel: gather_offload_async_start.4
scs
__scs_entry_jumppad:
0x0: {  	(pc) =	sbr.rel $0x88, $3  }
0x1: {  	(tag) =	ssettag $0x0;
	lr =	simm.s32 $0x1  }
0x2: {  	[smem:$0x3F70] =	sst lr;
	_ =	strace $0xD0000000  }
0x3: {  	_ = 	snop  }
0x4: {  	_ = 	snop  }
0x5: {  	_ = 	snop  }
0x6: {  	_ = 	snop  }
0x7: {  	_ = 	snop  }
__scs_overlays_trampoline_lowered:
0x8: {  	[smem:$0x3F7F] =	sst s0  }
0x9: {  	[smem:$0x3F80] =	sst s1  }
0xa: {  	[smem:$0x3F81] =	sst s2  }
0xb: {  	[smem:$0x3F82] =	sst s3  }
0xc: {  	[smem:$0x3F83] =	sst s4  }
0xd: {  	[smem:$0x3F84] =	sst s5  }
0xe: {  	[smem:$0x3F85] =	sst s6  }
0xf: {  	[smem:$0x3F86] =	sst s7  }
0x10: {  	[smem:$0x3F87] =	sst s8  }
0x11: {  	[smem:$0x3F88] =	sst s9;
	s0 =	simm.s32 @!p0 $0x0  }
0x12: {  	s1 =	sld [smem:$0x3F6E];
	s0 =	simm.s32 @p0 $0x1  }
0x13: {  	[smem:$0x3F89] =	sst s0;
	s0 =	simm.s32 @!p1 $0x0  }
0x14: {  	s2 =	sld [smem:$0x3F6D];
	s0 =	simm.s32 @p1 $0x1  }
0x15: {  	[smem:$0x3F8A] =	sst s0;
	s0 =	simm.s32 @!p2 $0x0  }
0x16: {  	s3 =	sld [smem:$0x3FDB];
	s0 =	simm.s32 @p2 $0x1  }
0x17: {  	s4 =	simm.s32 $0x1BF5;
	[smem:$0x3F8C] =	sst s0  }
0x18: {  	s0 =	sld [smem:$0x3F6F];
	_ =	swait.ge [sflag:s4], $0x0  }
0x19: {  	s7 =	sld [smem:$0x3F70]  }
0x1a: {  	s8 =	sadd.s32 $0xFFFFE003, lr  }
0x1b: {  	s9 =	sadd.s32 $0xFFFFFEF7, lr;
	s5 =	simm.s32 $0xFFFFFFFF;
	p2 =	slt.u32 s8, $0xFFFFF086  }
0x1c: {  	p1 =	slt.u32 s9, $0xF7A;
	s5 =	simm.s32 @!p2 $0x0  }
0x1d: {  	s5 =	simm.s32 @p1 $0x1;
	p0 =	seq.s32 s7, s2  }
0x1e: {  	s7 =	smul.u32 @!p0 $0xF7A, s2;
	p2 =	seq.s32 @!p0 s5, $0x0  }
0x1f: {  	s9 =	smul.u32 $0xF7A, s1;
	s8 =	simm.s32 @!p0 $0x1BF5;
	p2 =	por !p2, p0  }
0x20: {  	[sflag:s8] =	ssyncset.s32 @!p0 $0xFFFFF086;
	s6 =	sadd.s32 @!p0 s3, s7;
	s7 =	simm.s32 @!p0 $0x108  }
0x21: {  	s3 =	sadd.s32 s3, s9;
	s6 =	sadd.s32 @!p0 $0x88, s6;
	s7 =	simm.s32 @p2 $0x1082  }
0x22: {  	[simem:s7], [sflag:s8] =	dma.local @!p0 [hbm:s6], $0xF7A  }
0x23: {  	s9 =	sor.u32 $0xD0000000, s2;
	s6 =	simm.s32 $0x108;
	_ =	swait.ge @!p0 [sflag:s8], $0x0  }
0x24: {  	s3 =	sadd.s32 $0x88, s3;
	s6 =	simm.s32 @!p1 $0x1082;
	[sflag:s4] =	ssyncset.s32 $0xFFFFF086  }
0x25: {  	[simem:s6], [sflag:s4] =	dma.local [hbm:s3], $0xF7A  }
0x26: {  	[smem:$0x3F70] =	sst s1;
	(tag) =	ssettag s2;
	_ =	strace s9  }
0x27: {  	s1 =	sld [smem:$0x3F80]  }
0x28: {  	s2 =	sld [smem:$0x3F81]  }
0x29: {  	s4 =	sld [smem:$0x3F83]  }
0x2a: {  	p0 =	seq.s32 s5, $0x0;
	s5 =	sld [smem:$0x3F84]  }
0x2b: {  	s6 =	sld [smem:$0x3F85]  }
0x2c: {  	s7 =	sld [smem:$0x3F86]  }
0x2d: {  	s3 =	simm.s32 $0x108;
	s8 =	sld [smem:$0x3F87]  }
0x2e: {  	s3 =	simm.s32 @!p0 $0x1082;
	s9 =	sld [smem:$0x3F88]  }
0x2f: {  	lr =	sadd.s32 s0, s3;
	s0 =	sld [smem:$0x3F7F]  }
0x30: {  	s3 =	sld [smem:$0x3F82]  }
0x31: {  	[smem:$0x3F8B] =	sst s10  }
0x32: {  	s10 =	sld [smem:$0x3F89];
	_ =	sdelay $0x3  }
0x33: {  	p0 =	seq.s32 s10, $0x1;
	s10 =	sld [smem:$0x3F8B];
	_ =	sdelay $0x3  }
0x34: {  	[smem:$0x3F8B] =	sst s10  }
0x35: {  	s10 =	sld [smem:$0x3F8A];
	_ =	sdelay $0x3  }
0x36: {  	p1 =	seq.s32 s10, $0x1;
	s10 =	sld [smem:$0x3F8B];
	_ =	sdelay $0x3  }
0x37: {  	[smem:$0x3F8B] =	sst s10  }
0x38: {  	s10 =	sld [smem:$0x3F8C]  }
0x39: {  	_ = 	snop;
	(pc) =	sbr.ind lr, $3  }
0x3a: {  	_ = 	snop  }
0x3b: {  	_ = 	snop  }
0x3c: {  	p2 =	seq.s32 s10, $0x1;
	s10 =	sld [smem:$0x3F8B]  }
0x3d: {  	_ =	shalt  }
0x3e: {  	_ =	shalt  }
0x3f: {  	_ =	shalt  }
0x40: {  	_ =	shalt  }
0x41: {  	_ =	shalt  }
0x42: {  	_ =	shalt  }
0x43: {  	_ =	shalt  }
0x44: {  	_ =	shalt  }
0x45: {  	_ =	shalt  }
0x46: {  	_ =	shalt  }
0x47: {  	_ =	shalt  }
0x48: {  	_ =	shalt  }
0x49: {  	_ =	shalt  }
0x4a: {  	_ =	shalt  }
0x4b: {  	_ =	shalt  }
0x4c: {  	_ =	shalt  }
0x4d: {  	_ =	shalt  }
0x4e: {  	_ =	shalt  }
0x4f: {  	_ =	shalt  }
0x50: {  	_ =	shalt  }
0x51: {  	_ =	shalt  }
0x52: {  	_ =	shalt  }
0x53: {  	_ =	shalt  }
0x54: {  	_ =	shalt  }
0x55: {  	_ =	shalt  }
0x56: {  	_ =	shalt  }
0x57: {  	_ =	shalt  }
0x58: {  	_ =	shalt  }
0x59: {  	_ =	shalt  }
0x5a: {  	_ =	shalt  }
0x5b: {  	_ =	shalt  }
0x5c: {  	_ =	shalt  }
0x5d: {  	_ =	shalt  }
0x5e: {  	_ =	shalt  }
0x5f: {  	_ =	shalt  }
0x60: {  	_ =	shalt  }
0x61: {  	_ =	shalt  }
0x62: {  	_ =	shalt  }
0x63: {  	_ =	shalt  }
0x64: {  	_ =	shalt  }
0x65: {  	_ =	shalt  }
0x66: {  	_ =	shalt  }
0x67: {  	_ =	shalt  }
0x68: {  	_ =	shalt  }
0x69: {  	_ =	shalt  }
0x6a: {  	_ =	shalt  }
0x6b: {  	_ =	shalt  }
0x6c: {  	_ =	shalt  }
0x6d: {  	_ =	shalt  }
0x6e: {  	_ =	shalt  }
0x6f: {  	_ =	shalt  }
0x70: {  	_ =	shalt  }
0x71: {  	_ =	shalt  }
0x72: {  	_ =	shalt  }
0x73: {  	_ =	shalt  }
0x74: {  	_ =	shalt  }
0x75: {  	_ =	shalt  }
0x76: {  	_ =	shalt  }
0x77: {  	_ =	shalt  }
0x78: {  	_ =	shalt  }
0x79: {  	_ =	shalt  }
0x7a: {  	_ =	shalt  }
0x7b: {  	_ =	shalt  }
0x7c: {  	_ =	shalt  }
0x7d: {  	_ =	shalt  }
0x7e: {  	_ =	shalt  }
0x7f: {  	_ =	shalt  }
0x80: {  	_ =	shalt  }
0x81: {  	_ =	shalt  }
0x82: {  	_ =	shalt  }
0x83: {  	_ =	shalt  }
0x84: {  	_ =	shalt  }
0x85: {  	_ =	shalt  }
0x86: {  	_ =	shalt  }
0x87: {  	_ =	shalt  }
.Lfunc_end0:
.L_simem_size_0:
called_computation.5_lowered:
.L_overlay_start_0:
0x88: {  	s2 =	sld [smem:$0x3FD9]  }
0x89: {  	s3 =	sld [smem:$0x3FFE];
	_ =	sdelay $0x1  }
0x8a: {  	s1 =	srdreg.scid  }
0x8b: {  	s0 =	sand.u32 $0x1, s1  }
0x8c: {  	s17 =	sshll.u32 s0, $0xA;
	s2 =	sadd.s32 s3, s2  }
0x8d: {  	s2 =	sadd.s32 s2, s17  }
0x8e: {  	[smem:$0x3F97] =	sst s2  }
0x8f: {  	_ = 	snop  }
0x90: {  	(tm) =	ssettm $0x1  }
0x91: {  	s18 =	sld [smem:$0x3FFB];
	_ =	sdelay $0x3  }
0x92: {  	_ =	strace s18  }
0x93: {  	s2 =	sld [smem:$0x3FFC];
	_ =	sdelay $0x3  }
0x94: {  	_ =	strace s2  }
0x95: {  	s2 =	sld [smem:$0x3FFD];
	_ =	sdelay $0x3  }
0x96: {  	_ =	strace s2  }
0x97: {  	_ =	strace $0x8FFFFFFF  }
0x98: {  	s19 =	sld [smem:$0x3FDB];
	_ =	sdelay $0x1  }
0x99: {  	s20 =	simm.s32 $_scs_section_size  }
0x9a: {  	s4 =	simm.s32 $_size__tile_overlayer_lowered;
	s5 =	simm.s32 $_tile_overlayer_lowered  }
0x9b: {  	s6 =	simm.s32 $0x1BFF;
	s21 =	sshll.u32 s5, $0x1;
	s3 =	sadd.s32 s20, s19  }
0x9c: {  	s22 =	simm.s32 $0x0;
	s4 =	sshll.u32 s4, $0x1;
	s5 =	sadd.s32 s21, s3  }
0x9d: {  	[timem:s22], [sflag:s6] =	dma.local [hbm:s5], s4  }
0x9e: {  	_ =	swait.ge [sflag:s6], s4  }
0x9f: {  	s4 =	ssub.s32 $0x0, s4;
	[sflag:s6] =	ssyncset.done $0x0  }
0xa0: {  	[sflag:s6] =	ssyncadd.s32 s4;
	_ =	sdelay $0x1  }
0xa1: {  	s23 =	simm.s32 $0x1B8B  }
0xa2: {  	_ =	swait.ge [sflag:s23], $0x1  }
0xa3: {  	[sflag:s23] =	ssyncset.done $0x0  }
0xa4: {  	[sflag:s23] =	ssyncadd.s32 $0xFFFFFFFF  }
0xa5: {  	s4 =	sld [smem:$0x0]  }
0xa6: {  	s5 =	sand.u32 $0xFFFFFFFE, s1  }
0xa7: {  	p0 =	sne.s32 s1, s5  }
0xa8: {  	s5 =	sshll.u32 @p0 s5, $0xE  }
0xa9: {  	s5 =	sadd.s32 @p0 $0x11B8D, s5;
	s6 =	sshll.u32 @p0 s4, $0x11  }
0xaa: {  	s5 =	sor.u32 @p0 s6, s5  }
0xab: {  	[sflag:s5] =	ssyncadd.remote.s32 @p0 $0x1;
	_ =	sdelay $0x1  }
0xac: {  	s5 =	simm.s32 @p0 $0x1B8D  }
0xad: {  	_ =	swait.eq @p0 [sflag:s5], $0x1  }
0xae: {  	[sflag:s5] =	ssyncadd.s32 @p0 $0xFFFFFFFF  }
0xaf: {  	s6 =	sshll.u32 @!p0 s1, $0xE  }
0xb0: {  	s6 =	sor.u32 @!p0 $0x4000, s6;
	s5 =	simm.s32 @!p0 $0x1B8D  }
0xb1: {  	s4 =	sshll.u32 @!p0 s4, $0x11;
	s6 =	sadd.s32 @!p0 $0x11B8D, s6;
	_ =	swait.eq @!p0 [sflag:s5], $0x1  }
0xb2: {  	s4 =	sor.u32 @!p0 s4, s6;
	[sflag:s5] =	ssyncadd.s32 @!p0 $0xFFFFFFFF  }
0xb3: {  	s25 =	simm.s32 $0x1B8E;
	s24 =	sld [smem:$0x3FFE];
	[sflag:s4] =	ssyncadd.remote.s32 @!p0 $0x1  }
0xb4: {  	s26 =	simm.s32 $execute0_lowered;
	[smem:$0x3FD2] =	sst s25  }
0xb5: {  	s5 =	sshll.u32 s26, $0x1;
	_ =	strace $0x8000006A;
	[dreg:$0x1] =	wrdreg $0xFFFFFFFF  }
0xb6: {  	s28 =	simm.s32 $_size_execute0_lowered;
	s3 =	sadd.s32 s3, s5;
	[dreg:$0x0] =	wrdreg $0x0  }
0xb7: {  	s5 =	sshll.u32 s28, $0x1;
	[dreg:$0x2] =	wrdreg s3  }
0xb8: {  	[dreg:$0x3] =	wrdreg s5  }
0xb9: {  	[dreg:$0x4] =	wrdreg $0xC0  }
0xba: {  	_ =	task [dreg:s22], $0x5FFFF  }
0xbb: {  	[dreg:$0x1] =	wrdreg $0xFFFFFFFF  }
0xbc: {  	[dreg:$0x0] =	wrdreg $0x60  }
0xbd: {  	[dreg:$0x2] =	wrdreg s24  }
0xbe: {  	[dreg:$0x3] =	wrdreg $0xD  }
0xbf: {  	_ =	task.clear_ibuf [dreg:s22], $0x4FFFF;
	_ =	strace $0x9000006A  }
0xc0: {  	s29 =	simm.s32 $0xD;
	_ =	strace $0x8000006C  }
0xc1: {  	_ =	swait.ge [sflag:s29], $0x1  }
0xc2: {  	[sflag:s29] =	ssyncadd.s32 $0xFFFFFFFF  }
0xc3: {  	_ =	strace $0x9000006C  }
0xc4: {  	_ =	sfence  }
0xc5: {  	s30 =	sld [smem:$0x0];
	_ =	sdelay $0x2  }
0xc6: {  	s31 =	sshll.u32 s1, $0xD;
	s1 =	sshrl.u32 s1, $0x2  }
0xc7: {  	s4 =	sand.u32 $0x4000, s31;
	s1 =	sadd.s32 s1, s30  }
0xc8: {  	s0 =	sor.u32 s4, s0;
	s1 =	sshll.u32 s1, $0x11  }
0xc9: {  	s0 =	sor.u32 s1, s0  }
0xca: {  	s0 =	sadd.s32 $0x8F2B, s0  }
0xcb: {  	[sflag:s0] =	ssyncadd.remote.s32 $0x1  }
0xcc: {  	_ =	sfence.sel $0xFFFF  }
0xcd: {  	[dreg:$0x0] =	wrdreg $0xFFFFFFFF;
	(pc) =	sbr.abs _section_cstart, $3  }
0xce: {  	[dreg:$0x1] =	wrdreg $0xFFFFFFFF  }
0xcf: {  	_ =	task.clear_ibuf [dreg:s22], $0x2FFFF;
	_ =	strace $0x9FFFFFFF  }
0xd0: {  	(tm) =	ssettm $0x7FFFFFFF  }
0xd1: {  	_ =	shalt  }
tec
execute0_lowered:
.L_overlay_start_1:
0x0: {  	(tag) =	ssettag $0x1  }
0x1: {  	s1 =	srdreg.scid  }
0x2: {  	s0 =	stileid.u32;
	s8 =	rddreg [dreg:$0x0];
	s5 =	simm.s32 $0x1  }
0x3: {  	s9 =	simm.s32 $0x1;
	s10 =	simm.s32 $0x3;
	s1 =	sshll.u32 s1, $0x5  }
0x4: {  	s13 =	simm.s32 $0x0;
	s2 =	sshll.u32 s0, $0x6;
	s3 =	sand.u32 $0x20, s1  }
0x5: {  	s12 =	simm.s32 $0x0;
	s4 =	sadd.s32 $0x3B600, s8;
	s2 =	sor.u32 s2, s3  }
0x6: {  	s1 =	rddreg [dreg:$0x1];
	_ =	strace $0x8000006B;
	s7 =	ssub.s32 $0x800, s2  }
.Ltmp0:
0x7: {  	s3 =	sadd.s32 $0x20B000, s8;
	s6 =	sand.u32 $0x3E0, s7;
	(pc) =	sbr.rel .LBB2_1-.Ltmp0, $4  }
0x8: {  	[sflag:s5] =	ssyncpa.u1 $0x0;
	s8 =	sadd.s32 $0x41800, s8;
	p0 =	sne.s32 s6, $0x0  }
0x9: {  	s7 =	sshrl.u32 s7, $0xA;
	s6 =	simm.s32 $0x2;
	s9 =	simm.s32 @!p0 $0x0  }
0xa: {  	s11 =	smov.u32 s2;
	[sflag:s6] =	ssyncpa.u1 $0x0;
	s7 =	sadd.s32 s9, s7  }
0xb: {  	vm0 =	vmmov $0xffff;
	[sflag:s10] =	ssyncpa.u1 $0x0;
	s10 =	simm.s32 $0x0;
	s9 =	sadd.s32 $0x1, s7  }
.LBB2_5:
0xc: {  	s15 =	sadd.s32 $0x400, s11  }
0xd: {  	p1 =	sgt.s32 s15, $0x7FF  }
0xe: {  	s15 =	smov.u32 @p1 s2;
	p1 =	sne.s32 s12, s9  }
.Ltmp1:
0xf: {  	p0 =	slt.u32 s12, $0x2;
	(pc) =	sbr.rel @!p1 .LBB2_6-.Ltmp1, $4  }
0x10: {  	s14 =	simm.s32 @!p0 $0x3  }
0x11: {  	_ =	swait.ge @!p0 [sflag:s14], $0x20  }
0x12: {  	s16 =	sadd.s32 $0x1, s12;
	s13 =	smov.u32 s11;
	[sflag:s14] =	ssyncset.done @!p0 $0x0  }
0x13: {  	s12 =	smov.u32 s16;
	s11 =	smov.u32 s15;
	[sflag:s14] =	ssyncadd.s32 @!p0 $0xFFFFFFE0  }
.LBB2_1:
0x14: {  	p0 =	sge.u32 s12, s7  }
0x15: {  	s14 =	sxor.u32 @!p0 $0xFFFFFFFF, s12  }
0x16: {  	s31 =	sadd.s32 $0xFFFFFFFF, s12;
	s15 =	sshrl.u32 @!p0 s11, $0x3;
	s14 =	sshll.u32 @!p0 s14, $0x5  }
0x17: {  	s16 =	sand.u32 @!p0 $0x7, s11;
	s15 =	sadd.s32 @!p0 s4, s15;
	s14 =	sand.u32 @!p0 $0x20, s14  }
0x18: {  	[tilespmem:s14], [sflag:$0x2] =	stream.linear.gather @!p0 [hbm4b:s15+s16], $0x20, $0x38;
	[tilespmem:$0x80] =	vst v63  }
0x19: {  	p0 =	sge.u32 s31, s7  }
.Ltmp2:
0x1a: {  	_ = 	snop;
	(pc) =	sbr.rel @p0 .LBB2_5-.Ltmp2, $1  }
0x1b: {  	_ =	sdelay $0x3  }
0x1c: {  	_ =	swait.ge [sflag:s6], $0x20;
	s14 =	sshll.u32 s12, $0x5;
	s16 =	simm.s32 $0x0  }
0x1d: {  	p0 =	por $0x1, $0x1;
	[sflag:s6] =	ssyncset.done $0x0;
	s15 =	sand.u32 $0x20, s14  }
0x1e: {  	[sflag:s6] =	ssyncadd.s32 $0xFFFFFFE0;
	(ifvalue) =	ssetifvalue $0x7FFFFFFF;
	s14 =	sor.u32 $0x40, s15  }
.LBB2_3:
0x1f: {  	s17 =	sadd.s32 s16, s15  }
0x20: {  	v0 =	vld.msk [tilespmem:s17+$0x0 ss:$0x1], $0xffff;
	_ =	sdelay $0x4  }
0x21: {  	vm1 =	veq.s32 v0, $0x80000000;
	v1 =	vshrl.u32 v0, $0x1;
	v2 =	vshrl.u32 v0, $0xB  }
0x22: {  	v0 =	vshll.u32 v0, $0x14;
	v1 =	vand.u32 $0x3FF, v1;
	v2 =	vand.u32 $0x3FF, v2  }
0x23: {  	v0 =	vand.u32 $0x100000, v0;
	v1 =	vsel vm1, $0xFFFFFFFF, v1;
	v2 =	vsel vm1, $0xFFFFFFFF, v2  }
0x24: {  	v0 =	vsel vm1, $0xFFF00000, v0;
	v3 =	vand.u32 $0x7F, v1;
	v4 =	vshll.u32 v2, $0xA  }
0x25: {  	v1 =	vshll.u32 v1, $0x3;
	v4 =	vand.u32 $0xFFFFE000, v4;
	v0 =	vor.u32 v0, v3  }
0x26: {  	v2 =	vshll.u32 v2, $0x7;
	v1 =	vand.u32 $0xFFFFFC00, v1;
	v0 =	vadd.s32 v4, v0  }
0x27: {  	v2 =	vand.u32 $0x380, v2;
	v0 =	vadd.s32 v1, v0  }
0x28: {  	p1 =	por p0, p0;
	v0 =	vor.u32 v2, v0  }
.Ltmp3:
0x29: {  	_ = 	snop;
	(pc) =	sbr.rel @p1 .LBB2_3-.Ltmp3, $4  }
0x2a: {  	_ = 	snop  }
0x2b: {  	s31 =	sadd.s32 s16, s14  }
0x2c: {  	s16 =	simm.s32 $0x10;
	p0 =	por $0x0, $0x0;
	(ifvalue) =	ssetifvalue $0x7FFFFFFF  }
0x2d: {  	[tilespmem:s31], [sflag:$0x1] =	stream.indirect_vreg.gather [hbm4b:s3+s10], $0x1, v0, vm0, $0x4038;
	[tilespmem:$0x80] =	vst v63  }
.Ltmp4:
0x2e: {  	(pc) =	sbr.rel .LBB2_5-.Ltmp4, $4  }
0x2f: {  	_ =	swait.ge [sflag:s5], $0x20  }
0x30: {  	s15 =	sshrl.u32 s13, $0x3;
	[sflag:s5] =	ssyncset.done $0x0  }
0x31: {  	s31 =	sand.u32 $0x7, s13;
	s15 =	sadd.s32 s8, s15;
	[sflag:s5] =	ssyncadd.s32 $0xFFFFFFE0  }
0x32: {  	[hbm4b:s15+s31] =	stream.linear.scatter [tilespmem:s14], [sflag:$0x3], $0x20, $0x38;
	[tilespmem:$0x80] =	vst v63  }
.LBB2_6:
0x33: {  	_ =	sfence.sel $0x180000  }
0x34: {  	s2 =	simm.s32 $0x2;
	[bflag:$0x0] =	sbarrier.arrive $0xFFFF  }
0x35: {  	s30 =	simm.s32 $0x3;
	[sflag:s2] =	ssyncpa.u1 $0x1  }
0x36: {  	s31 =	simm.s32 $0x1;
	[sflag:s30] =	ssyncpa.u1 $0x1  }
0x37: {  	[sflag:s31] =	ssyncpa.u1 $0x1  }
0x38: {  	p0 =	sne.s32 s0, $0x0;
	_ =	strace $0x9000006B  }
0x39: {  	s0 =	sadd.s32 @!p0 $0x100000, s1;
	[bflag:$0x2] =	sbarrier.arrive $0xFFFF  }
0x3a: {  	[sflag:s0] =	ssyncadd.tile.s32 @!p0 $0x1;
	_ =	shalt  }
.Lfunc_end2:
_tile_overlayer_lowered:
.L_overlay_start_2:
0x3b: {  	(tag) =	ssettag $0x2  }
0x3c: {  	s0 =	rddreg [dreg:$0x0];
	s2 =	stileid.u32  }
0x3d: {  	s1 =	rddreg [dreg:$0x1];
	p0 =	sne.s32 s2, $0x0  }
0x3e: {  	s3 =	rddreg [dreg:$0x2];
	[bflag:$0x3] =	sbarrier.arrive $0xFFFF;
	s2 =	simm.s32 @!p0 $0x1C01  }
0x3f: {  	[timem:s3], [sflag:s2] =	dma.local @!p0 [hbm:s0], s1  }
0x40: {  	s0 =	simm.s32 @!p0 $0x1  }
0x41: {  	_ =	swait.ge @!p0 [sflag:s0], s1  }
0x42: {  	s1 =	ssub.s32 @!p0 $0x0, s1;
	[sflag:s0] =	ssyncset.done @!p0 $0x0  }
0x43: {  	[sflag:s0] =	ssyncadd.s32 @!p0 s1  }
0x44: {  	[bflag:$0x3] =	sbarrier.arrive $0xFFFF  }
0x45: {  	_ =	shalt  }

// kernel: gather_offload_async_start.5
scs
__scs_entry_jumppad:
0x0: {  	(pc) =	sbr.rel $0x88, $3  }
0x1: {  	(tag) =	ssettag $0x0;
	lr =	simm.s32 $0x1  }
0x2: {  	[smem:$0x3F70] =	sst lr;
	_ =	strace $0xD0000000  }
0x3: {  	_ = 	snop  }
0x4: {  	_ = 	snop  }
0x5: {  	_ = 	snop  }
0x6: {  	_ = 	snop  }
0x7: {  	_ = 	snop  }
__scs_overlays_trampoline_lowered:
0x8: {  	[smem:$0x3F7F] =	sst s0  }
0x9: {  	[smem:$0x3F80] =	sst s1  }
0xa: {  	[smem:$0x3F81] =	sst s2  }
0xb: {  	[smem:$0x3F82] =	sst s3  }
0xc: {  	[smem:$0x3F83] =	sst s4  }
0xd: {  	[smem:$0x3F84] =	sst s5  }
0xe: {  	[smem:$0x3F85] =	sst s6  }
0xf: {  	[smem:$0x3F86] =	sst s7  }
0x10: {  	[smem:$0x3F87] =	sst s8  }
0x11: {  	[smem:$0x3F88] =	sst s9;
	s0 =	simm.s32 @!p0 $0x0  }
0x12: {  	s1 =	sld [smem:$0x3F6E];
	s0 =	simm.s32 @p0 $0x1  }
0x13: {  	[smem:$0x3F89] =	sst s0;
	s0 =	simm.s32 @!p1 $0x0  }
0x14: {  	s2 =	sld [smem:$0x3F6D];
	s0 =	simm.s32 @p1 $0x1  }
0x15: {  	[smem:$0x3F8A] =	sst s0;
	s0 =	simm.s32 @!p2 $0x0  }
0x16: {  	s3 =	sld [smem:$0x3FDB];
	s0 =	simm.s32 @p2 $0x1  }
0x17: {  	s4 =	simm.s32 $0x1BF5;
	[smem:$0x3F8C] =	sst s0  }
0x18: {  	s0 =	sld [smem:$0x3F6F];
	_ =	swait.ge [sflag:s4], $0x0  }
0x19: {  	s7 =	sld [smem:$0x3F70]  }
0x1a: {  	s8 =	sadd.s32 $0xFFFFE003, lr  }
0x1b: {  	s9 =	sadd.s32 $0xFFFFFEF7, lr;
	s5 =	simm.s32 $0xFFFFFFFF;
	p2 =	slt.u32 s8, $0xFFFFF086  }
0x1c: {  	p1 =	slt.u32 s9, $0xF7A;
	s5 =	simm.s32 @!p2 $0x0  }
0x1d: {  	s5 =	simm.s32 @p1 $0x1;
	p0 =	seq.s32 s7, s2  }
0x1e: {  	s7 =	smul.u32 @!p0 $0xF7A, s2;
	p2 =	seq.s32 @!p0 s5, $0x0  }
0x1f: {  	s9 =	smul.u32 $0xF7A, s1;
	s8 =	simm.s32 @!p0 $0x1BF5;
	p2 =	por !p2, p0  }
0x20: {  	[sflag:s8] =	ssyncset.s32 @!p0 $0xFFFFF086;
	s6 =	sadd.s32 @!p0 s3, s7;
	s7 =	simm.s32 @!p0 $0x108  }
0x21: {  	s3 =	sadd.s32 s3, s9;
	s6 =	sadd.s32 @!p0 $0x88, s6;
	s7 =	simm.s32 @p2 $0x1082  }
0x22: {  	[simem:s7], [sflag:s8] =	dma.local @!p0 [hbm:s6], $0xF7A  }
0x23: {  	s9 =	sor.u32 $0xD0000000, s2;
	s6 =	simm.s32 $0x108;
	_ =	swait.ge @!p0 [sflag:s8], $0x0  }
0x24: {  	s3 =	sadd.s32 $0x88, s3;
	s6 =	simm.s32 @!p1 $0x1082;
	[sflag:s4] =	ssyncset.s32 $0xFFFFF086  }
0x25: {  	[simem:s6], [sflag:s4] =	dma.local [hbm:s3], $0xF7A  }
0x26: {  	[smem:$0x3F70] =	sst s1;
	(tag) =	ssettag s2;
	_ =	strace s9  }
0x27: {  	s1 =	sld [smem:$0x3F80]  }
0x28: {  	s2 =	sld [smem:$0x3F81]  }
0x29: {  	s4 =	sld [smem:$0x3F83]  }
0x2a: {  	p0 =	seq.s32 s5, $0x0;
	s5 =	sld [smem:$0x3F84]  }
0x2b: {  	s6 =	sld [smem:$0x3F85]  }
0x2c: {  	s7 =	sld [smem:$0x3F86]  }
0x2d: {  	s3 =	simm.s32 $0x108;
	s8 =	sld [smem:$0x3F87]  }
0x2e: {  	s3 =	simm.s32 @!p0 $0x1082;
	s9 =	sld [smem:$0x3F88]  }
0x2f: {  	lr =	sadd.s32 s0, s3;
	s0 =	sld [smem:$0x3F7F]  }
0x30: {  	s3 =	sld [smem:$0x3F82]  }
0x31: {  	[smem:$0x3F8B] =	sst s10  }
0x32: {  	s10 =	sld [smem:$0x3F89];
	_ =	sdelay $0x3  }
0x33: {  	p0 =	seq.s32 s10, $0x1;
	s10 =	sld [smem:$0x3F8B];
	_ =	sdelay $0x3  }
0x34: {  	[smem:$0x3F8B] =	sst s10  }
0x35: {  	s10 =	sld [smem:$0x3F8A];
	_ =	sdelay $0x3  }
0x36: {  	p1 =	seq.s32 s10, $0x1;
	s10 =	sld [smem:$0x3F8B];
	_ =	sdelay $0x3  }
0x37: {  	[smem:$0x3F8B] =	sst s10  }
0x38: {  	s10 =	sld [smem:$0x3F8C]  }
0x39: {  	_ = 	snop;
	(pc) =	sbr.ind lr, $3  }
0x3a: {  	_ = 	snop  }
0x3b: {  	_ = 	snop  }
0x3c: {  	p2 =	seq.s32 s10, $0x1;
	s10 =	sld [smem:$0x3F8B]  }
0x3d: {  	_ =	shalt  }
0x3e: {  	_ =	shalt  }
0x3f: {  	_ =	shalt  }
0x40: {  	_ =	shalt  }
0x41: {  	_ =	shalt  }
0x42: {  	_ =	shalt  }
0x43: {  	_ =	shalt  }
0x44: {  	_ =	shalt  }
0x45: {  	_ =	shalt  }
0x46: {  	_ =	shalt  }
0x47: {  	_ =	shalt  }
0x48: {  	_ =	shalt  }
0x49: {  	_ =	shalt  }
0x4a: {  	_ =	shalt  }
0x4b: {  	_ =	shalt  }
0x4c: {  	_ =	shalt  }
0x4d: {  	_ =	shalt  }
0x4e: {  	_ =	shalt  }
0x4f: {  	_ =	shalt  }
0x50: {  	_ =	shalt  }
0x51: {  	_ =	shalt  }
0x52: {  	_ =	shalt  }
0x53: {  	_ =	shalt  }
0x54: {  	_ =	shalt  }
0x55: {  	_ =	shalt  }
0x56: {  	_ =	shalt  }
0x57: {  	_ =	shalt  }
0x58: {  	_ =	shalt  }
0x59: {  	_ =	shalt  }
0x5a: {  	_ =	shalt  }
0x5b: {  	_ =	shalt  }
0x5c: {  	_ =	shalt  }
0x5d: {  	_ =	shalt  }
0x5e: {  	_ =	shalt  }
0x5f: {  	_ =	shalt  }
0x60: {  	_ =	shalt  }
0x61: {  	_ =	shalt  }
0x62: {  	_ =	shalt  }
0x63: {  	_ =	shalt  }
0x64: {  	_ =	shalt  }
0x65: {  	_ =	shalt  }
0x66: {  	_ =	shalt  }
0x67: {  	_ =	shalt  }
0x68: {  	_ =	shalt  }
0x69: {  	_ =	shalt  }
0x6a: {  	_ =	shalt  }
0x6b: {  	_ =	shalt  }
0x6c: {  	_ =	shalt  }
0x6d: {  	_ =	shalt  }
0x6e: {  	_ =	shalt  }
0x6f: {  	_ =	shalt  }
0x70: {  	_ =	shalt  }
0x71: {  	_ =	shalt  }
0x72: {  	_ =	shalt  }
0x73: {  	_ =	shalt  }
0x74: {  	_ =	shalt  }
0x75: {  	_ =	shalt  }
0x76: {  	_ =	shalt  }
0x77: {  	_ =	shalt  }
0x78: {  	_ =	shalt  }
0x79: {  	_ =	shalt  }
0x7a: {  	_ =	shalt  }
0x7b: {  	_ =	shalt  }
0x7c: {  	_ =	shalt  }
0x7d: {  	_ =	shalt  }
0x7e: {  	_ =	shalt  }
0x7f: {  	_ =	shalt  }
0x80: {  	_ =	shalt  }
0x81: {  	_ =	shalt  }
0x82: {  	_ =	shalt  }
0x83: {  	_ =	shalt  }
0x84: {  	_ =	shalt  }
0x85: {  	_ =	shalt  }
0x86: {  	_ =	shalt  }
0x87: {  	_ =	shalt  }
.Lfunc_end0:
.L_simem_size_0:
called_computation.6_lowered:
.L_overlay_start_0:
0x88: {  	s2 =	sld [smem:$0x3FD9]  }
0x89: {  	s3 =	sld [smem:$0x3FFE];
	_ =	sdelay $0x1  }
0x8a: {  	s1 =	srdreg.scid  }
0x8b: {  	s0 =	sand.u32 $0x1, s1  }
0x8c: {  	s17 =	sshll.u32 s0, $0xA;
	s2 =	sadd.s32 s3, s2  }
0x8d: {  	s2 =	sadd.s32 s2, s17  }
0x8e: {  	[smem:$0x3F97] =	sst s2  }
0x8f: {  	_ = 	snop  }
0x90: {  	(tm) =	ssettm $0x1  }
0x91: {  	s18 =	sld [smem:$0x3FFB];
	_ =	sdelay $0x3  }
0x92: {  	_ =	strace s18  }
0x93: {  	s2 =	sld [smem:$0x3FFC];
	_ =	sdelay $0x3  }
0x94: {  	_ =	strace s2  }
0x95: {  	s2 =	sld [smem:$0x3FFD];
	_ =	sdelay $0x3  }
0x96: {  	_ =	strace s2  }
0x97: {  	_ =	strace $0x8FFFFFFF  }
0x98: {  	s19 =	sld [smem:$0x3FDB];
	_ =	sdelay $0x1  }
0x99: {  	s20 =	simm.s32 $_scs_section_size  }
0x9a: {  	s4 =	simm.s32 $_size__tile_overlayer_lowered;
	s5 =	simm.s32 $_tile_overlayer_lowered  }
0x9b: {  	s6 =	simm.s32 $0x1BFF;
	s21 =	sshll.u32 s5, $0x1;
	s3 =	sadd.s32 s20, s19  }
0x9c: {  	s22 =	simm.s32 $0x0;
	s4 =	sshll.u32 s4, $0x1;
	s5 =	sadd.s32 s21, s3  }
0x9d: {  	[timem:s22], [sflag:s6] =	dma.local [hbm:s5], s4  }
0x9e: {  	_ =	swait.ge [sflag:s6], s4  }
0x9f: {  	s4 =	ssub.s32 $0x0, s4;
	[sflag:s6] =	ssyncset.done $0x0  }
0xa0: {  	[sflag:s6] =	ssyncadd.s32 s4;
	_ =	sdelay $0x1  }
0xa1: {  	s23 =	simm.s32 $0x1B8B  }
0xa2: {  	_ =	swait.ge [sflag:s23], $0x1  }
0xa3: {  	[sflag:s23] =	ssyncset.done $0x0  }
0xa4: {  	[sflag:s23] =	ssyncadd.s32 $0xFFFFFFFF  }
0xa5: {  	s4 =	sld [smem:$0x0]  }
0xa6: {  	s5 =	sand.u32 $0xFFFFFFFE, s1  }
0xa7: {  	p0 =	sne.s32 s1, s5  }
0xa8: {  	s5 =	sshll.u32 @p0 s5, $0xE  }
0xa9: {  	s5 =	sadd.s32 @p0 $0x11B8D, s5;
	s6 =	sshll.u32 @p0 s4, $0x11  }
0xaa: {  	s5 =	sor.u32 @p0 s6, s5  }
0xab: {  	[sflag:s5] =	ssyncadd.remote.s32 @p0 $0x1;
	_ =	sdelay $0x1  }
0xac: {  	s5 =	simm.s32 @p0 $0x1B8D  }
0xad: {  	_ =	swait.eq @p0 [sflag:s5], $0x1  }
0xae: {  	[sflag:s5] =	ssyncadd.s32 @p0 $0xFFFFFFFF  }
0xaf: {  	s6 =	sshll.u32 @!p0 s1, $0xE  }
0xb0: {  	s6 =	sor.u32 @!p0 $0x4000, s6;
	s5 =	simm.s32 @!p0 $0x1B8D  }
0xb1: {  	s4 =	sshll.u32 @!p0 s4, $0x11;
	s6 =	sadd.s32 @!p0 $0x11B8D, s6;
	_ =	swait.eq @!p0 [sflag:s5], $0x1  }
0xb2: {  	s4 =	sor.u32 @!p0 s4, s6;
	[sflag:s5] =	ssyncadd.s32 @!p0 $0xFFFFFFFF  }
0xb3: {  	s25 =	simm.s32 $0x1B8E;
	s24 =	sld [smem:$0x3FFE];
	[sflag:s4] =	ssyncadd.remote.s32 @!p0 $0x1  }
0xb4: {  	s26 =	simm.s32 $execute0_lowered;
	[smem:$0x3FD2] =	sst s25  }
0xb5: {  	s5 =	sshll.u32 s26, $0x1;
	_ =	strace $0x8000006D;
	[dreg:$0x1] =	wrdreg $0xFFFFFFFF  }
0xb6: {  	s28 =	simm.s32 $_size_execute0_lowered;
	s3 =	sadd.s32 s3, s5;
	[dreg:$0x0] =	wrdreg $0x0  }
0xb7: {  	s5 =	sshll.u32 s28, $0x1;
	[dreg:$0x2] =	wrdreg s3  }
0xb8: {  	[dreg:$0x3] =	wrdreg s5  }
0xb9: {  	[dreg:$0x4] =	wrdreg $0xC0  }
0xba: {  	_ =	task [dreg:s22], $0x5FFFF  }
0xbb: {  	[dreg:$0x1] =	wrdreg $0xFFFFFFFF  }
0xbc: {  	[dreg:$0x0] =	wrdreg $0x60  }
0xbd: {  	[dreg:$0x2] =	wrdreg s24  }
0xbe: {  	[dreg:$0x3] =	wrdreg $0xE  }
0xbf: {  	_ =	task.clear_ibuf [dreg:s22], $0x4FFFF;
	_ =	strace $0x9000006D  }
0xc0: {  	s29 =	simm.s32 $0xE;
	_ =	strace $0x8000006F  }
0xc1: {  	_ =	swait.ge [sflag:s29], $0x1  }
0xc2: {  	[sflag:s29] =	ssyncadd.s32 $0xFFFFFFFF  }
0xc3: {  	_ =	strace $0x9000006F  }
0xc4: {  	_ =	sfence  }
0xc5: {  	s30 =	sld [smem:$0x0];
	_ =	sdelay $0x2  }
0xc6: {  	s31 =	sshll.u32 s1, $0xD;
	s1 =	sshrl.u32 s1, $0x2  }
0xc7: {  	s4 =	sand.u32 $0x4000, s31;
	s1 =	sadd.s32 s1, s30  }
0xc8: {  	s0 =	sor.u32 s4, s0;
	s1 =	sshll.u32 s1, $0x11  }
0xc9: {  	s0 =	sor.u32 s1, s0  }
0xca: {  	s0 =	sadd.s32 $0x8F2B, s0  }
0xcb: {  	[sflag:s0] =	ssyncadd.remote.s32 $0x1  }
0xcc: {  	_ =	sfence.sel $0xFFFF  }
0xcd: {  	[dreg:$0x0] =	wrdreg $0xFFFFFFFF;
	(pc) =	sbr.abs _section_cstart, $3  }
0xce: {  	[dreg:$0x1] =	wrdreg $0xFFFFFFFF  }
0xcf: {  	_ =	task.clear_ibuf [dreg:s22], $0x2FFFF;
	_ =	strace $0x9FFFFFFF  }
0xd0: {  	(tm) =	ssettm $0x7FFFFFFF  }
0xd1: {  	_ =	shalt  }
tec
execute0_lowered:
.L_overlay_start_1:
0x0: {  	(tag) =	ssettag $0x1  }
0x1: {  	s1 =	srdreg.scid  }
0x2: {  	s0 =	stileid.u32;
	s8 =	rddreg [dreg:$0x0];
	s5 =	simm.s32 $0x1  }
0x3: {  	s9 =	simm.s32 $0x1;
	s10 =	simm.s32 $0x3;
	s1 =	sshll.u32 s1, $0x5  }
0x4: {  	s13 =	simm.s32 $0x0;
	s2 =	sshll.u32 s0, $0x6;
	s3 =	sand.u32 $0x20, s1  }
0x5: {  	s12 =	simm.s32 $0x0;
	s4 =	sadd.s32 $0x3B800, s8;
	s2 =	sor.u32 s2, s3  }
0x6: {  	s1 =	rddreg [dreg:$0x1];
	_ =	strace $0x8000006E;
	s7 =	ssub.s32 $0x800, s2  }
.Ltmp0:
0x7: {  	s3 =	sadd.s32 $0x24B000, s8;
	s6 =	sand.u32 $0x3E0, s7;
	(pc) =	sbr.rel .LBB2_1-.Ltmp0, $4  }
0x8: {  	[sflag:s5] =	ssyncpa.u1 $0x0;
	s8 =	sadd.s32 $0x41A00, s8;
	p0 =	sne.s32 s6, $0x0  }
0x9: {  	s7 =	sshrl.u32 s7, $0xA;
	s6 =	simm.s32 $0x2;
	s9 =	simm.s32 @!p0 $0x0  }
0xa: {  	s11 =	smov.u32 s2;
	[sflag:s6] =	ssyncpa.u1 $0x0;
	s7 =	sadd.s32 s9, s7  }
0xb: {  	vm0 =	vmmov $0xffff;
	[sflag:s10] =	ssyncpa.u1 $0x0;
	s10 =	simm.s32 $0x0;
	s9 =	sadd.s32 $0x1, s7  }
.LBB2_5:
0xc: {  	s15 =	sadd.s32 $0x400, s11  }
0xd: {  	p1 =	sgt.s32 s15, $0x7FF  }
0xe: {  	s15 =	smov.u32 @p1 s2;
	p1 =	sne.s32 s12, s9  }
.Ltmp1:
0xf: {  	p0 =	slt.u32 s12, $0x2;
	(pc) =	sbr.rel @!p1 .LBB2_6-.Ltmp1, $4  }
0x10: {  	s14 =	simm.s32 @!p0 $0x3  }
0x11: {  	_ =	swait.ge @!p0 [sflag:s14], $0x20  }
0x12: {  	s16 =	sadd.s32 $0x1, s12;
	s13 =	smov.u32 s11;
	[sflag:s14] =	ssyncset.done @!p0 $0x0  }
0x13: {  	s12 =	smov.u32 s16;
	s11 =	smov.u32 s15;
	[sflag:s14] =	ssyncadd.s32 @!p0 $0xFFFFFFE0  }
.LBB2_1:
0x14: {  	p0 =	sge.u32 s12, s7  }
0x15: {  	s14 =	sxor.u32 @!p0 $0xFFFFFFFF, s12  }
0x16: {  	s31 =	sadd.s32 $0xFFFFFFFF, s12;
	s15 =	sshrl.u32 @!p0 s11, $0x3;
	s14 =	sshll.u32 @!p0 s14, $0x5  }
0x17: {  	s16 =	sand.u32 @!p0 $0x7, s11;
	s15 =	sadd.s32 @!p0 s4, s15;
	s14 =	sand.u32 @!p0 $0x20, s14  }
0x18: {  	[tilespmem:s14], [sflag:$0x2] =	stream.linear.gather @!p0 [hbm4b:s15+s16], $0x20, $0x38;
	[tilespmem:$0x80] =	vst v63  }
0x19: {  	p0 =	sge.u32 s31, s7  }
.Ltmp2:
0x1a: {  	_ = 	snop;
	(pc) =	sbr.rel @p0 .LBB2_5-.Ltmp2, $1  }
0x1b: {  	_ =	sdelay $0x3  }
0x1c: {  	_ =	swait.ge [sflag:s6], $0x20;
	s14 =	sshll.u32 s12, $0x5;
	s16 =	simm.s32 $0x0  }
0x1d: {  	p0 =	por $0x1, $0x1;
	[sflag:s6] =	ssyncset.done $0x0;
	s15 =	sand.u32 $0x20, s14  }
0x1e: {  	[sflag:s6] =	ssyncadd.s32 $0xFFFFFFE0;
	(ifvalue) =	ssetifvalue $0x7FFFFFFF;
	s14 =	sor.u32 $0x40, s15  }
.LBB2_3:
0x1f: {  	s17 =	sadd.s32 s16, s15  }
0x20: {  	v0 =	vld.msk [tilespmem:s17+$0x0 ss:$0x1], $0xffff;
	_ =	sdelay $0x4  }
0x21: {  	vm1 =	veq.s32 v0, $0x80000000;
	v1 =	vshrl.u32 v0, $0x1;
	v2 =	vshrl.u32 v0, $0xB  }
0x22: {  	v0 =	vshll.u32 v0, $0x14;
	v1 =	vand.u32 $0x3FF, v1;
	v2 =	vand.u32 $0x3FF, v2  }
0x23: {  	v0 =	vand.u32 $0x100000, v0;
	v1 =	vsel vm1, $0xFFFFFFFF, v1;
	v2 =	vsel vm1, $0xFFFFFFFF, v2  }
0x24: {  	v0 =	vsel vm1, $0xFFF00000, v0;
	v3 =	vand.u32 $0x7F, v1;
	v4 =	vshll.u32 v2, $0xA  }
0x25: {  	v1 =	vshll.u32 v1, $0x3;
	v4 =	vand.u32 $0xFFFFE000, v4;
	v0 =	vor.u32 v0, v3  }
0x26: {  	v2 =	vshll.u32 v2, $0x7;
	v1 =	vand.u32 $0xFFFFFC00, v1;
	v0 =	vadd.s32 v4, v0  }
0x27: {  	v2 =	vand.u32 $0x380, v2;
	v0 =	vadd.s32 v1, v0  }
0x28: {  	p1 =	por p0, p0;
	v0 =	vor.u32 v2, v0  }
.Ltmp3:
0x29: {  	_ = 	snop;
	(pc) =	sbr.rel @p1 .LBB2_3-.Ltmp3, $4  }
0x2a: {  	_ = 	snop  }
0x2b: {  	s31 =	sadd.s32 s16, s14  }
0x2c: {  	s16 =	simm.s32 $0x10;
	p0 =	por $0x0, $0x0;
	(ifvalue) =	ssetifvalue $0x7FFFFFFF  }
0x2d: {  	[tilespmem:s31], [sflag:$0x1] =	stream.indirect_vreg.gather [hbm4b:s3+s10], $0x1, v0, vm0, $0x4038;
	[tilespmem:$0x80] =	vst v63  }
.Ltmp4:
0x2e: {  	(pc) =	sbr.rel .LBB2_5-.Ltmp4, $4  }
0x2f: {  	_ =	swait.ge [sflag:s5], $0x20  }
0x30: {  	s15 =	sshrl.u32 s13, $0x3;
	[sflag:s5] =	ssyncset.done $0x0  }
0x31: {  	s31 =	sand.u32 $0x7, s13;
	s15 =	sadd.s32 s8, s15;
	[sflag:s5] =	ssyncadd.s32 $0xFFFFFFE0  }
0x32: {  	[hbm4b:s15+s31] =	stream.linear.scatter [tilespmem:s14], [sflag:$0x3], $0x20, $0x38;
	[tilespmem:$0x80] =	vst v63  }
.LBB2_6:
0x33: {  	_ =	sfence.sel $0x180000  }
0x34: {  	s2 =	simm.s32 $0x2;
	[bflag:$0x0] =	sbarrier.arrive $0xFFFF  }
0x35: {  	s30 =	simm.s32 $0x3;
	[sflag:s2] =	ssyncpa.u1 $0x1  }
0x36: {  	s31 =	simm.s32 $0x1;
	[sflag:s30] =	ssyncpa.u1 $0x1  }
0x37: {  	[sflag:s31] =	ssyncpa.u1 $0x1  }
0x38: {  	p0 =	sne.s32 s0, $0x0;
	_ =	strace $0x9000006E  }
0x39: {  	s0 =	sadd.s32 @!p0 $0x100000, s1;
	[bflag:$0x2] =	sbarrier.arrive $0xFFFF  }
0x3a: {  	[sflag:s0] =	ssyncadd.tile.s32 @!p0 $0x1;
	_ =	shalt  }
.Lfunc_end2:
_tile_overlayer_lowered:
.L_overlay_start_2:
0x3b: {  	(tag) =	ssettag $0x2  }
0x3c: {  	s0 =	rddreg [dreg:$0x0];
	s2 =	stileid.u32  }
0x3d: {  	s1 =	rddreg [dreg:$0x1];
	p0 =	sne.s32 s2, $0x0  }
0x3e: {  	s3 =	rddreg [dreg:$0x2];
	[bflag:$0x3] =	sbarrier.arrive $0xFFFF;
	s2 =	simm.s32 @!p0 $0x1C01  }
0x3f: {  	[timem:s3], [sflag:s2] =	dma.local @!p0 [hbm:s0], s1  }
0x40: {  	s0 =	simm.s32 @!p0 $0x1  }
0x41: {  	_ =	swait.ge @!p0 [sflag:s0], s1  }
0x42: {  	s1 =	ssub.s32 @!p0 $0x0, s1;
	[sflag:s0] =	ssyncset.done @!p0 $0x0  }
0x43: {  	[sflag:s0] =	ssyncadd.s32 @!p0 s1  }
0x44: {  	[bflag:$0x3] =	sbarrier.arrive $0xFFFF  }
0x45: {  	_ =	shalt  }

// kernel: gather_offload_async_start.6
scs
__scs_entry_jumppad:
0x0: {  	(pc) =	sbr.rel $0x88, $3  }
0x1: {  	(tag) =	ssettag $0x0;
	lr =	simm.s32 $0x1  }
0x2: {  	[smem:$0x3F70] =	sst lr;
	_ =	strace $0xD0000000  }
0x3: {  	_ = 	snop  }
0x4: {  	_ = 	snop  }
0x5: {  	_ = 	snop  }
0x6: {  	_ = 	snop  }
0x7: {  	_ = 	snop  }
__scs_overlays_trampoline_lowered:
0x8: {  	[smem:$0x3F7F] =	sst s0  }
0x9: {  	[smem:$0x3F80] =	sst s1  }
0xa: {  	[smem:$0x3F81] =	sst s2  }
0xb: {  	[smem:$0x3F82] =	sst s3  }
0xc: {  	[smem:$0x3F83] =	sst s4  }
0xd: {  	[smem:$0x3F84] =	sst s5  }
0xe: {  	[smem:$0x3F85] =	sst s6  }
0xf: {  	[smem:$0x3F86] =	sst s7  }
0x10: {  	[smem:$0x3F87] =	sst s8  }
0x11: {  	[smem:$0x3F88] =	sst s9;
	s0 =	simm.s32 @!p0 $0x0  }
0x12: {  	s1 =	sld [smem:$0x3F6E];
	s0 =	simm.s32 @p0 $0x1  }
0x13: {  	[smem:$0x3F89] =	sst s0;
	s0 =	simm.s32 @!p1 $0x0  }
0x14: {  	s2 =	sld [smem:$0x3F6D];
	s0 =	simm.s32 @p1 $0x1  }
0x15: {  	[smem:$0x3F8A] =	sst s0;
	s0 =	simm.s32 @!p2 $0x0  }
0x16: {  	s3 =	sld [smem:$0x3FDB];
	s0 =	simm.s32 @p2 $0x1  }
0x17: {  	s4 =	simm.s32 $0x1BF5;
	[smem:$0x3F8C] =	sst s0  }
0x18: {  	s0 =	sld [smem:$0x3F6F];
	_ =	swait.ge [sflag:s4], $0x0  }
0x19: {  	s7 =	sld [smem:$0x3F70]  }
0x1a: {  	s8 =	sadd.s32 $0xFFFFE003, lr  }
0x1b: {  	s9 =	sadd.s32 $0xFFFFFEF7, lr;
	s5 =	simm.s32 $0xFFFFFFFF;
	p2 =	slt.u32 s8, $0xFFFFF086  }
0x1c: {  	p1 =	slt.u32 s9, $0xF7A;
	s5 =	simm.s32 @!p2 $0x0  }
0x1d: {  	s5 =	simm.s32 @p1 $0x1;
	p0 =	seq.s32 s7, s2  }
0x1e: {  	s7 =	smul.u32 @!p0 $0xF7A, s2;
	p2 =	seq.s32 @!p0 s5, $0x0  }
0x1f: {  	s9 =	smul.u32 $0xF7A, s1;
	s8 =	simm.s32 @!p0 $0x1BF5;
	p2 =	por !p2, p0  }
0x20: {  	[sflag:s8] =	ssyncset.s32 @!p0 $0xFFFFF086;
	s6 =	sadd.s32 @!p0 s3, s7;
	s7 =	simm.s32 @!p0 $0x108  }
0x21: {  	s3 =	sadd.s32 s3, s9;
	s6 =	sadd.s32 @!p0 $0x88, s6;
	s7 =	simm.s32 @p2 $0x1082  }
0x22: {  	[simem:s7], [sflag:s8] =	dma.local @!p0 [hbm:s6], $0xF7A  }
0x23: {  	s9 =	sor.u32 $0xD0000000, s2;
	s6 =	simm.s32 $0x108;
	_ =	swait.ge @!p0 [sflag:s8], $0x0  }
0x24: {  	s3 =	sadd.s32 $0x88, s3;
	s6 =	simm.s32 @!p1 $0x1082;
	[sflag:s4] =	ssyncset.s32 $0xFFFFF086  }
0x25: {  	[simem:s6], [sflag:s4] =	dma.local [hbm:s3], $0xF7A  }
0x26: {  	[smem:$0x3F70] =	sst s1;
	(tag) =	ssettag s2;
	_ =	strace s9  }
0x27: {  	s1 =	sld [smem:$0x3F80]  }
0x28: {  	s2 =	sld [smem:$0x3F81]  }
0x29: {  	s4 =	sld [smem:$0x3F83]  }
0x2a: {  	p0 =	seq.s32 s5, $0x0;
	s5 =	sld [smem:$0x3F84]  }
0x2b: {  	s6 =	sld [smem:$0x3F85]  }
0x2c: {  	s7 =	sld [smem:$0x3F86]  }
0x2d: {  	s3 =	simm.s32 $0x108;
	s8 =	sld [smem:$0x3F87]  }
0x2e: {  	s3 =	simm.s32 @!p0 $0x1082;
	s9 =	sld [smem:$0x3F88]  }
0x2f: {  	lr =	sadd.s32 s0, s3;
	s0 =	sld [smem:$0x3F7F]  }
0x30: {  	s3 =	sld [smem:$0x3F82]  }
0x31: {  	[smem:$0x3F8B] =	sst s10  }
0x32: {  	s10 =	sld [smem:$0x3F89];
	_ =	sdelay $0x3  }
0x33: {  	p0 =	seq.s32 s10, $0x1;
	s10 =	sld [smem:$0x3F8B];
	_ =	sdelay $0x3  }
0x34: {  	[smem:$0x3F8B] =	sst s10  }
0x35: {  	s10 =	sld [smem:$0x3F8A];
	_ =	sdelay $0x3  }
0x36: {  	p1 =	seq.s32 s10, $0x1;
	s10 =	sld [smem:$0x3F8B];
	_ =	sdelay $0x3  }
0x37: {  	[smem:$0x3F8B] =	sst s10  }
0x38: {  	s10 =	sld [smem:$0x3F8C]  }
0x39: {  	_ = 	snop;
	(pc) =	sbr.ind lr, $3  }
0x3a: {  	_ = 	snop  }
0x3b: {  	_ = 	snop  }
0x3c: {  	p2 =	seq.s32 s10, $0x1;
	s10 =	sld [smem:$0x3F8B]  }
0x3d: {  	_ =	shalt  }
0x3e: {  	_ =	shalt  }
0x3f: {  	_ =	shalt  }
0x40: {  	_ =	shalt  }
0x41: {  	_ =	shalt  }
0x42: {  	_ =	shalt  }
0x43: {  	_ =	shalt  }
0x44: {  	_ =	shalt  }
0x45: {  	_ =	shalt  }
0x46: {  	_ =	shalt  }
0x47: {  	_ =	shalt  }
0x48: {  	_ =	shalt  }
0x49: {  	_ =	shalt  }
0x4a: {  	_ =	shalt  }
0x4b: {  	_ =	shalt  }
0x4c: {  	_ =	shalt  }
0x4d: {  	_ =	shalt  }
0x4e: {  	_ =	shalt  }
0x4f: {  	_ =	shalt  }
0x50: {  	_ =	shalt  }
0x51: {  	_ =	shalt  }
0x52: {  	_ =	shalt  }
0x53: {  	_ =	shalt  }
0x54: {  	_ =	shalt  }
0x55: {  	_ =	shalt  }
0x56: {  	_ =	shalt  }
0x57: {  	_ =	shalt  }
0x58: {  	_ =	shalt  }
0x59: {  	_ =	shalt  }
0x5a: {  	_ =	shalt  }
0x5b: {  	_ =	shalt  }
0x5c: {  	_ =	shalt  }
0x5d: {  	_ =	shalt  }
0x5e: {  	_ =	shalt  }
0x5f: {  	_ =	shalt  }
0x60: {  	_ =	shalt  }
0x61: {  	_ =	shalt  }
0x62: {  	_ =	shalt  }
0x63: {  	_ =	shalt  }
0x64: {  	_ =	shalt  }
0x65: {  	_ =	shalt  }
0x66: {  	_ =	shalt  }
0x67: {  	_ =	shalt  }
0x68: {  	_ =	shalt  }
0x69: {  	_ =	shalt  }
0x6a: {  	_ =	shalt  }
0x6b: {  	_ =	shalt  }
0x6c: {  	_ =	shalt  }
0x6d: {  	_ =	shalt  }
0x6e: {  	_ =	shalt  }
0x6f: {  	_ =	shalt  }
0x70: {  	_ =	shalt  }
0x71: {  	_ =	shalt  }
0x72: {  	_ =	shalt  }
0x73: {  	_ =	shalt  }
0x74: {  	_ =	shalt  }
0x75: {  	_ =	shalt  }
0x76: {  	_ =	shalt  }
0x77: {  	_ =	shalt  }
0x78: {  	_ =	shalt  }
0x79: {  	_ =	shalt  }
0x7a: {  	_ =	shalt  }
0x7b: {  	_ =	shalt  }
0x7c: {  	_ =	shalt  }
0x7d: {  	_ =	shalt  }
0x7e: {  	_ =	shalt  }
0x7f: {  	_ =	shalt  }
0x80: {  	_ =	shalt  }
0x81: {  	_ =	shalt  }
0x82: {  	_ =	shalt  }
0x83: {  	_ =	shalt  }
0x84: {  	_ =	shalt  }
0x85: {  	_ =	shalt  }
0x86: {  	_ =	shalt  }
0x87: {  	_ =	shalt  }
.Lfunc_end0:
.L_simem_size_0:
called_computation.7_lowered:
.L_overlay_start_0:
0x88: {  	s2 =	sld [smem:$0x3FD9]  }
0x89: {  	s3 =	sld [smem:$0x3FFE];
	_ =	sdelay $0x1  }
0x8a: {  	s1 =	srdreg.scid  }
0x8b: {  	s0 =	sand.u32 $0x1, s1  }
0x8c: {  	s17 =	sshll.u32 s0, $0xA;
	s2 =	sadd.s32 s3, s2  }
0x8d: {  	s2 =	sadd.s32 s2, s17  }
0x8e: {  	[smem:$0x3F97] =	sst s2  }
0x8f: {  	_ = 	snop  }
0x90: {  	(tm) =	ssettm $0x1  }
0x91: {  	s18 =	sld [smem:$0x3FFB];
	_ =	sdelay $0x3  }
0x92: {  	_ =	strace s18  }
0x93: {  	s2 =	sld [smem:$0x3FFC];
	_ =	sdelay $0x3  }
0x94: {  	_ =	strace s2  }
0x95: {  	s2 =	sld [smem:$0x3FFD];
	_ =	sdelay $0x3  }
0x96: {  	_ =	strace s2  }
0x97: {  	_ =	strace $0x8FFFFFFF  }
0x98: {  	s19 =	sld [smem:$0x3FDB];
	_ =	sdelay $0x1  }
0x99: {  	s20 =	simm.s32 $_scs_section_size  }
0x9a: {  	s4 =	simm.s32 $_size__tile_overlayer_lowered;
	s5 =	simm.s32 $_tile_overlayer_lowered  }
0x9b: {  	s6 =	simm.s32 $0x1BFF;
	s21 =	sshll.u32 s5, $0x1;
	s3 =	sadd.s32 s20, s19  }
0x9c: {  	s22 =	simm.s32 $0x0;
	s4 =	sshll.u32 s4, $0x1;
	s5 =	sadd.s32 s21, s3  }
0x9d: {  	[timem:s22], [sflag:s6] =	dma.local [hbm:s5], s4  }
0x9e: {  	_ =	swait.ge [sflag:s6], s4  }
0x9f: {  	s4 =	ssub.s32 $0x0, s4;
	[sflag:s6] =	ssyncset.done $0x0  }
0xa0: {  	[sflag:s6] =	ssyncadd.s32 s4;
	_ =	sdelay $0x1  }
0xa1: {  	s23 =	simm.s32 $0x1B8B  }
0xa2: {  	_ =	swait.ge [sflag:s23], $0x1  }
0xa3: {  	[sflag:s23] =	ssyncset.done $0x0  }
0xa4: {  	[sflag:s23] =	ssyncadd.s32 $0xFFFFFFFF  }
0xa5: {  	s4 =	sld [smem:$0x0]  }
0xa6: {  	s5 =	sand.u32 $0xFFFFFFFE, s1  }
0xa7: {  	p0 =	sne.s32 s1, s5  }
0xa8: {  	s5 =	sshll.u32 @p0 s5, $0xE  }
0xa9: {  	s5 =	sadd.s32 @p0 $0x11B8D, s5;
	s6 =	sshll.u32 @p0 s4, $0x11  }
0xaa: {  	s5 =	sor.u32 @p0 s6, s5  }
0xab: {  	[sflag:s5] =	ssyncadd.remote.s32 @p0 $0x1;
	_ =	sdelay $0x1  }
0xac: {  	s5 =	simm.s32 @p0 $0x1B8D  }
0xad: {  	_ =	swait.eq @p0 [sflag:s5], $0x1  }
0xae: {  	[sflag:s5] =	ssyncadd.s32 @p0 $0xFFFFFFFF  }
0xaf: {  	s6 =	sshll.u32 @!p0 s1, $0xE  }
0xb0: {  	s6 =	sor.u32 @!p0 $0x4000, s6;
	s5 =	simm.s32 @!p0 $0x1B8D  }
0xb1: {  	s4 =	sshll.u32 @!p0 s4, $0x11;
	s6 =	sadd.s32 @!p0 $0x11B8D, s6;
	_ =	swait.eq @!p0 [sflag:s5], $0x1  }
0xb2: {  	s4 =	sor.u32 @!p0 s4, s6;
	[sflag:s5] =	ssyncadd.s32 @!p0 $0xFFFFFFFF  }
0xb3: {  	s25 =	simm.s32 $0x1B8E;
	s24 =	sld [smem:$0x3FFE];
	[sflag:s4] =	ssyncadd.remote.s32 @!p0 $0x1  }
0xb4: {  	s26 =	simm.s32 $execute0_lowered;
	[smem:$0x3FD2] =	sst s25  }
0xb5: {  	s5 =	sshll.u32 s26, $0x1;
	_ =	strace $0x80000070;
	[dreg:$0x1] =	wrdreg $0xFFFFFFFF  }
0xb6: {  	s28 =	simm.s32 $_size_execute0_lowered;
	s3 =	sadd.s32 s3, s5;
	[dreg:$0x0] =	wrdreg $0x0  }
0xb7: {  	s5 =	sshll.u32 s28, $0x1;
	[dreg:$0x2] =	wrdreg s3  }
0xb8: {  	[dreg:$0x3] =	wrdreg s5  }
0xb9: {  	[dreg:$0x4] =	wrdreg $0xC0  }
0xba: {  	_ =	task [dreg:s22], $0x5FFFF  }
0xbb: {  	[dreg:$0x1] =	wrdreg $0xFFFFFFFF  }
0xbc: {  	[dreg:$0x0] =	wrdreg $0x60  }
0xbd: {  	[dreg:$0x2] =	wrdreg s24  }
0xbe: {  	[dreg:$0x3] =	wrdreg $0xF  }
0xbf: {  	_ =	task.clear_ibuf [dreg:s22], $0x4FFFF;
	_ =	strace $0x90000070  }
0xc0: {  	s29 =	simm.s32 $0xF;
	_ =	strace $0x80000072  }
0xc1: {  	_ =	swait.ge [sflag:s29], $0x1  }
0xc2: {  	[sflag:s29] =	ssyncadd.s32 $0xFFFFFFFF  }
0xc3: {  	_ =	strace $0x90000072  }
0xc4: {  	_ =	sfence  }
0xc5: {  	s30 =	sld [smem:$0x0];
	_ =	sdelay $0x2  }
0xc6: {  	s31 =	sshll.u32 s1, $0xD;
	s1 =	sshrl.u32 s1, $0x2  }
0xc7: {  	s4 =	sand.u32 $0x4000, s31;
	s1 =	sadd.s32 s1, s30  }
0xc8: {  	s0 =	sor.u32 s4, s0;
	s1 =	sshll.u32 s1, $0x11  }
0xc9: {  	s0 =	sor.u32 s1, s0  }
0xca: {  	s0 =	sadd.s32 $0x8F2B, s0  }
0xcb: {  	[sflag:s0] =	ssyncadd.remote.s32 $0x1  }
0xcc: {  	_ =	sfence.sel $0xFFFF  }
0xcd: {  	[dreg:$0x0] =	wrdreg $0xFFFFFFFF;
	(pc) =	sbr.abs _section_cstart, $3  }
0xce: {  	[dreg:$0x1] =	wrdreg $0xFFFFFFFF  }
0xcf: {  	_ =	task.clear_ibuf [dreg:s22], $0x2FFFF;
	_ =	strace $0x9FFFFFFF  }
0xd0: {  	(tm) =	ssettm $0x7FFFFFFF  }
0xd1: {  	_ =	shalt  }
tec
execute0_lowered:
.L_overlay_start_1:
0x0: {  	(tag) =	ssettag $0x1  }
0x1: {  	s1 =	srdreg.scid  }
0x2: {  	s0 =	stileid.u32;
	s8 =	rddreg [dreg:$0x0];
	s5 =	simm.s32 $0x1  }
0x3: {  	s9 =	simm.s32 $0x1;
	s10 =	simm.s32 $0x3;
	s1 =	sshll.u32 s1, $0x5  }
0x4: {  	s13 =	simm.s32 $0x0;
	s2 =	sshll.u32 s0, $0x6;
	s3 =	sand.u32 $0x20, s1  }
0x5: {  	s12 =	simm.s32 $0x0;
	s4 =	sadd.s32 $0x3BA00, s8;
	s2 =	sor.u32 s2, s3  }
0x6: {  	s1 =	rddreg [dreg:$0x1];
	_ =	strace $0x80000071;
	s7 =	ssub.s32 $0x800, s2  }
.Ltmp0:
0x7: {  	s3 =	sadd.s32 $0x30B000, s8;
	s6 =	sand.u32 $0x3E0, s7;
	(pc) =	sbr.rel .LBB2_1-.Ltmp0, $4  }
0x8: {  	[sflag:s5] =	ssyncpa.u1 $0x0;
	s8 =	sadd.s32 $0x41C00, s8;
	p0 =	sne.s32 s6, $0x0  }
0x9: {  	s7 =	sshrl.u32 s7, $0xA;
	s6 =	simm.s32 $0x2;
	s9 =	simm.s32 @!p0 $0x0  }
0xa: {  	s11 =	smov.u32 s2;
	[sflag:s6] =	ssyncpa.u1 $0x0;
	s7 =	sadd.s32 s9, s7  }
0xb: {  	vm0 =	vmmov $0xffff;
	[sflag:s10] =	ssyncpa.u1 $0x0;
	s10 =	simm.s32 $0x0;
	s9 =	sadd.s32 $0x1, s7  }
.LBB2_5:
0xc: {  	s15 =	sadd.s32 $0x400, s11  }
0xd: {  	p1 =	sgt.s32 s15, $0x7FF  }
0xe: {  	s15 =	smov.u32 @p1 s2;
	p1 =	sne.s32 s12, s9  }
.Ltmp1:
0xf: {  	p0 =	slt.u32 s12, $0x2;
	(pc) =	sbr.rel @!p1 .LBB2_6-.Ltmp1, $4  }
0x10: {  	s14 =	simm.s32 @!p0 $0x3  }
0x11: {  	_ =	swait.ge @!p0 [sflag:s14], $0x20  }
0x12: {  	s16 =	sadd.s32 $0x1, s12;
	s13 =	smov.u32 s11;
	[sflag:s14] =	ssyncset.done @!p0 $0x0  }
0x13: {  	s12 =	smov.u32 s16;
	s11 =	smov.u32 s15;
	[sflag:s14] =	ssyncadd.s32 @!p0 $0xFFFFFFE0  }
.LBB2_1:
0x14: {  	p0 =	sge.u32 s12, s7  }
0x15: {  	s14 =	sxor.u32 @!p0 $0xFFFFFFFF, s12  }
0x16: {  	s31 =	sadd.s32 $0xFFFFFFFF, s12;
	s15 =	sshrl.u32 @!p0 s11, $0x3;
	s14 =	sshll.u32 @!p0 s14, $0x5  }
0x17: {  	s16 =	sand.u32 @!p0 $0x7, s11;
	s15 =	sadd.s32 @!p0 s4, s15;
	s14 =	sand.u32 @!p0 $0x20, s14  }
0x18: {  	[tilespmem:s14], [sflag:$0x2] =	stream.linear.gather @!p0 [hbm4b:s15+s16], $0x20, $0x38;
	[tilespmem:$0x80] =	vst v63  }
0x19: {  	p0 =	sge.u32 s31, s7  }
.Ltmp2:
0x1a: {  	_ = 	snop;
	(pc) =	sbr.rel @p0 .LBB2_5-.Ltmp2, $1  }
0x1b: {  	_ =	sdelay $0x3  }
0x1c: {  	_ =	swait.ge [sflag:s6], $0x20;
	s14 =	sshll.u32 s12, $0x5;
	s16 =	simm.s32 $0x0  }
0x1d: {  	p0 =	por $0x1, $0x1;
	[sflag:s6] =	ssyncset.done $0x0;
	s15 =	sand.u32 $0x20, s14  }
0x1e: {  	[sflag:s6] =	ssyncadd.s32 $0xFFFFFFE0;
	(ifvalue) =	ssetifvalue $0x7FFFFFFF;
	s14 =	sor.u32 $0x40, s15  }
.LBB2_3:
0x1f: {  	s17 =	sadd.s32 s16, s15  }
0x20: {  	v0 =	vld.msk [tilespmem:s17+$0x0 ss:$0x1], $0xffff;
	_ =	sdelay $0x4  }
0x21: {  	vm1 =	veq.s32 v0, $0x80000000;
	v1 =	vshrl.u32 v0, $0x1;
	v2 =	vshrl.u32 v0, $0xB  }
0x22: {  	v0 =	vshll.u32 v0, $0x14;
	v1 =	vand.u32 $0x3FF, v1;
	v2 =	vand.u32 $0x3FF, v2  }
0x23: {  	v0 =	vand.u32 $0x100000, v0;
	v1 =	vsel vm1, $0xFFFFFFFF, v1;
	v2 =	vsel vm1, $0xFFFFFFFF, v2  }
0x24: {  	v0 =	vsel vm1, $0xFFF00000, v0;
	v3 =	vand.u32 $0x7F, v1;
	v4 =	vshll.u32 v2, $0xA  }
0x25: {  	v1 =	vshll.u32 v1, $0x3;
	v4 =	vand.u32 $0xFFFFE000, v4;
	v0 =	vor.u32 v0, v3  }
0x26: {  	v2 =	vshll.u32 v2, $0x7;
	v1 =	vand.u32 $0xFFFFFC00, v1;
	v0 =	vadd.s32 v4, v0  }
0x27: {  	v2 =	vand.u32 $0x380, v2;
	v0 =	vadd.s32 v1, v0  }
0x28: {  	p1 =	por p0, p0;
	v0 =	vor.u32 v2, v0  }
.Ltmp3:
0x29: {  	_ = 	snop;
	(pc) =	sbr.rel @p1 .LBB2_3-.Ltmp3, $4  }
0x2a: {  	_ = 	snop  }
0x2b: {  	s31 =	sadd.s32 s16, s14  }
0x2c: {  	s16 =	simm.s32 $0x10;
	p0 =	por $0x0, $0x0;
	(ifvalue) =	ssetifvalue $0x7FFFFFFF  }
0x2d: {  	[tilespmem:s31], [sflag:$0x1] =	stream.indirect_vreg.gather [hbm4b:s3+s10], $0x1, v0, vm0, $0x4038;
	[tilespmem:$0x80] =	vst v63  }
.Ltmp4:
0x2e: {  	(pc) =	sbr.rel .LBB2_5-.Ltmp4, $4  }
0x2f: {  	_ =	swait.ge [sflag:s5], $0x20  }
0x30: {  	s15 =	sshrl.u32 s13, $0x3;
	[sflag:s5] =	ssyncset.done $0x0  }
0x31: {  	s31 =	sand.u32 $0x7, s13;
	s15 =	sadd.s32 s8, s15;
	[sflag:s5] =	ssyncadd.s32 $0xFFFFFFE0  }
0x32: {  	[hbm4b:s15+s31] =	stream.linear.scatter [tilespmem:s14], [sflag:$0x3], $0x20, $0x38;
	[tilespmem:$0x80] =	vst v63  }
.LBB2_6:
0x33: {  	_ =	sfence.sel $0x180000  }
0x34: {  	s2 =	simm.s32 $0x2;
	[bflag:$0x0] =	sbarrier.arrive $0xFFFF  }
0x35: {  	s30 =	simm.s32 $0x3;
	[sflag:s2] =	ssyncpa.u1 $0x1  }
0x36: {  	s31 =	simm.s32 $0x1;
	[sflag:s30] =	ssyncpa.u1 $0x1  }
0x37: {  	[sflag:s31] =	ssyncpa.u1 $0x1  }
0x38: {  	p0 =	sne.s32 s0, $0x0;
	_ =	strace $0x90000071  }
0x39: {  	s0 =	sadd.s32 @!p0 $0x100000, s1;
	[bflag:$0x2] =	sbarrier.arrive $0xFFFF  }
0x3a: {  	[sflag:s0] =	ssyncadd.tile.s32 @!p0 $0x1;
	_ =	shalt  }
.Lfunc_end2:
_tile_overlayer_lowered:
.L_overlay_start_2:
0x3b: {  	(tag) =	ssettag $0x2  }
0x3c: {  	s0 =	rddreg [dreg:$0x0];
	s2 =	stileid.u32  }
0x3d: {  	s1 =	rddreg [dreg:$0x1];
	p0 =	sne.s32 s2, $0x0  }
0x3e: {  	s3 =	rddreg [dreg:$0x2];
	[bflag:$0x3] =	sbarrier.arrive $0xFFFF;
	s2 =	simm.s32 @!p0 $0x1C01  }
0x3f: {  	[timem:s3], [sflag:s2] =	dma.local @!p0 [hbm:s0], s1  }
0x40: {  	s0 =	simm.s32 @!p0 $0x1  }
0x41: {  	_ =	swait.ge @!p0 [sflag:s0], s1  }
0x42: {  	s1 =	ssub.s32 @!p0 $0x0, s1;
	[sflag:s0] =	ssyncset.done @!p0 $0x0  }
0x43: {  	[sflag:s0] =	ssyncadd.s32 @!p0 s1  }
0x44: {  	[bflag:$0x3] =	sbarrier.arrive $0xFFFF  }
0x45: {  	_ =	shalt  }

// kernel: gather_offload_async_start.7
scs
__scs_entry_jumppad:
0x0: {  	(pc) =	sbr.rel $0x88, $3  }
0x1: {  	(tag) =	ssettag $0x0;
	lr =	simm.s32 $0x1  }
0x2: {  	[smem:$0x3F70] =	sst lr;
	_ =	strace $0xD0000000  }
0x3: {  	_ = 	snop  }
0x4: {  	_ = 	snop  }
0x5: {  	_ = 	snop  }
0x6: {  	_ = 	snop  }
0x7: {  	_ = 	snop  }
__scs_overlays_trampoline_lowered:
0x8: {  	[smem:$0x3F7F] =	sst s0  }
0x9: {  	[smem:$0x3F80] =	sst s1  }
0xa: {  	[smem:$0x3F81] =	sst s2  }
0xb: {  	[smem:$0x3F82] =	sst s3  }
0xc: {  	[smem:$0x3F83] =	sst s4  }
0xd: {  	[smem:$0x3F84] =	sst s5  }
0xe: {  	[smem:$0x3F85] =	sst s6  }
0xf: {  	[smem:$0x3F86] =	sst s7  }
0x10: {  	[smem:$0x3F87] =	sst s8  }
0x11: {  	[smem:$0x3F88] =	sst s9;
	s0 =	simm.s32 @!p0 $0x0  }
0x12: {  	s1 =	sld [smem:$0x3F6E];
	s0 =	simm.s32 @p0 $0x1  }
0x13: {  	[smem:$0x3F89] =	sst s0;
	s0 =	simm.s32 @!p1 $0x0  }
0x14: {  	s2 =	sld [smem:$0x3F6D];
	s0 =	simm.s32 @p1 $0x1  }
0x15: {  	[smem:$0x3F8A] =	sst s0;
	s0 =	simm.s32 @!p2 $0x0  }
0x16: {  	s3 =	sld [smem:$0x3FDB];
	s0 =	simm.s32 @p2 $0x1  }
0x17: {  	s4 =	simm.s32 $0x1BF5;
	[smem:$0x3F8C] =	sst s0  }
0x18: {  	s0 =	sld [smem:$0x3F6F];
	_ =	swait.ge [sflag:s4], $0x0  }
0x19: {  	s7 =	sld [smem:$0x3F70]  }
0x1a: {  	s8 =	sadd.s32 $0xFFFFE003, lr  }
0x1b: {  	s9 =	sadd.s32 $0xFFFFFEF7, lr;
	s5 =	simm.s32 $0xFFFFFFFF;
	p2 =	slt.u32 s8, $0xFFFFF086  }
0x1c: {  	p1 =	slt.u32 s9, $0xF7A;
	s5 =	simm.s32 @!p2 $0x0  }
0x1d: {  	s5 =	simm.s32 @p1 $0x1;
	p0 =	seq.s32 s7, s2  }
0x1e: {  	s7 =	smul.u32 @!p0 $0xF7A, s2;
	p2 =	seq.s32 @!p0 s5, $0x0  }
0x1f: {  	s9 =	smul.u32 $0xF7A, s1;
	s8 =	simm.s32 @!p0 $0x1BF5;
	p2 =	por !p2, p0  }
0x20: {  	[sflag:s8] =	ssyncset.s32 @!p0 $0xFFFFF086;
	s6 =	sadd.s32 @!p0 s3, s7;
	s7 =	simm.s32 @!p0 $0x108  }
0x21: {  	s3 =	sadd.s32 s3, s9;
	s6 =	sadd.s32 @!p0 $0x88, s6;
	s7 =	simm.s32 @p2 $0x1082  }
0x22: {  	[simem:s7], [sflag:s8] =	dma.local @!p0 [hbm:s6], $0xF7A  }
0x23: {  	s9 =	sor.u32 $0xD0000000, s2;
	s6 =	simm.s32 $0x108;
	_ =	swait.ge @!p0 [sflag:s8], $0x0  }
0x24: {  	s3 =	sadd.s32 $0x88, s3;
	s6 =	simm.s32 @!p1 $0x1082;
	[sflag:s4] =	ssyncset.s32 $0xFFFFF086  }
0x25: {  	[simem:s6], [sflag:s4] =	dma.local [hbm:s3], $0xF7A  }
0x26: {  	[smem:$0x3F70] =	sst s1;
	(tag) =	ssettag s2;
	_ =	strace s9  }
0x27: {  	s1 =	sld [smem:$0x3F80]  }
0x28: {  	s2 =	sld [smem:$0x3F81]  }
0x29: {  	s4 =	sld [smem:$0x3F83]  }
0x2a: {  	p0 =	seq.s32 s5, $0x0;
	s5 =	sld [smem:$0x3F84]  }
0x2b: {  	s6 =	sld [smem:$0x3F85]  }
0x2c: {  	s7 =	sld [smem:$0x3F86]  }
0x2d: {  	s3 =	simm.s32 $0x108;
	s8 =	sld [smem:$0x3F87]  }
0x2e: {  	s3 =	simm.s32 @!p0 $0x1082;
	s9 =	sld [smem:$0x3F88]  }
0x2f: {  	lr =	sadd.s32 s0, s3;
	s0 =	sld [smem:$0x3F7F]  }
0x30: {  	s3 =	sld [smem:$0x3F82]  }
0x31: {  	[smem:$0x3F8B] =	sst s10  }
0x32: {  	s10 =	sld [smem:$0x3F89];
	_ =	sdelay $0x3  }
0x33: {  	p0 =	seq.s32 s10, $0x1;
	s10 =	sld [smem:$0x3F8B];
	_ =	sdelay $0x3  }
0x34: {  	[smem:$0x3F8B] =	sst s10  }
0x35: {  	s10 =	sld [smem:$0x3F8A];
	_ =	sdelay $0x3  }
0x36: {  	p1 =	seq.s32 s10, $0x1;
	s10 =	sld [smem:$0x3F8B];
	_ =	sdelay $0x3  }
0x37: {  	[smem:$0x3F8B] =	sst s10  }
0x38: {  	s10 =	sld [smem:$0x3F8C]  }
0x39: {  	_ = 	snop;
	(pc) =	sbr.ind lr, $3  }
0x3a: {  	_ = 	snop  }
0x3b: {  	_ = 	snop  }
0x3c: {  	p2 =	seq.s32 s10, $0x1;
	s10 =	sld [smem:$0x3F8B]  }
0x3d: {  	_ =	shalt  }
0x3e: {  	_ =	shalt  }
0x3f: {  	_ =	shalt  }
0x40: {  	_ =	shalt  }
0x41: {  	_ =	shalt  }
0x42: {  	_ =	shalt  }
0x43: {  	_ =	shalt  }
0x44: {  	_ =	shalt  }
0x45: {  	_ =	shalt  }
0x46: {  	_ =	shalt  }
0x47: {  	_ =	shalt  }
0x48: {  	_ =	shalt  }
0x49: {  	_ =	shalt  }
0x4a: {  	_ =	shalt  }
0x4b: {  	_ =	shalt  }
0x4c: {  	_ =	shalt  }
0x4d: {  	_ =	shalt  }
0x4e: {  	_ =	shalt  }
0x4f: {  	_ =	shalt  }
0x50: {  	_ =	shalt  }
0x51: {  	_ =	shalt  }
0x52: {  	_ =	shalt  }
0x53: {  	_ =	shalt  }
0x54: {  	_ =	shalt  }
0x55: {  	_ =	shalt  }
0x56: {  	_ =	shalt  }
0x57: {  	_ =	shalt  }
0x58: {  	_ =	shalt  }
0x59: {  	_ =	shalt  }
0x5a: {  	_ =	shalt  }
0x5b: {  	_ =	shalt  }
0x5c: {  	_ =	shalt  }
0x5d: {  	_ =	shalt  }
0x5e: {  	_ =	shalt  }
0x5f: {  	_ =	shalt  }
0x60: {  	_ =	shalt  }
0x61: {  	_ =	shalt  }
0x62: {  	_ =	shalt  }
0x63: {  	_ =	shalt  }
0x64: {  	_ =	shalt  }
0x65: {  	_ =	shalt  }
0x66: {  	_ =	shalt  }
0x67: {  	_ =	shalt  }
0x68: {  	_ =	shalt  }
0x69: {  	_ =	shalt  }
0x6a: {  	_ =	shalt  }
0x6b: {  	_ =	shalt  }
0x6c: {  	_ =	shalt  }
0x6d: {  	_ =	shalt  }
0x6e: {  	_ =	shalt  }
0x6f: {  	_ =	shalt  }
0x70: {  	_ =	shalt  }
0x71: {  	_ =	shalt  }
0x72: {  	_ =	shalt  }
0x73: {  	_ =	shalt  }
0x74: {  	_ =	shalt  }
0x75: {  	_ =	shalt  }
0x76: {  	_ =	shalt  }
0x77: {  	_ =	shalt  }
0x78: {  	_ =	shalt  }
0x79: {  	_ =	shalt  }
0x7a: {  	_ =	shalt  }
0x7b: {  	_ =	shalt  }
0x7c: {  	_ =	shalt  }
0x7d: {  	_ =	shalt  }
0x7e: {  	_ =	shalt  }
0x7f: {  	_ =	shalt  }
0x80: {  	_ =	shalt  }
0x81: {  	_ =	shalt  }
0x82: {  	_ =	shalt  }
0x83: {  	_ =	shalt  }
0x84: {  	_ =	shalt  }
0x85: {  	_ =	shalt  }
0x86: {  	_ =	shalt  }
0x87: {  	_ =	shalt  }
.Lfunc_end0:
.L_simem_size_0:
called_computation.8_lowered:
.L_overlay_start_0:
0x88: {  	s2 =	sld [smem:$0x3FD9]  }
0x89: {  	s3 =	sld [smem:$0x3FFE];
	_ =	sdelay $0x1  }
0x8a: {  	s1 =	srdreg.scid  }
0x8b: {  	s0 =	sand.u32 $0x1, s1  }
0x8c: {  	s17 =	sshll.u32 s0, $0xA;
	s2 =	sadd.s32 s3, s2  }
0x8d: {  	s2 =	sadd.s32 s2, s17  }
0x8e: {  	[smem:$0x3F97] =	sst s2  }
0x8f: {  	_ = 	snop  }
0x90: {  	(tm) =	ssettm $0x1  }
0x91: {  	s18 =	sld [smem:$0x3FFB];
	_ =	sdelay $0x3  }
0x92: {  	_ =	strace s18  }
0x93: {  	s2 =	sld [smem:$0x3FFC];
	_ =	sdelay $0x3  }
0x94: {  	_ =	strace s2  }
0x95: {  	s2 =	sld [smem:$0x3FFD];
	_ =	sdelay $0x3  }
0x96: {  	_ =	strace s2  }
0x97: {  	_ =	strace $0x8FFFFFFF  }
0x98: {  	s19 =	sld [smem:$0x3FDB];
	_ =	sdelay $0x1  }
0x99: {  	s20 =	simm.s32 $_scs_section_size  }
0x9a: {  	s4 =	simm.s32 $_size__tile_overlayer_lowered;
	s5 =	simm.s32 $_tile_overlayer_lowered  }
0x9b: {  	s6 =	simm.s32 $0x1BFF;
	s21 =	sshll.u32 s5, $0x1;
	s3 =	sadd.s32 s20, s19  }
0x9c: {  	s22 =	simm.s32 $0x0;
	s4 =	sshll.u32 s4, $0x1;
	s5 =	sadd.s32 s21, s3  }
0x9d: {  	[timem:s22], [sflag:s6] =	dma.local [hbm:s5], s4  }
0x9e: {  	_ =	swait.ge [sflag:s6], s4  }
0x9f: {  	s4 =	ssub.s32 $0x0, s4;
	[sflag:s6] =	ssyncset.done $0x0  }
0xa0: {  	[sflag:s6] =	ssyncadd.s32 s4;
	_ =	sdelay $0x1  }
0xa1: {  	s23 =	simm.s32 $0x1B8B  }
0xa2: {  	_ =	swait.ge [sflag:s23], $0x1  }
0xa3: {  	[sflag:s23] =	ssyncset.done $0x0  }
0xa4: {  	[sflag:s23] =	ssyncadd.s32 $0xFFFFFFFF  }
0xa5: {  	s4 =	sld [smem:$0x0]  }
0xa6: {  	s5 =	sand.u32 $0xFFFFFFFE, s1  }
0xa7: {  	p0 =	sne.s32 s1, s5  }
0xa8: {  	s5 =	sshll.u32 @p0 s5, $0xE  }
0xa9: {  	s5 =	sadd.s32 @p0 $0x11B8D, s5;
	s6 =	sshll.u32 @p0 s4, $0x11  }
0xaa: {  	s5 =	sor.u32 @p0 s6, s5  }
0xab: {  	[sflag:s5] =	ssyncadd.remote.s32 @p0 $0x1;
	_ =	sdelay $0x1  }
0xac: {  	s5 =	simm.s32 @p0 $0x1B8D  }
0xad: {  	_ =	swait.eq @p0 [sflag:s5], $0x1  }
0xae: {  	[sflag:s5] =	ssyncadd.s32 @p0 $0xFFFFFFFF  }
0xaf: {  	s6 =	sshll.u32 @!p0 s1, $0xE  }
0xb0: {  	s6 =	sor.u32 @!p0 $0x4000, s6;
	s5 =	simm.s32 @!p0 $0x1B8D  }
0xb1: {  	s4 =	sshll.u32 @!p0 s4, $0x11;
	s6 =	sadd.s32 @!p0 $0x11B8D, s6;
	_ =	swait.eq @!p0 [sflag:s5], $0x1  }
0xb2: {  	s4 =	sor.u32 @!p0 s4, s6;
	[sflag:s5] =	ssyncadd.s32 @!p0 $0xFFFFFFFF  }
0xb3: {  	s25 =	simm.s32 $0x1B8E;
	s24 =	sld [smem:$0x3FFE];
	[sflag:s4] =	ssyncadd.remote.s32 @!p0 $0x1  }
0xb4: {  	s26 =	simm.s32 $execute0_lowered;
	[smem:$0x3FD2] =	sst s25  }
0xb5: {  	s5 =	sshll.u32 s26, $0x1;
	_ =	strace $0x80000073;
	[dreg:$0x1] =	wrdreg $0xFFFFFFFF  }
0xb6: {  	s28 =	simm.s32 $_size_execute0_lowered;
	s3 =	sadd.s32 s3, s5;
	[dreg:$0x0] =	wrdreg $0x0  }
0xb7: {  	s5 =	sshll.u32 s28, $0x1;
	[dreg:$0x2] =	wrdreg s3  }
0xb8: {  	[dreg:$0x3] =	wrdreg s5  }
0xb9: {  	[dreg:$0x4] =	wrdreg $0xC0  }
0xba: {  	_ =	task [dreg:s22], $0x5FFFF  }
0xbb: {  	[dreg:$0x1] =	wrdreg $0xFFFFFFFF  }
0xbc: {  	[dreg:$0x0] =	wrdreg $0x60  }
0xbd: {  	[dreg:$0x2] =	wrdreg s24  }
0xbe: {  	[dreg:$0x3] =	wrdreg $0x10  }
0xbf: {  	_ =	task.clear_ibuf [dreg:s22], $0x4FFFF;
	_ =	strace $0x90000073  }
0xc0: {  	s29 =	simm.s32 $0x10;
	_ =	strace $0x80000075  }
0xc1: {  	_ =	swait.ge [sflag:s29], $0x1  }
0xc2: {  	[sflag:s29] =	ssyncadd.s32 $0xFFFFFFFF  }
0xc3: {  	_ =	strace $0x90000075  }
0xc4: {  	_ =	sfence  }
0xc5: {  	s30 =	sld [smem:$0x0];
	_ =	sdelay $0x2  }
0xc6: {  	s31 =	sshll.u32 s1, $0xD;
	s1 =	sshrl.u32 s1, $0x2  }
0xc7: {  	s4 =	sand.u32 $0x4000, s31;
	s1 =	sadd.s32 s1, s30  }
0xc8: {  	s0 =	sor.u32 s4, s0;
	s1 =	sshll.u32 s1, $0x11  }
0xc9: {  	s0 =	sor.u32 s1, s0  }
0xca: {  	s0 =	sadd.s32 $0x8F2B, s0  }
0xcb: {  	[sflag:s0] =	ssyncadd.remote.s32 $0x1  }
0xcc: {  	_ =	sfence.sel $0xFFFF  }
0xcd: {  	[dreg:$0x0] =	wrdreg $0xFFFFFFFF;
	(pc) =	sbr.abs _section_cstart, $3  }
0xce: {  	[dreg:$0x1] =	wrdreg $0xFFFFFFFF  }
0xcf: {  	_ =	task.clear_ibuf [dreg:s22], $0x2FFFF;
	_ =	strace $0x9FFFFFFF  }
0xd0: {  	(tm) =	ssettm $0x7FFFFFFF  }
0xd1: {  	_ =	shalt  }
tec
execute0_lowered:
.L_overlay_start_1:
0x0: {  	(tag) =	ssettag $0x1  }
0x1: {  	s1 =	srdreg.scid  }
0x2: {  	s0 =	stileid.u32;
	s8 =	rddreg [dreg:$0x0];
	s5 =	simm.s32 $0x1  }
0x3: {  	s9 =	simm.s32 $0x1;
	s10 =	simm.s32 $0x3;
	s1 =	sshll.u32 s1, $0x5  }
0x4: {  	s13 =	simm.s32 $0x0;
	s2 =	sshll.u32 s0, $0x6;
	s3 =	sand.u32 $0x20, s1  }
0x5: {  	s12 =	simm.s32 $0x0;
	s4 =	sadd.s32 $0x3BC00, s8;
	s2 =	sor.u32 s2, s3  }
0x6: {  	s1 =	rddreg [dreg:$0x1];
	_ =	strace $0x80000074;
	s7 =	ssub.s32 $0x800, s2  }
.Ltmp0:
0x7: {  	s3 =	sadd.s32 $0x28B000, s8;
	s6 =	sand.u32 $0x3E0, s7;
	(pc) =	sbr.rel .LBB2_1-.Ltmp0, $4  }
0x8: {  	[sflag:s5] =	ssyncpa.u1 $0x0;
	s8 =	sadd.s32 $0x41E00, s8;
	p0 =	sne.s32 s6, $0x0  }
0x9: {  	s7 =	sshrl.u32 s7, $0xA;
	s6 =	simm.s32 $0x2;
	s9 =	simm.s32 @!p0 $0x0  }
0xa: {  	s11 =	smov.u32 s2;
	[sflag:s6] =	ssyncpa.u1 $0x0;
	s7 =	sadd.s32 s9, s7  }
0xb: {  	vm0 =	vmmov $0xffff;
	[sflag:s10] =	ssyncpa.u1 $0x0;
	s10 =	simm.s32 $0x0;
	s9 =	sadd.s32 $0x1, s7  }
.LBB2_5:
0xc: {  	s15 =	sadd.s32 $0x400, s11  }
0xd: {  	p1 =	sgt.s32 s15, $0x7FF  }
0xe: {  	s15 =	smov.u32 @p1 s2;
	p1 =	sne.s32 s12, s9  }
.Ltmp1:
0xf: {  	p0 =	slt.u32 s12, $0x2;
	(pc) =	sbr.rel @!p1 .LBB2_6-.Ltmp1, $4  }
0x10: {  	s14 =	simm.s32 @!p0 $0x3  }
0x11: {  	_ =	swait.ge @!p0 [sflag:s14], $0x20  }
0x12: {  	s16 =	sadd.s32 $0x1, s12;
	s13 =	smov.u32 s11;
	[sflag:s14] =	ssyncset.done @!p0 $0x0  }
0x13: {  	s12 =	smov.u32 s16;
	s11 =	smov.u32 s15;
	[sflag:s14] =	ssyncadd.s32 @!p0 $0xFFFFFFE0  }
.LBB2_1:
0x14: {  	p0 =	sge.u32 s12, s7  }
0x15: {  	s14 =	sxor.u32 @!p0 $0xFFFFFFFF, s12  }
0x16: {  	s31 =	sadd.s32 $0xFFFFFFFF, s12;
	s15 =	sshrl.u32 @!p0 s11, $0x3;
	s14 =	sshll.u32 @!p0 s14, $0x5  }
0x17: {  	s16 =	sand.u32 @!p0 $0x7, s11;
	s15 =	sadd.s32 @!p0 s4, s15;
	s14 =	sand.u32 @!p0 $0x20, s14  }
0x18: {  	[tilespmem:s14], [sflag:$0x2] =	stream.linear.gather @!p0 [hbm4b:s15+s16], $0x20, $0x38;
	[tilespmem:$0x80] =	vst v63  }
0x19: {  	p0 =	sge.u32 s31, s7  }
.Ltmp2:
0x1a: {  	_ = 	snop;
	(pc) =	sbr.rel @p0 .LBB2_5-.Ltmp2, $1  }
0x1b: {  	_ =	sdelay $0x3  }
0x1c: {  	_ =	swait.ge [sflag:s6], $0x20;
	s14 =	sshll.u32 s12, $0x5;
	s16 =	simm.s32 $0x0  }
0x1d: {  	p0 =	por $0x1, $0x1;
	[sflag:s6] =	ssyncset.done $0x0;
	s15 =	sand.u32 $0x20, s14  }
0x1e: {  	[sflag:s6] =	ssyncadd.s32 $0xFFFFFFE0;
	(ifvalue) =	ssetifvalue $0x7FFFFFFF;
	s14 =	sor.u32 $0x40, s15  }
.LBB2_3:
0x1f: {  	s17 =	sadd.s32 s16, s15  }
0x20: {  	v0 =	vld.msk [tilespmem:s17+$0x0 ss:$0x1], $0xffff;
	_ =	sdelay $0x4  }
0x21: {  	vm1 =	veq.s32 v0, $0x80000000;
	v1 =	vshrl.u32 v0, $0x1;
	v2 =	vshrl.u32 v0, $0xB  }
0x22: {  	v0 =	vshll.u32 v0, $0x14;
	v1 =	vand.u32 $0x3FF, v1;
	v2 =	vand.u32 $0x3FF, v2  }
0x23: {  	v0 =	vand.u32 $0x100000, v0;
	v1 =	vsel vm1, $0xFFFFFFFF, v1;
	v2 =	vsel vm1, $0xFFFFFFFF, v2  }
0x24: {  	v0 =	vsel vm1, $0xFFF00000, v0;
	v3 =	vand.u32 $0x7F, v1;
	v4 =	vshll.u32 v2, $0xA  }
0x25: {  	v1 =	vshll.u32 v1, $0x3;
	v4 =	vand.u32 $0xFFFFE000, v4;
	v0 =	vor.u32 v0, v3  }
0x26: {  	v2 =	vshll.u32 v2, $0x7;
	v1 =	vand.u32 $0xFFFFFC00, v1;
	v0 =	vadd.s32 v4, v0  }
0x27: {  	v2 =	vand.u32 $0x380, v2;
	v0 =	vadd.s32 v1, v0  }
0x28: {  	p1 =	por p0, p0;
	v0 =	vor.u32 v2, v0  }
.Ltmp3:
0x29: {  	_ = 	snop;
	(pc) =	sbr.rel @p1 .LBB2_3-.Ltmp3, $4  }
0x2a: {  	_ = 	snop  }
0x2b: {  	s31 =	sadd.s32 s16, s14  }
0x2c: {  	s16 =	simm.s32 $0x10;
	p0 =	por $0x0, $0x0;
	(ifvalue) =	ssetifvalue $0x7FFFFFFF  }
0x2d: {  	[tilespmem:s31], [sflag:$0x1] =	stream.indirect_vreg.gather [hbm4b:s3+s10], $0x1, v0, vm0, $0x4038;
	[tilespmem:$0x80] =	vst v63  }
.Ltmp4:
0x2e: {  	(pc) =	sbr.rel .LBB2_5-.Ltmp4, $4  }
0x2f: {  	_ =	swait.ge [sflag:s5], $0x20  }
0x30: {  	s15 =	sshrl.u32 s13, $0x3;
	[sflag:s5] =	ssyncset.done $0x0  }
0x31: {  	s31 =	sand.u32 $0x7, s13;
	s15 =	sadd.s32 s8, s15;
	[sflag:s5] =	ssyncadd.s32 $0xFFFFFFE0  }
0x32: {  	[hbm4b:s15+s31] =	stream.linear.scatter [tilespmem:s14], [sflag:$0x3], $0x20, $0x38;
	[tilespmem:$0x80] =	vst v63  }
.LBB2_6:
0x33: {  	_ =	sfence.sel $0x180000  }
0x34: {  	s2 =	simm.s32 $0x2;
	[bflag:$0x0] =	sbarrier.arrive $0xFFFF  }
0x35: {  	s30 =	simm.s32 $0x3;
	[sflag:s2] =	ssyncpa.u1 $0x1  }
0x36: {  	s31 =	simm.s32 $0x1;
	[sflag:s30] =	ssyncpa.u1 $0x1  }
0x37: {  	[sflag:s31] =	ssyncpa.u1 $0x1  }
0x38: {  	p0 =	sne.s32 s0, $0x0;
	_ =	strace $0x90000074  }
0x39: {  	s0 =	sadd.s32 @!p0 $0x100000, s1;
	[bflag:$0x2] =	sbarrier.arrive $0xFFFF  }
0x3a: {  	[sflag:s0] =	ssyncadd.tile.s32 @!p0 $0x1;
	_ =	shalt  }
.Lfunc_end2:
_tile_overlayer_lowered:
.L_overlay_start_2:
0x3b: {  	(tag) =	ssettag $0x2  }
0x3c: {  	s0 =	rddreg [dreg:$0x0];
	s2 =	stileid.u32  }
0x3d: {  	s1 =	rddreg [dreg:$0x1];
	p0 =	sne.s32 s2, $0x0  }
0x3e: {  	s3 =	rddreg [dreg:$0x2];
	[bflag:$0x3] =	sbarrier.arrive $0xFFFF;
	s2 =	simm.s32 @!p0 $0x1C01  }
0x3f: {  	[timem:s3], [sflag:s2] =	dma.local @!p0 [hbm:s0], s1  }
0x40: {  	s0 =	simm.s32 @!p0 $0x1  }
0x41: {  	_ =	swait.ge @!p0 [sflag:s0], s1  }
0x42: {  	s1 =	ssub.s32 @!p0 $0x0, s1;
	[sflag:s0] =	ssyncset.done @!p0 $0x0  }
0x43: {  	[sflag:s0] =	ssyncadd.s32 @!p0 s1  }
0x44: {  	[bflag:$0x3] =	sbarrier.arrive $0xFFFF  }
0x45: {  	_ =	shalt  }

// kernel: gather_offload_async_start.8
scs
__scs_entry_jumppad:
0x0: {  	(pc) =	sbr.rel $0x88, $3  }
0x1: {  	(tag) =	ssettag $0x0;
	lr =	simm.s32 $0x1  }
0x2: {  	[smem:$0x3F70] =	sst lr;
	_ =	strace $0xD0000000  }
0x3: {  	_ = 	snop  }
0x4: {  	_ = 	snop  }
0x5: {  	_ = 	snop  }
0x6: {  	_ = 	snop  }
0x7: {  	_ = 	snop  }
__scs_overlays_trampoline_lowered:
0x8: {  	[smem:$0x3F7F] =	sst s0  }
0x9: {  	[smem:$0x3F80] =	sst s1  }
0xa: {  	[smem:$0x3F81] =	sst s2  }
0xb: {  	[smem:$0x3F82] =	sst s3  }
0xc: {  	[smem:$0x3F83] =	sst s4  }
0xd: {  	[smem:$0x3F84] =	sst s5  }
0xe: {  	[smem:$0x3F85] =	sst s6  }
0xf: {  	[smem:$0x3F86] =	sst s7  }
0x10: {  	[smem:$0x3F87] =	sst s8  }
0x11: {  	[smem:$0x3F88] =	sst s9;
	s0 =	simm.s32 @!p0 $0x0  }
0x12: {  	s1 =	sld [smem:$0x3F6E];
	s0 =	simm.s32 @p0 $0x1  }
0x13: {  	[smem:$0x3F89] =	sst s0;
	s0 =	simm.s32 @!p1 $0x0  }
0x14: {  	s2 =	sld [smem:$0x3F6D];
	s0 =	simm.s32 @p1 $0x1  }
0x15: {  	[smem:$0x3F8A] =	sst s0;
	s0 =	simm.s32 @!p2 $0x0  }
0x16: {  	s3 =	sld [smem:$0x3FDB];
	s0 =	simm.s32 @p2 $0x1  }
0x17: {  	s4 =	simm.s32 $0x1BF5;
	[smem:$0x3F8C] =	sst s0  }
0x18: {  	s0 =	sld [smem:$0x3F6F];
	_ =	swait.ge [sflag:s4], $0x0  }
0x19: {  	s7 =	sld [smem:$0x3F70]  }
0x1a: {  	s8 =	sadd.s32 $0xFFFFE003, lr  }
0x1b: {  	s9 =	sadd.s32 $0xFFFFFEF7, lr;
	s5 =	simm.s32 $0xFFFFFFFF;
	p2 =	slt.u32 s8, $0xFFFFF086  }
0x1c: {  	p1 =	slt.u32 s9, $0xF7A;
	s5 =	simm.s32 @!p2 $0x0  }
0x1d: {  	s5 =	simm.s32 @p1 $0x1;
	p0 =	seq.s32 s7, s2  }
0x1e: {  	s7 =	smul.u32 @!p0 $0xF7A, s2;
	p2 =	seq.s32 @!p0 s5, $0x0  }
0x1f: {  	s9 =	smul.u32 $0xF7A, s1;
	s8 =	simm.s32 @!p0 $0x1BF5;
	p2 =	por !p2, p0  }
0x20: {  	[sflag:s8] =	ssyncset.s32 @!p0 $0xFFFFF086;
	s6 =	sadd.s32 @!p0 s3, s7;
	s7 =	simm.s32 @!p0 $0x108  }
0x21: {  	s3 =	sadd.s32 s3, s9;
	s6 =	sadd.s32 @!p0 $0x88, s6;
	s7 =	simm.s32 @p2 $0x1082  }
0x22: {  	[simem:s7], [sflag:s8] =	dma.local @!p0 [hbm:s6], $0xF7A  }
0x23: {  	s9 =	sor.u32 $0xD0000000, s2;
	s6 =	simm.s32 $0x108;
	_ =	swait.ge @!p0 [sflag:s8], $0x0  }
0x24: {  	s3 =	sadd.s32 $0x88, s3;
	s6 =	simm.s32 @!p1 $0x1082;
	[sflag:s4] =	ssyncset.s32 $0xFFFFF086  }
0x25: {  	[simem:s6], [sflag:s4] =	dma.local [hbm:s3], $0xF7A  }
0x26: {  	[smem:$0x3F70] =	sst s1;
	(tag) =	ssettag s2;
	_ =	strace s9  }
0x27: {  	s1 =	sld [smem:$0x3F80]  }
0x28: {  	s2 =	sld [smem:$0x3F81]  }
0x29: {  	s4 =	sld [smem:$0x3F83]  }
0x2a: {  	p0 =	seq.s32 s5, $0x0;
	s5 =	sld [smem:$0x3F84]  }
0x2b: {  	s6 =	sld [smem:$0x3F85]  }
0x2c: {  	s7 =	sld [smem:$0x3F86]  }
0x2d: {  	s3 =	simm.s32 $0x108;
	s8 =	sld [smem:$0x3F87]  }
0x2e: {  	s3 =	simm.s32 @!p0 $0x1082;
	s9 =	sld [smem:$0x3F88]  }
0x2f: {  	lr =	sadd.s32 s0, s3;
	s0 =	sld [smem:$0x3F7F]  }
0x30: {  	s3 =	sld [smem:$0x3F82]  }
0x31: {  	[smem:$0x3F8B] =	sst s10  }
0x32: {  	s10 =	sld [smem:$0x3F89];
	_ =	sdelay $0x3  }
0x33: {  	p0 =	seq.s32 s10, $0x1;
	s10 =	sld [smem:$0x3F8B];
	_ =	sdelay $0x3  }
0x34: {  	[smem:$0x3F8B] =	sst s10  }
0x35: {  	s10 =	sld [smem:$0x3F8A];
	_ =	sdelay $0x3  }
0x36: {  	p1 =	seq.s32 s10, $0x1;
	s10 =	sld [smem:$0x3F8B];
	_ =	sdelay $0x3  }
0x37: {  	[smem:$0x3F8B] =	sst s10  }
0x38: {  	s10 =	sld [smem:$0x3F8C]  }
0x39: {  	_ = 	snop;
	(pc) =	sbr.ind lr, $3  }
0x3a: {  	_ = 	snop  }
0x3b: {  	_ = 	snop  }
0x3c: {  	p2 =	seq.s32 s10, $0x1;
	s10 =	sld [smem:$0x3F8B]  }
0x3d: {  	_ =	shalt  }
0x3e: {  	_ =	shalt  }
0x3f: {  	_ =	shalt  }
0x40: {  	_ =	shalt  }
0x41: {  	_ =	shalt  }
0x42: {  	_ =	shalt  }
0x43: {  	_ =	shalt  }
0x44: {  	_ =	shalt  }
0x45: {  	_ =	shalt  }
0x46: {  	_ =	shalt  }
0x47: {  	_ =	shalt  }
0x48: {  	_ =	shalt  }
0x49: {  	_ =	shalt  }
0x4a: {  	_ =	shalt  }
0x4b: {  	_ =	shalt  }
0x4c: {  	_ =	shalt  }
0x4d: {  	_ =	shalt  }
0x4e: {  	_ =	shalt  }
0x4f: {  	_ =	shalt  }
0x50: {  	_ =	shalt  }
0x51: {  	_ =	shalt  }
0x52: {  	_ =	shalt  }
0x53: {  	_ =	shalt  }
0x54: {  	_ =	shalt  }
0x55: {  	_ =	shalt  }
0x56: {  	_ =	shalt  }
0x57: {  	_ =	shalt  }
0x58: {  	_ =	shalt  }
0x59: {  	_ =	shalt  }
0x5a: {  	_ =	shalt  }
0x5b: {  	_ =	shalt  }
0x5c: {  	_ =	shalt  }
0x5d: {  	_ =	shalt  }
0x5e: {  	_ =	shalt  }
0x5f: {  	_ =	shalt  }
0x60: {  	_ =	shalt  }
0x61: {  	_ =	shalt  }
0x62: {  	_ =	shalt  }
0x63: {  	_ =	shalt  }
0x64: {  	_ =	shalt  }
0x65: {  	_ =	shalt  }
0x66: {  	_ =	shalt  }
0x67: {  	_ =	shalt  }
0x68: {  	_ =	shalt  }
0x69: {  	_ =	shalt  }
0x6a: {  	_ =	shalt  }
0x6b: {  	_ =	shalt  }
0x6c: {  	_ =	shalt  }
0x6d: {  	_ =	shalt  }
0x6e: {  	_ =	shalt  }
0x6f: {  	_ =	shalt  }
0x70: {  	_ =	shalt  }
0x71: {  	_ =	shalt  }
0x72: {  	_ =	shalt  }
0x73: {  	_ =	shalt  }
0x74: {  	_ =	shalt  }
0x75: {  	_ =	shalt  }
0x76: {  	_ =	shalt  }
0x77: {  	_ =	shalt  }
0x78: {  	_ =	shalt  }
0x79: {  	_ =	shalt  }
0x7a: {  	_ =	shalt  }
0x7b: {  	_ =	shalt  }
0x7c: {  	_ =	shalt  }
0x7d: {  	_ =	shalt  }
0x7e: {  	_ =	shalt  }
0x7f: {  	_ =	shalt  }
0x80: {  	_ =	shalt  }
0x81: {  	_ =	shalt  }
0x82: {  	_ =	shalt  }
0x83: {  	_ =	shalt  }
0x84: {  	_ =	shalt  }
0x85: {  	_ =	shalt  }
0x86: {  	_ =	shalt  }
0x87: {  	_ =	shalt  }
.Lfunc_end0:
.L_simem_size_0:
called_computation.9_lowered:
.L_overlay_start_0:
0x88: {  	s2 =	sld [smem:$0x3FD9]  }
0x89: {  	s3 =	sld [smem:$0x3FFE];
	_ =	sdelay $0x1  }
0x8a: {  	s1 =	srdreg.scid  }
0x8b: {  	s0 =	sand.u32 $0x1, s1  }
0x8c: {  	s17 =	sshll.u32 s0, $0xA;
	s2 =	sadd.s32 s3, s2  }
0x8d: {  	s2 =	sadd.s32 s2, s17  }
0x8e: {  	[smem:$0x3F97] =	sst s2  }
0x8f: {  	_ = 	snop  }
0x90: {  	(tm) =	ssettm $0x1  }
0x91: {  	s18 =	sld [smem:$0x3FFB];
	_ =	sdelay $0x3  }
0x92: {  	_ =	strace s18  }
0x93: {  	s2 =	sld [smem:$0x3FFC];
	_ =	sdelay $0x3  }
0x94: {  	_ =	strace s2  }
0x95: {  	s2 =	sld [smem:$0x3FFD];
	_ =	sdelay $0x3  }
0x96: {  	_ =	strace s2  }
0x97: {  	_ =	strace $0x8FFFFFFF  }
0x98: {  	s19 =	sld [smem:$0x3FDB];
	_ =	sdelay $0x1  }
0x99: {  	s20 =	simm.s32 $_scs_section_size  }
0x9a: {  	s4 =	simm.s32 $_size__tile_overlayer_lowered;
	s5 =	simm.s32 $_tile_overlayer_lowered  }
0x9b: {  	s6 =	simm.s32 $0x1BFF;
	s21 =	sshll.u32 s5, $0x1;
	s3 =	sadd.s32 s20, s19  }
0x9c: {  	s22 =	simm.s32 $0x0;
	s4 =	sshll.u32 s4, $0x1;
	s5 =	sadd.s32 s21, s3  }
0x9d: {  	[timem:s22], [sflag:s6] =	dma.local [hbm:s5], s4  }
0x9e: {  	_ =	swait.ge [sflag:s6], s4  }
0x9f: {  	s4 =	ssub.s32 $0x0, s4;
	[sflag:s6] =	ssyncset.done $0x0  }
0xa0: {  	[sflag:s6] =	ssyncadd.s32 s4;
	_ =	sdelay $0x1  }
0xa1: {  	s23 =	simm.s32 $0x1B8B  }
0xa2: {  	_ =	swait.ge [sflag:s23], $0x1  }
0xa3: {  	[sflag:s23] =	ssyncset.done $0x0  }
0xa4: {  	[sflag:s23] =	ssyncadd.s32 $0xFFFFFFFF  }
0xa5: {  	s4 =	sld [smem:$0x0]  }
0xa6: {  	s5 =	sand.u32 $0xFFFFFFFE, s1  }
0xa7: {  	p0 =	sne.s32 s1, s5  }
0xa8: {  	s5 =	sshll.u32 @p0 s5, $0xE  }
0xa9: {  	s5 =	sadd.s32 @p0 $0x11B8D, s5;
	s6 =	sshll.u32 @p0 s4, $0x11  }
0xaa: {  	s5 =	sor.u32 @p0 s6, s5  }
0xab: {  	[sflag:s5] =	ssyncadd.remote.s32 @p0 $0x1;
	_ =	sdelay $0x1  }
0xac: {  	s5 =	simm.s32 @p0 $0x1B8D  }
0xad: {  	_ =	swait.eq @p0 [sflag:s5], $0x1  }
0xae: {  	[sflag:s5] =	ssyncadd.s32 @p0 $0xFFFFFFFF  }
0xaf: {  	s6 =	sshll.u32 @!p0 s1, $0xE  }
0xb0: {  	s6 =	sor.u32 @!p0 $0x4000, s6;
	s5 =	simm.s32 @!p0 $0x1B8D  }
0xb1: {  	s4 =	sshll.u32 @!p0 s4, $0x11;
	s6 =	sadd.s32 @!p0 $0x11B8D, s6;
	_ =	swait.eq @!p0 [sflag:s5], $0x1  }
0xb2: {  	s4 =	sor.u32 @!p0 s4, s6;
	[sflag:s5] =	ssyncadd.s32 @!p0 $0xFFFFFFFF  }
0xb3: {  	s25 =	simm.s32 $0x1B8E;
	s24 =	sld [smem:$0x3FFE];
	[sflag:s4] =	ssyncadd.remote.s32 @!p0 $0x1  }
0xb4: {  	s26 =	simm.s32 $execute0_lowered;
	[smem:$0x3FD2] =	sst s25  }
0xb5: {  	s5 =	sshll.u32 s26, $0x1;
	_ =	strace $0x80000076;
	[dreg:$0x1] =	wrdreg $0xFFFFFFFF  }
0xb6: {  	s28 =	simm.s32 $_size_execute0_lowered;
	s3 =	sadd.s32 s3, s5;
	[dreg:$0x0] =	wrdreg $0x0  }
0xb7: {  	s5 =	sshll.u32 s28, $0x1;
	[dreg:$0x2] =	wrdreg s3  }
0xb8: {  	[dreg:$0x3] =	wrdreg s5  }
0xb9: {  	[dreg:$0x4] =	wrdreg $0xC0  }
0xba: {  	_ =	task [dreg:s22], $0x5FFFF  }
0xbb: {  	[dreg:$0x1] =	wrdreg $0xFFFFFFFF  }
0xbc: {  	[dreg:$0x0] =	wrdreg $0x60  }
0xbd: {  	[dreg:$0x2] =	wrdreg s24  }
0xbe: {  	[dreg:$0x3] =	wrdreg $0x11  }
0xbf: {  	_ =	task.clear_ibuf [dreg:s22], $0x4FFFF;
	_ =	strace $0x90000076  }
0xc0: {  	s29 =	simm.s32 $0x11;
	_ =	strace $0x80000078  }
0xc1: {  	_ =	swait.ge [sflag:s29], $0x1  }
0xc2: {  	[sflag:s29] =	ssyncadd.s32 $0xFFFFFFFF  }
0xc3: {  	_ =	strace $0x90000078  }
0xc4: {  	_ =	sfence  }
0xc5: {  	s30 =	sld [smem:$0x0];
	_ =	sdelay $0x2  }
0xc6: {  	s31 =	sshll.u32 s1, $0xD;
	s1 =	sshrl.u32 s1, $0x2  }
0xc7: {  	s4 =	sand.u32 $0x4000, s31;
	s1 =	sadd.s32 s1, s30  }
0xc8: {  	s0 =	sor.u32 s4, s0;
	s1 =	sshll.u32 s1, $0x11  }
0xc9: {  	s0 =	sor.u32 s1, s0  }
0xca: {  	s0 =	sadd.s32 $0x8F2B, s0  }
0xcb: {  	[sflag:s0] =	ssyncadd.remote.s32 $0x1  }
0xcc: {  	_ =	sfence.sel $0xFFFF  }
0xcd: {  	[dreg:$0x0] =	wrdreg $0xFFFFFFFF;
	(pc) =	sbr.abs _section_cstart, $3  }
0xce: {  	[dreg:$0x1] =	wrdreg $0xFFFFFFFF  }
0xcf: {  	_ =	task.clear_ibuf [dreg:s22], $0x2FFFF;
	_ =	strace $0x9FFFFFFF  }
0xd0: {  	(tm) =	ssettm $0x7FFFFFFF  }
0xd1: {  	_ =	shalt  }
tec
execute0_lowered:
.L_overlay_start_1:
0x0: {  	(tag) =	ssettag $0x1  }
0x1: {  	s1 =	srdreg.scid  }
0x2: {  	s0 =	stileid.u32;
	s8 =	rddreg [dreg:$0x0];
	s5 =	simm.s32 $0x1  }
0x3: {  	s9 =	simm.s32 $0x1;
	s10 =	simm.s32 $0x3;
	s1 =	sshll.u32 s1, $0x5  }
0x4: {  	s13 =	simm.s32 $0x0;
	s2 =	sshll.u32 s0, $0x6;
	s3 =	sand.u32 $0x20, s1  }
0x5: {  	s12 =	simm.s32 $0x0;
	s4 =	sadd.s32 $0x3BE00, s8;
	s2 =	sor.u32 s2, s3  }
0x6: {  	s1 =	rddreg [dreg:$0x1];
	_ =	strace $0x80000077;
	s7 =	ssub.s32 $0x800, s2  }
.Ltmp0:
0x7: {  	s3 =	sadd.s32 $0x2CB000, s8;
	s6 =	sand.u32 $0x3E0, s7;
	(pc) =	sbr.rel .LBB2_1-.Ltmp0, $4  }
0x8: {  	[sflag:s5] =	ssyncpa.u1 $0x0;
	s8 =	sadd.s32 $0x42000, s8;
	p0 =	sne.s32 s6, $0x0  }
0x9: {  	s7 =	sshrl.u32 s7, $0xA;
	s6 =	simm.s32 $0x2;
	s9 =	simm.s32 @!p0 $0x0  }
0xa: {  	s11 =	smov.u32 s2;
	[sflag:s6] =	ssyncpa.u1 $0x0;
	s7 =	sadd.s32 s9, s7  }
0xb: {  	vm0 =	vmmov $0xffff;
	[sflag:s10] =	ssyncpa.u1 $0x0;
	s10 =	simm.s32 $0x0;
	s9 =	sadd.s32 $0x1, s7  }
.LBB2_5:
0xc: {  	s15 =	sadd.s32 $0x400, s11  }
0xd: {  	p1 =	sgt.s32 s15, $0x7FF  }
0xe: {  	s15 =	smov.u32 @p1 s2;
	p1 =	sne.s32 s12, s9  }
.Ltmp1:
0xf: {  	p0 =	slt.u32 s12, $0x2;
	(pc) =	sbr.rel @!p1 .LBB2_6-.Ltmp1, $4  }
0x10: {  	s14 =	simm.s32 @!p0 $0x3  }
0x11: {  	_ =	swait.ge @!p0 [sflag:s14], $0x20  }
0x12: {  	s16 =	sadd.s32 $0x1, s12;
	s13 =	smov.u32 s11;
	[sflag:s14] =	ssyncset.done @!p0 $0x0  }
0x13: {  	s12 =	smov.u32 s16;
	s11 =	smov.u32 s15;
	[sflag:s14] =	ssyncadd.s32 @!p0 $0xFFFFFFE0  }
.LBB2_1:
0x14: {  	p0 =	sge.u32 s12, s7  }
0x15: {  	s14 =	sxor.u32 @!p0 $0xFFFFFFFF, s12  }
0x16: {  	s31 =	sadd.s32 $0xFFFFFFFF, s12;
	s15 =	sshrl.u32 @!p0 s11, $0x3;
	s14 =	sshll.u32 @!p0 s14, $0x5  }
0x17: {  	s16 =	sand.u32 @!p0 $0x7, s11;
	s15 =	sadd.s32 @!p0 s4, s15;
	s14 =	sand.u32 @!p0 $0x20, s14  }
0x18: {  	[tilespmem:s14], [sflag:$0x2] =	stream.linear.gather @!p0 [hbm4b:s15+s16], $0x20, $0x38;
	[tilespmem:$0x80] =	vst v63  }
0x19: {  	p0 =	sge.u32 s31, s7  }
.Ltmp2:
0x1a: {  	_ = 	snop;
	(pc) =	sbr.rel @p0 .LBB2_5-.Ltmp2, $1  }
0x1b: {  	_ =	sdelay $0x3  }
0x1c: {  	_ =	swait.ge [sflag:s6], $0x20;
	s14 =	sshll.u32 s12, $0x5;
	s16 =	simm.s32 $0x0  }
0x1d: {  	p0 =	por $0x1, $0x1;
	[sflag:s6] =	ssyncset.done $0x0;
	s15 =	sand.u32 $0x20, s14  }
0x1e: {  	[sflag:s6] =	ssyncadd.s32 $0xFFFFFFE0;
	(ifvalue) =	ssetifvalue $0x7FFFFFFF;
	s14 =	sor.u32 $0x40, s15  }
.LBB2_3:
0x1f: {  	s17 =	sadd.s32 s16, s15  }
0x20: {  	v0 =	vld.msk [tilespmem:s17+$0x0 ss:$0x1], $0xffff;
	_ =	sdelay $0x4  }
0x21: {  	vm1 =	veq.s32 v0, $0x80000000;
	v1 =	vshrl.u32 v0, $0x1;
	v2 =	vshrl.u32 v0, $0xB  }
0x22: {  	v0 =	vshll.u32 v0, $0x14;
	v1 =	vand.u32 $0x3FF, v1;
	v2 =	vand.u32 $0x3FF, v2  }
0x23: {  	v0 =	vand.u32 $0x100000, v0;
	v1 =	vsel vm1, $0xFFFFFFFF, v1;
	v2 =	vsel vm1, $0xFFFFFFFF, v2  }
0x24: {  	v0 =	vsel vm1, $0xFFF00000, v0;
	v3 =	vand.u32 $0x7F, v1;
	v4 =	vshll.u32 v2, $0xA  }
0x25: {  	v1 =	vshll.u32 v1, $0x3;
	v4 =	vand.u32 $0xFFFFE000, v4;
	v0 =	vor.u32 v0, v3  }
0x26: {  	v2 =	vshll.u32 v2, $0x7;
	v1 =	vand.u32 $0xFFFFFC00, v1;
	v0 =	vadd.s32 v4, v0  }
0x27: {  	v2 =	vand.u32 $0x380, v2;
	v0 =	vadd.s32 v1, v0  }
0x28: {  	p1 =	por p0, p0;
	v0 =	vor.u32 v2, v0  }
.Ltmp3:
0x29: {  	_ = 	snop;
	(pc) =	sbr.rel @p1 .LBB2_3-.Ltmp3, $4  }
0x2a: {  	_ = 	snop  }
0x2b: {  	s31 =	sadd.s32 s16, s14  }
0x2c: {  	s16 =	simm.s32 $0x10;
	p0 =	por $0x0, $0x0;
	(ifvalue) =	ssetifvalue $0x7FFFFFFF  }
0x2d: {  	[tilespmem:s31], [sflag:$0x1] =	stream.indirect_vreg.gather [hbm4b:s3+s10], $0x1, v0, vm0, $0x4038;
	[tilespmem:$0x80] =	vst v63  }
.Ltmp4:
0x2e: {  	(pc) =	sbr.rel .LBB2_5-.Ltmp4, $4  }
0x2f: {  	_ =	swait.ge [sflag:s5], $0x20  }
0x30: {  	s15 =	sshrl.u32 s13, $0x3;
	[sflag:s5] =	ssyncset.done $0x0  }
0x31: {  	s31 =	sand.u32 $0x7, s13;
	s15 =	sadd.s32 s8, s15;
	[sflag:s5] =	ssyncadd.s32 $0xFFFFFFE0  }
0x32: {  	[hbm4b:s15+s31] =	stream.linear.scatter [tilespmem:s14], [sflag:$0x3], $0x20, $0x38;
	[tilespmem:$0x80] =	vst v63  }
.LBB2_6:
0x33: {  	_ =	sfence.sel $0x180000  }
0x34: {  	s2 =	simm.s32 $0x2;
	[bflag:$0x0] =	sbarrier.arrive $0xFFFF  }
0x35: {  	s30 =	simm.s32 $0x3;
	[sflag:s2] =	ssyncpa.u1 $0x1  }
0x36: {  	s31 =	simm.s32 $0x1;
	[sflag:s30] =	ssyncpa.u1 $0x1  }
0x37: {  	[sflag:s31] =	ssyncpa.u1 $0x1  }
0x38: {  	p0 =	sne.s32 s0, $0x0;
	_ =	strace $0x90000077  }
0x39: {  	s0 =	sadd.s32 @!p0 $0x100000, s1;
	[bflag:$0x2] =	sbarrier.arrive $0xFFFF  }
0x3a: {  	[sflag:s0] =	ssyncadd.tile.s32 @!p0 $0x1;
	_ =	shalt  }
.Lfunc_end2:
_tile_overlayer_lowered:
.L_overlay_start_2:
0x3b: {  	(tag) =	ssettag $0x2  }
0x3c: {  	s0 =	rddreg [dreg:$0x0];
	s2 =	stileid.u32  }
0x3d: {  	s1 =	rddreg [dreg:$0x1];
	p0 =	sne.s32 s2, $0x0  }
0x3e: {  	s3 =	rddreg [dreg:$0x2];
	[bflag:$0x3] =	sbarrier.arrive $0xFFFF;
	s2 =	simm.s32 @!p0 $0x1C01  }
0x3f: {  	[timem:s3], [sflag:s2] =	dma.local @!p0 [hbm:s0], s1  }
0x40: {  	s0 =	simm.s32 @!p0 $0x1  }
0x41: {  	_ =	swait.ge @!p0 [sflag:s0], s1  }
0x42: {  	s1 =	ssub.s32 @!p0 $0x0, s1;
	[sflag:s0] =	ssyncset.done @!p0 $0x0  }
0x43: {  	[sflag:s0] =	ssyncadd.s32 @!p0 s1  }
0x44: {  	[bflag:$0x3] =	sbarrier.arrive $0xFFFF  }
0x45: {  	_ =	shalt  }

// kernel: gather_offload_async_start.9
scs
__scs_entry_jumppad:
0x0: {  	(pc) =	sbr.rel $0x88, $3  }
0x1: {  	(tag) =	ssettag $0x0;
	lr =	simm.s32 $0x1  }
0x2: {  	[smem:$0x3F70] =	sst lr;
	_ =	strace $0xD0000000  }
0x3: {  	_ = 	snop  }
0x4: {  	_ = 	snop  }
0x5: {  	_ = 	snop  }
0x6: {  	_ = 	snop  }
0x7: {  	_ = 	snop  }
__scs_overlays_trampoline_lowered:
0x8: {  	[smem:$0x3F7F] =	sst s0  }
0x9: {  	[smem:$0x3F80] =	sst s1  }
0xa: {  	[smem:$0x3F81] =	sst s2  }
0xb: {  	[smem:$0x3F82] =	sst s3  }
0xc: {  	[smem:$0x3F83] =	sst s4  }
0xd: {  	[smem:$0x3F84] =	sst s5  }
0xe: {  	[smem:$0x3F85] =	sst s6  }
0xf: {  	[smem:$0x3F86] =	sst s7  }
0x10: {  	[smem:$0x3F87] =	sst s8  }
0x11: {  	[smem:$0x3F88] =	sst s9;
	s0 =	simm.s32 @!p0 $0x0  }
0x12: {  	s1 =	sld [smem:$0x3F6E];
	s0 =	simm.s32 @p0 $0x1  }
0x13: {  	[smem:$0x3F89] =	sst s0;
	s0 =	simm.s32 @!p1 $0x0  }
0x14: {  	s2 =	sld [smem:$0x3F6D];
	s0 =	simm.s32 @p1 $0x1  }
0x15: {  	[smem:$0x3F8A] =	sst s0;
	s0 =	simm.s32 @!p2 $0x0  }
0x16: {  	s3 =	sld [smem:$0x3FDB];
	s0 =	simm.s32 @p2 $0x1  }
0x17: {  	s4 =	simm.s32 $0x1BF5;
	[smem:$0x3F8C] =	sst s0  }
0x18: {  	s0 =	sld [smem:$0x3F6F];
	_ =	swait.ge [sflag:s4], $0x0  }
0x19: {  	s7 =	sld [smem:$0x3F70]  }
0x1a: {  	s8 =	sadd.s32 $0xFFFFE003, lr  }
0x1b: {  	s9 =	sadd.s32 $0xFFFFFEF7, lr;
	s5 =	simm.s32 $0xFFFFFFFF;
	p2 =	slt.u32 s8, $0xFFFFF086  }
0x1c: {  	p1 =	slt.u32 s9, $0xF7A;
	s5 =	simm.s32 @!p2 $0x0  }
0x1d: {  	s5 =	simm.s32 @p1 $0x1;
	p0 =	seq.s32 s7, s2  }
0x1e: {  	s7 =	smul.u32 @!p0 $0xF7A, s2;
	p2 =	seq.s32 @!p0 s5, $0x0  }
0x1f: {  	s9 =	smul.u32 $0xF7A, s1;
	s8 =	simm.s32 @!p0 $0x1BF5;
	p2 =	por !p2, p0  }
0x20: {  	[sflag:s8] =	ssyncset.s32 @!p0 $0xFFFFF086;
	s6 =	sadd.s32 @!p0 s3, s7;
	s7 =	simm.s32 @!p0 $0x108  }
0x21: {  	s3 =	sadd.s32 s3, s9;
	s6 =	sadd.s32 @!p0 $0x88, s6;
	s7 =	simm.s32 @p2 $0x1082  }
0x22: {  	[simem:s7], [sflag:s8] =	dma.local @!p0 [hbm:s6], $0xF7A  }
0x23: {  	s9 =	sor.u32 $0xD0000000, s2;
	s6 =	simm.s32 $0x108;
	_ =	swait.ge @!p0 [sflag:s8], $0x0  }
0x24: {  	s3 =	sadd.s32 $0x88, s3;
	s6 =	simm.s32 @!p1 $0x1082;
	[sflag:s4] =	ssyncset.s32 $0xFFFFF086  }
0x25: {  	[simem:s6], [sflag:s4] =	dma.local [hbm:s3], $0xF7A  }
0x26: {  	[smem:$0x3F70] =	sst s1;
	(tag) =	ssettag s2;
	_ =	strace s9  }
0x27: {  	s1 =	sld [smem:$0x3F80]  }
0x28: {  	s2 =	sld [smem:$0x3F81]  }
0x29: {  	s4 =	sld [smem:$0x3F83]  }
0x2a: {  	p0 =	seq.s32 s5, $0x0;
	s5 =	sld [smem:$0x3F84]  }
0x2b: {  	s6 =	sld [smem:$0x3F85]  }
0x2c: {  	s7 =	sld [smem:$0x3F86]  }
0x2d: {  	s3 =	simm.s32 $0x108;
	s8 =	sld [smem:$0x3F87]  }
0x2e: {  	s3 =	simm.s32 @!p0 $0x1082;
	s9 =	sld [smem:$0x3F88]  }
0x2f: {  	lr =	sadd.s32 s0, s3;
	s0 =	sld [smem:$0x3F7F]  }
0x30: {  	s3 =	sld [smem:$0x3F82]  }
0x31: {  	[smem:$0x3F8B] =	sst s10  }
0x32: {  	s10 =	sld [smem:$0x3F89];
	_ =	sdelay $0x3  }
0x33: {  	p0 =	seq.s32 s10, $0x1;
	s10 =	sld [smem:$0x3F8B];
	_ =	sdelay $0x3  }
0x34: {  	[smem:$0x3F8B] =	sst s10  }
0x35: {  	s10 =	sld [smem:$0x3F8A];
	_ =	sdelay $0x3  }
0x36: {  	p1 =	seq.s32 s10, $0x1;
	s10 =	sld [smem:$0x3F8B];
	_ =	sdelay $0x3  }
0x37: {  	[smem:$0x3F8B] =	sst s10  }
0x38: {  	s10 =	sld [smem:$0x3F8C]  }
0x39: {  	_ = 	snop;
	(pc) =	sbr.ind lr, $3  }
0x3a: {  	_ = 	snop  }
0x3b: {  	_ = 	snop  }
0x3c: {  	p2 =	seq.s32 s10, $0x1;
	s10 =	sld [smem:$0x3F8B]  }
0x3d: {  	_ =	shalt  }
0x3e: {  	_ =	shalt  }
0x3f: {  	_ =	shalt  }
0x40: {  	_ =	shalt  }
0x41: {  	_ =	shalt  }
0x42: {  	_ =	shalt  }
0x43: {  	_ =	shalt  }
0x44: {  	_ =	shalt  }
0x45: {  	_ =	shalt  }
0x46: {  	_ =	shalt  }
0x47: {  	_ =	shalt  }
0x48: {  	_ =	shalt  }
0x49: {  	_ =	shalt  }
0x4a: {  	_ =	shalt  }
0x4b: {  	_ =	shalt  }
0x4c: {  	_ =	shalt  }
0x4d: {  	_ =	shalt  }
0x4e: {  	_ =	shalt  }
0x4f: {  	_ =	shalt  }
0x50: {  	_ =	shalt  }
0x51: {  	_ =	shalt  }
0x52: {  	_ =	shalt  }
0x53: {  	_ =	shalt  }
0x54: {  	_ =	shalt  }
0x55: {  	_ =	shalt  }
0x56: {  	_ =	shalt  }
0x57: {  	_ =	shalt  }
0x58: {  	_ =	shalt  }
0x59: {  	_ =	shalt  }
0x5a: {  	_ =	shalt  }
0x5b: {  	_ =	shalt  }
0x5c: {  	_ =	shalt  }
0x5d: {  	_ =	shalt  }
0x5e: {  	_ =	shalt  }
0x5f: {  	_ =	shalt  }
0x60: {  	_ =	shalt  }
0x61: {  	_ =	shalt  }
0x62: {  	_ =	shalt  }
0x63: {  	_ =	shalt  }
0x64: {  	_ =	shalt  }
0x65: {  	_ =	shalt  }
0x66: {  	_ =	shalt  }
0x67: {  	_ =	shalt  }
0x68: {  	_ =	shalt  }
0x69: {  	_ =	shalt  }
0x6a: {  	_ =	shalt  }
0x6b: {  	_ =	shalt  }
0x6c: {  	_ =	shalt  }
0x6d: {  	_ =	shalt  }
0x6e: {  	_ =	shalt  }
0x6f: {  	_ =	shalt  }
0x70: {  	_ =	shalt  }
0x71: {  	_ =	shalt  }
0x72: {  	_ =	shalt  }
0x73: {  	_ =	shalt  }
0x74: {  	_ =	shalt  }
0x75: {  	_ =	shalt  }
0x76: {  	_ =	shalt  }
0x77: {  	_ =	shalt  }
0x78: {  	_ =	shalt  }
0x79: {  	_ =	shalt  }
0x7a: {  	_ =	shalt  }
0x7b: {  	_ =	shalt  }
0x7c: {  	_ =	shalt  }
0x7d: {  	_ =	shalt  }
0x7e: {  	_ =	shalt  }
0x7f: {  	_ =	shalt  }
0x80: {  	_ =	shalt  }
0x81: {  	_ =	shalt  }
0x82: {  	_ =	shalt  }
0x83: {  	_ =	shalt  }
0x84: {  	_ =	shalt  }
0x85: {  	_ =	shalt  }
0x86: {  	_ =	shalt  }
0x87: {  	_ =	shalt  }
.Lfunc_end0:
.L_simem_size_0:
called_computation.10_lowered:
.L_overlay_start_0:
0x88: {  	s2 =	sld [smem:$0x3FD9]  }
0x89: {  	s3 =	sld [smem:$0x3FFE];
	_ =	sdelay $0x1  }
0x8a: {  	s1 =	srdreg.scid  }
0x8b: {  	s0 =	sand.u32 $0x1, s1  }
0x8c: {  	s16 =	sshll.u32 s0, $0xA;
	s2 =	sadd.s32 s3, s2  }
0x8d: {  	s2 =	sadd.s32 s2, s16  }
0x8e: {  	[smem:$0x3F97] =	sst s2  }
0x8f: {  	_ = 	snop  }
0x90: {  	(tm) =	ssettm $0x1  }
0x91: {  	s17 =	sld [smem:$0x3FFB];
	_ =	sdelay $0x3  }
0x92: {  	_ =	strace s17  }
0x93: {  	s2 =	sld [smem:$0x3FFC];
	_ =	sdelay $0x3  }
0x94: {  	_ =	strace s2  }
0x95: {  	s2 =	sld [smem:$0x3FFD];
	_ =	sdelay $0x3  }
0x96: {  	_ =	strace s2  }
0x97: {  	_ =	strace $0x8FFFFFFF  }
0x98: {  	s18 =	sld [smem:$0x3FDB];
	_ =	sdelay $0x1  }
0x99: {  	s19 =	simm.s32 $_scs_section_size  }
0x9a: {  	s4 =	simm.s32 $_size__tile_overlayer_lowered;
	s5 =	simm.s32 $_tile_overlayer_lowered  }
0x9b: {  	s22 =	simm.s32 $0x1BFF;
	s21 =	sshll.u32 s5, $0x1;
	s2 =	sadd.s32 s19, s18  }
0x9c: {  	s6 =	simm.s32 $0x0;
	s20 =	sshll.u32 s4, $0x1;
	s4 =	sadd.s32 s21, s2  }
0x9d: {  	[timem:s6], [sflag:s22] =	dma.local [hbm:s4], s20  }
0x9e: {  	_ =	swait.ge [sflag:s22], s20  }
0x9f: {  	s3 =	ssub.s32 $0x0, s20;
	[sflag:s22] =	ssyncset.done $0x0  }
0xa0: {  	[sflag:s22] =	ssyncadd.s32 s3;
	_ =	sdelay $0x1  }
0xa1: {  	s23 =	simm.s32 $0x1B8B  }
0xa2: {  	_ =	swait.ge [sflag:s23], $0x1  }
0xa3: {  	[sflag:s23] =	ssyncset.done $0x0  }
0xa4: {  	s25 =	simm.s32 $0x1B8E;
	s24 =	sld [smem:$0x3FFE];
	[sflag:s23] =	ssyncadd.s32 $0xFFFFFFFF  }
0xa5: {  	s26 =	simm.s32 $execute0_lowered;
	[smem:$0x3FD2] =	sst s25  }
0xa6: {  	s4 =	sshll.u32 s26, $0x1;
	_ =	strace $0x80000046;
	[dreg:$0x1] =	wrdreg $0xFFFFFFFF  }
0xa7: {  	s28 =	simm.s32 $_size_execute0_lowered;
	s2 =	sadd.s32 s2, s4;
	[dreg:$0x0] =	wrdreg $0x0  }
0xa8: {  	s4 =	sshll.u32 s28, $0x1;
	[dreg:$0x2] =	wrdreg s2  }
0xa9: {  	[dreg:$0x3] =	wrdreg s4  }
0xaa: {  	[dreg:$0x4] =	wrdreg $0xC0  }
0xab: {  	_ =	task [dreg:s6], $0x5FFFF  }
0xac: {  	[dreg:$0x1] =	wrdreg $0xFFFFFFFF  }
0xad: {  	[dreg:$0x0] =	wrdreg $0x60  }
0xae: {  	[dreg:$0x2] =	wrdreg s24  }
0xaf: {  	[dreg:$0x3] =	wrdreg $0x9  }
0xb0: {  	_ =	task.clear_ibuf [dreg:s6], $0x4FFFF;
	_ =	strace $0x90000046  }
0xb1: {  	s29 =	simm.s32 $0x9;
	_ =	strace $0x80000048  }
0xb2: {  	_ =	swait.ge [sflag:s29], $0x1  }
0xb3: {  	[sflag:s29] =	ssyncadd.s32 $0xFFFFFFFF  }
0xb4: {  	_ =	strace $0x90000048  }
0xb5: {  	_ =	sfence  }
0xb6: {  	s30 =	sld [smem:$0x0];
	_ =	sdelay $0x2  }
0xb7: {  	s31 =	sshll.u32 s1, $0xD;
	s1 =	sshrl.u32 s1, $0x2  }
0xb8: {  	s3 =	sand.u32 $0x4000, s31;
	s1 =	sadd.s32 s1, s30  }
0xb9: {  	s0 =	sor.u32 s3, s0;
	s1 =	sshll.u32 s1, $0x11  }
0xba: {  	s0 =	sor.u32 s1, s0  }
0xbb: {  	s0 =	sadd.s32 $0x8F2B, s0  }
0xbc: {  	[sflag:s0] =	ssyncadd.remote.s32 $0x1  }
0xbd: {  	_ =	sfence.sel $0xFFFF  }
0xbe: {  	[dreg:$0x0] =	wrdreg $0xFFFFFFFF;
	(pc) =	sbr.abs _section_cstart, $3  }
0xbf: {  	[dreg:$0x1] =	wrdreg $0xFFFFFFFF  }
0xc0: {  	_ =	task.clear_ibuf [dreg:s6], $0x2FFFF;
	_ =	strace $0x9FFFFFFF  }
0xc1: {  	(tm) =	ssettm $0x7FFFFFFF  }
tec
execute0_lowered:
.L_overlay_start_1:
0x0: {  	(tag) =	ssettag $0x1  }
0x1: {  	s0 =	srdreg.scid;
	s5 =	rddreg [dreg:$0x0]  }
0x2: {  	s1 =	stileid.u32;
	s6 =	simm.s32 $0x1;
	s9 =	simm.s32 $0x1  }
0x3: {  	s10 =	simm.s32 $0x3;
	s13 =	simm.s32 $0x0;
	s2 =	sshll.u32 s0, $0x7  }
0x4: {  	s12 =	simm.s32 $0x0;
	s3 =	sshll.u32 s1, $0x8;
	s2 =	sand.u32 $0x80, s2  }
0x5: {  	s0 =	rddreg [dreg:$0x1];
	_ =	strace $0x80000047;
	s2 =	sor.u32 s3, s2  }
0x6: {  	s4 =	sadd.s32 $0x204C600, s5;
	[sflag:s6] =	ssyncpa.u1 $0x0;
	s8 =	ssub.s32 $0x2000, s2  }
.Ltmp0:
0x7: {  	s3 =	sadd.s32 $0x4B200, s5;
	s7 =	sand.u32 $0xF80, s8;
	(pc) =	sbr.rel .LBB2_1-.Ltmp0, $4  }
0x8: {  	s5 =	sadd.s32 $0x22A00, s5;
	s11 =	smov.u32 s2;
	p0 =	sne.s32 s7, $0x0  }
0x9: {  	s8 =	sshrl.u32 s8, $0xC;
	s7 =	simm.s32 $0x2;
	s9 =	simm.s32 @!p0 $0x0  }
0xa: {  	[sflag:s7] =	ssyncpa.u1 $0x0;
	p0 =	por $0x0, $0x0;
	s8 =	sadd.s32 s9, s8  }
0xb: {  	vm0 =	vmmov $0xffff;
	[sflag:s10] =	ssyncpa.u1 $0x0;
	s10 =	simm.s32 $0x0;
	s9 =	sadd.s32 $0x1, s8  }
.LBB2_4:
0xc: {  	v3 =	vshrl.u32 v0, $0x1;
	v4 =	vshrl.u32 v0, $0xD;
	v1 =	vor.u32 v1, v2  }
0xd: {  	v62 =	vshll.u32 v0, $0x18;
	v60 =	vand.u32 $0xFFF, v3;
	v61 =	vand.u32 $0xFFF, v4  }
0xe: {  	v0 =	vand.u32 $0x1000000, v62;
	v2 =	vsel vm1, $0xFFFFFFFF, v60;
	v3 =	vsel vm1, $0xFFFFFFFF, v61  }
0xf: {  	v0 =	vsel vm1, $0xFF000000, v0;
	v63 =	vand.u32 $0x7F, v2;
	v5 =	vshll.u32 v3, $0xC  }
0x10: {  	v2 =	vshll.u32 v2, $0x3;
	v5 =	vand.u32 $0xFFFF8000, v5;
	v0 =	vor.u32 v0, v63  }
0x11: {  	v3 =	vshll.u32 v3, $0x7;
	v2 =	vand.u32 $0xFFFFFC00, v2;
	v0 =	vadd.s32 v5, v0  }
0x12: {  	v3 =	vand.u32 $0x380, v3;
	v0 =	vadd.s32 v2, v0  }
0x13: {  	v0 =	vor.u32 v3, v0;
	_ =	sdelay $0x1  }
0x14: {  	(ifvalue) =	ssetifvalue $0x7FFFFFFF;
	s14 =	sadd.s32 $0x10, s14  }
0x15: {  	[tilespmem:s14], [sflag:$0x1] =	stream.indirect_vreg.gather [hbm4b:s3+s10], $0x1, v1, vm0, $0x4038;
	[tilespmem:$0x200] =	vst v63  }
0x16: {  	(ifvalue) =	ssetifvalue $0x7FFFFFFF;
	s14 =	sadd.s32 $0x10, s14  }
0x17: {  	[tilespmem:s14], [sflag:$0x1] =	stream.indirect_vreg.gather [hbm4b:s3+s10], $0x1, v0, vm0, $0x4038;
	[tilespmem:$0x200] =	vst v63  }
0x18: {  	_ =	swait.ge [sflag:s6], $0x80  }
0x19: {  	s30 =	sshrl.u32 s13, $0x3;
	[sflag:s6] =	ssyncset.done $0x0  }
0x1a: {  	s31 =	sand.u32 $0x7, s13;
	s14 =	sadd.s32 s5, s30;
	[sflag:s6] =	ssyncadd.s32 $0xFFFFFF80  }
0x1b: {  	[hbm4b:s14+s31] =	stream.linear.scatter [tilespmem:s15], [sflag:$0x3], $0x80, $0x38;
	[tilespmem:$0x200] =	vst v63  }
.LBB2_5:
0x1c: {  	s15 =	sadd.s32 $0x1000, s11  }
0x1d: {  	p2 =	sgt.s32 s15, $0x1FFF  }
0x1e: {  	s15 =	smov.u32 @p2 s2;
	p2 =	sne.s32 s12, s9  }
.Ltmp1:
0x1f: {  	p1 =	slt.u32 s12, $0x2;
	(pc) =	sbr.rel @!p2 .LBB2_6-.Ltmp1, $4  }
0x20: {  	s14 =	simm.s32 @!p1 $0x3  }
0x21: {  	s16 =	sadd.s32 $0x1, s12;
	_ =	swait.ge @!p1 [sflag:s14], $0x80  }
0x22: {  	s13 =	smov.u32 s11;
	p0 =	por !p0, !p0;
	[sflag:s14] =	ssyncset.done @!p1 $0x0  }
0x23: {  	s12 =	smov.u32 s16;
	s11 =	smov.u32 s15;
	[sflag:s14] =	ssyncadd.s32 @!p1 $0xFFFFFF80  }
.LBB2_1:
0x24: {  	p1 =	sge.u32 s12, s8  }
0x25: {  	s14 =	sxor.u32 @!p1 $0xFFFFFFFF, s12  }
0x26: {  	s31 =	sadd.s32 $0xFFFFFFFF, s12;
	s15 =	sshrl.u32 @!p1 s11, $0x3;
	s14 =	sshll.u32 @!p1 s14, $0x7  }
0x27: {  	s16 =	sand.u32 @!p1 $0x7, s11;
	s15 =	sadd.s32 @!p1 s4, s15;
	s14 =	sand.u32 @!p1 $0x80, s14  }
0x28: {  	[tilespmem:s14], [sflag:$0x2] =	stream.linear.gather @!p1 [hbm4b:s15+s16], $0x80, $0x38;
	[tilespmem:$0x200] =	vst v63  }
0x29: {  	p1 =	sge.u32 s31, s8  }
.Ltmp2:
0x2a: {  	_ = 	snop;
	(pc) =	sbr.rel @p1 .LBB2_5-.Ltmp2, $1  }
0x2b: {  	_ =	sdelay $0x3  }
0x2c: {  	s14 =	simm.s32 $0x1  }
0x2d: {  	_ =	swait.ge [sflag:s7], $0x80;
	s14 =	simm.s32 @!p0 $0x0  }
0x2e: {  	[sflag:s7] =	ssyncset.done $0x0;
	s14 =	sshll.u32 s14, $0x7  }
0x2f: {  	[sflag:s7] =	ssyncadd.s32 $0xFFFFFF80;
	(ifvalue) =	ssetifvalue $0x7FFFFFFF;
	v0 =	vld.msk [tilespmem:s14+$0x0 ss:$0x1], $0xffff;
	_ =	sdelay $0x4  }
0x30: {  	s15 =	sadd.s32 $0x10, s14;
	vm1 =	veq.s32 v0, $0x80000000;
	v1 =	vshrl.u32 v0, $0x1;
	v2 =	vshrl.u32 v0, $0xD  }
0x31: {  	v3 =	vld.msk [tilespmem:s15+$0x0 ss:$0x1], $0xffff;
	v0 =	vshll.u32 v0, $0x18;
	v1 =	vand.u32 $0xFFF, v1;
	v2 =	vand.u32 $0xFFF, v2  }
0x32: {  	v0 =	vand.u32 $0x1000000, v0;
	v1 =	vsel vm1, $0xFFFFFFFF, v1;
	v2 =	vsel vm1, $0xFFFFFFFF, v2  }
0x33: {  	v0 =	vsel vm1, $0xFF000000, v0;
	v4 =	vand.u32 $0x7F, v1;
	v5 =	vshll.u32 v2, $0xC  }
0x34: {  	v1 =	vshll.u32 v1, $0x3;
	v5 =	vand.u32 $0xFFFF8000, v5;
	v0 =	vor.u32 v0, v4  }
0x35: {  	v2 =	vshll.u32 v2, $0x7;
	v1 =	vand.u32 $0xFFFFFC00, v1;
	v0 =	vadd.s32 v5, v0  }
0x36: {  	v62 =	vshrl.u32 v3, $0xD;
	v2 =	vand.u32 $0x380, v2;
	v0 =	vadd.s32 v1, v0  }
0x37: {  	s17 =	sadd.s32 $0x10, s15;
	vm1 =	veq.s32 v3, $0x80000000;
	v1 =	vor.u32 v2, v0;
	v2 =	vshrl.u32 v3, $0x1  }
0x38: {  	v4 =	vand.u32 $0xFFF, v62;
	v0 =	vld.msk [tilespmem:s17+$0x0 ss:$0x1], $0xffff;
	v3 =	vshll.u32 v3, $0x18;
	v2 =	vand.u32 $0xFFF, v2  }
0x39: {  	v4 =	vsel vm1, $0xFFFFFFFF, v4;
	v3 =	vand.u32 $0x1000000, v3;
	v2 =	vsel vm1, $0xFFFFFFFF, v2  }
0x3a: {  	s31 =	sshll.u32 s12, $0x7;
	v6 =	vshll.u32 v4, $0xC;
	v3 =	vsel vm1, $0xFF000000, v3;
	v63 =	vand.u32 $0x7F, v2  }
0x3b: {  	s14 =	sor.u32 $0x100, s14;
	s15 =	sand.u32 $0x80, s31;
	(ifvalue) =	ssetifvalue $0x7FFFFFFF;
	v6 =	vand.u32 $0xFFFF8000, v6;
	v2 =	vshll.u32 v2, $0x3;
	v3 =	vor.u32 v3, v63  }
0x3c: {  	v2 =	vand.u32 $0xFFFFFC00, v2;
	[tilespmem:s14], [sflag:$0x1] =	stream.indirect_vreg.gather [hbm4b:s3+s10], $0x1, v1, vm0, $0x4038;
	v1 =	vshll.u32 v4, $0x7;
	v3 =	vadd.s32 v6, v3;
	[tilespmem:$0x200] =	vst v63  }
0x3d: {  	s16 =	simm.s32 $0x20;
	s15 =	sor.u32 $0x100, s15;
	s17 =	sadd.s32 $0x10, s17;
	vm1 =	veq.s32 v0, $0x80000000;
	v1 =	vand.u32 $0x380, v1;
	v2 =	vadd.s32 v2, v3  }
.LBB2_3:
0x3e: {  	v3 =	vld.msk [tilespmem:s17+$0x0 ss:$0x1], $0xffff;
	v4 =	vshrl.u32 v0, $0x1;
	v5 =	vshrl.u32 v0, $0xD;
	v1 =	vor.u32 v1, v2;
	s16 =	sadd.s32 $0x10, s16  }
0x3f: {  	v0 =	vshll.u32 v0, $0x18;
	v2 =	vand.u32 $0xFFF, v4;
	v4 =	vand.u32 $0xFFF, v5;
	p1 =	slt.u32 s16, $0x70  }
.Ltmp3:
0x40: {  	v0 =	vand.u32 $0x1000000, v0;
	v2 =	vsel vm1, $0xFFFFFFFF, v2;
	v4 =	vsel vm1, $0xFFFFFFFF, v4;
	(pc) =	sbr.rel @p1 .LBB2_3-.Ltmp3, $4  }
0x41: {  	v0 =	vsel vm1, $0xFF000000, v0;
	v5 =	vand.u32 $0x7F, v2;
	v6 =	vshll.u32 v4, $0xC  }
0x42: {  	s14 =	sadd.s32 $0x10, s14;
	v2 =	vshll.u32 v2, $0x3;
	v6 =	vand.u32 $0xFFFF8000, v6;
	v7 =	vor.u32 v0, v5;
	(ifvalue) =	ssetifvalue $0x7FFFFFFF  }
0x43: {  	v4 =	vshll.u32 v4, $0x7;
	v2 =	vand.u32 $0xFFFFFC00, v2;
	v5 =	vadd.s32 v6, v7;
	[tilespmem:s14], [sflag:$0x1] =	stream.indirect_vreg.gather [hbm4b:s3+s10], $0x1, v1, vm0, $0x4038;
	[tilespmem:$0x200] =	vst v63  }
0x44: {  	s17 =	sadd.s32 $0x10, s17;
	vm1 =	veq.s32 v3, $0x80000000;
	v1 =	vand.u32 $0x380, v4;
	v0 =	vmovc v3;
	v2 =	vadd.s32 v2, v5  }
.Ltmp4:
0x45: {  	_ = 	snop;
	(pc) =	sbr.rel .LBB2_4-.Ltmp4, $1  }
0x46: {  	_ =	sdelay $0x3  }
.LBB2_6:
0x47: {  	_ =	sfence.sel $0x180000  }
0x48: {  	s2 =	simm.s32 $0x2;
	[bflag:$0x0] =	sbarrier.arrive $0xFFFF  }
0x49: {  	s30 =	simm.s32 $0x3;
	[sflag:s2] =	ssyncpa.u1 $0x1  }
0x4a: {  	s31 =	simm.s32 $0x1;
	[sflag:s30] =	ssyncpa.u1 $0x1  }
0x4b: {  	[sflag:s31] =	ssyncpa.u1 $0x1  }
0x4c: {  	p0 =	sne.s32 s1, $0x0;
	_ =	strace $0x90000047  }
0x4d: {  	s0 =	sadd.s32 @!p0 $0x100000, s0;
	[bflag:$0x2] =	sbarrier.arrive $0xFFFF  }
0x4e: {  	[sflag:s0] =	ssyncadd.tile.s32 @!p0 $0x1;
	_ =	shalt  }
.Lfunc_end2:
_tile_overlayer_lowered:
.L_overlay_start_2:
0x4f: {  	(tag) =	ssettag $0x2  }
0x50: {  	s0 =	rddreg [dreg:$0x0];
	s2 =	stileid.u32  }
0x51: {  	s1 =	rddreg [dreg:$0x1];
	p0 =	sne.s32 s2, $0x0  }
0x52: {  	s3 =	rddreg [dreg:$0x2];
	[bflag:$0x3] =	sbarrier.arrive $0xFFFF;
	s2 =	simm.s32 @!p0 $0x1C01  }
0x53: {  	[timem:s3], [sflag:s2] =	dma.local @!p0 [hbm:s0], s1  }
0x54: {  	s0 =	simm.s32 @!p0 $0x1  }
0x55: {  	_ =	swait.ge @!p0 [sflag:s0], s1  }
0x56: {  	s1 =	ssub.s32 @!p0 $0x0, s1;
	[sflag:s0] =	ssyncset.done @!p0 $0x0  }
0x57: {  	[sflag:s0] =	ssyncadd.s32 @!p0 s1  }
0x58: {  	[bflag:$0x3] =	sbarrier.arrive $0xFFFF  }
0x59: {  	_ =	shalt  }

// kernel: gather_offload_async_start
scs
__scs_entry_jumppad:
0x0: {  	(pc) =	sbr.rel $0x88, $3  }
0x1: {  	(tag) =	ssettag $0x0;
	lr =	simm.s32 $0x1  }
0x2: {  	[smem:$0x3F70] =	sst lr;
	_ =	strace $0xD0000000  }
0x3: {  	_ = 	snop  }
0x4: {  	_ = 	snop  }
0x5: {  	_ = 	snop  }
0x6: {  	_ = 	snop  }
0x7: {  	_ = 	snop  }
__scs_overlays_trampoline_lowered:
0x8: {  	[smem:$0x3F7F] =	sst s0  }
0x9: {  	[smem:$0x3F80] =	sst s1  }
0xa: {  	[smem:$0x3F81] =	sst s2  }
0xb: {  	[smem:$0x3F82] =	sst s3  }
0xc: {  	[smem:$0x3F83] =	sst s4  }
0xd: {  	[smem:$0x3F84] =	sst s5  }
0xe: {  	[smem:$0x3F85] =	sst s6  }
0xf: {  	[smem:$0x3F86] =	sst s7  }
0x10: {  	[smem:$0x3F87] =	sst s8  }
0x11: {  	[smem:$0x3F88] =	sst s9;
	s0 =	simm.s32 @!p0 $0x0  }
0x12: {  	s1 =	sld [smem:$0x3F6E];
	s0 =	simm.s32 @p0 $0x1  }
0x13: {  	[smem:$0x3F89] =	sst s0;
	s0 =	simm.s32 @!p1 $0x0  }
0x14: {  	s2 =	sld [smem:$0x3F6D];
	s0 =	simm.s32 @p1 $0x1  }
0x15: {  	[smem:$0x3F8A] =	sst s0;
	s0 =	simm.s32 @!p2 $0x0  }
0x16: {  	s3 =	sld [smem:$0x3FDB];
	s0 =	simm.s32 @p2 $0x1  }
0x17: {  	s4 =	simm.s32 $0x1BF5;
	[smem:$0x3F8C] =	sst s0  }
0x18: {  	s0 =	sld [smem:$0x3F6F];
	_ =	swait.ge [sflag:s4], $0x0  }
0x19: {  	s7 =	sld [smem:$0x3F70]  }
0x1a: {  	s8 =	sadd.s32 $0xFFFFE003, lr  }
0x1b: {  	s9 =	sadd.s32 $0xFFFFFEF7, lr;
	s5 =	simm.s32 $0xFFFFFFFF;
	p2 =	slt.u32 s8, $0xFFFFF086  }
0x1c: {  	p1 =	slt.u32 s9, $0xF7A;
	s5 =	simm.s32 @!p2 $0x0  }
0x1d: {  	s5 =	simm.s32 @p1 $0x1;
	p0 =	seq.s32 s7, s2  }
0x1e: {  	s7 =	smul.u32 @!p0 $0xF7A, s2;
	p2 =	seq.s32 @!p0 s5, $0x0  }
0x1f: {  	s9 =	smul.u32 $0xF7A, s1;
	s8 =	simm.s32 @!p0 $0x1BF5;
	p2 =	por !p2, p0  }
0x20: {  	[sflag:s8] =	ssyncset.s32 @!p0 $0xFFFFF086;
	s6 =	sadd.s32 @!p0 s3, s7;
	s7 =	simm.s32 @!p0 $0x108  }
0x21: {  	s3 =	sadd.s32 s3, s9;
	s6 =	sadd.s32 @!p0 $0x88, s6;
	s7 =	simm.s32 @p2 $0x1082  }
0x22: {  	[simem:s7], [sflag:s8] =	dma.local @!p0 [hbm:s6], $0xF7A  }
0x23: {  	s9 =	sor.u32 $0xD0000000, s2;
	s6 =	simm.s32 $0x108;
	_ =	swait.ge @!p0 [sflag:s8], $0x0  }
0x24: {  	s3 =	sadd.s32 $0x88, s3;
	s6 =	simm.s32 @!p1 $0x1082;
	[sflag:s4] =	ssyncset.s32 $0xFFFFF086  }
0x25: {  	[simem:s6], [sflag:s4] =	dma.local [hbm:s3], $0xF7A  }
0x26: {  	[smem:$0x3F70] =	sst s1;
	(tag) =	ssettag s2;
	_ =	strace s9  }
0x27: {  	s1 =	sld [smem:$0x3F80]  }
0x28: {  	s2 =	sld [smem:$0x3F81]  }
0x29: {  	s4 =	sld [smem:$0x3F83]  }
0x2a: {  	p0 =	seq.s32 s5, $0x0;
	s5 =	sld [smem:$0x3F84]  }
0x2b: {  	s6 =	sld [smem:$0x3F85]  }
0x2c: {  	s7 =	sld [smem:$0x3F86]  }
0x2d: {  	s3 =	simm.s32 $0x108;
	s8 =	sld [smem:$0x3F87]  }
0x2e: {  	s3 =	simm.s32 @!p0 $0x1082;
	s9 =	sld [smem:$0x3F88]  }
0x2f: {  	lr =	sadd.s32 s0, s3;
	s0 =	sld [smem:$0x3F7F]  }
0x30: {  	s3 =	sld [smem:$0x3F82]  }
0x31: {  	[smem:$0x3F8B] =	sst s10  }
0x32: {  	s10 =	sld [smem:$0x3F89];
	_ =	sdelay $0x3  }
0x33: {  	p0 =	seq.s32 s10, $0x1;
	s10 =	sld [smem:$0x3F8B];
	_ =	sdelay $0x3  }
0x34: {  	[smem:$0x3F8B] =	sst s10  }
0x35: {  	s10 =	sld [smem:$0x3F8A];
	_ =	sdelay $0x3  }
0x36: {  	p1 =	seq.s32 s10, $0x1;
	s10 =	sld [smem:$0x3F8B];
	_ =	sdelay $0x3  }
0x37: {  	[smem:$0x3F8B] =	sst s10  }
0x38: {  	s10 =	sld [smem:$0x3F8C]  }
0x39: {  	_ = 	snop;
	(pc) =	sbr.ind lr, $3  }
0x3a: {  	_ = 	snop  }
0x3b: {  	_ = 	snop  }
0x3c: {  	p2 =	seq.s32 s10, $0x1;
	s10 =	sld [smem:$0x3F8B]  }
0x3d: {  	_ =	shalt  }
0x3e: {  	_ =	shalt  }
0x3f: {  	_ =	shalt  }
0x40: {  	_ =	shalt  }
0x41: {  	_ =	shalt  }
0x42: {  	_ =	shalt  }
0x43: {  	_ =	shalt  }
0x44: {  	_ =	shalt  }
0x45: {  	_ =	shalt  }
0x46: {  	_ =	shalt  }
0x47: {  	_ =	shalt  }
0x48: {  	_ =	shalt  }
0x49: {  	_ =	shalt  }
0x4a: {  	_ =	shalt  }
0x4b: {  	_ =	shalt  }
0x4c: {  	_ =	shalt  }
0x4d: {  	_ =	shalt  }
0x4e: {  	_ =	shalt  }
0x4f: {  	_ =	shalt  }
0x50: {  	_ =	shalt  }
0x51: {  	_ =	shalt  }
0x52: {  	_ =	shalt  }
0x53: {  	_ =	shalt  }
0x54: {  	_ =	shalt  }
0x55: {  	_ =	shalt  }
0x56: {  	_ =	shalt  }
0x57: {  	_ =	shalt  }
0x58: {  	_ =	shalt  }
0x59: {  	_ =	shalt  }
0x5a: {  	_ =	shalt  }
0x5b: {  	_ =	shalt  }
0x5c: {  	_ =	shalt  }
0x5d: {  	_ =	shalt  }
0x5e: {  	_ =	shalt  }
0x5f: {  	_ =	shalt  }
0x60: {  	_ =	shalt  }
0x61: {  	_ =	shalt  }
0x62: {  	_ =	shalt  }
0x63: {  	_ =	shalt  }
0x64: {  	_ =	shalt  }
0x65: {  	_ =	shalt  }
0x66: {  	_ =	shalt  }
0x67: {  	_ =	shalt  }
0x68: {  	_ =	shalt  }
0x69: {  	_ =	shalt  }
0x6a: {  	_ =	shalt  }
0x6b: {  	_ =	shalt  }
0x6c: {  	_ =	shalt  }
0x6d: {  	_ =	shalt  }
0x6e: {  	_ =	shalt  }
0x6f: {  	_ =	shalt  }
0x70: {  	_ =	shalt  }
0x71: {  	_ =	shalt  }
0x72: {  	_ =	shalt  }
0x73: {  	_ =	shalt  }
0x74: {  	_ =	shalt  }
0x75: {  	_ =	shalt  }
0x76: {  	_ =	shalt  }
0x77: {  	_ =	shalt  }
0x78: {  	_ =	shalt  }
0x79: {  	_ =	shalt  }
0x7a: {  	_ =	shalt  }
0x7b: {  	_ =	shalt  }
0x7c: {  	_ =	shalt  }
0x7d: {  	_ =	shalt  }
0x7e: {  	_ =	shalt  }
0x7f: {  	_ =	shalt  }
0x80: {  	_ =	shalt  }
0x81: {  	_ =	shalt  }
0x82: {  	_ =	shalt  }
0x83: {  	_ =	shalt  }
0x84: {  	_ =	shalt  }
0x85: {  	_ =	shalt  }
0x86: {  	_ =	shalt  }
0x87: {  	_ =	shalt  }
.Lfunc_end0:
.L_simem_size_0:
called_computation.1_lowered:
.L_overlay_start_0:
0x88: {  	s2 =	sld [smem:$0x3FD9]  }
0x89: {  	s3 =	sld [smem:$0x3FFE];
	_ =	sdelay $0x1  }
0x8a: {  	s1 =	srdreg.scid  }
0x8b: {  	s0 =	sand.u32 $0x1, s1  }
0x8c: {  	s17 =	sshll.u32 s0, $0xA;
	s2 =	sadd.s32 s3, s2  }
0x8d: {  	s2 =	sadd.s32 s2, s17  }
0x8e: {  	[smem:$0x3F97] =	sst s2  }
0x8f: {  	_ = 	snop  }
0x90: {  	s2 =	sld [smem:$0x3FD0];
	(tm) =	ssettm $0x1  }
0x91: {  	s18 =	sld [smem:$0x3FFB];
	_ =	sdelay $0x3  }
0x92: {  	_ =	strace s18  }
0x93: {  	s3 =	sld [smem:$0x3FFC];
	_ =	sdelay $0x3  }
0x94: {  	_ =	strace s3  }
0x95: {  	s3 =	sld [smem:$0x3FFD];
	_ =	sdelay $0x3  }
0x96: {  	_ =	strace s3  }
0x97: {  	_ =	strace $0x8FFFFFFF  }
0x98: {  	s19 =	sld [smem:$0x3FDB];
	_ =	sdelay $0x1  }
0x99: {  	s4 =	simm.s32 $_scs_section_size  }
0x9a: {  	s5 =	simm.s32 $_size__tile_overlayer_lowered;
	s6 =	simm.s32 $_tile_overlayer_lowered  }
0x9b: {  	s22 =	simm.s32 $0x1BFF;
	s21 =	sshll.u32 s6, $0x1;
	s3 =	sadd.s32 s4, s19  }
0x9c: {  	s7 =	simm.s32 $0x0;
	s20 =	sshll.u32 s5, $0x1;
	s5 =	sadd.s32 s21, s3  }
0x9d: {  	[timem:s7], [sflag:s22] =	dma.local [hbm:s5], s20  }
0x9e: {  	_ =	swait.ge [sflag:s22], s20  }
0x9f: {  	s4 =	ssub.s32 $0x0, s20;
	[sflag:s22] =	ssyncset.done $0x0  }
0xa0: {  	[sflag:s22] =	ssyncadd.s32 s4;
	_ =	sdelay $0x1  }
0xa1: {  	s23 =	simm.s32 $0x1B8B  }
0xa2: {  	_ =	swait.ge [sflag:s23], $0x1  }
0xa3: {  	[sflag:s23] =	ssyncset.done $0x0  }
0xa4: {  	s25 =	simm.s32 $0x1B8E;
	s24 =	sld [smem:$0x3FFE];
	[sflag:s23] =	ssyncadd.s32 $0xFFFFFFFF  }
0xa5: {  	s26 =	simm.s32 $execute0_lowered;
	[smem:$0x3FD2] =	sst s25  }
0xa6: {  	s5 =	sshll.u32 s26, $0x1;
	_ =	strace $0x8000005E;
	[dreg:$0x1] =	wrdreg $0xFFFFFFFF  }
0xa7: {  	s28 =	simm.s32 $_size_execute0_lowered;
	s3 =	sadd.s32 s3, s5;
	[dreg:$0x0] =	wrdreg $0x0  }
0xa8: {  	s5 =	sshll.u32 s28, $0x1;
	[dreg:$0x2] =	wrdreg s3  }
0xa9: {  	[dreg:$0x3] =	wrdreg s5  }
0xaa: {  	[dreg:$0x4] =	wrdreg $0xC0  }
0xab: {  	_ =	task [dreg:s7], $0x5FFFF  }
0xac: {  	[dreg:$0x1] =	wrdreg $0xFFFFFFFF  }
0xad: {  	[dreg:$0x0] =	wrdreg $0x60  }
0xae: {  	[dreg:$0x2] =	wrdreg s24  }
0xaf: {  	[dreg:$0x3] =	wrdreg s2  }
0xb0: {  	[dreg:$0x4] =	wrdreg $0x9  }
0xb1: {  	_ =	task.clear_ibuf [dreg:s7], $0x5FFFF;
	_ =	strace $0x9000005E  }
0xb2: {  	s29 =	simm.s32 $0x9;
	_ =	strace $0x80000060  }
0xb3: {  	_ =	swait.ge [sflag:s29], $0x1  }
0xb4: {  	[sflag:s29] =	ssyncadd.s32 $0xFFFFFFFF  }
0xb5: {  	_ =	strace $0x90000060  }
0xb6: {  	_ =	sfence  }
0xb7: {  	s30 =	sld [smem:$0x0];
	_ =	sdelay $0x2  }
0xb8: {  	s31 =	sshll.u32 s1, $0xD;
	s1 =	sshrl.u32 s1, $0x2  }
0xb9: {  	s3 =	sand.u32 $0x4000, s31;
	s1 =	sadd.s32 s1, s30  }
0xba: {  	s0 =	sor.u32 s3, s0;
	s1 =	sshll.u32 s1, $0x11  }
0xbb: {  	s0 =	sor.u32 s1, s0  }
0xbc: {  	s0 =	sadd.s32 $0x8F2B, s0  }
0xbd: {  	[sflag:s0] =	ssyncadd.remote.s32 $0x1  }
0xbe: {  	_ =	sfence.sel $0xFFFF  }
0xbf: {  	[dreg:$0x0] =	wrdreg $0xFFFFFFFF;
	(pc) =	sbr.abs _section_cstart, $3  }
0xc0: {  	[dreg:$0x1] =	wrdreg $0xFFFFFFFF  }
0xc1: {  	_ =	task.clear_ibuf [dreg:s7], $0x2FFFF;
	_ =	strace $0x9FFFFFFF  }
0xc2: {  	(tm) =	ssettm $0x7FFFFFFF  }
0xc3: {  	_ =	shalt  }
tec
execute0_lowered:
.L_overlay_start_1:
0x0: {  	(tag) =	ssettag $0x1  }
0x1: {  	s2 =	rddreg [dreg:$0x0]  }
0x2: {  	s3 =	rddreg [dreg:$0x1]  }
0x3: {  	s0 =	rddreg [dreg:$0x2];
	s1 =	srdreg.scid;
	_ =	strace $0x8000005F  }
0x4: {  	s4 =	simm.s32 $0x1;
	s9 =	simm.s32 $0x3;
	s5 =	sshll.u32 s1, $0x4  }
.Ltmp0:
0x5: {  	s1 =	stileid.u32;
	s5 =	sand.u32 $0x10, s5;
	(pc) =	sbr.rel .LBB2_1-.Ltmp0, $4  }
0x6: {  	s12 =	simm.s32 $0x0;
	s10 =	simm.s32 $0x0;
	s6 =	sor.u32 s1, s5  }
0x7: {  	[sflag:s4] =	ssyncpa.u1 $0x0;
	s5 =	simm.s32 $0x2;
	s6 =	sshll.u32 s6, $0x6  }
0x8: {  	s7 =	sadd.s32 $0x23200, s2;
	[sflag:s5] =	ssyncpa.u1 $0x0;
	s8 =	sadd.s32 $0x40, s6  }
0x9: {  	vm0 =	vmmov $0xff;
	vm1 =	vcmask $0x3F20;
	[sflag:s9] =	ssyncpa.u1 $0x0;
	s9 =	simm.s32 $0x40;
	s11 =	smov.u32 s6  }
.LBB2_9:
0xa: {  	p0 =	seq.s32 s10, $0x2  }
.Ltmp1:
0xb: {  	_ = 	snop;
	(pc) =	sbr.rel @p0 .LBB2_11-.Ltmp1, $1  }
0xc: {  	_ =	sdelay $0x3  }
.LBB2_10:
0xd: {  	s12 =	sadd.s32 $0x40, s11  }
0xe: {  	s13 =	smov.u32 s6;
	p0 =	slt.s32 s12, s8  }
0xf: {  	s13 =	smov.u32 @p0 s12  }
0x10: {  	s10 =	sadd.s32 $0x1, s10;
	s12 =	smov.u32 s11;
	s11 =	smov.u32 s13  }
.LBB2_1:
0x11: {  	p0 =	sne.s32 s10, $0x0  }
.Ltmp2:
0x12: {  	_ = 	snop;
	(pc) =	sbr.rel @!p0 .LBB2_2-.Ltmp2, $1  }
0x13: {  	_ =	sdelay $0x3  }
0x14: {  	s13 =	sand.u32 $0x1, s10  }
0x15: {  	p0 =	seq.s32 s13, $0x0  }
.Ltmp3:
0x16: {  	_ = 	snop;
	(pc) =	sbr.rel @p0 .LBB2_9-.Ltmp3, $1  }
0x17: {  	_ =	sdelay $0x3  }
0x18: {  	_ =	swait.ge [sflag:s5], $0x40  }
0x19: {  	[sflag:s5] =	ssyncset.done $0x0  }
0x1a: {  	s13 =	simm.s32 $0x0;
	[sflag:s5] =	ssyncadd.s32 $0xFFFFFFC0  }
0x1b: {  	v0 =	vld.msk [tilespmem:s13+$0x40 ss:$0x1], $0xffff;
	_ =	sdelay $0x4  }
0x1c: {  	v1 =	vshll.u32 v0, $0x6  }
0x1d: {  	vm2 =	veq.s32 v0, $0x80000000;
	v0 =	vshll.u32 v0, $0x13;
	v1 =	vand.u32 $0x7FF80, v1  }
0x1e: {  	v0 =	vand.u32 $0x80000, v0;
	v1 =	vsel vm2, $0xFFFFFF80, v1  }
0x1f: {  	v0 =	vsel vm2, $0xFFF80000, v0;
	v2 =	vand.u32 $0xFFFFFC00, v1  }
0x20: {  	v1 =	vand.u32 $0x380, v1;
	v0 =	vadd.s32 v0, v2  }
0x21: {  	v0 =	vor.u32 v1, v0  }
0x22: {  	v0 =	vshrl.u32 v0, $0x3;
	_ =	sdelay $0x3  }
0x23: {  	s13 =	simm.s32 $0x2080  }
0x24: {  	[tilespmem:s13], [sflag:$0x1] =	stream.indirect_vreg.gather [hbm:s2], $0x80, v0, vm0, $0x38;
	[tilespmem:$0x4080] =	vst v63  }
0x25: {  	s14 =	simm.s32 $0x2480;
	s31 =	simm.s32 $0x10  }
0x26: {  	[tilespmem:s14], [sflag:$0x1] =	stream.indirect_vreg.gather [hbm:s2], $0x80, v0, vm1, $0x38;
	[tilespmem:$0x4080] =	vst v63  }
0x27: {  	s14 =	simm.s32 $0x80;
	v0 =	vld.msk [tilespmem:s31+$0x40 ss:$0x1], $0xffff  }
.LBB2_5:
0x28: {  	p0 =	sne.s32 s14, $0xC0;
	_ =	sdelay $0x4  }
0x29: {  	v1 =	vshll.u32 v0, $0x6  }
0x2a: {  	vm2 =	veq.s32 v0, $0x80000000;
	v0 =	vshll.u32 v0, $0x13;
	v1 =	vand.u32 $0x7FF80, v1  }
0x2b: {  	v0 =	vand.u32 $0x80000, v0;
	v1 =	vsel vm2, $0xFFFFFF80, v1  }
0x2c: {  	v0 =	vsel vm2, $0xFFF80000, v0;
	v2 =	vand.u32 $0xFFFFFC00, v1  }
0x2d: {  	v1 =	vand.u32 $0x380, v1;
	v0 =	vadd.s32 v0, v2  }
0x2e: {  	v0 =	vor.u32 v1, v0  }
0x2f: {  	v0 =	vshrl.u32 v0, $0x3;
	_ =	sdelay $0x3  }
.Ltmp4:
0x30: {  	s13 =	sadd.s32 $0x800, s13;
	(pc) =	sbr.rel @p0 .LBB2_5-.Ltmp4, $4  }
0x31: {  	[tilespmem:s13], [sflag:$0x1] =	stream.indirect_vreg.gather [hbm:s2], $0x80, v0, vm0, $0x38;
	[tilespmem:$0x4080] =	vst v63  }
0x32: {  	s15 =	sshra.s32 s14, $0x2;
	s16 =	sadd.s32 $0x400, s13  }
0x33: {  	[tilespmem:s16], [sflag:$0x1] =	stream.indirect_vreg.gather [hbm:s2], $0x80, v0, vm1, $0x38;
	[tilespmem:$0x4080] =	vst v63  }
0x34: {  	s14 =	sadd.s32 $0x40, s14;
	v0 =	vld.msk [tilespmem:s15+$0x40 ss:$0x1], $0xffff  }
0x35: {  	_ =	sdelay $0x3  }
0x36: {  	v1 =	vshll.u32 v0, $0x6  }
0x37: {  	vm2 =	veq.s32 v0, $0x80000000;
	v63 =	vshll.u32 v0, $0x13;
	v1 =	vand.u32 $0x7FF80, v1  }
0x38: {  	v0 =	vand.u32 $0x80000, v63;
	v1 =	vsel vm2, $0xFFFFFF80, v1  }
0x39: {  	v0 =	vsel vm2, $0xFFF80000, v0;
	v2 =	vand.u32 $0xFFFFFC00, v1  }
0x3a: {  	v1 =	vand.u32 $0x380, v1;
	v0 =	vadd.s32 v0, v2  }
0x3b: {  	v0 =	vor.u32 v1, v0  }
0x3c: {  	v0 =	vshrl.u32 v0, $0x3;
	_ =	sdelay $0x3  }
0x3d: {  	s13 =	sadd.s32 $0x800, s13  }
0x3e: {  	[tilespmem:s13], [sflag:$0x1] =	stream.indirect_vreg.gather [hbm:s2], $0x80, v0, vm0, $0x38;
	[tilespmem:$0x4080] =	vst v63  }
0x3f: {  	s13 =	sadd.s32 $0x400, s13  }
0x40: {  	[tilespmem:s13], [sflag:$0x1] =	stream.indirect_vreg.gather [hbm:s2], $0x80, v0, vm1, $0x38;
	[tilespmem:$0x4080] =	vst v63  }
0x41: {  	s12 =	sshll.u32 s12, $0x4;
	s14 =	simm.s32 $0x80;
	_ =	swait.ge [sflag:s4], $0x2000  }
0x42: {  	s15 =	simm.s32 $0x2480;
	s12 =	sadd.s32 s12, s7;
	[sflag:s4] =	ssyncset.done $0x0  }
0x43: {  	s16 =	sadd.s32 $0x0, s12;
	s13 =	simm.s32 $0x2080;
	[sflag:s4] =	ssyncadd.s32 $0xFFFFE000  }
.LBB2_7:
0x44: {  	[hbm:s16] =	stream.linear.scatter [tilespmem:s13], [sflag:$0x3], $0x400, $0x38;
	[tilespmem:$0x4080] =	vst v63  }
0x45: {  	s16 =	smov.u32 s14;
	s13 =	smov.u32 s15;
	p0 =	sne.s32 s14, $0x380  }
.Ltmp5:
0x46: {  	s14 =	sadd.s32 $0x80, s14;
	(pc) =	sbr.rel @p0 .LBB2_7-.Ltmp5, $2  }
0x47: {  	_ =	sdelay $0x2  }
0x48: {  	s15 =	sadd.s32 $0x400, s15;
	s16 =	sadd.s32 s16, s12  }
.Ltmp6:
0x49: {  	(pc) =	sbr.rel .LBB2_9-.Ltmp6, $2  }
0x4a: {  	_ =	sdelay $0x2  }
0x4b: {  	[hbm:s16] =	stream.linear.scatter [tilespmem:s13], [sflag:$0x3], $0x400, $0x38;
	[tilespmem:$0x4080] =	vst v63  }
.LBB2_2:
.Ltmp7:
0x4c: {  	(pc) =	sbr.rel .LBB2_10-.Ltmp7, $4  }
0x4d: {  	_ = 	snop  }
0x4e: {  	s12 =	sshrl.u32 s11, $0x3  }
0x4f: {  	s13 =	sand.u32 $0x7, s11;
	s12 =	sadd.s32 s3, s12  }
0x50: {  	[tilespmem:s9], [sflag:$0x2] =	stream.linear.gather [hbm4b:s12+s13], $0x40, $0x38;
	[tilespmem:$0x4080] =	vst v63  }
.LBB2_11:
0x51: {  	s2 =	simm.s32 $0x3  }
0x52: {  	_ =	swait.ge [sflag:s2], $0x2000  }
0x53: {  	[sflag:s2] =	ssyncset.done $0x0  }
0x54: {  	[sflag:s2] =	ssyncadd.s32 $0xFFFFE000  }
0x55: {  	_ =	sfence.sel $0x180000  }
0x56: {  	s3 =	simm.s32 $0x2;
	[bflag:$0x0] =	sbarrier.arrive $0xFFFF  }
0x57: {  	[sflag:s3] =	ssyncpa.u1 $0x1  }
0x58: {  	s31 =	simm.s32 $0x1;
	[sflag:s2] =	ssyncpa.u1 $0x1  }
0x59: {  	[sflag:s31] =	ssyncpa.u1 $0x1  }
0x5a: {  	p0 =	sne.s32 s1, $0x0;
	_ =	strace $0x9000005F  }
0x5b: {  	s0 =	sadd.s32 @!p0 $0x100000, s0;
	[bflag:$0x2] =	sbarrier.arrive $0xFFFF  }
0x5c: {  	[sflag:s0] =	ssyncadd.tile.s32 @!p0 $0x1;
	_ =	shalt  }
.Lfunc_end2:
_tile_overlayer_lowered:
.L_overlay_start_2:
0x5d: {  	(tag) =	ssettag $0x2  }
0x5e: {  	s0 =	rddreg [dreg:$0x0];
	s2 =	stileid.u32  }
0x5f: {  	s1 =	rddreg [dreg:$0x1];
	p0 =	sne.s32 s2, $0x0  }
0x60: {  	s3 =	rddreg [dreg:$0x2];
	[bflag:$0x3] =	sbarrier.arrive $0xFFFF;
	s2 =	simm.s32 @!p0 $0x1C01  }
0x61: {  	[timem:s3], [sflag:s2] =	dma.local @!p0 [hbm:s0], s1  }
0x62: {  	s0 =	simm.s32 @!p0 $0x1  }
0x63: {  	_ =	swait.ge @!p0 [sflag:s0], s1  }
0x64: {  	s1 =	ssub.s32 @!p0 $0x0, s1;
	[sflag:s0] =	ssyncset.done @!p0 $0x0  }
0x65: {  	[sflag:s0] =	ssyncadd.s32 @!p0 s1  }
0x66: {  	[bflag:$0x3] =	sbarrier.arrive $0xFFFF  }
0x67: {  	_ =	shalt  }

// kernel: sparse-core-data-format-call.cloned.1.call-start
scs
called_computation_lowered:
.L_overlay_start_0:
0x0: {  	s2 =	sld [smem:$0x3FD9]  }
0x1: {  	s3 =	sld [smem:$0x3FFE];
	_ =	sdelay $0x1  }
0x2: {  	s1 =	srdreg.scid  }
0x3: {  	s0 =	sand.u32 $0x1, s1  }
0x4: {  	s18 =	sshll.u32 s0, $0xA;
	s2 =	sadd.s32 s3, s2  }
0x5: {  	s2 =	sadd.s32 s2, s18  }
0x6: {  	[smem:$0x3F97] =	sst s2  }
0x7: {  	_ = 	snop  }
0x8: {  	(tm) =	ssettm $0x1  }
0x9: {  	s19 =	sld [smem:$0x3FFB];
	_ =	sdelay $0x3  }
0xa: {  	_ =	strace s19  }
0xb: {  	s2 =	sld [smem:$0x3FFC];
	_ =	sdelay $0x3  }
0xc: {  	_ =	strace s2  }
0xd: {  	s2 =	sld [smem:$0x3FFD];
	_ =	sdelay $0x3  }
0xe: {  	_ =	strace s2  }
0xf: {  	_ =	strace $0x8FFFFFFF  }
0x10: {  	s20 =	sld [smem:$0x3FDB];
	_ =	sdelay $0x1  }
0x11: {  	s21 =	simm.s32 $_scs_section_size  }
0x12: {  	s4 =	simm.s32 $_size__tile_overlayer_lowered;
	s5 =	simm.s32 $_tile_overlayer_lowered  }
0x13: {  	s6 =	simm.s32 $0x1BFF;
	s22 =	sshll.u32 s5, $0x1;
	s3 =	sadd.s32 s21, s20  }
0x14: {  	s23 =	simm.s32 $0x0;
	s4 =	sshll.u32 s4, $0x1;
	s5 =	sadd.s32 s22, s3  }
0x15: {  	[timem:s23], [sflag:s6] =	dma.local [hbm:s5], s4  }
0x16: {  	_ =	swait.ge [sflag:s6], s4  }
0x17: {  	s4 =	ssub.s32 $0x0, s4;
	[sflag:s6] =	ssyncset.done $0x0  }
0x18: {  	[sflag:s6] =	ssyncadd.s32 s4;
	_ =	sdelay $0x1  }
0x19: {  	s24 =	simm.s32 $0x1B8B  }
0x1a: {  	_ =	swait.ge [sflag:s24], $0x1  }
0x1b: {  	[sflag:s24] =	ssyncset.done $0x0  }
0x1c: {  	[sflag:s24] =	ssyncadd.s32 $0xFFFFFFFF  }
0x1d: {  	s4 =	sld [smem:$0x0]  }
0x1e: {  	s5 =	sand.u32 $0xFFFFFFFE, s1  }
0x1f: {  	p0 =	sne.s32 s1, s5  }
0x20: {  	s5 =	sshll.u32 @p0 s5, $0xE  }
0x21: {  	s5 =	sadd.s32 @p0 $0x11B8D, s5;
	s6 =	sshll.u32 @p0 s4, $0x11  }
0x22: {  	s5 =	sor.u32 @p0 s6, s5  }
0x23: {  	[sflag:s5] =	ssyncadd.remote.s32 @p0 $0x1;
	_ =	sdelay $0x1  }
0x24: {  	s5 =	simm.s32 @p0 $0x1B8D  }
0x25: {  	_ =	swait.eq @p0 [sflag:s5], $0x1  }
0x26: {  	[sflag:s5] =	ssyncadd.s32 @p0 $0xFFFFFFFF  }
0x27: {  	s6 =	sshll.u32 @!p0 s1, $0xE  }
0x28: {  	s6 =	sor.u32 @!p0 $0x4000, s6;
	s5 =	simm.s32 @!p0 $0x1B8D  }
0x29: {  	s4 =	sshll.u32 @!p0 s4, $0x11;
	s6 =	sadd.s32 @!p0 $0x11B8D, s6;
	_ =	swait.eq @!p0 [sflag:s5], $0x1  }
0x2a: {  	s4 =	sor.u32 @!p0 s4, s6;
	[sflag:s5] =	ssyncadd.s32 @!p0 $0xFFFFFFFF  }
0x2b: {  	s26 =	simm.s32 $0x1B8E;
	s25 =	sld [smem:$0x3FFE];
	[sflag:s4] =	ssyncadd.remote.s32 @!p0 $0x1  }
0x2c: {  	s27 =	simm.s32 $execute0_lowered;
	[smem:$0x3FD2] =	sst s26  }
0x2d: {  	s5 =	sshll.u32 s27, $0x1;
	_ =	strace $0x80000079;
	[dreg:$0x1] =	wrdreg $0xFFFFFFFF  }
0x2e: {  	s28 =	simm.s32 $_size_execute0_lowered;
	s3 =	sadd.s32 s3, s5;
	[dreg:$0x0] =	wrdreg $0x0  }
0x2f: {  	s5 =	sshll.u32 s28, $0x1;
	[dreg:$0x2] =	wrdreg s3  }
0x30: {  	[dreg:$0x3] =	wrdreg s5  }
0x31: {  	[dreg:$0x4] =	wrdreg $0xC0  }
0x32: {  	_ =	task [dreg:s23], $0x5FFFF  }
0x33: {  	[dreg:$0x1] =	wrdreg $0xFFFFFFFF  }
0x34: {  	[dreg:$0x0] =	wrdreg $0x60  }
0x35: {  	[dreg:$0x2] =	wrdreg s25  }
0x36: {  	[dreg:$0x3] =	wrdreg $0x9  }
0x37: {  	_ =	task.clear_ibuf [dreg:s23], $0x4FFFF;
	_ =	strace $0x90000079  }
0x38: {  	s29 =	simm.s32 $0x9;
	_ =	strace $0x8000007B  }
0x39: {  	_ =	swait.ge [sflag:s29], $0x1  }
0x3a: {  	[sflag:s29] =	ssyncadd.s32 $0xFFFFFFFF  }
0x3b: {  	_ =	strace $0x9000007B  }
0x3c: {  	_ =	sfence  }
0x3d: {  	s30 =	sld [smem:$0x0];
	_ =	sdelay $0x2  }
0x3e: {  	s31 =	sshll.u32 s1, $0xD;
	s1 =	sshrl.u32 s1, $0x2  }
0x3f: {  	s4 =	sand.u32 $0x4000, s31;
	s1 =	sadd.s32 s1, s30  }
0x40: {  	s0 =	sor.u32 s4, s0;
	s1 =	sshll.u32 s1, $0x11  }
0x41: {  	s0 =	sor.u32 s1, s0  }
0x42: {  	s0 =	sadd.s32 $0x8F2B, s0  }
0x43: {  	[sflag:s0] =	ssyncadd.remote.s32 $0x1  }
0x44: {  	_ =	sfence.sel $0xFFFF  }
0x45: {  	[dreg:$0x0] =	wrdreg $0xFFFFFFFF;
	(pc) =	sbr.abs _section_cstart, $3  }
0x46: {  	[dreg:$0x1] =	wrdreg $0xFFFFFFFF  }
0x47: {  	_ =	task.clear_ibuf [dreg:s23], $0x2FFFF;
	_ =	strace $0x9FFFFFFF  }
0x48: {  	(tm) =	ssettm $0x7FFFFFFF  }
0x49: {  	_ =	shalt  }
tec
execute0_lowered:
.L_overlay_start_1:
0x0: {  	(tag) =	ssettag $0x1  }
0x1: {  	s0 =	stileid.u32  }
0x2: {  	s8 =	rddreg [dreg:$0x0];
	s3 =	srdreg.scid  }
0x3: {  	s31 =	simm.s32 $0x2;
	s17 =	simm.s32 $0x0;
	s10 =	simm.s32 $0x2000  }
0x4: {  	s15 =	simm.s32 $0x0;
	s16 =	simm.s32 $0x0;
	s2 =	sshll.u32 s0, $0x6  }
0x5: {  	s14 =	simm.s32 $0x0;
	s1 =	sand.u32 $0x1, s0;
	s2 =	sand.u32 $0x380, s2  }
0x6: {  	s3 =	sshll.u32 s3, $0x7;
	s4 =	ssub.s32 $0x2, s1;
	s5 =	ssub.s32 $0x400, s2  }
0x7: {  	s3 =	sand.u32 $0x80, s3;
	s13 =	smov.u32 s1;
	s7 =	sand.u32 $0x380, s5  }
0x8: {  	s6 =	sshrl.u32 s4, $0x1;
	p0 =	sne.s32 s7, $0x0;
	s7 =	simm.s32 $0x1  }
0x9: {  	s4 =	sand.u32 $0x1, s4;
	s5 =	sshrl.u32 s5, $0xA;
	s7 =	simm.s32 @!p0 $0x0  }
0xa: {  	s9 =	ssub.s32 $0x1000, s3;
	s4 =	sadd.s32 s4, s6;
	s5 =	sadd.s32 s7, s5  }
0xb: {  	s11 =	smov.u32 s3;
	s28 =	sshrl.u32 s9, $0x7;
	s30 =	smul.u32 s4, s5  }
.Ltmp0:
0xc: {  	s29 =	sshrl.u32 s9, $0x8;
	s6 =	sand.u32 $0x1, s28;
	(pc) =	sbr.rel .LBB1_1-.Ltmp0, $4  }
0xd: {  	s12 =	smov.u32 s2;
	s6 =	sadd.s32 s29, s6;
	s4 =	rddreg [dreg:$0x1]  }
0xe: {  	_ =	strace $0x8000007A;
	s5 =	simm.s32 $0x1;
	s6 =	smul.u32 s6, s30  }
0xf: {  	p0 =	por $0x0, $0x0;
	s7 =	sadd.s32 $0x4B000, s8;
	[sflag:s5] =	ssyncpa.u1 $0x0  }
0x10: {  	s8 =	sadd.s32 $0x34B000, s8;
	[sflag:s31] =	ssyncpa.u1 $0x0;
	s9 =	sadd.s32 $0x1, s6  }
.LBB1_4:
0x11: {  	v5 =	vld [tilespmem:s21+$0xFFFFFFD0];
	[tilespmem:s20+$0x2040 ss:$0x81] =	vst.msk $0xffff, v1  }
0x12: {  	v58 =	vld [tilespmem:s21+$0xFFFFFFE0];
	[tilespmem:s20+$0x2850 ss:$0x81] =	vst.msk $0xffff, v2  }
0x13: {  	s22 =	sshra.s32 s22, $0x2;
	v59 =	vld [tilespmem:s21+$0xFFFFFFF0];
	[tilespmem:s20+$0x3060 ss:$0x81] =	vst.msk $0xffff, v3  }
0x14: {  	v60 =	vld [tilespmem:s21+$0x0];
	[tilespmem:s20+$0x0 ss:$0x81] =	vst.msk $0xffff, v0;
	s19 =	sadd.s32 s22, s19  }
0x15: {  	v61 =	vld [tilespmem:s21+$0x10];
	[tilespmem:s19+$0x3870 ss:$0x81] =	vst.msk $0xffff, v4  }
0x16: {  	v62 =	vld [tilespmem:s21+$0x20];
	s26 =	sshll.u32 s17, $0xA;
	s27 =	sshll.u32 s15, $0x3;
	[tilespmem:s19+$0x810 ss:$0x81] =	vst.msk $0xffff, v5  }
0x17: {  	v63 =	vld [tilespmem:s21+$0xFFFFFFC0];
	s29 =	sshll.u32 s17, $0x7;
	s30 =	sand.u32 $0x78, s15;
	s16 =	sshll.u32 s16, $0x13;
	[tilespmem:s19+$0x1020 ss:$0x81] =	vst.msk $0xffff, v58  }
0x18: {  	s20 =	sand.u32 $0x3FE000, s26;
	s28 =	sand.u32 $0x3FFC00, s27;
	s17 =	sand.u32 $0x380, s29;
	[tilespmem:s19+$0x1830 ss:$0x81] =	vst.msk $0xffff, v59  }
0x19: {  	s31 =	sand.u32 $0x7, s15;
	s20 =	sadd.s32 s28, s20;
	s17 =	sor.u32 s30, s17;
	[tilespmem:s19+$0x2040 ss:$0x81] =	vst.msk $0xffff, v60  }
0x1a: {  	s16 =	sadd.s32 s8, s16;
	s20 =	sshrl.u32 s20, $0x3;
	s17 =	sshrl.u32 s17, $0x3;
	[tilespmem:s19+$0x2850 ss:$0x81] =	vst.msk $0xffff, v61  }
0x1b: {  	s15 =	sshll.u32 s31, $0x12;
	s20 =	sand.u32 $0x7FF80, s20;
	s16 =	sadd.s32 s17, s16;
	[tilespmem:s19+$0x3060 ss:$0x81] =	vst.msk $0xffff, v62  }
0x1c: {  	s15 =	sor.u32 $0x400, s15;
	[tilespmem:s19+$0x0 ss:$0x81] =	vst.msk $0xffff, v63;
	s16 =	sadd.s32 s20, s16  }
0x1d: {  	[hbm4b:s16+s15] =	stream.strided.scatter [tilespmem:s18], [sflag:$0x2], $0x4000, s10, s15, $0x20;
	[tilespmem:$0x10100] =	vst v63  }
.LBB1_5:
0x1e: {  	s18 =	sadd.s32 $0x100, s11  }
0x1f: {  	s15 =	sadd.s32 $0x400, s12;
	s19 =	smov.u32 s12;
	p2 =	sgt.s32 s18, $0xFFF  }
0x20: {  	s19 =	smov.u32 @p2 s15  }
0x21: {  	s21 =	smov.u32 s13;
	s15 =	sadd.s32 $0x2, s13;
	p3 =	sgt.s32 s19, $0x3FF  }
0x22: {  	s21 =	smov.u32 @p3 s15  }
0x23: {  	s18 =	smov.u32 @p2 s3;
	p2 =	sgt.s32 s21, $0x1  }
0x24: {  	p1 =	slt.u32 s14, $0x2;
	s21 =	smov.u32 @p2 s1;
	p2 =	sne.s32 s14, s9  }
.Ltmp1:
0x25: {  	s20 =	simm.s32 @!p1 $0x2;
	(pc) =	sbr.rel @!p2 .LBB1_6-.Ltmp1, $4  }
0x26: {  	s17 =	smov.u32 s11;
	s16 =	smov.u32 s13;
	_ =	swait.ge @!p1 [sflag:s20], $0x4000  }
0x27: {  	p0 =	por !p0, !p0;
	[sflag:s20] =	ssyncset.done @!p1 $0x0;
	s11 =	smov.u32 s18  }
0x28: {  	s19 =	smov.u32 @p3 s2;
	s15 =	smov.u32 s12;
	[sflag:s20] =	ssyncadd.s32 @!p1 $0xFFFFC000  }
0x29: {  	s12 =	smov.u32 s19;
	s14 =	sadd.s32 $0x1, s14;
	s13 =	smov.u32 s21  }
.LBB1_1:
0x2a: {  	p1 =	sge.u32 s14, s6;
	s31 =	sadd.s32 $0xFFFFFFFF, s14  }
0x2b: {  	s18 =	sxor.u32 @!p1 $0xFFFFFFFF, s14;
	s19 =	sand.u32 @!p1 $0x78, s11;
	s20 =	sshll.u32 @!p1 s12, $0xC  }
0x2c: {  	s21 =	sshll.u32 @!p1 s12, $0x7;
	s22 =	sshll.u32 @!p1 s11, $0x3;
	s18 =	sshll.u32 @!p1 s18, $0xE  }
0x2d: {  	s20 =	sand.u32 @!p1 $0x3F8000, s20;
	s21 =	sand.u32 @!p1 $0x380, s21;
	s18 =	sand.u32 @!p1 $0x4000, s18  }
0x2e: {  	s20 =	sadd.s32 @!p1 s20, s22;
	s22 =	sand.u32 @!p1 $0xC00, s22;
	s19 =	sor.u32 @!p1 s21, s19  }
0x2f: {  	s21 =	sshll.u32 @!p1 s13, $0x13;
	s19 =	sor.u32 @!p1 s22, s19;
	s20 =	sshrl.u32 @!p1 s20, $0x3  }
0x30: {  	s21 =	sadd.s32 @!p1 s7, s21;
	s22 =	sand.u32 @!p1 $0x7, s11;
	s20 =	sand.u32 @!p1 $0x7FE00, s20  }
0x31: {  	s19 =	sshrl.u32 @!p1 s19, $0x3;
	s20 =	sadd.s32 @!p1 s20, s21;
	s21 =	sshll.u32 @!p1 s22, $0x12  }
0x32: {  	s19 =	sadd.s32 @!p1 s19, s20;
	s20 =	sor.u32 @!p1 $0x400, s21;
	s21 =	simm.s32 @!p1 $0x8000  }
0x33: {  	[tilespmem:s18], [sflag:$0x1] =	stream.strided.gather @!p1 [hbm4b:s19+s20], $0x4000, s21, s20, $0x38;
	[tilespmem:$0x10100] =	vst v63  }
0x34: {  	p1 =	sge.u32 s31, s6  }
.Ltmp2:
0x35: {  	_ = 	snop;
	(pc) =	sbr.rel @p1 .LBB1_5-.Ltmp2, $1  }
0x36: {  	_ =	sdelay $0x3  }
0x37: {  	s18 =	simm.s32 $0x1  }
0x38: {  	_ =	swait.ge [sflag:s5], $0x4000;
	s18 =	simm.s32 @!p0 $0x0  }
0x39: {  	[sflag:s5] =	ssyncset.done $0x0;
	s19 =	sshll.u32 s18, $0xE  }
0x3a: {  	[sflag:s5] =	ssyncadd.s32 $0xFFFFC000;
	s21 =	sor.u32 $0x40, s19  }
0x3b: {  	s18 =	smul.u32 $0x10200, s18;
	v0 =	vld [tilespmem:s21+$0x30]  }
0x3c: {  	v3 =	vld [tilespmem:s21+$0xFFFFFFD0]  }
0x3d: {  	s18 =	sshrl.u32 s18, $0x2;
	v4 =	vld [tilespmem:s21+$0xFFFFFFE0]  }
0x3e: {  	v5 =	vld [tilespmem:s21+$0xFFFFFFF0];
	s19 =	sor.u32 $0x8000, s18  }
0x3f: {  	s31 =	sand.u32 $0x1, s14;
	v1 =	vld [tilespmem:s21+$0x0];
	s20 =	sadd.s32 $0x0, s19  }
0x40: {  	v2 =	vld [tilespmem:s21+$0x10];
	s18 =	smul.u32 $0x10200, s31;
	[tilespmem:s20+$0x3870 ss:$0x81] =	vst.msk $0xffff, v0  }
0x41: {  	[tilespmem:s20+$0x810 ss:$0x81] =	vst.msk $0xffff, v3;
	v3 =	vld [tilespmem:s21+$0x20]  }
0x42: {  	s18 =	sshrl.u32 s18, $0x2;
	v0 =	vld [tilespmem:s21+$0xFFFFFFC0];
	[tilespmem:s20+$0x1020 ss:$0x81] =	vst.msk $0xffff, v4;
	s21 =	sadd.s32 $0x80, s21  }
0x43: {  	s22 =	simm.s32 $0x4;
	s23 =	simm.s32 $0x8;
	s18 =	sor.u32 $0x8000, s18;
	[tilespmem:s20+$0x1830 ss:$0x81] =	vst.msk $0xffff, v5;
	v4 =	vld [tilespmem:s21+$0x30]  }
.LBB1_3:
0x44: {  	p1 =	sne.s32 s23, $0x1FC;
	v5 =	vld [tilespmem:s21+$0xFFFFFFD0];
	[tilespmem:s20+$0x2040 ss:$0x81] =	vst.msk $0xffff, v1  }
0x45: {  	v6 =	vld [tilespmem:s21+$0xFFFFFFE0];
	[tilespmem:s20+$0x2850 ss:$0x81] =	vst.msk $0xffff, v2  }
0x46: {  	s24 =	sshra.s32 s22, $0x2;
	s22 =	smov.u32 s23;
	v7 =	vld [tilespmem:s21+$0xFFFFFFF0];
	[tilespmem:s20+$0x3060 ss:$0x81] =	vst.msk $0xffff, v3  }
.Ltmp3:
0x47: {  	v1 =	vld [tilespmem:s21+$0x0];
	[tilespmem:s20+$0x0 ss:$0x81] =	vst.msk $0xffff, v0;
	s20 =	sadd.s32 s24, s19;
	(pc) =	sbr.rel @p1 .LBB1_3-.Ltmp3, $4  }
0x48: {  	v2 =	vld [tilespmem:s21+$0x10];
	[tilespmem:s20+$0x3870 ss:$0x81] =	vst.msk $0xffff, v4  }
0x49: {  	[tilespmem:s20+$0x810 ss:$0x81] =	vst.msk $0xffff, v5;
	v3 =	vld [tilespmem:s21+$0x20]  }
0x4a: {  	v0 =	vld [tilespmem:s21+$0xFFFFFFC0];
	[tilespmem:s20+$0x1020 ss:$0x81] =	vst.msk $0xffff, v6;
	s21 =	sadd.s32 $0x80, s21  }
0x4b: {  	s23 =	sadd.s32 $0x4, s23;
	v4 =	vld [tilespmem:s21+$0x30];
	[tilespmem:s20+$0x1830 ss:$0x81] =	vst.msk $0xffff, v7  }
.Ltmp4:
0x4c: {  	_ = 	snop;
	(pc) =	sbr.rel .LBB1_4-.Ltmp4, $1  }
0x4d: {  	_ =	sdelay $0x3  }
.LBB1_6:
0x4e: {  	_ =	sfence.sel $0x180000  }
0x4f: {  	s1 =	simm.s32 $0x1;
	[bflag:$0x0] =	sbarrier.arrive $0xFFFF  }
0x50: {  	s31 =	simm.s32 $0x2;
	[sflag:s1] =	ssyncpa.u1 $0x1  }
0x51: {  	[sflag:s31] =	ssyncpa.u1 $0x1  }
0x52: {  	p0 =	sne.s32 s0, $0x0;
	_ =	strace $0x9000007A  }
0x53: {  	s0 =	sadd.s32 @!p0 $0x100000, s4;
	[bflag:$0x2] =	sbarrier.arrive $0xFFFF  }
0x54: {  	[sflag:s0] =	ssyncadd.tile.s32 @!p0 $0x1;
	_ =	shalt  }
.Lfunc_end1:
_tile_overlayer_lowered:
.L_overlay_start_2:
0x55: {  	(tag) =	ssettag $0x2  }
0x56: {  	s0 =	rddreg [dreg:$0x0];
	s2 =	stileid.u32  }
0x57: {  	s1 =	rddreg [dreg:$0x1];
	p0 =	sne.s32 s2, $0x0  }
0x58: {  	s3 =	rddreg [dreg:$0x2];
	[bflag:$0x3] =	sbarrier.arrive $0xFFFF;
	s2 =	simm.s32 @!p0 $0x1C01  }
0x59: {  	[timem:s3], [sflag:s2] =	dma.local @!p0 [hbm:s0], s1  }
0x5a: {  	s0 =	simm.s32 @!p0 $0x1  }
0x5b: {  	_ =	swait.ge @!p0 [sflag:s0], s1  }
0x5c: {  	s1 =	ssub.s32 @!p0 $0x0, s1;
	[sflag:s0] =	ssyncset.done @!p0 $0x0  }
0x5d: {  	[sflag:s0] =	ssyncadd.s32 @!p0 s1  }
0x5e: {  	[bflag:$0x3] =	sbarrier.arrive $0xFFFF  }
0x5f: {  	_ =	shalt  }

</sc_bundles>
